<compile_context>
chip_gen: v7x
topology: tpu7x:2x2x1
jax: 0.10.2.dev20260603
libtpu: 0.0.44.dev20260713+nightly
codegen_flags: <defaults>
</compile_context>

<pallas_src>
import functools

import jax
import jax.numpy as jnp
from jax import lax
from jax.experimental import pallas as pl
from jax.experimental.pallas import tpu as pltpu
from jax.experimental.pallas import tpu_sc as plsc

N = 10000
E = 320000
D_IN = 128
H = 64
C = 7

NC = 2
NS = 16
NW = NC * NS
CH = 128
NCHUNK = 80
EPW = NCHUNK * CH
E_PAD = NW * EPW
ROWS = E_PAD // CH
RPW = NCHUNK
RPT_ALL = ROWS // NS
N_PAD = 10240
NPT = N_PAD // NS
NROW_PT = N_PAD // NS

_mesh = plsc.VectorSubcoreMesh(core_axis_name="c", subcore_axis_name="s")
f32 = jnp.float32
i32 = jnp.int32


def _rsqrt_vec(x):
    i = plsc.bitcast(x, i32)
    i = 0x5F3759DF - (i >> 1)
    y = plsc.bitcast(i, f32)
    for _ in range(4):
        y = y * (1.5 - 0.5 * x * y * y)
    return y


@functools.partial(
    pl.kernel,
    compiler_params=pltpu.CompilerParams(
        needs_layout_passes=False, use_tc_tiling_on_sc=False),
    out_type=(
        jax.ShapeDtypeStruct((NC, N_PAD), f32),
        jax.ShapeDtypeStruct((ROWS, CH), f32),
    ),
    mesh=_mesh,
    scratch_types=[
        pltpu.VMEM((RPT_ALL, CH), i32),
        pltpu.VMEM((RPT_ALL, CH), f32),
        pltpu.VMEM((N_PAD,), f32),
        pltpu.VMEM((NPT,), f32),
        pltpu.VMEM((NPT,), f32),
        pltpu.VMEM((N_PAD,), f32),
        pltpu.VMEM((RPW, CH), i32),
        pltpu.VMEM((RPW, CH), i32),
        pltpu.VMEM((RPW, CH), f32),
        pltpu.VMEM((RPW, CH), f32),
        pltpu.VMEM_SHARED((NS, N_PAD), f32),
        pltpu.VMEM_SHARED((N_PAD,), f32),
    ],
)
def _sc_prep(src2d, dst2d, ew2d, dis_out, norm_out,
             dst_all, ew_all, deg_loc, red_buf, tmp_buf, dis_loc,
             src_w, dst_w, ew_w, norm_w, deg_sh, dis_sh):
    cid = lax.axis_index("c")
    sid = lax.axis_index("s")
    wid = cid * NS + sid

    r0 = sid * RPT_ALL
    pltpu.sync_copy(dst2d.at[pl.ds(r0, RPT_ALL)], dst_all)
    pltpu.sync_copy(ew2d.at[pl.ds(r0, RPT_ALL)], ew_all)

    def _zero_deg(v, _):
        deg_loc[pl.ds(v * 16, 16)] = jnp.zeros((16,), f32)
        return _
    lax.fori_loop(0, N_PAD // 16, _zero_deg, 0)

    def _deg_row(r, _):
        for j in range(CH // 16):
            d = dst_all[r, pl.ds(j * 16, 16)]
            w = ew_all[r, pl.ds(j * 16, 16)]
            plsc.addupdate_scatter(deg_loc, [d], w)
        return _
    lax.fori_loop(0, RPT_ALL, _deg_row, 0)

    pltpu.sync_copy(deg_loc, deg_sh.at[sid])
    plsc.subcore_barrier()

    off = sid * NPT
    pltpu.sync_copy(deg_sh.at[0, pl.ds(off, NPT)], red_buf)
    for t in range(1, NS):
        pltpu.sync_copy(deg_sh.at[t, pl.ds(off, NPT)], tmp_buf)
        def _acc(v, _, t=t):
            s = pl.ds(v * 16, 16)
            red_buf[s] = red_buf[s] + tmp_buf[s]
            return _
        lax.fori_loop(0, NPT // 16, _acc, 0)

    def _dis(v, _):
        s = pl.ds(v * 16, 16)
        red_buf[s] = _rsqrt_vec(red_buf[s] + 1.0)
        return _
    lax.fori_loop(0, NPT // 16, _dis, 0)

    pltpu.sync_copy(red_buf, dis_sh.at[pl.ds(off, NPT)])
    pltpu.sync_copy(red_buf, dis_out.at[cid, pl.ds(off, NPT)])
    plsc.subcore_barrier()
    pltpu.sync_copy(dis_sh, dis_loc)

    w0 = wid * RPW
    pltpu.sync_copy(src2d.at[pl.ds(w0, RPW)], src_w)
    pltpu.sync_copy(dst2d.at[pl.ds(w0, RPW)], dst_w)
    pltpu.sync_copy(ew2d.at[pl.ds(w0, RPW)], ew_w)

    def _norm_row(r, _):
        for j in range(CH // 16):
            s = pl.ds(j * 16, 16)
            sv = src_w[r, s]
            dv = dst_w[r, s]
            wv = ew_w[r, s]
            norm_w[r, s] = plsc.load_gather(dis_loc, [sv]) * wv * \
                plsc.load_gather(dis_loc, [dv])
        return _
    lax.fori_loop(0, RPW, _norm_row, 0)
    pltpu.sync_copy(norm_w, norm_out.at[pl.ds(w0, RPW)])


def _make_pass(width):
    nzc = NROW_PT // 128

    @functools.partial(
        pl.kernel,
        compiler_params=pltpu.CompilerParams(
            needs_layout_passes=False, use_tc_tiling_on_sc=False),
        out_type=jax.ShapeDtypeStruct((NC, N_PAD, width), f32),
        mesh=_mesh,
        scratch_types=[
            pltpu.VMEM((RPW, CH), i32),
            pltpu.VMEM((RPW, CH), i32),
            pltpu.VMEM((RPW, CH), f32),
            pltpu.VMEM((CH, width), f32),
            pltpu.VMEM((128, width), f32),
            pltpu.VMEM_SHARED((N_PAD, width), f32),
            pltpu.SemaphoreType.DMA,
        ],
    )
    def _pass(table, src2d, dst2d, coeff2d, out,
              src_w, dst_w, coeff_w, rows_v, zero_v, acc_sh, sem):
        cid = lax.axis_index("c")
        sid = lax.axis_index("s")
        wid = cid * NS + sid

        def _zrow(r, _):
            for j in range(width // 16):
                zero_v[r, pl.ds(j * 16, 16)] = jnp.zeros((16,), f32)
            return _
        lax.fori_loop(0, 128, _zrow, 0)
        for k in range(nzc):
            pltpu.sync_copy(zero_v, acc_sh.at[pl.ds(sid * NROW_PT + k * 128, 128)])
        plsc.subcore_barrier()

        w0 = wid * RPW
        pltpu.sync_copy(src2d.at[pl.ds(w0, RPW)], src_w)
        pltpu.sync_copy(dst2d.at[pl.ds(w0, RPW)], dst_w)
        pltpu.sync_copy(coeff2d.at[pl.ds(w0, RPW)], coeff_w)

        def _chunk(c, _):
            pltpu.async_copy(table.at[src_w.at[c]], rows_v, sem).wait()

            def _edge(k, _):
                cf = plsc.load_gather(
                    coeff_w, [jnp.full((16,), c, i32), jnp.full((16,), k, i32)])
                for j in range(width // 16):
                    s = pl.ds(j * 16, 16)
                    rows_v[k, s] = rows_v[k, s] * cf
                return _
            lax.fori_loop(0, CH, _edge, 0)
            pltpu.sync_copy(rows_v, acc_sh.at[dst_w.at[c]], add=True)
            return _
        lax.fori_loop(0, RPW, _chunk, 0)

        plsc.subcore_barrier()
        pltpu.sync_copy(acc_sh.at[pl.ds(sid * NROW_PT, NROW_PT)],
                        out.at[cid, pl.ds(sid * NROW_PT, NROW_PT)])

    return _pass


_sc_pass64 = _make_pass(H)
_sc_pass16 = _make_pass(16)

BR = 1000
_GRID = N // BR
_HIGH = lax.Precision.HIGHEST


def _dot(a, b):
    return jnp.dot(a, b, precision=_HIGH, preferred_element_type=f32)


def _tc_xw_body(x_ref, w_ref, o_ref):
    o_ref[...] = _dot(x_ref[...], w_ref[...])


def _tc_xw(x, w1):
    return pl.pallas_call(
        _tc_xw_body,
        grid=(_GRID,),
        in_specs=[
            pl.BlockSpec((BR, D_IN), lambda i: (i, 0)),
            pl.BlockSpec((D_IN, H), lambda i: (0, 0)),
        ],
        out_specs=pl.BlockSpec((BR, H), lambda i: (i, 0)),
        out_shape=jax.ShapeDtypeStruct((N, H), f32),
    )(x, w1)


def _tc_gcn1_body(p0, p1, xw, dis, b1, wg, h_o, m_o):
    d2 = dis[...] * dis[...]
    h = jnp.maximum(p0[...] + p1[...] + d2 * xw[...] + b1[...], 0.0)
    h_o[...] = h
    m_o[...] = _dot(h, wg[...])


def _tc_gcn1(p0, p1, xw, dis, b1, wg):
    rs = pl.BlockSpec((BR, H), lambda i: (i, 0))
    return pl.pallas_call(
        _tc_gcn1_body,
        grid=(_GRID,),
        in_specs=[
            rs, rs, rs,
            pl.BlockSpec((BR, 1), lambda i: (i, 0)),
            pl.BlockSpec((1, H), lambda i: (0, 0)),
            pl.BlockSpec((H, H), lambda i: (0, 0)),
        ],
        out_specs=[rs, rs],
        out_shape=[
            jax.ShapeDtypeStruct((N, H), f32),
            jax.ShapeDtypeStruct((N, H), f32),
        ],
    )(p0, p1, xw, dis, b1, wg)


def _tc_gru_body(p0, p1, h_ref, wihT, whhT, bih, bhh, wn, h_o, m_o):
    m = p0[...] + p1[...]
    h = h_ref[...]
    gi = _dot(m, wihT[...]) + bih[...]
    gh = _dot(h, whhT[...]) + bhh[...]
    ir, iz, inn = gi[:, :H], gi[:, H:2 * H], gi[:, 2 * H:]
    hr, hz, hn = gh[:, :H], gh[:, H:2 * H], gh[:, 2 * H:]
    r = jax.nn.sigmoid(ir + hr)
    z = jax.nn.sigmoid(iz + hz)
    ng = jnp.tanh(inn + r * hn)
    hnew = (1.0 - z) * ng + z * h
    h_o[...] = hnew
    m_o[...] = _dot(hnew, wn[...])


def _tc_gru(p0, p1, h, wihT, whhT, bih, bhh, wn):
    wout = wn.shape[1]
    rs = pl.BlockSpec((BR, H), lambda i: (i, 0))
    return pl.pallas_call(
        _tc_gru_body,
        grid=(_GRID,),
        in_specs=[
            rs, rs, rs,
            pl.BlockSpec((H, 3 * H), lambda i: (0, 0)),
            pl.BlockSpec((H, 3 * H), lambda i: (0, 0)),
            pl.BlockSpec((1, 3 * H), lambda i: (0, 0)),
            pl.BlockSpec((1, 3 * H), lambda i: (0, 0)),
            pl.BlockSpec((H, wout), lambda i: (0, 0)),
        ],
        out_specs=[rs, pl.BlockSpec((BR, wout), lambda i: (i, 0))],
        out_shape=[
            jax.ShapeDtypeStruct((N, H), f32),
            jax.ShapeDtypeStruct((N, wout), f32),
        ],
    )(p0, p1, h, wihT, whhT, bih, bhh, wn)


def _tc_final_body(p0, p1, hw, dis, b2, o_ref):
    d2 = dis[...] * dis[...]
    z = p0[...] + p1[...] + d2 * hw[...] + b2[...]
    col = lax.broadcasted_iota(i32, (BR, 16), 1)
    zm = jnp.where(col < C, z, -1e30)
    mx = jnp.max(zm, axis=1, keepdims=True)
    lse = jnp.log(jnp.sum(jnp.exp(zm - mx), axis=1, keepdims=True))
    o_ref[...] = z - (mx + lse)


def _tc_final(p0, p1, hw, dis, b2):
    rs = pl.BlockSpec((BR, 16), lambda i: (i, 0))
    return pl.pallas_call(
        _tc_final_body,
        grid=(_GRID,),
        in_specs=[
            rs, rs, rs,
            pl.BlockSpec((BR, 1), lambda i: (i, 0)),
            pl.BlockSpec((1, 16), lambda i: (0, 0)),
        ],
        out_specs=rs,
        out_shape=jax.ShapeDtypeStruct((N, 16), f32),
    )(p0, p1, hw, dis, b2)


def kernel(x, edge_index, edge_weight, W1, b1, Wg, Wih, bih, Whh, bhh, W2, b2):
    src = edge_index[0]
    dst = edge_index[1]
    pad = E_PAD - E
    src2d = jnp.concatenate([src, jnp.zeros((pad,), i32)]).reshape(ROWS, CH)
    dst2d = jnp.concatenate([dst, jnp.zeros((pad,), i32)]).reshape(ROWS, CH)
    ew2d = jnp.concatenate(
        [edge_weight, jnp.zeros((pad,), f32)]).reshape(ROWS, CH)

    dis_all, norm2d = _sc_prep(src2d, dst2d, ew2d)
    dis = dis_all[0, :N].reshape(N, 1)

    xw = _tc_xw(x, W1)
    agg1 = _sc_pass64(xw, src2d, dst2d, norm2d)[:, :N]
    h1, m1 = _tc_gcn1(agg1[0], agg1[1], xw, dis, b1.reshape(1, H), Wg[0])

    wihT = Wih.T
    whhT = Whh.T
    bih2 = bih.reshape(1, 3 * H)
    bhh2 = bhh.reshape(1, 3 * H)

    aggm1 = _sc_pass64(m1, src2d, dst2d, ew2d)[:, :N]
    h2, m2 = _tc_gru(aggm1[0], aggm1[1], h1, wihT, whhT, bih2, bhh2, Wg[1])

    aggm2 = _sc_pass64(m2, src2d, dst2d, ew2d)[:, :N]
    w2pad = jnp.pad(W2, ((0, 0), (0, 16 - C)))
    _, hw2 = _tc_gru(aggm2[0], aggm2[1], h2, wihT, whhT, bih2, bhh2, w2pad)

    agg2 = _sc_pass16(hw2, src2d, dst2d, norm2d)[:, :N]
    b2pad = jnp.pad(b2, (0, 16 - C)).reshape(1, 16)
    out = _tc_final(agg2[0], agg2[1], hw2, dis, b2pad)
    return out[:, :C]

# --- scband reference (transcript-rebuilt; emitter-appended) ---
"""Pipeline reference for scband-net-66468913873438 (READ-ONLY COPY).

The authoritative reference and input builder live on the scoring server;
editing this copy changes nothing except your own understanding.
"""

import jax, jax.numpy as jnp
import numpy as np

N = 10000
E = 320000
D_IN = 128
H = 64
C = 7

def gcn_conv(x, src, dst, ew, W, b, n):
    loop = jnp.arange(n)
    s = jnp.concatenate([src, loop])
    d = jnp.concatenate([dst, loop])
    w = jnp.concatenate([ew, jnp.ones((n,), dtype=x.dtype)])
    deg = jnp.zeros((n,), dtype=x.dtype).at[d].add(w)
    dis = jnp.where(deg > 0, jax.lax.rsqrt(jnp.maximum(deg, 1e-12)), 0.0)
    norm = dis[s] * w * dis[d]
    h = x @ W
    out = jnp.zeros((n, W.shape[1]), dtype=x.dtype).at[d].add(norm[:, None] * h[s])
    return out + b

def gru_cell(m, h, Wih, Whh, bih, bhh):
    gi = m @ Wih.T + bih
    gh = h @ Whh.T + bhh
    ir, iz, inn = jnp.split(gi, 3, axis=1)
    hr, hz, hn = jnp.split(gh, 3, axis=1)
    r = jax.nn.sigmoid(ir + hr)
    z = jax.nn.sigmoid(iz + hz)
    ng = jnp.tanh(inn + r * hn)
    return (1.0 - z) * ng + z * h

def setup_inputs(seed: int = 0):
    key = jax.random.key(seed)
    ks = jax.random.split(key, 12)
    x = jax.random.normal(ks[0], (N, D_IN), dtype=jnp.float32)
    edge_index = jax.random.randint(ks[1], (2, E), 0, N, dtype=jnp.int32)
    edge_weight = jax.random.uniform(ks[2], (E,), dtype=jnp.float32)
    W1 = jax.random.normal(ks[3], (D_IN, H), dtype=jnp.float32) * (1.0 / np.sqrt(D_IN))
    b1 = jnp.zeros((H,), dtype=jnp.float32)
    Wg = jax.random.normal(ks[4], (2, H, H), dtype=jnp.float32) * (1.0 / np.sqrt(H))
    Wih = jax.random.normal(ks[5], (3 * H, H), dtype=jnp.float32) * (1.0 / np.sqrt(H))
    Whh = jax.random.normal(ks[6], (3 * H, H), dtype=jnp.float32) * (1.0 / np.sqrt(H))
    bih = jnp.zeros((3 * H,), dtype=jnp.float32)
    bhh = jnp.zeros((3 * H,), dtype=jnp.float32)
    W2 = jax.random.normal(ks[7], (H, C), dtype=jnp.float32) * (1.0 / np.sqrt(H))
    b2 = jnp.zeros((C,), dtype=jnp.float32)
    return {"x": x, "edge_index": edge_index, "edge_weight": edge_weight, "W1": W1, "b1": b1, "Wg": Wg, "Wih": Wih, "bih": bih, "Whh": Whh, "bhh": bhh, "W2": W2, "b2": b2}

def reference(x, edge_index, edge_weight, W1, b1, Wg, Wih, bih, Whh, bhh, W2, b2):
    src, dst = edge_index[0], edge_index[1]
    h = jax.nn.relu(gcn_conv(x, src, dst, edge_weight, W1, b1, N))
    # F.dropout(training=False) is identity in eval mode
    for i in range(2):
        mlin = h @ Wg[i]
        m = jnp.zeros((N, H), dtype=h.dtype).at[dst].add(mlin[src] * edge_weight[:, None])
        h = gru_cell(m, h, Wih, Whh, bih, bhh)
    out = gcn_conv(h, src, dst, edge_weight, W2, b2, N)
    return jax.nn.log_softmax(out, axis=1)

if __name__ == "__main__":
    import jax
    _d = setup_inputs()
    print(jax.jit(kernel)(*tuple(_d.values())))

</pallas_src>

<mosaic_0001>
#map = affine_map<(d0, d1) -> (0, 0)>
module attributes {stable_mosaic.version = 14 : i64} {
  func.func @_sc_prep(%arg0: i32, %arg1: i32, %arg2: memref<2560x128xi32, #tpu.memory_space<hbm>>, %arg3: memref<2560x128xi32, #tpu.memory_space<hbm>>, %arg4: memref<2560x128xf32, #tpu.memory_space<hbm>>, %arg5: memref<2x10240xf32, #tpu.memory_space<hbm>>, %arg6: memref<2560x128xf32, #tpu.memory_space<hbm>>, %arg7: memref<160x128xi32, #tpu.memory_space<vmem>>, %arg8: memref<160x128xf32, #tpu.memory_space<vmem>>, %arg9: memref<10240xf32, #tpu.memory_space<vmem>>, %arg10: memref<640xf32, #tpu.memory_space<vmem>>, %arg11: memref<640xf32, #tpu.memory_space<vmem>>, %arg12: memref<10240xf32, #tpu.memory_space<vmem>>, %arg13: memref<80x128xi32, #tpu.memory_space<vmem>>, %arg14: memref<80x128xi32, #tpu.memory_space<vmem>>, %arg15: memref<80x128xf32, #tpu.memory_space<vmem>>, %arg16: memref<80x128xf32, #tpu.memory_space<vmem>>, %arg17: memref<16x10240xf32, #tpu.memory_space<vmem_shared>>, %arg18: memref<10240xf32, #tpu.memory_space<vmem_shared>>) attributes {dimension_semantics = [#tpu.dimension_semantics<core_parallel>, #tpu.dimension_semantics<subcore_parallel>], iteration_bounds = array<i64: 2, 16>, scalar_prefetch = 0 : i64, scratch_operands = 12 : i64, tpu.core_type = #tpu.core_type<sc_vector_subcore>, window_params = [{transform_indices = #map}, {transform_indices = #map}, {transform_indices = #map}, {transform_indices = #map}, {transform_indices = #map}]} {
    %mul3A = arith.constant 16 : i32
    %mul3A_0 = arith.muli %arg0, %mul3A : i32
    %add3A = arith.addi %mul3A_0, %arg1 : i32
    %mul3A_1 = arith.constant 160 : i32
    %mul3A_2 = arith.muli %arg1, %mul3A_1 : i32
    "tpu.region"() ({
      %run_scoped3A_136 = tpu.sem_alloc : memref<!tpu.dma_semaphore, #tpu.memory_space<semaphore_mem>>
      %dma_start3A = arith.constant 0 : i32
      %dma_start3A_137 = tpu.memref_slice %arg3[%mul3A_2, %dma_start3A] : memref<2560x128xi32, #tpu.memory_space<hbm>> -> memref<160x128xi32, #tpu.memory_space<hbm>>
      %dma_start3A_138 = arith.constant 0 : i32
      %dma_start3A_139 = tpu.memref_slice %arg3[%mul3A_2, %dma_start3A_138] : memref<2560x128xi32, #tpu.memory_space<hbm>> -> memref<160x128xi32, #tpu.memory_space<hbm>>
      tpu.enqueue_dma source(%dma_start3A_139 : memref<160x128xi32, #tpu.memory_space<hbm>>) target(%arg7 : memref<160x128xi32, #tpu.memory_space<vmem>>) target_semaphore(%run_scoped3A_136 : memref<!tpu.dma_semaphore, #tpu.memory_space<semaphore_mem>>)
      %dma_wait3A = arith.constant 0 : i32
      %dma_wait3A_140 = tpu.memref_slice %arg3[%mul3A_2, %dma_wait3A] : memref<2560x128xi32, #tpu.memory_space<hbm>> -> memref<160x128xi32, #tpu.memory_space<hbm>>
      %dma_wait3A_141 = arith.constant 0 : i32
      %dma_wait3A_142 = tpu.memref_slice %arg3[%mul3A_2, %dma_wait3A_141] : memref<2560x128xi32, #tpu.memory_space<hbm>> -> memref<160x128xi32, #tpu.memory_space<hbm>>
      tpu.wait_dma2 semaphore(%run_scoped3A_136 : memref<!tpu.dma_semaphore, #tpu.memory_space<semaphore_mem>>) src(%dma_wait3A_142 : memref<160x128xi32, #tpu.memory_space<hbm>>) dst(%arg7 : memref<160x128xi32, #tpu.memory_space<vmem>>)
      tpu.yield
    }) : () -> ()
    "tpu.region"() ({
      %run_scoped3A_136 = tpu.sem_alloc : memref<!tpu.dma_semaphore, #tpu.memory_space<semaphore_mem>>
      %dma_start3A = arith.constant 0 : i32
      %dma_start3A_137 = tpu.memref_slice %arg4[%mul3A_2, %dma_start3A] : memref<2560x128xf32, #tpu.memory_space<hbm>> -> memref<160x128xf32, #tpu.memory_space<hbm>>
      %dma_start3A_138 = arith.constant 0 : i32
      %dma_start3A_139 = tpu.memref_slice %arg4[%mul3A_2, %dma_start3A_138] : memref<2560x128xf32, #tpu.memory_space<hbm>> -> memref<160x128xf32, #tpu.memory_space<hbm>>
      tpu.enqueue_dma source(%dma_start3A_139 : memref<160x128xf32, #tpu.memory_space<hbm>>) target(%arg8 : memref<160x128xf32, #tpu.memory_space<vmem>>) target_semaphore(%run_scoped3A_136 : memref<!tpu.dma_semaphore, #tpu.memory_space<semaphore_mem>>)
      %dma_wait3A = arith.constant 0 : i32
      %dma_wait3A_140 = tpu.memref_slice %arg4[%mul3A_2, %dma_wait3A] : memref<2560x128xf32, #tpu.memory_space<hbm>> -> memref<160x128xf32, #tpu.memory_space<hbm>>
      %dma_wait3A_141 = arith.constant 0 : i32
      %dma_wait3A_142 = tpu.memref_slice %arg4[%mul3A_2, %dma_wait3A_141] : memref<2560x128xf32, #tpu.memory_space<hbm>> -> memref<160x128xf32, #tpu.memory_space<hbm>>
      tpu.wait_dma2 semaphore(%run_scoped3A_136 : memref<!tpu.dma_semaphore, #tpu.memory_space<semaphore_mem>>) src(%dma_wait3A_142 : memref<160x128xf32, #tpu.memory_space<hbm>>) dst(%arg8 : memref<160x128xf32, #tpu.memory_space<vmem>>)
      tpu.yield
    }) : () -> ()
    %scan3A = arith.constant 0 : i32
    %scan3A_3 = arith.constant 0 : i32
    %scan3A_4 = arith.constant 640 : i32
    %scan3A_5 = arith.addi %scan3A_3, %scan3A_4 : i32
    %scan3A_6 = arith.constant 1 : i32
    scf.for %scan3A_136 = %scan3A_3 to %scan3A_5 step %scan3A_6  : i32 {
      %broadcast_in_dim3A = arith.constant 0.000000e+00 : f32
      %broadcast_in_dim3A_137 = vector.broadcast %broadcast_in_dim3A : f32 to vector<16xf32>
      %mul3A_138 = arith.constant 16 : i32
      %mul3A_139 = arith.muli %scan3A_136, %mul3A_138 : i32
      %swap3A = arith.index_cast %mul3A_139 : i32 to index
      %swap3A_140 = tpu.vector_load %arg9[%swap3A] {strides = array<i32>} : memref<10240xf32, #tpu.memory_space<vmem>>, vector<16xf32>,
      tpu.vector_store %arg9[%swap3A], %broadcast_in_dim3A_137 {strides = array<i32>} : memref<10240xf32, #tpu.memory_space<vmem>>, vector<16xf32>,
    }
    %scan3A_7 = arith.constant 640 : i32
    %scan3A_8 = arith.constant 0 : i32
    %scan3A_9 = arith.constant 0 : i32
    %scan3A_10 = arith.constant 160 : i32
    %scan3A_11 = arith.addi %scan3A_9, %scan3A_10 : i32
    %scan3A_12 = arith.constant 1 : i32
    scf.for %scan3A_136 = %scan3A_9 to %scan3A_11 step %scan3A_12  : i32 {
      %get3A = arith.index_cast %scan3A_136 : i32 to index
      %get3A_137 = arith.constant 0 : index
      %get3A_138 = tpu.vector_load %arg7[%get3A, %get3A_137] {strides = array<i32>} : memref<160x128xi32, #tpu.memory_space<vmem>>, vector<16xi32>,
      %get3A_139 = arith.index_cast %scan3A_136 : i32 to index
      %get3A_140 = arith.constant 0 : index
      %get3A_141 = tpu.vector_load %arg8[%get3A_139, %get3A_140] {strides = array<i32>} : memref<160x128xf32, #tpu.memory_space<vmem>>, vector<16xf32>,
      tpu.vector_store_idx %arg9[%get3A_138], %get3A_141 {add = true} : memref<10240xf32, #tpu.memory_space<vmem>>[vector<16xi32>], vector<16xf32>,
      %get3A_142 = arith.index_cast %scan3A_136 : i32 to index
      %get3A_143 = arith.constant 16 : index
      %get3A_144 = tpu.vector_load %arg7[%get3A_142, %get3A_143] {strides = array<i32>} : memref<160x128xi32, #tpu.memory_space<vmem>>, vector<16xi32>,
      %get3A_145 = arith.index_cast %scan3A_136 : i32 to index
      %get3A_146 = arith.constant 16 : index
      %get3A_147 = tpu.vector_load %arg8[%get3A_145, %get3A_146] {strides = array<i32>} : memref<160x128xf32, #tpu.memory_space<vmem>>, vector<16xf32>,
      tpu.vector_store_idx %arg9[%get3A_144], %get3A_147 {add = true} : memref<10240xf32, #tpu.memory_space<vmem>>[vector<16xi32>], vector<16xf32>,
      %get3A_148 = arith.index_cast %scan3A_136 : i32 to index
      %get3A_149 = arith.constant 32 : index
      %get3A_150 = tpu.vector_load %arg7[%get3A_148, %get3A_149] {strides = array<i32>} : memref<160x128xi32, #tpu.memory_space<vmem>>, vector<16xi32>,
      %get3A_151 = arith.index_cast %scan3A_136 : i32 to index
      %get3A_152 = arith.constant 32 : index
      %get3A_153 = tpu.vector_load %arg8[%get3A_151, %get3A_152] {strides = array<i32>} : memref<160x128xf32, #tpu.memory_space<vmem>>, vector<16xf32>,
      tpu.vector_store_idx %arg9[%get3A_150], %get3A_153 {add = true} : memref<10240xf32, #tpu.memory_space<vmem>>[vector<16xi32>], vector<16xf32>,
      %get3A_154 = arith.index_cast %scan3A_136 : i32 to index
      %get3A_155 = arith.constant 48 : index
      %get3A_156 = tpu.vector_load %arg7[%get3A_154, %get3A_155] {strides = array<i32>} : memref<160x128xi32, #tpu.memory_space<vmem>>, vector<16xi32>,
      %get3A_157 = arith.index_cast %scan3A_136 : i32 to index
      %get3A_158 = arith.constant 48 : index
      %get3A_159 = tpu.vector_load %arg8[%get3A_157, %get3A_158] {strides = array<i32>} : memref<160x128xf32, #tpu.memory_space<vmem>>, vector<16xf32>,
      tpu.vector_store_idx %arg9[%get3A_156], %get3A_159 {add = true} : memref<10240xf32, #tpu.memory_space<vmem>>[vector<16xi32>], vector<16xf32>,
      %get3A_160 = arith.index_cast %scan3A_136 : i32 to index
      %get3A_161 = arith.constant 64 : index
      %get3A_162 = tpu.vector_load %arg7[%get3A_160, %get3A_161] {strides = array<i32>} : memref<160x128xi32, #tpu.memory_space<vmem>>, vector<16xi32>,
      %get3A_163 = arith.index_cast %scan3A_136 : i32 to index
      %get3A_164 = arith.constant 64 : index
      %get3A_165 = tpu.vector_load %arg8[%get3A_163, %get3A_164] {strides = array<i32>} : memref<160x128xf32, #tpu.memory_space<vmem>>, vector<16xf32>,
      tpu.vector_store_idx %arg9[%get3A_162], %get3A_165 {add = true} : memref<10240xf32, #tpu.memory_space<vmem>>[vector<16xi32>], vector<16xf32>,
      %get3A_166 = arith.index_cast %scan3A_136 : i32 to index
      %get3A_167 = arith.constant 80 : index
      %get3A_168 = tpu.vector_load %arg7[%get3A_166, %get3A_167] {strides = array<i32>} : memref<160x128xi32, #tpu.memory_space<vmem>>, vector<16xi32>,
      %get3A_169 = arith.index_cast %scan3A_136 : i32 to index
      %get3A_170 = arith.constant 80 : index
      %get3A_171 = tpu.vector_load %arg8[%get3A_169, %get3A_170] {strides = array<i32>} : memref<160x128xf32, #tpu.memory_space<vmem>>, vector<16xf32>,
      tpu.vector_store_idx %arg9[%get3A_168], %get3A_171 {add = true} : memref<10240xf32, #tpu.memory_space<vmem>>[vector<16xi32>], vector<16xf32>,
      %get3A_172 = arith.index_cast %scan3A_136 : i32 to index
      %get3A_173 = arith.constant 96 : index
      %get3A_174 = tpu.vector_load %arg7[%get3A_172, %get3A_173] {strides = array<i32>} : memref<160x128xi32, #tpu.memory_space<vmem>>, vector<16xi32>,
      %get3A_175 = arith.index_cast %scan3A_136 : i32 to index
      %get3A_176 = arith.constant 96 : index
      %get3A_177 = tpu.vector_load %arg8[%get3A_175, %get3A_176] {strides = array<i32>} : memref<160x128xf32, #tpu.memory_space<vmem>>, vector<16xf32>,
      tpu.vector_store_idx %arg9[%get3A_174], %get3A_177 {add = true} : memref<10240xf32, #tpu.memory_space<vmem>>[vector<16xi32>], vector<16xf32>,
      %get3A_178 = arith.index_cast %scan3A_136 : i32 to index
      %get3A_179 = arith.constant 112 : index
      %get3A_180 = tpu.vector_load %arg7[%get3A_178, %get3A_179] {strides = array<i32>} : memref<160x128xi32, #tpu.memory_space<vmem>>, vector<16xi32>,
      %get3A_181 = arith.index_cast %scan3A_136 : i32 to index
      %get3A_182 = arith.constant 112 : index
      %get3A_183 = tpu.vector_load %arg8[%get3A_181, %get3A_182] {strides = array<i32>} : memref<160x128xf32, #tpu.memory_space<vmem>>, vector<16xf32>,
      tpu.vector_store_idx %arg9[%get3A_180], %get3A_183 {add = true} : memref<10240xf32, #tpu.memory_space<vmem>>[vector<16xi32>], vector<16xf32>,
    }
    %scan3A_13 = arith.constant 160 : i32
    "tpu.region"() ({
      %run_scoped3A_136 = tpu.sem_alloc : memref<!tpu.dma_semaphore, #tpu.memory_space<semaphore_mem>>
      %dma_start3A = arith.constant 0 : i32
      %dma_start3A_137 = tpu.memref_slice %arg17[%arg1, %dma_start3A] : memref<16x10240xf32, #tpu.memory_space<vmem_shared>> -> memref<1x10240xf32, #tpu.memory_space<vmem_shared>>
      %dma_start3A_138 = tpu.memref_squeeze %dma_start3A_137 : memref<1x10240xf32, #tpu.memory_space<vmem_shared>> -> memref<10240xf32, #tpu.memory_space<vmem_shared>>
      %dma_start3A_139 = arith.constant 0 : i32
      %dma_start3A_140 = tpu.memref_slice %arg17[%arg1, %dma_start3A_139] : memref<16x10240xf32, #tpu.memory_space<vmem_shared>> -> memref<1x10240xf32, #tpu.memory_space<vmem_shared>>
      %dma_start3A_141 = tpu.memref_squeeze %dma_start3A_140 : memref<1x10240xf32, #tpu.memory_space<vmem_shared>> -> memref<10240xf32, #tpu.memory_space<vmem_shared>>
      tpu.enqueue_dma source(%arg9 : memref<10240xf32, #tpu.memory_space<vmem>>) target(%dma_start3A_141 : memref<10240xf32, #tpu.memory_space<vmem_shared>>) target_semaphore(%run_scoped3A_136 : memref<!tpu.dma_semaphore, #tpu.memory_space<semaphore_mem>>)
      %dma_wait3A = arith.constant 0 : i32
      %dma_wait3A_142 = tpu.memref_slice %arg17[%arg1, %dma_wait3A] : memref<16x10240xf32, #tpu.memory_space<vmem_shared>> -> memref<1x10240xf32, #tpu.memory_space<vmem_shared>>
      %dma_wait3A_143 = tpu.memref_squeeze %dma_wait3A_142 : memref<1x10240xf32, #tpu.memory_space<vmem_shared>> -> memref<10240xf32, #tpu.memory_space<vmem_shared>>
      %dma_wait3A_144 = arith.constant 0 : i32
      %dma_wait3A_145 = tpu.memref_slice %arg17[%arg1, %dma_wait3A_144] : memref<16x10240xf32, #tpu.memory_space<vmem_shared>> -> memref<1x10240xf32, #tpu.memory_space<vmem_shared>>
      %dma_wait3A_146 = tpu.memref_squeeze %dma_wait3A_145 : memref<1x10240xf32, #tpu.memory_space<vmem_shared>> -> memref<10240xf32, #tpu.memory_space<vmem_shared>>
      tpu.wait_dma2 semaphore(%run_scoped3A_136 : memref<!tpu.dma_semaphore, #tpu.memory_space<semaphore_mem>>) src(%arg9 : memref<10240xf32, #tpu.memory_space<vmem>>) dst(%dma_wait3A_146 : memref<10240xf32, #tpu.memory_space<vmem_shared>>)
      tpu.yield
    }) : () -> ()
    %barrier3A = arith.constant 0 : index
    tpu.barrier barrier_id(%barrier3A)
    %mul3A_14 = arith.constant 640 : i32
    %mul3A_15 = arith.muli %arg1, %mul3A_14 : i32
    %run_scoped3A = arith.constant 0 : i32
    "tpu.region"() ({
      %run_scoped3A_136 = tpu.sem_alloc : memref<!tpu.dma_semaphore, #tpu.memory_space<semaphore_mem>>
      %dma_start3A = tpu.memref_slice %arg17[%run_scoped3A, %mul3A_15] : memref<16x10240xf32, #tpu.memory_space<vmem_shared>> -> memref<1x640xf32, #tpu.memory_space<vmem_shared>>
      %dma_start3A_137 = tpu.memref_squeeze %dma_start3A : memref<1x640xf32, #tpu.memory_space<vmem_shared>> -> memref<640xf32, #tpu.memory_space<vmem_shared>>
      %dma_start3A_138 = tpu.memref_slice %arg17[%run_scoped3A, %mul3A_15] : memref<16x10240xf32, #tpu.memory_space<vmem_shared>> -> memref<1x640xf32, #tpu.memory_space<vmem_shared>>
      %dma_start3A_139 = tpu.memref_squeeze %dma_start3A_138 : memref<1x640xf32, #tpu.memory_space<vmem_shared>> -> memref<640xf32, #tpu.memory_space<vmem_shared>>
      tpu.enqueue_dma source(%dma_start3A_139 : memref<640xf32, #tpu.memory_space<vmem_shared>>) target(%arg10 : memref<640xf32, #tpu.memory_space<vmem>>) target_semaphore(%run_scoped3A_136 : memref<!tpu.dma_semaphore, #tpu.memory_space<semaphore_mem>>)
      %dma_wait3A = tpu.memref_slice %arg17[%run_scoped3A, %mul3A_15] : memref<16x10240xf32, #tpu.memory_space<vmem_shared>> -> memref<1x640xf32, #tpu.memory_space<vmem_shared>>
      %dma_wait3A_140 = tpu.memref_squeeze %dma_wait3A : memref<1x640xf32, #tpu.memory_space<vmem_shared>> -> memref<640xf32, #tpu.memory_space<vmem_shared>>
      %dma_wait3A_141 = tpu.memref_slice %arg17[%run_scoped3A, %mul3A_15] : memref<16x10240xf32, #tpu.memory_space<vmem_shared>> -> memref<1x640xf32, #tpu.memory_space<vmem_shared>>
      %dma_wait3A_142 = tpu.memref_squeeze %dma_wait3A_141 : memref<1x640xf32, #tpu.memory_space<vmem_shared>> -> memref<640xf32, #tpu.memory_space<vmem_shared>>
      tpu.wait_dma2 semaphore(%run_scoped3A_136 : memref<!tpu.dma_semaphore, #tpu.memory_space<semaphore_mem>>) src(%dma_wait3A_142 : memref<640xf32, #tpu.memory_space<vmem_shared>>) dst(%arg10 : memref<640xf32, #tpu.memory_space<vmem>>)
      tpu.yield
    }) : () -> ()
    %run_scoped3A_16 = arith.constant 1 : i32
    "tpu.region"() ({
      %run_scoped3A_136 = tpu.sem_alloc : memref<!tpu.dma_semaphore, #tpu.memory_space<semaphore_mem>>
      %dma_start3A = tpu.memref_slice %arg17[%run_scoped3A_16, %mul3A_15] : memref<16x10240xf32, #tpu.memory_space<vmem_shared>> -> memref<1x640xf32, #tpu.memory_space<vmem_shared>>
      %dma_start3A_137 = tpu.memref_squeeze %dma_start3A : memref<1x640xf32, #tpu.memory_space<vmem_shared>> -> memref<640xf32, #tpu.memory_space<vmem_shared>>
      %dma_start3A_138 = tpu.memref_slice %arg17[%run_scoped3A_16, %mul3A_15] : memref<16x10240xf32, #tpu.memory_space<vmem_shared>> -> memref<1x640xf32, #tpu.memory_space<vmem_shared>>
      %dma_start3A_139 = tpu.memref_squeeze %dma_start3A_138 : memref<1x640xf32, #tpu.memory_space<vmem_shared>> -> memref<640xf32, #tpu.memory_space<vmem_shared>>
      tpu.enqueue_dma source(%dma_start3A_139 : memref<640xf32, #tpu.memory_space<vmem_shared>>) target(%arg11 : memref<640xf32, #tpu.memory_space<vmem>>) target_semaphore(%run_scoped3A_136 : memref<!tpu.dma_semaphore, #tpu.memory_space<semaphore_mem>>)
      %dma_wait3A = tpu.memref_slice %arg17[%run_scoped3A_16, %mul3A_15] : memref<16x10240xf32, #tpu.memory_space<vmem_shared>> -> memref<1x640xf32, #tpu.memory_space<vmem_shared>>
      %dma_wait3A_140 = tpu.memref_squeeze %dma_wait3A : memref<1x640xf32, #tpu.memory_space<vmem_shared>> -> memref<640xf32, #tpu.memory_space<vmem_shared>>
      %dma_wait3A_141 = tpu.memref_slice %arg17[%run_scoped3A_16, %mul3A_15] : memref<16x10240xf32, #tpu.memory_space<vmem_shared>> -> memref<1x640xf32, #tpu.memory_space<vmem_shared>>
      %dma_wait3A_142 = tpu.memref_squeeze %dma_wait3A_141 : memref<1x640xf32, #tpu.memory_space<vmem_shared>> -> memref<640xf32, #tpu.memory_space<vmem_shared>>
      tpu.wait_dma2 semaphore(%run_scoped3A_136 : memref<!tpu.dma_semaphore, #tpu.memory_space<semaphore_mem>>) src(%dma_wait3A_142 : memref<640xf32, #tpu.memory_space<vmem_shared>>) dst(%arg11 : memref<640xf32, #tpu.memory_space<vmem>>)
      tpu.yield
    }) : () -> ()
    %scan3A_17 = arith.constant 0 : i32
    %scan3A_18 = arith.constant 0 : i32
    %scan3A_19 = arith.constant 40 : i32
    %scan3A_20 = arith.addi %scan3A_18, %scan3A_19 : i32
    %scan3A_21 = arith.constant 1 : i32
    scf.for %scan3A_136 = %scan3A_18 to %scan3A_20 step %scan3A_21  : i32 {
      %mul3A_137 = arith.constant 16 : i32
      %mul3A_138 = arith.muli %scan3A_136, %mul3A_137 : i32
      %get3A = arith.index_cast %mul3A_138 : i32 to index
      %get3A_139 = tpu.vector_load %arg10[%get3A] {strides = array<i32>} : memref<640xf32, #tpu.memory_space<vmem>>, vector<16xf32>,
      %get3A_140 = arith.index_cast %mul3A_138 : i32 to index
      %get3A_141 = tpu.vector_load %arg11[%get3A_140] {strides = array<i32>} : memref<640xf32, #tpu.memory_space<vmem>>, vector<16xf32>,
      %add3A_142 = arith.addf %get3A_139, %get3A_141 : vector<16xf32>
      %swap3A = arith.index_cast %mul3A_138 : i32 to index
      %swap3A_143 = tpu.vector_load %arg10[%swap3A] {strides = array<i32>} : memref<640xf32, #tpu.memory_space<vmem>>, vector<16xf32>,
      tpu.vector_store %arg10[%swap3A], %add3A_142 {strides = array<i32>} : memref<640xf32, #tpu.memory_space<vmem>>, vector<16xf32>,
    }
    %scan3A_22 = arith.constant 40 : i32
    %run_scoped3A_23 = arith.constant 2 : i32
    "tpu.region"() ({
      %run_scoped3A_136 = tpu.sem_alloc : memref<!tpu.dma_semaphore, #tpu.memory_space<semaphore_mem>>
      %dma_start3A = tpu.memref_slice %arg17[%run_scoped3A_23, %mul3A_15] : memref<16x10240xf32, #tpu.memory_space<vmem_shared>> -> memref<1x640xf32, #tpu.memory_space<vmem_shared>>
      %dma_start3A_137 = tpu.memref_squeeze %dma_start3A : memref<1x640xf32, #tpu.memory_space<vmem_shared>> -> memref<640xf32, #tpu.memory_space<vmem_shared>>
      %dma_start3A_138 = tpu.memref_slice %arg17[%run_scoped3A_23, %mul3A_15] : memref<16x10240xf32, #tpu.memory_space<vmem_shared>> -> memref<1x640xf32, #tpu.memory_space<vmem_shared>>
      %dma_start3A_139 = tpu.memref_squeeze %dma_start3A_138 : memref<1x640xf32, #tpu.memory_space<vmem_shared>> -> memref<640xf32, #tpu.memory_space<vmem_shared>>
      tpu.enqueue_dma source(%dma_start3A_139 : memref<640xf32, #tpu.memory_space<vmem_shared>>) target(%arg11 : memref<640xf32, #tpu.memory_space<vmem>>) target_semaphore(%run_scoped3A_136 : memref<!tpu.dma_semaphore, #tpu.memory_space<semaphore_mem>>)
      %dma_wait3A = tpu.memref_slice %arg17[%run_scoped3A_23, %mul3A_15] : memref<16x10240xf32, #tpu.memory_space<vmem_shared>> -> memref<1x640xf32, #tpu.memory_space<vmem_shared>>
      %dma_wait3A_140 = tpu.memref_squeeze %dma_wait3A : memref<1x640xf32, #tpu.memory_space<vmem_shared>> -> memref<640xf32, #tpu.memory_space<vmem_shared>>
      %dma_wait3A_141 = tpu.memref_slice %arg17[%run_scoped3A_23, %mul3A_15] : memref<16x10240xf32, #tpu.memory_space<vmem_shared>> -> memref<1x640xf32, #tpu.memory_space<vmem_shared>>
      %dma_wait3A_142 = tpu.memref_squeeze %dma_wait3A_141 : memref<1x640xf32, #tpu.memory_space<vmem_shared>> -> memref<640xf32, #tpu.memory_space<vmem_shared>>
      tpu.wait_dma2 semaphore(%run_scoped3A_136 : memref<!tpu.dma_semaphore, #tpu.memory_space<semaphore_mem>>) src(%dma_wait3A_142 : memref<640xf32, #tpu.memory_space<vmem_shared>>) dst(%arg11 : memref<640xf32, #tpu.memory_space<vmem>>)
      tpu.yield
    }) : () -> ()
    %scan3A_24 = arith.constant 0 : i32
    %scan3A_25 = arith.constant 0 : i32
    %scan3A_26 = arith.constant 40 : i32
    %scan3A_27 = arith.addi %scan3A_25, %scan3A_26 : i32
    %scan3A_28 = arith.constant 1 : i32
    scf.for %scan3A_136 = %scan3A_25 to %scan3A_27 step %scan3A_28  : i32 {
      %mul3A_137 = arith.constant 16 : i32
      %mul3A_138 = arith.muli %scan3A_136, %mul3A_137 : i32
      %get3A = arith.index_cast %mul3A_138 : i32 to index
      %get3A_139 = tpu.vector_load %arg10[%get3A] {strides = array<i32>} : memref<640xf32, #tpu.memory_space<vmem>>, vector<16xf32>,
      %get3A_140 = arith.index_cast %mul3A_138 : i32 to index
      %get3A_141 = tpu.vector_load %arg11[%get3A_140] {strides = array<i32>} : memref<640xf32, #tpu.memory_space<vmem>>, vector<16xf32>,
      %add3A_142 = arith.addf %get3A_139, %get3A_141 : vector<16xf32>
      %swap3A = arith.index_cast %mul3A_138 : i32 to index
      %swap3A_143 = tpu.vector_load %arg10[%swap3A] {strides = array<i32>} : memref<640xf32, #tpu.memory_space<vmem>>, vector<16xf32>,
      tpu.vector_store %arg10[%swap3A], %add3A_142 {strides = array<i32>} : memref<640xf32, #tpu.memory_space<vmem>>, vector<16xf32>,
    }
    %scan3A_29 = arith.constant 40 : i32
    %run_scoped3A_30 = arith.constant 3 : i32
    "tpu.region"() ({
      %run_scoped3A_136 = tpu.sem_alloc : memref<!tpu.dma_semaphore, #tpu.memory_space<semaphore_mem>>
      %dma_start3A = tpu.memref_slice %arg17[%run_scoped3A_30, %mul3A_15] : memref<16x10240xf32, #tpu.memory_space<vmem_shared>> -> memref<1x640xf32, #tpu.memory_space<vmem_shared>>
      %dma_start3A_137 = tpu.memref_squeeze %dma_start3A : memref<1x640xf32, #tpu.memory_space<vmem_shared>> -> memref<640xf32, #tpu.memory_space<vmem_shared>>
      %dma_start3A_138 = tpu.memref_slice %arg17[%run_scoped3A_30, %mul3A_15] : memref<16x10240xf32, #tpu.memory_space<vmem_shared>> -> memref<1x640xf32, #tpu.memory_space<vmem_shared>>
      %dma_start3A_139 = tpu.memref_squeeze %dma_start3A_138 : memref<1x640xf32, #tpu.memory_space<vmem_shared>> -> memref<640xf32, #tpu.memory_space<vmem_shared>>
      tpu.enqueue_dma source(%dma_start3A_139 : memref<640xf32, #tpu.memory_space<vmem_shared>>) target(%arg11 : memref<640xf32, #tpu.memory_space<vmem>>) target_semaphore(%run_scoped3A_136 : memref<!tpu.dma_semaphore, #tpu.memory_space<semaphore_mem>>)
      %dma_wait3A = tpu.memref_slice %arg17[%run_scoped3A_30, %mul3A_15] : memref<16x10240xf32, #tpu.memory_space<vmem_shared>> -> memref<1x640xf32, #tpu.memory_space<vmem_shared>>
      %dma_wait3A_140 = tpu.memref_squeeze %dma_wait3A : memref<1x640xf32, #tpu.memory_space<vmem_shared>> -> memref<640xf32, #tpu.memory_space<vmem_shared>>
      %dma_wait3A_141 = tpu.memref_slice %arg17[%run_scoped3A_30, %mul3A_15] : memref<16x10240xf32, #tpu.memory_space<vmem_shared>> -> memref<1x640xf32, #tpu.memory_space<vmem_shared>>
      %dma_wait3A_142 = tpu.memref_squeeze %dma_wait3A_141 : memref<1x640xf32, #tpu.memory_space<vmem_shared>> -> memref<640xf32, #tpu.memory_space<vmem_shared>>
      tpu.wait_dma2 semaphore(%run_scoped3A_136 : memref<!tpu.dma_semaphore, #tpu.memory_space<semaphore_mem>>) src(%dma_wait3A_142 : memref<640xf32, #tpu.memory_space<vmem_shared>>) dst(%arg11 : memref<640xf32, #tpu.memory_space<vmem>>)
      tpu.yield
    }) : () -> ()
    %scan3A_31 = arith.constant 0 : i32
    %scan3A_32 = arith.constant 0 : i32
    %scan3A_33 = arith.constant 40 : i32
    %scan3A_34 = arith.addi %scan3A_32, %scan3A_33 : i32
    %scan3A_35 = arith.constant 1 : i32
    scf.for %scan3A_136 = %scan3A_32 to %scan3A_34 step %scan3A_35  : i32 {
      %mul3A_137 = arith.constant 16 : i32
      %mul3A_138 = arith.muli %scan3A_136, %mul3A_137 : i32
      %get3A = arith.index_cast %mul3A_138 : i32 to index
      %get3A_139 = tpu.vector_load %arg10[%get3A] {strides = array<i32>} : memref<640xf32, #tpu.memory_space<vmem>>, vector<16xf32>,
      %get3A_140 = arith.index_cast %mul3A_138 : i32 to index
      %get3A_141 = tpu.vector_load %arg11[%get3A_140] {strides = array<i32>} : memref<640xf32, #tpu.memory_space<vmem>>, vector<16xf32>,
      %add3A_142 = arith.addf %get3A_139, %get3A_141 : vector<16xf32>
      %swap3A = arith.index_cast %mul3A_138 : i32 to index
      %swap3A_143 = tpu.vector_load %arg10[%swap3A] {strides = array<i32>} : memref<640xf32, #tpu.memory_space<vmem>>, vector<16xf32>,
      tpu.vector_store %arg10[%swap3A], %add3A_142 {strides = array<i32>} : memref<640xf32, #tpu.memory_space<vmem>>, vector<16xf32>,
    }
    %scan3A_36 = arith.constant 40 : i32
    %run_scoped3A_37 = arith.constant 4 : i32
    "tpu.region"() ({
      %run_scoped3A_136 = tpu.sem_alloc : memref<!tpu.dma_semaphore, #tpu.memory_space<semaphore_mem>>
      %dma_start3A = tpu.memref_slice %arg17[%run_scoped3A_37, %mul3A_15] : memref<16x10240xf32, #tpu.memory_space<vmem_shared>> -> memref<1x640xf32, #tpu.memory_space<vmem_shared>>
      %dma_start3A_137 = tpu.memref_squeeze %dma_start3A : memref<1x640xf32, #tpu.memory_space<vmem_shared>> -> memref<640xf32, #tpu.memory_space<vmem_shared>>
      %dma_start3A_138 = tpu.memref_slice %arg17[%run_scoped3A_37, %mul3A_15] : memref<16x10240xf32, #tpu.memory_space<vmem_shared>> -> memref<1x640xf32, #tpu.memory_space<vmem_shared>>
      %dma_start3A_139 = tpu.memref_squeeze %dma_start3A_138 : memref<1x640xf32, #tpu.memory_space<vmem_shared>> -> memref<640xf32, #tpu.memory_space<vmem_shared>>
      tpu.enqueue_dma source(%dma_start3A_139 : memref<640xf32, #tpu.memory_space<vmem_shared>>) target(%arg11 : memref<640xf32, #tpu.memory_space<vmem>>) target_semaphore(%run_scoped3A_136 : memref<!tpu.dma_semaphore, #tpu.memory_space<semaphore_mem>>)
      %dma_wait3A = tpu.memref_slice %arg17[%run_scoped3A_37, %mul3A_15] : memref<16x10240xf32, #tpu.memory_space<vmem_shared>> -> memref<1x640xf32, #tpu.memory_space<vmem_shared>>
      %dma_wait3A_140 = tpu.memref_squeeze %dma_wait3A : memref<1x640xf32, #tpu.memory_space<vmem_shared>> -> memref<640xf32, #tpu.memory_space<vmem_shared>>
      %dma_wait3A_141 = tpu.memref_slice %arg17[%run_scoped3A_37, %mul3A_15] : memref<16x10240xf32, #tpu.memory_space<vmem_shared>> -> memref<1x640xf32, #tpu.memory_space<vmem_shared>>
      %dma_wait3A_142 = tpu.memref_squeeze %dma_wait3A_141 : memref<1x640xf32, #tpu.memory_space<vmem_shared>> -> memref<640xf32, #tpu.memory_space<vmem_shared>>
      tpu.wait_dma2 semaphore(%run_scoped3A_136 : memref<!tpu.dma_semaphore, #tpu.memory_space<semaphore_mem>>) src(%dma_wait3A_142 : memref<640xf32, #tpu.memory_space<vmem_shared>>) dst(%arg11 : memref<640xf32, #tpu.memory_space<vmem>>)
      tpu.yield
    }) : () -> ()
    %scan3A_38 = arith.constant 0 : i32
    %scan3A_39 = arith.constant 0 : i32
    %scan3A_40 = arith.constant 40 : i32
    %scan3A_41 = arith.addi %scan3A_39, %scan3A_40 : i32
    %scan3A_42 = arith.constant 1 : i32
    scf.for %scan3A_136 = %scan3A_39 to %scan3A_41 step %scan3A_42  : i32 {
      %mul3A_137 = arith.constant 16 : i32
      %mul3A_138 = arith.muli %scan3A_136, %mul3A_137 : i32
      %get3A = arith.index_cast %mul3A_138 : i32 to index
      %get3A_139 = tpu.vector_load %arg10[%get3A] {strides = array<i32>} : memref<640xf32, #tpu.memory_space<vmem>>, vector<16xf32>,
      %get3A_140 = arith.index_cast %mul3A_138 : i32 to index
      %get3A_141 = tpu.vector_load %arg11[%get3A_140] {strides = array<i32>} : memref<640xf32, #tpu.memory_space<vmem>>, vector<16xf32>,
      %add3A_142 = arith.addf %get3A_139, %get3A_141 : vector<16xf32>
      %swap3A = arith.index_cast %mul3A_138 : i32 to index
      %swap3A_143 = tpu.vector_load %arg10[%swap3A] {strides = array<i32>} : memref<640xf32, #tpu.memory_space<vmem>>, vector<16xf32>,
      tpu.vector_store %arg10[%swap3A], %add3A_142 {strides = array<i32>} : memref<640xf32, #tpu.memory_space<vmem>>, vector<16xf32>,
    }
    %scan3A_43 = arith.constant 40 : i32
    %run_scoped3A_44 = arith.constant 5 : i32
    "tpu.region"() ({
      %run_scoped3A_136 = tpu.sem_alloc : memref<!tpu.dma_semaphore, #tpu.memory_space<semaphore_mem>>
      %dma_start3A = tpu.memref_slice %arg17[%run_scoped3A_44, %mul3A_15] : memref<16x10240xf32, #tpu.memory_space<vmem_shared>> -> memref<1x640xf32, #tpu.memory_space<vmem_shared>>
      %dma_start3A_137 = tpu.memref_squeeze %dma_start3A : memref<1x640xf32, #tpu.memory_space<vmem_shared>> -> memref<640xf32, #tpu.memory_space<vmem_shared>>
      %dma_start3A_138 = tpu.memref_slice %arg17[%run_scoped3A_44, %mul3A_15] : memref<16x10240xf32, #tpu.memory_space<vmem_shared>> -> memref<1x640xf32, #tpu.memory_space<vmem_shared>>
      %dma_start3A_139 = tpu.memref_squeeze %dma_start3A_138 : memref<1x640xf32, #tpu.memory_space<vmem_shared>> -> memref<640xf32, #tpu.memory_space<vmem_shared>>
      tpu.enqueue_dma source(%dma_start3A_139 : memref<640xf32, #tpu.memory_space<vmem_shared>>) target(%arg11 : memref<640xf32, #tpu.memory_space<vmem>>) target_semaphore(%run_scoped3A_136 : memref<!tpu.dma_semaphore, #tpu.memory_space<semaphore_mem>>)
      %dma_wait3A = tpu.memref_slice %arg17[%run_scoped3A_44, %mul3A_15] : memref<16x10240xf32, #tpu.memory_space<vmem_shared>> -> memref<1x640xf32, #tpu.memory_space<vmem_shared>>
      %dma_wait3A_140 = tpu.memref_squeeze %dma_wait3A : memref<1x640xf32, #tpu.memory_space<vmem_shared>> -> memref<640xf32, #tpu.memory_space<vmem_shared>>
      %dma_wait3A_141 = tpu.memref_slice %arg17[%run_scoped3A_44, %mul3A_15] : memref<16x10240xf32, #tpu.memory_space<vmem_shared>> -> memref<1x640xf32, #tpu.memory_space<vmem_shared>>
      %dma_wait3A_142 = tpu.memref_squeeze %dma_wait3A_141 : memref<1x640xf32, #tpu.memory_space<vmem_shared>> -> memref<640xf32, #tpu.memory_space<vmem_shared>>
      tpu.wait_dma2 semaphore(%run_scoped3A_136 : memref<!tpu.dma_semaphore, #tpu.memory_space<semaphore_mem>>) src(%dma_wait3A_142 : memref<640xf32, #tpu.memory_space<vmem_shared>>) dst(%arg11 : memref<640xf32, #tpu.memory_space<vmem>>)
      tpu.yield
    }) : () -> ()
    %scan3A_45 = arith.constant 0 : i32
    %scan3A_46 = arith.constant 0 : i32
    %scan3A_47 = arith.constant 40 : i32
    %scan3A_48 = arith.addi %scan3A_46, %scan3A_47 : i32
    %scan3A_49 = arith.constant 1 : i32
    scf.for %scan3A_136 = %scan3A_46 to %scan3A_48 step %scan3A_49  : i32 {
      %mul3A_137 = arith.constant 16 : i32
      %mul3A_138 = arith.muli %scan3A_136, %mul3A_137 : i32
      %get3A = arith.index_cast %mul3A_138 : i32 to index
      %get3A_139 = tpu.vector_load %arg10[%get3A] {strides = array<i32>} : memref<640xf32, #tpu.memory_space<vmem>>, vector<16xf32>,
      %get3A_140 = arith.index_cast %mul3A_138 : i32 to index
      %get3A_141 = tpu.vector_load %arg11[%get3A_140] {strides = array<i32>} : memref<640xf32, #tpu.memory_space<vmem>>, vector<16xf32>,
      %add3A_142 = arith.addf %get3A_139, %get3A_141 : vector<16xf32>
      %swap3A = arith.index_cast %mul3A_138 : i32 to index
      %swap3A_143 = tpu.vector_load %arg10[%swap3A] {strides = array<i32>} : memref<640xf32, #tpu.memory_space<vmem>>, vector<16xf32>,
      tpu.vector_store %arg10[%swap3A], %add3A_142 {strides = array<i32>} : memref<640xf32, #tpu.memory_space<vmem>>, vector<16xf32>,
    }
    %scan3A_50 = arith.constant 40 : i32
    %run_scoped3A_51 = arith.constant 6 : i32
    "tpu.region"() ({
      %run_scoped3A_136 = tpu.sem_alloc : memref<!tpu.dma_semaphore, #tpu.memory_space<semaphore_mem>>
      %dma_start3A = tpu.memref_slice %arg17[%run_scoped3A_51, %mul3A_15] : memref<16x10240xf32, #tpu.memory_space<vmem_shared>> -> memref<1x640xf32, #tpu.memory_space<vmem_shared>>
      %dma_start3A_137 = tpu.memref_squeeze %dma_start3A : memref<1x640xf32, #tpu.memory_space<vmem_shared>> -> memref<640xf32, #tpu.memory_space<vmem_shared>>
      %dma_start3A_138 = tpu.memref_slice %arg17[%run_scoped3A_51, %mul3A_15] : memref<16x10240xf32, #tpu.memory_space<vmem_shared>> -> memref<1x640xf32, #tpu.memory_space<vmem_shared>>
      %dma_start3A_139 = tpu.memref_squeeze %dma_start3A_138 : memref<1x640xf32, #tpu.memory_space<vmem_shared>> -> memref<640xf32, #tpu.memory_space<vmem_shared>>
      tpu.enqueue_dma source(%dma_start3A_139 : memref<640xf32, #tpu.memory_space<vmem_shared>>) target(%arg11 : memref<640xf32, #tpu.memory_space<vmem>>) target_semaphore(%run_scoped3A_136 : memref<!tpu.dma_semaphore, #tpu.memory_space<semaphore_mem>>)
      %dma_wait3A = tpu.memref_slice %arg17[%run_scoped3A_51, %mul3A_15] : memref<16x10240xf32, #tpu.memory_space<vmem_shared>> -> memref<1x640xf32, #tpu.memory_space<vmem_shared>>
      %dma_wait3A_140 = tpu.memref_squeeze %dma_wait3A : memref<1x640xf32, #tpu.memory_space<vmem_shared>> -> memref<640xf32, #tpu.memory_space<vmem_shared>>
      %dma_wait3A_141 = tpu.memref_slice %arg17[%run_scoped3A_51, %mul3A_15] : memref<16x10240xf32, #tpu.memory_space<vmem_shared>> -> memref<1x640xf32, #tpu.memory_space<vmem_shared>>
      %dma_wait3A_142 = tpu.memref_squeeze %dma_wait3A_141 : memref<1x640xf32, #tpu.memory_space<vmem_shared>> -> memref<640xf32, #tpu.memory_space<vmem_shared>>
      tpu.wait_dma2 semaphore(%run_scoped3A_136 : memref<!tpu.dma_semaphore, #tpu.memory_space<semaphore_mem>>) src(%dma_wait3A_142 : memref<640xf32, #tpu.memory_space<vmem_shared>>) dst(%arg11 : memref<640xf32, #tpu.memory_space<vmem>>)
      tpu.yield
    }) : () -> ()
    %scan3A_52 = arith.constant 0 : i32
    %scan3A_53 = arith.constant 0 : i32
    %scan3A_54 = arith.constant 40 : i32
    %scan3A_55 = arith.addi %scan3A_53, %scan3A_54 : i32
    %scan3A_56 = arith.constant 1 : i32
    scf.for %scan3A_136 = %scan3A_53 to %scan3A_55 step %scan3A_56  : i32 {
      %mul3A_137 = arith.constant 16 : i32
      %mul3A_138 = arith.muli %scan3A_136, %mul3A_137 : i32
      %get3A = arith.index_cast %mul3A_138 : i32 to index
      %get3A_139 = tpu.vector_load %arg10[%get3A] {strides = array<i32>} : memref<640xf32, #tpu.memory_space<vmem>>, vector<16xf32>,
      %get3A_140 = arith.index_cast %mul3A_138 : i32 to index
      %get3A_141 = tpu.vector_load %arg11[%get3A_140] {strides = array<i32>} : memref<640xf32, #tpu.memory_space<vmem>>, vector<16xf32>,
      %add3A_142 = arith.addf %get3A_139, %get3A_141 : vector<16xf32>
      %swap3A = arith.index_cast %mul3A_138 : i32 to index
      %swap3A_143 = tpu.vector_load %arg10[%swap3A] {strides = array<i32>} : memref<640xf32, #tpu.memory_space<vmem>>, vector<16xf32>,
      tpu.vector_store %arg10[%swap3A], %add3A_142 {strides = array<i32>} : memref<640xf32, #tpu.memory_space<vmem>>, vector<16xf32>,
    }
    %scan3A_57 = arith.constant 40 : i32
    %run_scoped3A_58 = arith.constant 7 : i32
    "tpu.region"() ({
      %run_scoped3A_136 = tpu.sem_alloc : memref<!tpu.dma_semaphore, #tpu.memory_space<semaphore_mem>>
      %dma_start3A = tpu.memref_slice %arg17[%run_scoped3A_58, %mul3A_15] : memref<16x10240xf32, #tpu.memory_space<vmem_shared>> -> memref<1x640xf32, #tpu.memory_space<vmem_shared>>
      %dma_start3A_137 = tpu.memref_squeeze %dma_start3A : memref<1x640xf32, #tpu.memory_space<vmem_shared>> -> memref<640xf32, #tpu.memory_space<vmem_shared>>
      %dma_start3A_138 = tpu.memref_slice %arg17[%run_scoped3A_58, %mul3A_15] : memref<16x10240xf32, #tpu.memory_space<vmem_shared>> -> memref<1x640xf32, #tpu.memory_space<vmem_shared>>
      %dma_start3A_139 = tpu.memref_squeeze %dma_start3A_138 : memref<1x640xf32, #tpu.memory_space<vmem_shared>> -> memref<640xf32, #tpu.memory_space<vmem_shared>>
      tpu.enqueue_dma source(%dma_start3A_139 : memref<640xf32, #tpu.memory_space<vmem_shared>>) target(%arg11 : memref<640xf32, #tpu.memory_space<vmem>>) target_semaphore(%run_scoped3A_136 : memref<!tpu.dma_semaphore, #tpu.memory_space<semaphore_mem>>)
      %dma_wait3A = tpu.memref_slice %arg17[%run_scoped3A_58, %mul3A_15] : memref<16x10240xf32, #tpu.memory_space<vmem_shared>> -> memref<1x640xf32, #tpu.memory_space<vmem_shared>>
      %dma_wait3A_140 = tpu.memref_squeeze %dma_wait3A : memref<1x640xf32, #tpu.memory_space<vmem_shared>> -> memref<640xf32, #tpu.memory_space<vmem_shared>>
      %dma_wait3A_141 = tpu.memref_slice %arg17[%run_scoped3A_58, %mul3A_15] : memref<16x10240xf32, #tpu.memory_space<vmem_shared>> -> memref<1x640xf32, #tpu.memory_space<vmem_shared>>
      %dma_wait3A_142 = tpu.memref_squeeze %dma_wait3A_141 : memref<1x640xf32, #tpu.memory_space<vmem_shared>> -> memref<640xf32, #tpu.memory_space<vmem_shared>>
      tpu.wait_dma2 semaphore(%run_scoped3A_136 : memref<!tpu.dma_semaphore, #tpu.memory_space<semaphore_mem>>) src(%dma_wait3A_142 : memref<640xf32, #tpu.memory_space<vmem_shared>>) dst(%arg11 : memref<640xf32, #tpu.memory_space<vmem>>)
      tpu.yield
    }) : () -> ()
    %scan3A_59 = arith.constant 0 : i32
    %scan3A_60 = arith.constant 0 : i32
    %scan3A_61 = arith.constant 40 : i32
    %scan3A_62 = arith.addi %scan3A_60, %scan3A_61 : i32
    %scan3A_63 = arith.constant 1 : i32
    scf.for %scan3A_136 = %scan3A_60 to %scan3A_62 step %scan3A_63  : i32 {
      %mul3A_137 = arith.constant 16 : i32
      %mul3A_138 = arith.muli %scan3A_136, %mul3A_137 : i32
      %get3A = arith.index_cast %mul3A_138 : i32 to index
      %get3A_139 = tpu.vector_load %arg10[%get3A] {strides = array<i32>} : memref<640xf32, #tpu.memory_space<vmem>>, vector<16xf32>,
      %get3A_140 = arith.index_cast %mul3A_138 : i32 to index
      %get3A_141 = tpu.vector_load %arg11[%get3A_140] {strides = array<i32>} : memref<640xf32, #tpu.memory_space<vmem>>, vector<16xf32>,
      %add3A_142 = arith.addf %get3A_139, %get3A_141 : vector<16xf32>
      %swap3A = arith.index_cast %mul3A_138 : i32 to index
      %swap3A_143 = tpu.vector_load %arg10[%swap3A] {strides = array<i32>} : memref<640xf32, #tpu.memory_space<vmem>>, vector<16xf32>,
      tpu.vector_store %arg10[%swap3A], %add3A_142 {strides = array<i32>} : memref<640xf32, #tpu.memory_space<vmem>>, vector<16xf32>,
    }
    %scan3A_64 = arith.constant 40 : i32
    %run_scoped3A_65 = arith.constant 8 : i32
    "tpu.region"() ({
      %run_scoped3A_136 = tpu.sem_alloc : memref<!tpu.dma_semaphore, #tpu.memory_space<semaphore_mem>>
      %dma_start3A = tpu.memref_slice %arg17[%run_scoped3A_65, %mul3A_15] : memref<16x10240xf32, #tpu.memory_space<vmem_shared>> -> memref<1x640xf32, #tpu.memory_space<vmem_shared>>
      %dma_start3A_137 = tpu.memref_squeeze %dma_start3A : memref<1x640xf32, #tpu.memory_space<vmem_shared>> -> memref<640xf32, #tpu.memory_space<vmem_shared>>
      %dma_start3A_138 = tpu.memref_slice %arg17[%run_scoped3A_65, %mul3A_15] : memref<16x10240xf32, #tpu.memory_space<vmem_shared>> -> memref<1x640xf32, #tpu.memory_space<vmem_shared>>
      %dma_start3A_139 = tpu.memref_squeeze %dma_start3A_138 : memref<1x640xf32, #tpu.memory_space<vmem_shared>> -> memref<640xf32, #tpu.memory_space<vmem_shared>>
      tpu.enqueue_dma source(%dma_start3A_139 : memref<640xf32, #tpu.memory_space<vmem_shared>>) target(%arg11 : memref<640xf32, #tpu.memory_space<vmem>>) target_semaphore(%run_scoped3A_136 : memref<!tpu.dma_semaphore, #tpu.memory_space<semaphore_mem>>)
      %dma_wait3A = tpu.memref_slice %arg17[%run_scoped3A_65, %mul3A_15] : memref<16x10240xf32, #tpu.memory_space<vmem_shared>> -> memref<1x640xf32, #tpu.memory_space<vmem_shared>>
      %dma_wait3A_140 = tpu.memref_squeeze %dma_wait3A : memref<1x640xf32, #tpu.memory_space<vmem_shared>> -> memref<640xf32, #tpu.memory_space<vmem_shared>>
      %dma_wait3A_141 = tpu.memref_slice %arg17[%run_scoped3A_65, %mul3A_15] : memref<16x10240xf32, #tpu.memory_space<vmem_shared>> -> memref<1x640xf32, #tpu.memory_space<vmem_shared>>
      %dma_wait3A_142 = tpu.memref_squeeze %dma_wait3A_141 : memref<1x640xf32, #tpu.memory_space<vmem_shared>> -> memref<640xf32, #tpu.memory_space<vmem_shared>>
      tpu.wait_dma2 semaphore(%run_scoped3A_136 : memref<!tpu.dma_semaphore, #tpu.memory_space<semaphore_mem>>) src(%dma_wait3A_142 : memref<640xf32, #tpu.memory_space<vmem_shared>>) dst(%arg11 : memref<640xf32, #tpu.memory_space<vmem>>)
      tpu.yield
    }) : () -> ()
    %scan3A_66 = arith.constant 0 : i32
    %scan3A_67 = arith.constant 0 : i32
    %scan3A_68 = arith.constant 40 : i32
    %scan3A_69 = arith.addi %scan3A_67, %scan3A_68 : i32
    %scan3A_70 = arith.constant 1 : i32
    scf.for %scan3A_136 = %scan3A_67 to %scan3A_69 step %scan3A_70  : i32 {
      %mul3A_137 = arith.constant 16 : i32
      %mul3A_138 = arith.muli %scan3A_136, %mul3A_137 : i32
      %get3A = arith.index_cast %mul3A_138 : i32 to index
      %get3A_139 = tpu.vector_load %arg10[%get3A] {strides = array<i32>} : memref<640xf32, #tpu.memory_space<vmem>>, vector<16xf32>,
      %get3A_140 = arith.index_cast %mul3A_138 : i32 to index
      %get3A_141 = tpu.vector_load %arg11[%get3A_140] {strides = array<i32>} : memref<640xf32, #tpu.memory_space<vmem>>, vector<16xf32>,
      %add3A_142 = arith.addf %get3A_139, %get3A_141 : vector<16xf32>
      %swap3A = arith.index_cast %mul3A_138 : i32 to index
      %swap3A_143 = tpu.vector_load %arg10[%swap3A] {strides = array<i32>} : memref<640xf32, #tpu.memory_space<vmem>>, vector<16xf32>,
      tpu.vector_store %arg10[%swap3A], %add3A_142 {strides = array<i32>} : memref<640xf32, #tpu.memory_space<vmem>>, vector<16xf32>,
    }
    %scan3A_71 = arith.constant 40 : i32
    %run_scoped3A_72 = arith.constant 9 : i32
    "tpu.region"() ({
      %run_scoped3A_136 = tpu.sem_alloc : memref<!tpu.dma_semaphore, #tpu.memory_space<semaphore_mem>>
      %dma_start3A = tpu.memref_slice %arg17[%run_scoped3A_72, %mul3A_15] : memref<16x10240xf32, #tpu.memory_space<vmem_shared>> -> memref<1x640xf32, #tpu.memory_space<vmem_shared>>
      %dma_start3A_137 = tpu.memref_squeeze %dma_start3A : memref<1x640xf32, #tpu.memory_space<vmem_shared>> -> memref<640xf32, #tpu.memory_space<vmem_shared>>
      %dma_start3A_138 = tpu.memref_slice %arg17[%run_scoped3A_72, %mul3A_15] : memref<16x10240xf32, #tpu.memory_space<vmem_shared>> -> memref<1x640xf32, #tpu.memory_space<vmem_shared>>
      %dma_start3A_139 = tpu.memref_squeeze %dma_start3A_138 : memref<1x640xf32, #tpu.memory_space<vmem_shared>> -> memref<640xf32, #tpu.memory_space<vmem_shared>>
      tpu.enqueue_dma source(%dma_start3A_139 : memref<640xf32, #tpu.memory_space<vmem_shared>>) target(%arg11 : memref<640xf32, #tpu.memory_space<vmem>>) target_semaphore(%run_scoped3A_136 : memref<!tpu.dma_semaphore, #tpu.memory_space<semaphore_mem>>)
      %dma_wait3A = tpu.memref_slice %arg17[%run_scoped3A_72, %mul3A_15] : memref<16x10240xf32, #tpu.memory_space<vmem_shared>> -> memref<1x640xf32, #tpu.memory_space<vmem_shared>>
      %dma_wait3A_140 = tpu.memref_squeeze %dma_wait3A : memref<1x640xf32, #tpu.memory_space<vmem_shared>> -> memref<640xf32, #tpu.memory_space<vmem_shared>>
      %dma_wait3A_141 = tpu.memref_slice %arg17[%run_scoped3A_72, %mul3A_15] : memref<16x10240xf32, #tpu.memory_space<vmem_shared>> -> memref<1x640xf32, #tpu.memory_space<vmem_shared>>
      %dma_wait3A_142 = tpu.memref_squeeze %dma_wait3A_141 : memref<1x640xf32, #tpu.memory_space<vmem_shared>> -> memref<640xf32, #tpu.memory_space<vmem_shared>>
      tpu.wait_dma2 semaphore(%run_scoped3A_136 : memref<!tpu.dma_semaphore, #tpu.memory_space<semaphore_mem>>) src(%dma_wait3A_142 : memref<640xf32, #tpu.memory_space<vmem_shared>>) dst(%arg11 : memref<640xf32, #tpu.memory_space<vmem>>)
      tpu.yield
    }) : () -> ()
    %scan3A_73 = arith.constant 0 : i32
    %scan3A_74 = arith.constant 0 : i32
    %scan3A_75 = arith.constant 40 : i32
    %scan3A_76 = arith.addi %scan3A_74, %scan3A_75 : i32
    %scan3A_77 = arith.constant 1 : i32
    scf.for %scan3A_136 = %scan3A_74 to %scan3A_76 step %scan3A_77  : i32 {
      %mul3A_137 = arith.constant 16 : i32
      %mul3A_138 = arith.muli %scan3A_136, %mul3A_137 : i32
      %get3A = arith.index_cast %mul3A_138 : i32 to index
      %get3A_139 = tpu.vector_load %arg10[%get3A] {strides = array<i32>} : memref<640xf32, #tpu.memory_space<vmem>>, vector<16xf32>,
      %get3A_140 = arith.index_cast %mul3A_138 : i32 to index
      %get3A_141 = tpu.vector_load %arg11[%get3A_140] {strides = array<i32>} : memref<640xf32, #tpu.memory_space<vmem>>, vector<16xf32>,
      %add3A_142 = arith.addf %get3A_139, %get3A_141 : vector<16xf32>
      %swap3A = arith.index_cast %mul3A_138 : i32 to index
      %swap3A_143 = tpu.vector_load %arg10[%swap3A] {strides = array<i32>} : memref<640xf32, #tpu.memory_space<vmem>>, vector<16xf32>,
      tpu.vector_store %arg10[%swap3A], %add3A_142 {strides = array<i32>} : memref<640xf32, #tpu.memory_space<vmem>>, vector<16xf32>,
    }
    %scan3A_78 = arith.constant 40 : i32
    %run_scoped3A_79 = arith.constant 10 : i32
    "tpu.region"() ({
      %run_scoped3A_136 = tpu.sem_alloc : memref<!tpu.dma_semaphore, #tpu.memory_space<semaphore_mem>>
      %dma_start3A = tpu.memref_slice %arg17[%run_scoped3A_79, %mul3A_15] : memref<16x10240xf32, #tpu.memory_space<vmem_shared>> -> memref<1x640xf32, #tpu.memory_space<vmem_shared>>
      %dma_start3A_137 = tpu.memref_squeeze %dma_start3A : memref<1x640xf32, #tpu.memory_space<vmem_shared>> -> memref<640xf32, #tpu.memory_space<vmem_shared>>
      %dma_start3A_138 = tpu.memref_slice %arg17[%run_scoped3A_79, %mul3A_15] : memref<16x10240xf32, #tpu.memory_space<vmem_shared>> -> memref<1x640xf32, #tpu.memory_space<vmem_shared>>
      %dma_start3A_139 = tpu.memref_squeeze %dma_start3A_138 : memref<1x640xf32, #tpu.memory_space<vmem_shared>> -> memref<640xf32, #tpu.memory_space<vmem_shared>>
      tpu.enqueue_dma source(%dma_start3A_139 : memref<640xf32, #tpu.memory_space<vmem_shared>>) target(%arg11 : memref<640xf32, #tpu.memory_space<vmem>>) target_semaphore(%run_scoped3A_136 : memref<!tpu.dma_semaphore, #tpu.memory_space<semaphore_mem>>)
      %dma_wait3A = tpu.memref_slice %arg17[%run_scoped3A_79, %mul3A_15] : memref<16x10240xf32, #tpu.memory_space<vmem_shared>> -> memref<1x640xf32, #tpu.memory_space<vmem_shared>>
      %dma_wait3A_140 = tpu.memref_squeeze %dma_wait3A : memref<1x640xf32, #tpu.memory_space<vmem_shared>> -> memref<640xf32, #tpu.memory_space<vmem_shared>>
      %dma_wait3A_141 = tpu.memref_slice %arg17[%run_scoped3A_79, %mul3A_15] : memref<16x10240xf32, #tpu.memory_space<vmem_shared>> -> memref<1x640xf32, #tpu.memory_space<vmem_shared>>
      %dma_wait3A_142 = tpu.memref_squeeze %dma_wait3A_141 : memref<1x640xf32, #tpu.memory_space<vmem_shared>> -> memref<640xf32, #tpu.memory_space<vmem_shared>>
      tpu.wait_dma2 semaphore(%run_scoped3A_136 : memref<!tpu.dma_semaphore, #tpu.memory_space<semaphore_mem>>) src(%dma_wait3A_142 : memref<640xf32, #tpu.memory_space<vmem_shared>>) dst(%arg11 : memref<640xf32, #tpu.memory_space<vmem>>)
      tpu.yield
    }) : () -> ()
    %scan3A_80 = arith.constant 0 : i32
    %scan3A_81 = arith.constant 0 : i32
    %scan3A_82 = arith.constant 40 : i32
    %scan3A_83 = arith.addi %scan3A_81, %scan3A_82 : i32
    %scan3A_84 = arith.constant 1 : i32
    scf.for %scan3A_136 = %scan3A_81 to %scan3A_83 step %scan3A_84  : i32 {
      %mul3A_137 = arith.constant 16 : i32
      %mul3A_138 = arith.muli %scan3A_136, %mul3A_137 : i32
      %get3A = arith.index_cast %mul3A_138 : i32 to index
      %get3A_139 = tpu.vector_load %arg10[%get3A] {strides = array<i32>} : memref<640xf32, #tpu.memory_space<vmem>>, vector<16xf32>,
      %get3A_140 = arith.index_cast %mul3A_138 : i32 to index
      %get3A_141 = tpu.vector_load %arg11[%get3A_140] {strides = array<i32>} : memref<640xf32, #tpu.memory_space<vmem>>, vector<16xf32>,
      %add3A_142 = arith.addf %get3A_139, %get3A_141 : vector<16xf32>
      %swap3A = arith.index_cast %mul3A_138 : i32 to index
      %swap3A_143 = tpu.vector_load %arg10[%swap3A] {strides = array<i32>} : memref<640xf32, #tpu.memory_space<vmem>>, vector<16xf32>,
      tpu.vector_store %arg10[%swap3A], %add3A_142 {strides = array<i32>} : memref<640xf32, #tpu.memory_space<vmem>>, vector<16xf32>,
    }
    %scan3A_85 = arith.constant 40 : i32
    %run_scoped3A_86 = arith.constant 11 : i32
    "tpu.region"() ({
      %run_scoped3A_136 = tpu.sem_alloc : memref<!tpu.dma_semaphore, #tpu.memory_space<semaphore_mem>>
      %dma_start3A = tpu.memref_slice %arg17[%run_scoped3A_86, %mul3A_15] : memref<16x10240xf32, #tpu.memory_space<vmem_shared>> -> memref<1x640xf32, #tpu.memory_space<vmem_shared>>
      %dma_start3A_137 = tpu.memref_squeeze %dma_start3A : memref<1x640xf32, #tpu.memory_space<vmem_shared>> -> memref<640xf32, #tpu.memory_space<vmem_shared>>
      %dma_start3A_138 = tpu.memref_slice %arg17[%run_scoped3A_86, %mul3A_15] : memref<16x10240xf32, #tpu.memory_space<vmem_shared>> -> memref<1x640xf32, #tpu.memory_space<vmem_shared>>
      %dma_start3A_139 = tpu.memref_squeeze %dma_start3A_138 : memref<1x640xf32, #tpu.memory_space<vmem_shared>> -> memref<640xf32, #tpu.memory_space<vmem_shared>>
      tpu.enqueue_dma source(%dma_start3A_139 : memref<640xf32, #tpu.memory_space<vmem_shared>>) target(%arg11 : memref<640xf32, #tpu.memory_space<vmem>>) target_semaphore(%run_scoped3A_136 : memref<!tpu.dma_semaphore, #tpu.memory_space<semaphore_mem>>)
      %dma_wait3A = tpu.memref_slice %arg17[%run_scoped3A_86, %mul3A_15] : memref<16x10240xf32, #tpu.memory_space<vmem_shared>> -> memref<1x640xf32, #tpu.memory_space<vmem_shared>>
      %dma_wait3A_140 = tpu.memref_squeeze %dma_wait3A : memref<1x640xf32, #tpu.memory_space<vmem_shared>> -> memref<640xf32, #tpu.memory_space<vmem_shared>>
      %dma_wait3A_141 = tpu.memref_slice %arg17[%run_scoped3A_86, %mul3A_15] : memref<16x10240xf32, #tpu.memory_space<vmem_shared>> -> memref<1x640xf32, #tpu.memory_space<vmem_shared>>
      %dma_wait3A_142 = tpu.memref_squeeze %dma_wait3A_141 : memref<1x640xf32, #tpu.memory_space<vmem_shared>> -> memref<640xf32, #tpu.memory_space<vmem_shared>>
      tpu.wait_dma2 semaphore(%run_scoped3A_136 : memref<!tpu.dma_semaphore, #tpu.memory_space<semaphore_mem>>) src(%dma_wait3A_142 : memref<640xf32, #tpu.memory_space<vmem_shared>>) dst(%arg11 : memref<640xf32, #tpu.memory_space<vmem>>)
      tpu.yield
    }) : () -> ()
    %scan3A_87 = arith.constant 0 : i32
    %scan3A_88 = arith.constant 0 : i32
    %scan3A_89 = arith.constant 40 : i32
    %scan3A_90 = arith.addi %scan3A_88, %scan3A_89 : i32
    %scan3A_91 = arith.constant 1 : i32
    scf.for %scan3A_136 = %scan3A_88 to %scan3A_90 step %scan3A_91  : i32 {
      %mul3A_137 = arith.constant 16 : i32
      %mul3A_138 = arith.muli %scan3A_136, %mul3A_137 : i32
      %get3A = arith.index_cast %mul3A_138 : i32 to index
      %get3A_139 = tpu.vector_load %arg10[%get3A] {strides = array<i32>} : memref<640xf32, #tpu.memory_space<vmem>>, vector<16xf32>,
      %get3A_140 = arith.index_cast %mul3A_138 : i32 to index
      %get3A_141 = tpu.vector_load %arg11[%get3A_140] {strides = array<i32>} : memref<640xf32, #tpu.memory_space<vmem>>, vector<16xf32>,
      %add3A_142 = arith.addf %get3A_139, %get3A_141 : vector<16xf32>
      %swap3A = arith.index_cast %mul3A_138 : i32 to index
      %swap3A_143 = tpu.vector_load %arg10[%swap3A] {strides = array<i32>} : memref<640xf32, #tpu.memory_space<vmem>>, vector<16xf32>,
      tpu.vector_store %arg10[%swap3A], %add3A_142 {strides = array<i32>} : memref<640xf32, #tpu.memory_space<vmem>>, vector<16xf32>,
    }
    %scan3A_92 = arith.constant 40 : i32
    %run_scoped3A_93 = arith.constant 12 : i32
    "tpu.region"() ({
      %run_scoped3A_136 = tpu.sem_alloc : memref<!tpu.dma_semaphore, #tpu.memory_space<semaphore_mem>>
      %dma_start3A = tpu.memref_slice %arg17[%run_scoped3A_93, %mul3A_15] : memref<16x10240xf32, #tpu.memory_space<vmem_shared>> -> memref<1x640xf32, #tpu.memory_space<vmem_shared>>
      %dma_start3A_137 = tpu.memref_squeeze %dma_start3A : memref<1x640xf32, #tpu.memory_space<vmem_shared>> -> memref<640xf32, #tpu.memory_space<vmem_shared>>
      %dma_start3A_138 = tpu.memref_slice %arg17[%run_scoped3A_93, %mul3A_15] : memref<16x10240xf32, #tpu.memory_space<vmem_shared>> -> memref<1x640xf32, #tpu.memory_space<vmem_shared>>
      %dma_start3A_139 = tpu.memref_squeeze %dma_start3A_138 : memref<1x640xf32, #tpu.memory_space<vmem_shared>> -> memref<640xf32, #tpu.memory_space<vmem_shared>>
      tpu.enqueue_dma source(%dma_start3A_139 : memref<640xf32, #tpu.memory_space<vmem_shared>>) target(%arg11 : memref<640xf32, #tpu.memory_space<vmem>>) target_semaphore(%run_scoped3A_136 : memref<!tpu.dma_semaphore, #tpu.memory_space<semaphore_mem>>)
      %dma_wait3A = tpu.memref_slice %arg17[%run_scoped3A_93, %mul3A_15] : memref<16x10240xf32, #tpu.memory_space<vmem_shared>> -> memref<1x640xf32, #tpu.memory_space<vmem_shared>>
      %dma_wait3A_140 = tpu.memref_squeeze %dma_wait3A : memref<1x640xf32, #tpu.memory_space<vmem_shared>> -> memref<640xf32, #tpu.memory_space<vmem_shared>>
      %dma_wait3A_141 = tpu.memref_slice %arg17[%run_scoped3A_93, %mul3A_15] : memref<16x10240xf32, #tpu.memory_space<vmem_shared>> -> memref<1x640xf32, #tpu.memory_space<vmem_shared>>
      %dma_wait3A_142 = tpu.memref_squeeze %dma_wait3A_141 : memref<1x640xf32, #tpu.memory_space<vmem_shared>> -> memref<640xf32, #tpu.memory_space<vmem_shared>>
      tpu.wait_dma2 semaphore(%run_scoped3A_136 : memref<!tpu.dma_semaphore, #tpu.memory_space<semaphore_mem>>) src(%dma_wait3A_142 : memref<640xf32, #tpu.memory_space<vmem_shared>>) dst(%arg11 : memref<640xf32, #tpu.memory_space<vmem>>)
      tpu.yield
    }) : () -> ()
    %scan3A_94 = arith.constant 0 : i32
    %scan3A_95 = arith.constant 0 : i32
    %scan3A_96 = arith.constant 40 : i32
    %scan3A_97 = arith.addi %scan3A_95, %scan3A_96 : i32
    %scan3A_98 = arith.constant 1 : i32
    scf.for %scan3A_136 = %scan3A_95 to %scan3A_97 step %scan3A_98  : i32 {
      %mul3A_137 = arith.constant 16 : i32
      %mul3A_138 = arith.muli %scan3A_136, %mul3A_137 : i32
      %get3A = arith.index_cast %mul3A_138 : i32 to index
      %get3A_139 = tpu.vector_load %arg10[%get3A] {strides = array<i32>} : memref<640xf32, #tpu.memory_space<vmem>>, vector<16xf32>,
      %get3A_140 = arith.index_cast %mul3A_138 : i32 to index
      %get3A_141 = tpu.vector_load %arg11[%get3A_140] {strides = array<i32>} : memref<640xf32, #tpu.memory_space<vmem>>, vector<16xf32>,
      %add3A_142 = arith.addf %get3A_139, %get3A_141 : vector<16xf32>
      %swap3A = arith.index_cast %mul3A_138 : i32 to index
      %swap3A_143 = tpu.vector_load %arg10[%swap3A] {strides = array<i32>} : memref<640xf32, #tpu.memory_space<vmem>>, vector<16xf32>,
      tpu.vector_store %arg10[%swap3A], %add3A_142 {strides = array<i32>} : memref<640xf32, #tpu.memory_space<vmem>>, vector<16xf32>,
    }
    %scan3A_99 = arith.constant 40 : i32
    %run_scoped3A_100 = arith.constant 13 : i32
    "tpu.region"() ({
      %run_scoped3A_136 = tpu.sem_alloc : memref<!tpu.dma_semaphore, #tpu.memory_space<semaphore_mem>>
      %dma_start3A = tpu.memref_slice %arg17[%run_scoped3A_100, %mul3A_15] : memref<16x10240xf32, #tpu.memory_space<vmem_shared>> -> memref<1x640xf32, #tpu.memory_space<vmem_shared>>
      %dma_start3A_137 = tpu.memref_squeeze %dma_start3A : memref<1x640xf32, #tpu.memory_space<vmem_shared>> -> memref<640xf32, #tpu.memory_space<vmem_shared>>
      %dma_start3A_138 = tpu.memref_slice %arg17[%run_scoped3A_100, %mul3A_15] : memref<16x10240xf32, #tpu.memory_space<vmem_shared>> -> memref<1x640xf32, #tpu.memory_space<vmem_shared>>
      %dma_start3A_139 = tpu.memref_squeeze %dma_start3A_138 : memref<1x640xf32, #tpu.memory_space<vmem_shared>> -> memref<640xf32, #tpu.memory_space<vmem_shared>>
      tpu.enqueue_dma source(%dma_start3A_139 : memref<640xf32, #tpu.memory_space<vmem_shared>>) target(%arg11 : memref<640xf32, #tpu.memory_space<vmem>>) target_semaphore(%run_scoped3A_136 : memref<!tpu.dma_semaphore, #tpu.memory_space<semaphore_mem>>)
      %dma_wait3A = tpu.memref_slice %arg17[%run_scoped3A_100, %mul3A_15] : memref<16x10240xf32, #tpu.memory_space<vmem_shared>> -> memref<1x640xf32, #tpu.memory_space<vmem_shared>>
      %dma_wait3A_140 = tpu.memref_squeeze %dma_wait3A : memref<1x640xf32, #tpu.memory_space<vmem_shared>> -> memref<640xf32, #tpu.memory_space<vmem_shared>>
      %dma_wait3A_141 = tpu.memref_slice %arg17[%run_scoped3A_100, %mul3A_15] : memref<16x10240xf32, #tpu.memory_space<vmem_shared>> -> memref<1x640xf32, #tpu.memory_space<vmem_shared>>
      %dma_wait3A_142 = tpu.memref_squeeze %dma_wait3A_141 : memref<1x640xf32, #tpu.memory_space<vmem_shared>> -> memref<640xf32, #tpu.memory_space<vmem_shared>>
      tpu.wait_dma2 semaphore(%run_scoped3A_136 : memref<!tpu.dma_semaphore, #tpu.memory_space<semaphore_mem>>) src(%dma_wait3A_142 : memref<640xf32, #tpu.memory_space<vmem_shared>>) dst(%arg11 : memref<640xf32, #tpu.memory_space<vmem>>)
      tpu.yield
    }) : () -> ()
    %scan3A_101 = arith.constant 0 : i32
    %scan3A_102 = arith.constant 0 : i32
    %scan3A_103 = arith.constant 40 : i32
    %scan3A_104 = arith.addi %scan3A_102, %scan3A_103 : i32
    %scan3A_105 = arith.constant 1 : i32
    scf.for %scan3A_136 = %scan3A_102 to %scan3A_104 step %scan3A_105  : i32 {
      %mul3A_137 = arith.constant 16 : i32
      %mul3A_138 = arith.muli %scan3A_136, %mul3A_137 : i32
      %get3A = arith.index_cast %mul3A_138 : i32 to index
      %get3A_139 = tpu.vector_load %arg10[%get3A] {strides = array<i32>} : memref<640xf32, #tpu.memory_space<vmem>>, vector<16xf32>,
      %get3A_140 = arith.index_cast %mul3A_138 : i32 to index
      %get3A_141 = tpu.vector_load %arg11[%get3A_140] {strides = array<i32>} : memref<640xf32, #tpu.memory_space<vmem>>, vector<16xf32>,
      %add3A_142 = arith.addf %get3A_139, %get3A_141 : vector<16xf32>
      %swap3A = arith.index_cast %mul3A_138 : i32 to index
      %swap3A_143 = tpu.vector_load %arg10[%swap3A] {strides = array<i32>} : memref<640xf32, #tpu.memory_space<vmem>>, vector<16xf32>,
      tpu.vector_store %arg10[%swap3A], %add3A_142 {strides = array<i32>} : memref<640xf32, #tpu.memory_space<vmem>>, vector<16xf32>,
    }
    %scan3A_106 = arith.constant 40 : i32
    %run_scoped3A_107 = arith.constant 14 : i32
    "tpu.region"() ({
      %run_scoped3A_136 = tpu.sem_alloc : memref<!tpu.dma_semaphore, #tpu.memory_space<semaphore_mem>>
      %dma_start3A = tpu.memref_slice %arg17[%run_scoped3A_107, %mul3A_15] : memref<16x10240xf32, #tpu.memory_space<vmem_shared>> -> memref<1x640xf32, #tpu.memory_space<vmem_shared>>
      %dma_start3A_137 = tpu.memref_squeeze %dma_start3A : memref<1x640xf32, #tpu.memory_space<vmem_shared>> -> memref<640xf32, #tpu.memory_space<vmem_shared>>
      %dma_start3A_138 = tpu.memref_slice %arg17[%run_scoped3A_107, %mul3A_15] : memref<16x10240xf32, #tpu.memory_space<vmem_shared>> -> memref<1x640xf32, #tpu.memory_space<vmem_shared>>
      %dma_start3A_139 = tpu.memref_squeeze %dma_start3A_138 : memref<1x640xf32, #tpu.memory_space<vmem_shared>> -> memref<640xf32, #tpu.memory_space<vmem_shared>>
      tpu.enqueue_dma source(%dma_start3A_139 : memref<640xf32, #tpu.memory_space<vmem_shared>>) target(%arg11 : memref<640xf32, #tpu.memory_space<vmem>>) target_semaphore(%run_scoped3A_136 : memref<!tpu.dma_semaphore, #tpu.memory_space<semaphore_mem>>)
      %dma_wait3A = tpu.memref_slice %arg17[%run_scoped3A_107, %mul3A_15] : memref<16x10240xf32, #tpu.memory_space<vmem_shared>> -> memref<1x640xf32, #tpu.memory_space<vmem_shared>>
      %dma_wait3A_140 = tpu.memref_squeeze %dma_wait3A : memref<1x640xf32, #tpu.memory_space<vmem_shared>> -> memref<640xf32, #tpu.memory_space<vmem_shared>>
      %dma_wait3A_141 = tpu.memref_slice %arg17[%run_scoped3A_107, %mul3A_15] : memref<16x10240xf32, #tpu.memory_space<vmem_shared>> -> memref<1x640xf32, #tpu.memory_space<vmem_shared>>
      %dma_wait3A_142 = tpu.memref_squeeze %dma_wait3A_141 : memref<1x640xf32, #tpu.memory_space<vmem_shared>> -> memref<640xf32, #tpu.memory_space<vmem_shared>>
      tpu.wait_dma2 semaphore(%run_scoped3A_136 : memref<!tpu.dma_semaphore, #tpu.memory_space<semaphore_mem>>) src(%dma_wait3A_142 : memref<640xf32, #tpu.memory_space<vmem_shared>>) dst(%arg11 : memref<640xf32, #tpu.memory_space<vmem>>)
      tpu.yield
    }) : () -> ()
    %scan3A_108 = arith.constant 0 : i32
    %scan3A_109 = arith.constant 0 : i32
    %scan3A_110 = arith.constant 40 : i32
    %scan3A_111 = arith.addi %scan3A_109, %scan3A_110 : i32
    %scan3A_112 = arith.constant 1 : i32
    scf.for %scan3A_136 = %scan3A_109 to %scan3A_111 step %scan3A_112  : i32 {
      %mul3A_137 = arith.constant 16 : i32
      %mul3A_138 = arith.muli %scan3A_136, %mul3A_137 : i32
      %get3A = arith.index_cast %mul3A_138 : i32 to index
      %get3A_139 = tpu.vector_load %arg10[%get3A] {strides = array<i32>} : memref<640xf32, #tpu.memory_space<vmem>>, vector<16xf32>,
      %get3A_140 = arith.index_cast %mul3A_138 : i32 to index
      %get3A_141 = tpu.vector_load %arg11[%get3A_140] {strides = array<i32>} : memref<640xf32, #tpu.memory_space<vmem>>, vector<16xf32>,
      %add3A_142 = arith.addf %get3A_139, %get3A_141 : vector<16xf32>
      %swap3A = arith.index_cast %mul3A_138 : i32 to index
      %swap3A_143 = tpu.vector_load %arg10[%swap3A] {strides = array<i32>} : memref<640xf32, #tpu.memory_space<vmem>>, vector<16xf32>,
      tpu.vector_store %arg10[%swap3A], %add3A_142 {strides = array<i32>} : memref<640xf32, #tpu.memory_space<vmem>>, vector<16xf32>,
    }
    %scan3A_113 = arith.constant 40 : i32
    %run_scoped3A_114 = arith.constant 15 : i32
    "tpu.region"() ({
      %run_scoped3A_136 = tpu.sem_alloc : memref<!tpu.dma_semaphore, #tpu.memory_space<semaphore_mem>>
      %dma_start3A = tpu.memref_slice %arg17[%run_scoped3A_114, %mul3A_15] : memref<16x10240xf32, #tpu.memory_space<vmem_shared>> -> memref<1x640xf32, #tpu.memory_space<vmem_shared>>
      %dma_start3A_137 = tpu.memref_squeeze %dma_start3A : memref<1x640xf32, #tpu.memory_space<vmem_shared>> -> memref<640xf32, #tpu.memory_space<vmem_shared>>
      %dma_start3A_138 = tpu.memref_slice %arg17[%run_scoped3A_114, %mul3A_15] : memref<16x10240xf32, #tpu.memory_space<vmem_shared>> -> memref<1x640xf32, #tpu.memory_space<vmem_shared>>
      %dma_start3A_139 = tpu.memref_squeeze %dma_start3A_138 : memref<1x640xf32, #tpu.memory_space<vmem_shared>> -> memref<640xf32, #tpu.memory_space<vmem_shared>>
      tpu.enqueue_dma source(%dma_start3A_139 : memref<640xf32, #tpu.memory_space<vmem_shared>>) target(%arg11 : memref<640xf32, #tpu.memory_space<vmem>>) target_semaphore(%run_scoped3A_136 : memref<!tpu.dma_semaphore, #tpu.memory_space<semaphore_mem>>)
      %dma_wait3A = tpu.memref_slice %arg17[%run_scoped3A_114, %mul3A_15] : memref<16x10240xf32, #tpu.memory_space<vmem_shared>> -> memref<1x640xf32, #tpu.memory_space<vmem_shared>>
      %dma_wait3A_140 = tpu.memref_squeeze %dma_wait3A : memref<1x640xf32, #tpu.memory_space<vmem_shared>> -> memref<640xf32, #tpu.memory_space<vmem_shared>>
      %dma_wait3A_141 = tpu.memref_slice %arg17[%run_scoped3A_114, %mul3A_15] : memref<16x10240xf32, #tpu.memory_space<vmem_shared>> -> memref<1x640xf32, #tpu.memory_space<vmem_shared>>
      %dma_wait3A_142 = tpu.memref_squeeze %dma_wait3A_141 : memref<1x640xf32, #tpu.memory_space<vmem_shared>> -> memref<640xf32, #tpu.memory_space<vmem_shared>>
      tpu.wait_dma2 semaphore(%run_scoped3A_136 : memref<!tpu.dma_semaphore, #tpu.memory_space<semaphore_mem>>) src(%dma_wait3A_142 : memref<640xf32, #tpu.memory_space<vmem_shared>>) dst(%arg11 : memref<640xf32, #tpu.memory_space<vmem>>)
      tpu.yield
    }) : () -> ()
    %scan3A_115 = arith.constant 0 : i32
    %scan3A_116 = arith.constant 0 : i32
    %scan3A_117 = arith.constant 40 : i32
    %scan3A_118 = arith.addi %scan3A_116, %scan3A_117 : i32
    %scan3A_119 = arith.constant 1 : i32
    scf.for %scan3A_136 = %scan3A_116 to %scan3A_118 step %scan3A_119  : i32 {
      %mul3A_137 = arith.constant 16 : i32
      %mul3A_138 = arith.muli %scan3A_136, %mul3A_137 : i32
      %get3A = arith.index_cast %mul3A_138 : i32 to index
      %get3A_139 = tpu.vector_load %arg10[%get3A] {strides = array<i32>} : memref<640xf32, #tpu.memory_space<vmem>>, vector<16xf32>,
      %get3A_140 = arith.index_cast %mul3A_138 : i32 to index
      %get3A_141 = tpu.vector_load %arg11[%get3A_140] {strides = array<i32>} : memref<640xf32, #tpu.memory_space<vmem>>, vector<16xf32>,
      %add3A_142 = arith.addf %get3A_139, %get3A_141 : vector<16xf32>
      %swap3A = arith.index_cast %mul3A_138 : i32 to index
      %swap3A_143 = tpu.vector_load %arg10[%swap3A] {strides = array<i32>} : memref<640xf32, #tpu.memory_space<vmem>>, vector<16xf32>,
      tpu.vector_store %arg10[%swap3A], %add3A_142 {strides = array<i32>} : memref<640xf32, #tpu.memory_space<vmem>>, vector<16xf32>,
    }
    %scan3A_120 = arith.constant 40 : i32
    %scan3A_121 = arith.constant 0 : i32
    %scan3A_122 = arith.constant 0 : i32
    %scan3A_123 = arith.constant 40 : i32
    %scan3A_124 = arith.addi %scan3A_122, %scan3A_123 : i32
    %scan3A_125 = arith.constant 1 : i32
    scf.for %scan3A_136 = %scan3A_122 to %scan3A_124 step %scan3A_125  : i32 {
      %mul3A_137 = arith.constant 16 : i32
      %mul3A_138 = arith.muli %scan3A_136, %mul3A_137 : i32
      %get3A = arith.index_cast %mul3A_138 : i32 to index
      %get3A_139 = tpu.vector_load %arg10[%get3A] {strides = array<i32>} : memref<640xf32, #tpu.memory_space<vmem>>, vector<16xf32>,
      %add3A_140 = arith.constant 1.000000e+00 : f32
      %add3A_141 = vector.broadcast %add3A_140 : f32 to vector<16xf32>
      %add3A_142 = arith.addf %get3A_139, %add3A_141 : vector<16xf32>
      %bitcast3A = vector.bitcast %add3A_142 : vector<16xf32> to vector<16xi32>
      %shift_right_arithmetic3A = arith.constant 1 : i32
      %shift_right_arithmetic3A_143 = vector.broadcast %shift_right_arithmetic3A : i32 to vector<16xi32>
      %shift_right_arithmetic3A_144 = arith.shrsi %bitcast3A, %shift_right_arithmetic3A_143 : vector<16xi32>
      %sub3A = arith.constant 1597463007 : i32
      %sub3A_145 = vector.broadcast %sub3A : i32 to vector<16xi32>
      %sub3A_146 = arith.subi %sub3A_145, %shift_right_arithmetic3A_144 : vector<16xi32>
      %bitcast3A_147 = vector.bitcast %sub3A_146 : vector<16xi32> to vector<16xf32>
      %mul3A_148 = arith.constant 5.000000e-01 : f32
      %mul3A_149 = vector.broadcast %mul3A_148 : f32 to vector<16xf32>
      %mul3A_150 = arith.mulf %mul3A_149, %add3A_142 : vector<16xf32>
      %mul3A_151 = arith.mulf %mul3A_150, %bitcast3A_147 : vector<16xf32>
      %mul3A_152 = arith.mulf %mul3A_151, %bitcast3A_147 : vector<16xf32>
      %sub3A_153 = arith.constant 1.500000e+00 : f32
      %sub3A_154 = vector.broadcast %sub3A_153 : f32 to vector<16xf32>
      %sub3A_155 = arith.subf %sub3A_154, %mul3A_152 : vector<16xf32>
      %mul3A_156 = arith.mulf %bitcast3A_147, %sub3A_155 : vector<16xf32>
      %mul3A_157 = arith.constant 5.000000e-01 : f32
      %mul3A_158 = vector.broadcast %mul3A_157 : f32 to vector<16xf32>
      %mul3A_159 = arith.mulf %mul3A_158, %add3A_142 : vector<16xf32>
      %mul3A_160 = arith.mulf %mul3A_159, %mul3A_156 : vector<16xf32>
      %mul3A_161 = arith.mulf %mul3A_160, %mul3A_156 : vector<16xf32>
      %sub3A_162 = arith.constant 1.500000e+00 : f32
      %sub3A_163 = vector.broadcast %sub3A_162 : f32 to vector<16xf32>
      %sub3A_164 = arith.subf %sub3A_163, %mul3A_161 : vector<16xf32>
      %mul3A_165 = arith.mulf %mul3A_156, %sub3A_164 : vector<16xf32>
      %mul3A_166 = arith.constant 5.000000e-01 : f32
      %mul3A_167 = vector.broadcast %mul3A_166 : f32 to vector<16xf32>
      %mul3A_168 = arith.mulf %mul3A_167, %add3A_142 : vector<16xf32>
      %mul3A_169 = arith.mulf %mul3A_168, %mul3A_165 : vector<16xf32>
      %mul3A_170 = arith.mulf %mul3A_169, %mul3A_165 : vector<16xf32>
      %sub3A_171 = arith.constant 1.500000e+00 : f32
      %sub3A_172 = vector.broadcast %sub3A_171 : f32 to vector<16xf32>
      %sub3A_173 = arith.subf %sub3A_172, %mul3A_170 : vector<16xf32>
      %mul3A_174 = arith.mulf %mul3A_165, %sub3A_173 : vector<16xf32>
      %mul3A_175 = arith.constant 5.000000e-01 : f32
      %mul3A_176 = vector.broadcast %mul3A_175 : f32 to vector<16xf32>
      %mul3A_177 = arith.mulf %mul3A_176, %add3A_142 : vector<16xf32>
      %mul3A_178 = arith.mulf %mul3A_177, %mul3A_174 : vector<16xf32>
      %mul3A_179 = arith.mulf %mul3A_178, %mul3A_174 : vector<16xf32>
      %sub3A_180 = arith.constant 1.500000e+00 : f32
      %sub3A_181 = vector.broadcast %sub3A_180 : f32 to vector<16xf32>
      %sub3A_182 = arith.subf %sub3A_181, %mul3A_179 : vector<16xf32>
      %mul3A_183 = arith.mulf %mul3A_174, %sub3A_182 : vector<16xf32>
      %swap3A = arith.index_cast %mul3A_138 : i32 to index
      %swap3A_184 = tpu.vector_load %arg10[%swap3A] {strides = array<i32>} : memref<640xf32, #tpu.memory_space<vmem>>, vector<16xf32>,
      tpu.vector_store %arg10[%swap3A], %mul3A_183 {strides = array<i32>} : memref<640xf32, #tpu.memory_space<vmem>>, vector<16xf32>,
    }
    %scan3A_126 = arith.constant 40 : i32
    "tpu.region"() ({
      %run_scoped3A_136 = tpu.sem_alloc : memref<!tpu.dma_semaphore, #tpu.memory_space<semaphore_mem>>
      %dma_start3A = tpu.memref_slice %arg18[%mul3A_15] : memref<10240xf32, #tpu.memory_space<vmem_shared>> -> memref<640xf32, #tpu.memory_space<vmem_shared>>
      %dma_start3A_137 = tpu.memref_slice %arg18[%mul3A_15] : memref<10240xf32, #tpu.memory_space<vmem_shared>> -> memref<640xf32, #tpu.memory_space<vmem_shared>>
      tpu.enqueue_dma source(%arg10 : memref<640xf32, #tpu.memory_space<vmem>>) target(%dma_start3A_137 : memref<640xf32, #tpu.memory_space<vmem_shared>>) target_semaphore(%run_scoped3A_136 : memref<!tpu.dma_semaphore, #tpu.memory_space<semaphore_mem>>)
      %dma_wait3A = tpu.memref_slice %arg18[%mul3A_15] : memref<10240xf32, #tpu.memory_space<vmem_shared>> -> memref<640xf32, #tpu.memory_space<vmem_shared>>
      %dma_wait3A_138 = tpu.memref_slice %arg18[%mul3A_15] : memref<10240xf32, #tpu.memory_space<vmem_shared>> -> memref<640xf32, #tpu.memory_space<vmem_shared>>
      tpu.wait_dma2 semaphore(%run_scoped3A_136 : memref<!tpu.dma_semaphore, #tpu.memory_space<semaphore_mem>>) src(%arg10 : memref<640xf32, #tpu.memory_space<vmem>>) dst(%dma_wait3A_138 : memref<640xf32, #tpu.memory_space<vmem_shared>>)
      tpu.yield
    }) : () -> ()
    "tpu.region"() ({
      %run_scoped3A_136 = tpu.sem_alloc : memref<!tpu.dma_semaphore, #tpu.memory_space<semaphore_mem>>
      %dma_start3A = tpu.memref_slice %arg5[%arg0, %mul3A_15] : memref<2x10240xf32, #tpu.memory_space<hbm>> -> memref<1x640xf32, #tpu.memory_space<hbm>>
      %dma_start3A_137 = tpu.memref_squeeze %dma_start3A : memref<1x640xf32, #tpu.memory_space<hbm>> -> memref<640xf32, #tpu.memory_space<hbm>>
      %dma_start3A_138 = tpu.memref_slice %arg5[%arg0, %mul3A_15] : memref<2x10240xf32, #tpu.memory_space<hbm>> -> memref<1x640xf32, #tpu.memory_space<hbm>>
      %dma_start3A_139 = tpu.memref_squeeze %dma_start3A_138 : memref<1x640xf32, #tpu.memory_space<hbm>> -> memref<640xf32, #tpu.memory_space<hbm>>
      tpu.enqueue_dma source(%arg10 : memref<640xf32, #tpu.memory_space<vmem>>) target(%dma_start3A_139 : memref<640xf32, #tpu.memory_space<hbm>>) target_semaphore(%run_scoped3A_136 : memref<!tpu.dma_semaphore, #tpu.memory_space<semaphore_mem>>)
      %dma_wait3A = tpu.memref_slice %arg5[%arg0, %mul3A_15] : memref<2x10240xf32, #tpu.memory_space<hbm>> -> memref<1x640xf32, #tpu.memory_space<hbm>>
      %dma_wait3A_140 = tpu.memref_squeeze %dma_wait3A : memref<1x640xf32, #tpu.memory_space<hbm>> -> memref<640xf32, #tpu.memory_space<hbm>>
      %dma_wait3A_141 = tpu.memref_slice %arg5[%arg0, %mul3A_15] : memref<2x10240xf32, #tpu.memory_space<hbm>> -> memref<1x640xf32, #tpu.memory_space<hbm>>
      %dma_wait3A_142 = tpu.memref_squeeze %dma_wait3A_141 : memref<1x640xf32, #tpu.memory_space<hbm>> -> memref<640xf32, #tpu.memory_space<hbm>>
      tpu.wait_dma2 semaphore(%run_scoped3A_136 : memref<!tpu.dma_semaphore, #tpu.memory_space<semaphore_mem>>) src(%arg10 : memref<640xf32, #tpu.memory_space<vmem>>) dst(%dma_wait3A_142 : memref<640xf32, #tpu.memory_space<hbm>>)
      tpu.yield
    }) : () -> ()
    %barrier3A_127 = arith.constant 0 : index
    tpu.barrier barrier_id(%barrier3A_127)
    "tpu.region"() ({
      %run_scoped3A_136 = tpu.sem_alloc : memref<!tpu.dma_semaphore, #tpu.memory_space<semaphore_mem>>
      tpu.enqueue_dma source(%arg18 : memref<10240xf32, #tpu.memory_space<vmem_shared>>) target(%arg12 : memref<10240xf32, #tpu.memory_space<vmem>>) target_semaphore(%run_scoped3A_136 : memref<!tpu.dma_semaphore, #tpu.memory_space<semaphore_mem>>)
      tpu.wait_dma2 semaphore(%run_scoped3A_136 : memref<!tpu.dma_semaphore, #tpu.memory_space<semaphore_mem>>) src(%arg18 : memref<10240xf32, #tpu.memory_space<vmem_shared>>) dst(%arg12 : memref<10240xf32, #tpu.memory_space<vmem>>)
      tpu.yield
    }) : () -> ()
    %mul3A_128 = arith.constant 80 : i32
    %mul3A_129 = arith.muli %add3A, %mul3A_128 : i32
    "tpu.region"() ({
      %run_scoped3A_136 = tpu.sem_alloc : memref<!tpu.dma_semaphore, #tpu.memory_space<semaphore_mem>>
      %dma_start3A = arith.constant 0 : i32
      %dma_start3A_137 = tpu.memref_slice %arg2[%mul3A_129, %dma_start3A] : memref<2560x128xi32, #tpu.memory_space<hbm>> -> memref<80x128xi32, #tpu.memory_space<hbm>>
      %dma_start3A_138 = arith.constant 0 : i32
      %dma_start3A_139 = tpu.memref_slice %arg2[%mul3A_129, %dma_start3A_138] : memref<2560x128xi32, #tpu.memory_space<hbm>> -> memref<80x128xi32, #tpu.memory_space<hbm>>
      tpu.enqueue_dma source(%dma_start3A_139 : memref<80x128xi32, #tpu.memory_space<hbm>>) target(%arg13 : memref<80x128xi32, #tpu.memory_space<vmem>>) target_semaphore(%run_scoped3A_136 : memref<!tpu.dma_semaphore, #tpu.memory_space<semaphore_mem>>)
      %dma_wait3A = arith.constant 0 : i32
      %dma_wait3A_140 = tpu.memref_slice %arg2[%mul3A_129, %dma_wait3A] : memref<2560x128xi32, #tpu.memory_space<hbm>> -> memref<80x128xi32, #tpu.memory_space<hbm>>
      %dma_wait3A_141 = arith.constant 0 : i32
      %dma_wait3A_142 = tpu.memref_slice %arg2[%mul3A_129, %dma_wait3A_141] : memref<2560x128xi32, #tpu.memory_space<hbm>> -> memref<80x128xi32, #tpu.memory_space<hbm>>
      tpu.wait_dma2 semaphore(%run_scoped3A_136 : memref<!tpu.dma_semaphore, #tpu.memory_space<semaphore_mem>>) src(%dma_wait3A_142 : memref<80x128xi32, #tpu.memory_space<hbm>>) dst(%arg13 : memref<80x128xi32, #tpu.memory_space<vmem>>)
      tpu.yield
    }) : () -> ()
    "tpu.region"() ({
      %run_scoped3A_136 = tpu.sem_alloc : memref<!tpu.dma_semaphore, #tpu.memory_space<semaphore_mem>>
      %dma_start3A = arith.constant 0 : i32
      %dma_start3A_137 = tpu.memref_slice %arg3[%mul3A_129, %dma_start3A] : memref<2560x128xi32, #tpu.memory_space<hbm>> -> memref<80x128xi32, #tpu.memory_space<hbm>>
      %dma_start3A_138 = arith.constant 0 : i32
      %dma_start3A_139 = tpu.memref_slice %arg3[%mul3A_129, %dma_start3A_138] : memref<2560x128xi32, #tpu.memory_space<hbm>> -> memref<80x128xi32, #tpu.memory_space<hbm>>
      tpu.enqueue_dma source(%dma_start3A_139 : memref<80x128xi32, #tpu.memory_space<hbm>>) target(%arg14 : memref<80x128xi32, #tpu.memory_space<vmem>>) target_semaphore(%run_scoped3A_136 : memref<!tpu.dma_semaphore, #tpu.memory_space<semaphore_mem>>)
      %dma_wait3A = arith.constant 0 : i32
      %dma_wait3A_140 = tpu.memref_slice %arg3[%mul3A_129, %dma_wait3A] : memref<2560x128xi32, #tpu.memory_space<hbm>> -> memref<80x128xi32, #tpu.memory_space<hbm>>
      %dma_wait3A_141 = arith.constant 0 : i32
      %dma_wait3A_142 = tpu.memref_slice %arg3[%mul3A_129, %dma_wait3A_141] : memref<2560x128xi32, #tpu.memory_space<hbm>> -> memref<80x128xi32, #tpu.memory_space<hbm>>
      tpu.wait_dma2 semaphore(%run_scoped3A_136 : memref<!tpu.dma_semaphore, #tpu.memory_space<semaphore_mem>>) src(%dma_wait3A_142 : memref<80x128xi32, #tpu.memory_space<hbm>>) dst(%arg14 : memref<80x128xi32, #tpu.memory_space<vmem>>)
      tpu.yield
    }) : () -> ()
    "tpu.region"() ({
      %run_scoped3A_136 = tpu.sem_alloc : memref<!tpu.dma_semaphore, #tpu.memory_space<semaphore_mem>>
      %dma_start3A = arith.constant 0 : i32
      %dma_start3A_137 = tpu.memref_slice %arg4[%mul3A_129, %dma_start3A] : memref<2560x128xf32, #tpu.memory_space<hbm>> -> memref<80x128xf32, #tpu.memory_space<hbm>>
      %dma_start3A_138 = arith.constant 0 : i32
      %dma_start3A_139 = tpu.memref_slice %arg4[%mul3A_129, %dma_start3A_138] : memref<2560x128xf32, #tpu.memory_space<hbm>> -> memref<80x128xf32, #tpu.memory_space<hbm>>
      tpu.enqueue_dma source(%dma_start3A_139 : memref<80x128xf32, #tpu.memory_space<hbm>>) target(%arg15 : memref<80x128xf32, #tpu.memory_space<vmem>>) target_semaphore(%run_scoped3A_136 : memref<!tpu.dma_semaphore, #tpu.memory_space<semaphore_mem>>)
      %dma_wait3A = arith.constant 0 : i32
      %dma_wait3A_140 = tpu.memref_slice %arg4[%mul3A_129, %dma_wait3A] : memref<2560x128xf32, #tpu.memory_space<hbm>> -> memref<80x128xf32, #tpu.memory_space<hbm>>
      %dma_wait3A_141 = arith.constant 0 : i32
      %dma_wait3A_142 = tpu.memref_slice %arg4[%mul3A_129, %dma_wait3A_141] : memref<2560x128xf32, #tpu.memory_space<hbm>> -> memref<80x128xf32, #tpu.memory_space<hbm>>
      tpu.wait_dma2 semaphore(%run_scoped3A_136 : memref<!tpu.dma_semaphore, #tpu.memory_space<semaphore_mem>>) src(%dma_wait3A_142 : memref<80x128xf32, #tpu.memory_space<hbm>>) dst(%arg15 : memref<80x128xf32, #tpu.memory_space<vmem>>)
      tpu.yield
    }) : () -> ()
    %scan3A_130 = arith.constant 0 : i32
    %scan3A_131 = arith.constant 0 : i32
    %scan3A_132 = arith.constant 80 : i32
    %scan3A_133 = arith.addi %scan3A_131, %scan3A_132 : i32
    %scan3A_134 = arith.constant 1 : i32
    scf.for %scan3A_136 = %scan3A_131 to %scan3A_133 step %scan3A_134  : i32 {
      %get3A = arith.index_cast %scan3A_136 : i32 to index
      %get3A_137 = arith.constant 0 : index
      %get3A_138 = tpu.vector_load %arg13[%get3A, %get3A_137] {strides = array<i32>} : memref<80x128xi32, #tpu.memory_space<vmem>>, vector<16xi32>,
      %get3A_139 = arith.index_cast %scan3A_136 : i32 to index
      %get3A_140 = arith.constant 0 : index
      %get3A_141 = tpu.vector_load %arg14[%get3A_139, %get3A_140] {strides = array<i32>} : memref<80x128xi32, #tpu.memory_space<vmem>>, vector<16xi32>,
      %get3A_142 = arith.index_cast %scan3A_136 : i32 to index
      %get3A_143 = arith.constant 0 : index
      %get3A_144 = tpu.vector_load %arg15[%get3A_142, %get3A_143] {strides = array<i32>} : memref<80x128xf32, #tpu.memory_space<vmem>>, vector<16xf32>,
      %gather3A = tpu.vector_load_idx %arg12[%get3A_138] : memref<10240xf32, #tpu.memory_space<vmem>>[vector<16xi32>], vector<16xf32>,
      %mul3A_145 = arith.mulf %gather3A, %get3A_144 : vector<16xf32>
      %gather3A_146 = tpu.vector_load_idx %arg12[%get3A_141] : memref<10240xf32, #tpu.memory_space<vmem>>[vector<16xi32>], vector<16xf32>,
      %mul3A_147 = arith.mulf %mul3A_145, %gather3A_146 : vector<16xf32>
      %swap3A = arith.index_cast %scan3A_136 : i32 to index
      %swap3A_148 = arith.constant 0 : index
      %swap3A_149 = tpu.vector_load %arg16[%swap3A, %swap3A_148] {strides = array<i32>} : memref<80x128xf32, #tpu.memory_space<vmem>>, vector<16xf32>,
      tpu.vector_store %arg16[%swap3A, %swap3A_148], %mul3A_147 {strides = array<i32>} : memref<80x128xf32, #tpu.memory_space<vmem>>, vector<16xf32>,
      %get3A_150 = arith.index_cast %scan3A_136 : i32 to index
      %get3A_151 = arith.constant 16 : index
      %get3A_152 = tpu.vector_load %arg13[%get3A_150, %get3A_151] {strides = array<i32>} : memref<80x128xi32, #tpu.memory_space<vmem>>, vector<16xi32>,
      %get3A_153 = arith.index_cast %scan3A_136 : i32 to index
      %get3A_154 = arith.constant 16 : index
      %get3A_155 = tpu.vector_load %arg14[%get3A_153, %get3A_154] {strides = array<i32>} : memref<80x128xi32, #tpu.memory_space<vmem>>, vector<16xi32>,
      %get3A_156 = arith.index_cast %scan3A_136 : i32 to index
      %get3A_157 = arith.constant 16 : index
      %get3A_158 = tpu.vector_load %arg15[%get3A_156, %get3A_157] {strides = array<i32>} : memref<80x128xf32, #tpu.memory_space<vmem>>, vector<16xf32>,
      %gather3A_159 = tpu.vector_load_idx %arg12[%get3A_152] : memref<10240xf32, #tpu.memory_space<vmem>>[vector<16xi32>], vector<16xf32>,
      %mul3A_160 = arith.mulf %gather3A_159, %get3A_158 : vector<16xf32>
      %gather3A_161 = tpu.vector_load_idx %arg12[%get3A_155] : memref<10240xf32, #tpu.memory_space<vmem>>[vector<16xi32>], vector<16xf32>,
      %mul3A_162 = arith.mulf %mul3A_160, %gather3A_161 : vector<16xf32>
      %swap3A_163 = arith.index_cast %scan3A_136 : i32 to index
      %swap3A_164 = arith.constant 16 : index
      %swap3A_165 = tpu.vector_load %arg16[%swap3A_163, %swap3A_164] {strides = array<i32>} : memref<80x128xf32, #tpu.memory_space<vmem>>, vector<16xf32>,
      tpu.vector_store %arg16[%swap3A_163, %swap3A_164], %mul3A_162 {strides = array<i32>} : memref<80x128xf32, #tpu.memory_space<vmem>>, vector<16xf32>,
      %get3A_166 = arith.index_cast %scan3A_136 : i32 to index
      %get3A_167 = arith.constant 32 : index
      %get3A_168 = tpu.vector_load %arg13[%get3A_166, %get3A_167] {strides = array<i32>} : memref<80x128xi32, #tpu.memory_space<vmem>>, vector<16xi32>,
      %get3A_169 = arith.index_cast %scan3A_136 : i32 to index
      %get3A_170 = arith.constant 32 : index
      %get3A_171 = tpu.vector_load %arg14[%get3A_169, %get3A_170] {strides = array<i32>} : memref<80x128xi32, #tpu.memory_space<vmem>>, vector<16xi32>,
      %get3A_172 = arith.index_cast %scan3A_136 : i32 to index
      %get3A_173 = arith.constant 32 : index
      %get3A_174 = tpu.vector_load %arg15[%get3A_172, %get3A_173] {strides = array<i32>} : memref<80x128xf32, #tpu.memory_space<vmem>>, vector<16xf32>,
      %gather3A_175 = tpu.vector_load_idx %arg12[%get3A_168] : memref<10240xf32, #tpu.memory_space<vmem>>[vector<16xi32>], vector<16xf32>,
      %mul3A_176 = arith.mulf %gather3A_175, %get3A_174 : vector<16xf32>
      %gather3A_177 = tpu.vector_load_idx %arg12[%get3A_171] : memref<10240xf32, #tpu.memory_space<vmem>>[vector<16xi32>], vector<16xf32>,
      %mul3A_178 = arith.mulf %mul3A_176, %gather3A_177 : vector<16xf32>
      %swap3A_179 = arith.index_cast %scan3A_136 : i32 to index
      %swap3A_180 = arith.constant 32 : index
      %swap3A_181 = tpu.vector_load %arg16[%swap3A_179, %swap3A_180] {strides = array<i32>} : memref<80x128xf32, #tpu.memory_space<vmem>>, vector<16xf32>,
      tpu.vector_store %arg16[%swap3A_179, %swap3A_180], %mul3A_178 {strides = array<i32>} : memref<80x128xf32, #tpu.memory_space<vmem>>, vector<16xf32>,
      %get3A_182 = arith.index_cast %scan3A_136 : i32 to index
      %get3A_183 = arith.constant 48 : index
      %get3A_184 = tpu.vector_load %arg13[%get3A_182, %get3A_183] {strides = array<i32>} : memref<80x128xi32, #tpu.memory_space<vmem>>, vector<16xi32>,
      %get3A_185 = arith.index_cast %scan3A_136 : i32 to index
      %get3A_186 = arith.constant 48 : index
      %get3A_187 = tpu.vector_load %arg14[%get3A_185, %get3A_186] {strides = array<i32>} : memref<80x128xi32, #tpu.memory_space<vmem>>, vector<16xi32>,
      %get3A_188 = arith.index_cast %scan3A_136 : i32 to index
      %get3A_189 = arith.constant 48 : index
      %get3A_190 = tpu.vector_load %arg15[%get3A_188, %get3A_189] {strides = array<i32>} : memref<80x128xf32, #tpu.memory_space<vmem>>, vector<16xf32>,
      %gather3A_191 = tpu.vector_load_idx %arg12[%get3A_184] : memref<10240xf32, #tpu.memory_space<vmem>>[vector<16xi32>], vector<16xf32>,
      %mul3A_192 = arith.mulf %gather3A_191, %get3A_190 : vector<16xf32>
      %gather3A_193 = tpu.vector_load_idx %arg12[%get3A_187] : memref<10240xf32, #tpu.memory_space<vmem>>[vector<16xi32>], vector<16xf32>,
      %mul3A_194 = arith.mulf %mul3A_192, %gather3A_193 : vector<16xf32>
      %swap3A_195 = arith.index_cast %scan3A_136 : i32 to index
      %swap3A_196 = arith.constant 48 : index
      %swap3A_197 = tpu.vector_load %arg16[%swap3A_195, %swap3A_196] {strides = array<i32>} : memref<80x128xf32, #tpu.memory_space<vmem>>, vector<16xf32>,
      tpu.vector_store %arg16[%swap3A_195, %swap3A_196], %mul3A_194 {strides = array<i32>} : memref<80x128xf32, #tpu.memory_space<vmem>>, vector<16xf32>,
      %get3A_198 = arith.index_cast %scan3A_136 : i32 to index
      %get3A_199 = arith.constant 64 : index
      %get3A_200 = tpu.vector_load %arg13[%get3A_198, %get3A_199] {strides = array<i32>} : memref<80x128xi32, #tpu.memory_space<vmem>>, vector<16xi32>,
      %get3A_201 = arith.index_cast %scan3A_136 : i32 to index
      %get3A_202 = arith.constant 64 : index
      %get3A_203 = tpu.vector_load %arg14[%get3A_201, %get3A_202] {strides = array<i32>} : memref<80x128xi32, #tpu.memory_space<vmem>>, vector<16xi32>,
      %get3A_204 = arith.index_cast %scan3A_136 : i32 to index
      %get3A_205 = arith.constant 64 : index
      %get3A_206 = tpu.vector_load %arg15[%get3A_204, %get3A_205] {strides = array<i32>} : memref<80x128xf32, #tpu.memory_space<vmem>>, vector<16xf32>,
      %gather3A_207 = tpu.vector_load_idx %arg12[%get3A_200] : memref<10240xf32, #tpu.memory_space<vmem>>[vector<16xi32>], vector<16xf32>,
      %mul3A_208 = arith.mulf %gather3A_207, %get3A_206 : vector<16xf32>
      %gather3A_209 = tpu.vector_load_idx %arg12[%get3A_203] : memref<10240xf32, #tpu.memory_space<vmem>>[vector<16xi32>], vector<16xf32>,
      %mul3A_210 = arith.mulf %mul3A_208, %gather3A_209 : vector<16xf32>
      %swap3A_211 = arith.index_cast %scan3A_136 : i32 to index
      %swap3A_212 = arith.constant 64 : index
      %swap3A_213 = tpu.vector_load %arg16[%swap3A_211, %swap3A_212] {strides = array<i32>} : memref<80x128xf32, #tpu.memory_space<vmem>>, vector<16xf32>,
      tpu.vector_store %arg16[%swap3A_211, %swap3A_212], %mul3A_210 {strides = array<i32>} : memref<80x128xf32, #tpu.memory_space<vmem>>, vector<16xf32>,
      %get3A_214 = arith.index_cast %scan3A_136 : i32 to index
      %get3A_215 = arith.constant 80 : index
      %get3A_216 = tpu.vector_load %arg13[%get3A_214, %get3A_215] {strides = array<i32>} : memref<80x128xi32, #tpu.memory_space<vmem>>, vector<16xi32>,
      %get3A_217 = arith.index_cast %scan3A_136 : i32 to index
      %get3A_218 = arith.constant 80 : index
      %get3A_219 = tpu.vector_load %arg14[%get3A_217, %get3A_218] {strides = array<i32>} : memref<80x128xi32, #tpu.memory_space<vmem>>, vector<16xi32>,
      %get3A_220 = arith.index_cast %scan3A_136 : i32 to index
      %get3A_221 = arith.constant 80 : index
      %get3A_222 = tpu.vector_load %arg15[%get3A_220, %get3A_221] {strides = array<i32>} : memref<80x128xf32, #tpu.memory_space<vmem>>, vector<16xf32>,
      %gather3A_223 = tpu.vector_load_idx %arg12[%get3A_216] : memref<10240xf32, #tpu.memory_space<vmem>>[vector<16xi32>], vector<16xf32>,
      %mul3A_224 = arith.mulf %gather3A_223, %get3A_222 : vector<16xf32>
      %gather3A_225 = tpu.vector_load_idx %arg12[%get3A_219] : memref<10240xf32, #tpu.memory_space<vmem>>[vector<16xi32>], vector<16xf32>,
      %mul3A_226 = arith.mulf %mul3A_224, %gather3A_225 : vector<16xf32>
      %swap3A_227 = arith.index_cast %scan3A_136 : i32 to index
      %swap3A_228 = arith.constant 80 : index
      %swap3A_229 = tpu.vector_load %arg16[%swap3A_227, %swap3A_228] {strides = array<i32>} : memref<80x128xf32, #tpu.memory_space<vmem>>, vector<16xf32>,
      tpu.vector_store %arg16[%swap3A_227, %swap3A_228], %mul3A_226 {strides = array<i32>} : memref<80x128xf32, #tpu.memory_space<vmem>>, vector<16xf32>,
      %get3A_230 = arith.index_cast %scan3A_136 : i32 to index
      %get3A_231 = arith.constant 96 : index
      %get3A_232 = tpu.vector_load %arg13[%get3A_230, %get3A_231] {strides = array<i32>} : memref<80x128xi32, #tpu.memory_space<vmem>>, vector<16xi32>,
      %get3A_233 = arith.index_cast %scan3A_136 : i32 to index
      %get3A_234 = arith.constant 96 : index
      %get3A_235 = tpu.vector_load %arg14[%get3A_233, %get3A_234] {strides = array<i32>} : memref<80x128xi32, #tpu.memory_space<vmem>>, vector<16xi32>,
      %get3A_236 = arith.index_cast %scan3A_136 : i32 to index
      %get3A_237 = arith.constant 96 : index
      %get3A_238 = tpu.vector_load %arg15[%get3A_236, %get3A_237] {strides = array<i32>} : memref<80x128xf32, #tpu.memory_space<vmem>>, vector<16xf32>,
      %gather3A_239 = tpu.vector_load_idx %arg12[%get3A_232] : memref<10240xf32, #tpu.memory_space<vmem>>[vector<16xi32>], vector<16xf32>,
      %mul3A_240 = arith.mulf %gather3A_239, %get3A_238 : vector<16xf32>
      %gather3A_241 = tpu.vector_load_idx %arg12[%get3A_235] : memref<10240xf32, #tpu.memory_space<vmem>>[vector<16xi32>], vector<16xf32>,
      %mul3A_242 = arith.mulf %mul3A_240, %gather3A_241 : vector<16xf32>
      %swap3A_243 = arith.index_cast %scan3A_136 : i32 to index
      %swap3A_244 = arith.constant 96 : index
      %swap3A_245 = tpu.vector_load %arg16[%swap3A_243, %swap3A_244] {strides = array<i32>} : memref<80x128xf32, #tpu.memory_space<vmem>>, vector<16xf32>,
      tpu.vector_store %arg16[%swap3A_243, %swap3A_244], %mul3A_242 {strides = array<i32>} : memref<80x128xf32, #tpu.memory_space<vmem>>, vector<16xf32>,
      %get3A_246 = arith.index_cast %scan3A_136 : i32 to index
      %get3A_247 = arith.constant 112 : index
      %get3A_248 = tpu.vector_load %arg13[%get3A_246, %get3A_247] {strides = array<i32>} : memref<80x128xi32, #tpu.memory_space<vmem>>, vector<16xi32>,
      %get3A_249 = arith.index_cast %scan3A_136 : i32 to index
      %get3A_250 = arith.constant 112 : index
      %get3A_251 = tpu.vector_load %arg14[%get3A_249, %get3A_250] {strides = array<i32>} : memref<80x128xi32, #tpu.memory_space<vmem>>, vector<16xi32>,
      %get3A_252 = arith.index_cast %scan3A_136 : i32 to index
      %get3A_253 = arith.constant 112 : index
      %get3A_254 = tpu.vector_load %arg15[%get3A_252, %get3A_253] {strides = array<i32>} : memref<80x128xf32, #tpu.memory_space<vmem>>, vector<16xf32>,
      %gather3A_255 = tpu.vector_load_idx %arg12[%get3A_248] : memref<10240xf32, #tpu.memory_space<vmem>>[vector<16xi32>], vector<16xf32>,
      %mul3A_256 = arith.mulf %gather3A_255, %get3A_254 : vector<16xf32>
      %gather3A_257 = tpu.vector_load_idx %arg12[%get3A_251] : memref<10240xf32, #tpu.memory_space<vmem>>[vector<16xi32>], vector<16xf32>,
      %mul3A_258 = arith.mulf %mul3A_256, %gather3A_257 : vector<16xf32>
      %swap3A_259 = arith.index_cast %scan3A_136 : i32 to index
      %swap3A_260 = arith.constant 112 : index
      %swap3A_261 = tpu.vector_load %arg16[%swap3A_259, %swap3A_260] {strides = array<i32>} : memref<80x128xf32, #tpu.memory_space<vmem>>, vector<16xf32>,
      tpu.vector_store %arg16[%swap3A_259, %swap3A_260], %mul3A_258 {strides = array<i32>} : memref<80x128xf32, #tpu.memory_space<vmem>>, vector<16xf32>,
    }
    %scan3A_135 = arith.constant 80 : i32
    "tpu.region"() ({
      %run_scoped3A_136 = tpu.sem_alloc : memref<!tpu.dma_semaphore, #tpu.memory_space<semaphore_mem>>
      %dma_start3A = arith.constant 0 : i32
      %dma_start3A_137 = tpu.memref_slice %arg6[%mul3A_129, %dma_start3A] : memref<2560x128xf32, #tpu.memory_space<hbm>> -> memref<80x128xf32, #tpu.memory_space<hbm>>
      %dma_start3A_138 = arith.constant 0 : i32
      %dma_start3A_139 = tpu.memref_slice %arg6[%mul3A_129, %dma_start3A_138] : memref<2560x128xf32, #tpu.memory_space<hbm>> -> memref<80x128xf32, #tpu.memory_space<hbm>>
      tpu.enqueue_dma source(%arg16 : memref<80x128xf32, #tpu.memory_space<vmem>>) target(%dma_start3A_139 : memref<80x128xf32, #tpu.memory_space<hbm>>) target_semaphore(%run_scoped3A_136 : memref<!tpu.dma_semaphore, #tpu.memory_space<semaphore_mem>>)
      %dma_wait3A = arith.constant 0 : i32
      %dma_wait3A_140 = tpu.memref_slice %arg6[%mul3A_129, %dma_wait3A] : memref<2560x128xf32, #tpu.memory_space<hbm>> -> memref<80x128xf32, #tpu.memory_space<hbm>>
      %dma_wait3A_141 = arith.constant 0 : i32
      %dma_wait3A_142 = tpu.memref_slice %arg6[%mul3A_129, %dma_wait3A_141] : memref<2560x128xf32, #tpu.memory_space<hbm>> -> memref<80x128xf32, #tpu.memory_space<hbm>>
      tpu.wait_dma2 semaphore(%run_scoped3A_136 : memref<!tpu.dma_semaphore, #tpu.memory_space<semaphore_mem>>) src(%arg16 : memref<80x128xf32, #tpu.memory_space<vmem>>) dst(%dma_wait3A_142 : memref<80x128xf32, #tpu.memory_space<hbm>>)
      tpu.yield
    }) : () -> ()
    return
  }
}

#map = affine_map<(d0, d1) -> (0, 0)>
#map1 = affine_map<(d0, d1) -> (0, 0, 0)>
module attributes {stable_mosaic.version = 14 : i64} {
  func.func @_pass(%arg0: i32, %arg1: i32, %arg2: memref<10000x64xf32, #tpu.memory_space<hbm>>, %arg3: memref<2560x128xi32, #tpu.memory_space<hbm>>, %arg4: memref<2560x128xi32, #tpu.memory_space<hbm>>, %arg5: memref<2560x128xf32, #tpu.memory_space<hbm>>, %arg6: memref<2x10240x64xf32, #tpu.memory_space<hbm>>, %arg7: memref<80x128xi32, #tpu.memory_space<vmem>>, %arg8: memref<80x128xi32, #tpu.memory_space<vmem>>, %arg9: memref<80x128xf32, #tpu.memory_space<vmem>>, %arg10: memref<128x64xf32, #tpu.memory_space<vmem>>, %arg11: memref<128x64xf32, #tpu.memory_space<vmem>>, %arg12: memref<10240x64xf32, #tpu.memory_space<vmem_shared>>, %arg13: memref<!tpu.dma_semaphore, #tpu.memory_space<semaphore_mem>>) attributes {dimension_semantics = [#tpu.dimension_semantics<core_parallel>, #tpu.dimension_semantics<subcore_parallel>], iteration_bounds = array<i64: 2, 16>, scalar_prefetch = 0 : i64, scratch_operands = 7 : i64, tpu.core_type = #tpu.core_type<sc_vector_subcore>, window_params = [{transform_indices = #map}, {transform_indices = #map}, {transform_indices = #map}, {transform_indices = #map}, {transform_indices = #map1}]} {
    %mul3A = arith.constant 16 : i32
    %mul3A_0 = arith.muli %arg0, %mul3A : i32
    %add3A = arith.addi %mul3A_0, %arg1 : i32
    %scan3A = arith.constant 0 : i32
    %scan3A_1 = arith.constant 0 : i32
    %scan3A_2 = arith.constant 128 : i32
    %scan3A_3 = arith.addi %scan3A_1, %scan3A_2 : i32
    %scan3A_4 = arith.constant 1 : i32
    scf.for %scan3A_39 = %scan3A_1 to %scan3A_3 step %scan3A_4  : i32 {
      %broadcast_in_dim3A = arith.constant 0.000000e+00 : f32
      %broadcast_in_dim3A_40 = vector.broadcast %broadcast_in_dim3A : f32 to vector<16xf32>
      %swap3A = arith.index_cast %scan3A_39 : i32 to index
      %swap3A_41 = arith.constant 0 : index
      %swap3A_42 = tpu.vector_load %arg11[%swap3A, %swap3A_41] {strides = array<i32>} : memref<128x64xf32, #tpu.memory_space<vmem>>, vector<16xf32>,
      tpu.vector_store %arg11[%swap3A, %swap3A_41], %broadcast_in_dim3A_40 {strides = array<i32>} : memref<128x64xf32, #tpu.memory_space<vmem>>, vector<16xf32>,
      %broadcast_in_dim3A_43 = arith.constant 0.000000e+00 : f32
      %broadcast_in_dim3A_44 = vector.broadcast %broadcast_in_dim3A_43 : f32 to vector<16xf32>
      %swap3A_45 = arith.index_cast %scan3A_39 : i32 to index
      %swap3A_46 = arith.constant 16 : index
      %swap3A_47 = tpu.vector_load %arg11[%swap3A_45, %swap3A_46] {strides = array<i32>} : memref<128x64xf32, #tpu.memory_space<vmem>>, vector<16xf32>,
      tpu.vector_store %arg11[%swap3A_45, %swap3A_46], %broadcast_in_dim3A_44 {strides = array<i32>} : memref<128x64xf32, #tpu.memory_space<vmem>>, vector<16xf32>,
      %broadcast_in_dim3A_48 = arith.constant 0.000000e+00 : f32
      %broadcast_in_dim3A_49 = vector.broadcast %broadcast_in_dim3A_48 : f32 to vector<16xf32>
      %swap3A_50 = arith.index_cast %scan3A_39 : i32 to index
      %swap3A_51 = arith.constant 32 : index
      %swap3A_52 = tpu.vector_load %arg11[%swap3A_50, %swap3A_51] {strides = array<i32>} : memref<128x64xf32, #tpu.memory_space<vmem>>, vector<16xf32>,
      tpu.vector_store %arg11[%swap3A_50, %swap3A_51], %broadcast_in_dim3A_49 {strides = array<i32>} : memref<128x64xf32, #tpu.memory_space<vmem>>, vector<16xf32>,
      %broadcast_in_dim3A_53 = arith.constant 0.000000e+00 : f32
      %broadcast_in_dim3A_54 = vector.broadcast %broadcast_in_dim3A_53 : f32 to vector<16xf32>
      %swap3A_55 = arith.index_cast %scan3A_39 : i32 to index
      %swap3A_56 = arith.constant 48 : index
      %swap3A_57 = tpu.vector_load %arg11[%swap3A_55, %swap3A_56] {strides = array<i32>} : memref<128x64xf32, #tpu.memory_space<vmem>>, vector<16xf32>,
      tpu.vector_store %arg11[%swap3A_55, %swap3A_56], %broadcast_in_dim3A_54 {strides = array<i32>} : memref<128x64xf32, #tpu.memory_space<vmem>>, vector<16xf32>,
    }
    %scan3A_5 = arith.constant 128 : i32
    %mul3A_6 = arith.constant 640 : i32
    %mul3A_7 = arith.muli %arg1, %mul3A_6 : i32
    %add3A_8 = arith.constant 0 : i32
    %add3A_9 = arith.addi %mul3A_7, %add3A_8 : i32
    "tpu.region"() ({
      %run_scoped3A = tpu.sem_alloc : memref<!tpu.dma_semaphore, #tpu.memory_space<semaphore_mem>>
      %dma_start3A = arith.constant 0 : i32
      %dma_start3A_39 = tpu.memref_slice %arg12[%add3A_9, %dma_start3A] : memref<10240x64xf32, #tpu.memory_space<vmem_shared>> -> memref<128x64xf32, #tpu.memory_space<vmem_shared>>
      %dma_start3A_40 = arith.constant 0 : i32
      %dma_start3A_41 = tpu.memref_slice %arg12[%add3A_9, %dma_start3A_40] : memref<10240x64xf32, #tpu.memory_space<vmem_shared>> -> memref<128x64xf32, #tpu.memory_space<vmem_shared>>
      tpu.enqueue_dma source(%arg11 : memref<128x64xf32, #tpu.memory_space<vmem>>) target(%dma_start3A_41 : memref<128x64xf32, #tpu.memory_space<vmem_shared>>) target_semaphore(%run_scoped3A : memref<!tpu.dma_semaphore, #tpu.memory_space<semaphore_mem>>)
      %dma_wait3A = arith.constant 0 : i32
      %dma_wait3A_42 = tpu.memref_slice %arg12[%add3A_9, %dma_wait3A] : memref<10240x64xf32, #tpu.memory_space<vmem_shared>> -> memref<128x64xf32, #tpu.memory_space<vmem_shared>>
      %dma_wait3A_43 = arith.constant 0 : i32
      %dma_wait3A_44 = tpu.memref_slice %arg12[%add3A_9, %dma_wait3A_43] : memref<10240x64xf32, #tpu.memory_space<vmem_shared>> -> memref<128x64xf32, #tpu.memory_space<vmem_shared>>
      tpu.wait_dma2 semaphore(%run_scoped3A : memref<!tpu.dma_semaphore, #tpu.memory_space<semaphore_mem>>) src(%arg11 : memref<128x64xf32, #tpu.memory_space<vmem>>) dst(%dma_wait3A_44 : memref<128x64xf32, #tpu.memory_space<vmem_shared>>)
      tpu.yield
    }) : () -> ()
    %mul3A_10 = arith.constant 640 : i32
    %mul3A_11 = arith.muli %arg1, %mul3A_10 : i32
    %add3A_12 = arith.constant 128 : i32
    %add3A_13 = arith.addi %mul3A_11, %add3A_12 : i32
    "tpu.region"() ({
      %run_scoped3A = tpu.sem_alloc : memref<!tpu.dma_semaphore, #tpu.memory_space<semaphore_mem>>
      %dma_start3A = arith.constant 0 : i32
      %dma_start3A_39 = tpu.memref_slice %arg12[%add3A_13, %dma_start3A] : memref<10240x64xf32, #tpu.memory_space<vmem_shared>> -> memref<128x64xf32, #tpu.memory_space<vmem_shared>>
      %dma_start3A_40 = arith.constant 0 : i32
      %dma_start3A_41 = tpu.memref_slice %arg12[%add3A_13, %dma_start3A_40] : memref<10240x64xf32, #tpu.memory_space<vmem_shared>> -> memref<128x64xf32, #tpu.memory_space<vmem_shared>>
      tpu.enqueue_dma source(%arg11 : memref<128x64xf32, #tpu.memory_space<vmem>>) target(%dma_start3A_41 : memref<128x64xf32, #tpu.memory_space<vmem_shared>>) target_semaphore(%run_scoped3A : memref<!tpu.dma_semaphore, #tpu.memory_space<semaphore_mem>>)
      %dma_wait3A = arith.constant 0 : i32
      %dma_wait3A_42 = tpu.memref_slice %arg12[%add3A_13, %dma_wait3A] : memref<10240x64xf32, #tpu.memory_space<vmem_shared>> -> memref<128x64xf32, #tpu.memory_space<vmem_shared>>
      %dma_wait3A_43 = arith.constant 0 : i32
      %dma_wait3A_44 = tpu.memref_slice %arg12[%add3A_13, %dma_wait3A_43] : memref<10240x64xf32, #tpu.memory_space<vmem_shared>> -> memref<128x64xf32, #tpu.memory_space<vmem_shared>>
      tpu.wait_dma2 semaphore(%run_scoped3A : memref<!tpu.dma_semaphore, #tpu.memory_space<semaphore_mem>>) src(%arg11 : memref<128x64xf32, #tpu.memory_space<vmem>>) dst(%dma_wait3A_44 : memref<128x64xf32, #tpu.memory_space<vmem_shared>>)
      tpu.yield
    }) : () -> ()
    %mul3A_14 = arith.constant 640 : i32
    %mul3A_15 = arith.muli %arg1, %mul3A_14 : i32
    %add3A_16 = arith.constant 256 : i32
    %add3A_17 = arith.addi %mul3A_15, %add3A_16 : i32
    "tpu.region"() ({
      %run_scoped3A = tpu.sem_alloc : memref<!tpu.dma_semaphore, #tpu.memory_space<semaphore_mem>>
      %dma_start3A = arith.constant 0 : i32
      %dma_start3A_39 = tpu.memref_slice %arg12[%add3A_17, %dma_start3A] : memref<10240x64xf32, #tpu.memory_space<vmem_shared>> -> memref<128x64xf32, #tpu.memory_space<vmem_shared>>
      %dma_start3A_40 = arith.constant 0 : i32
      %dma_start3A_41 = tpu.memref_slice %arg12[%add3A_17, %dma_start3A_40] : memref<10240x64xf32, #tpu.memory_space<vmem_shared>> -> memref<128x64xf32, #tpu.memory_space<vmem_shared>>
      tpu.enqueue_dma source(%arg11 : memref<128x64xf32, #tpu.memory_space<vmem>>) target(%dma_start3A_41 : memref<128x64xf32, #tpu.memory_space<vmem_shared>>) target_semaphore(%run_scoped3A : memref<!tpu.dma_semaphore, #tpu.memory_space<semaphore_mem>>)
      %dma_wait3A = arith.constant 0 : i32
      %dma_wait3A_42 = tpu.memref_slice %arg12[%add3A_17, %dma_wait3A] : memref<10240x64xf32, #tpu.memory_space<vmem_shared>> -> memref<128x64xf32, #tpu.memory_space<vmem_shared>>
      %dma_wait3A_43 = arith.constant 0 : i32
      %dma_wait3A_44 = tpu.memref_slice %arg12[%add3A_17, %dma_wait3A_43] : memref<10240x64xf32, #tpu.memory_space<vmem_shared>> -> memref<128x64xf32, #tpu.memory_space<vmem_shared>>
      tpu.wait_dma2 semaphore(%run_scoped3A : memref<!tpu.dma_semaphore, #tpu.memory_space<semaphore_mem>>) src(%arg11 : memref<128x64xf32, #tpu.memory_space<vmem>>) dst(%dma_wait3A_44 : memref<128x64xf32, #tpu.memory_space<vmem_shared>>)
      tpu.yield
    }) : () -> ()
    %mul3A_18 = arith.constant 640 : i32
    %mul3A_19 = arith.muli %arg1, %mul3A_18 : i32
    %add3A_20 = arith.constant 384 : i32
    %add3A_21 = arith.addi %mul3A_19, %add3A_20 : i32
    "tpu.region"() ({
      %run_scoped3A = tpu.sem_alloc : memref<!tpu.dma_semaphore, #tpu.memory_space<semaphore_mem>>
      %dma_start3A = arith.constant 0 : i32
      %dma_start3A_39 = tpu.memref_slice %arg12[%add3A_21, %dma_start3A] : memref<10240x64xf32, #tpu.memory_space<vmem_shared>> -> memref<128x64xf32, #tpu.memory_space<vmem_shared>>
      %dma_start3A_40 = arith.constant 0 : i32
      %dma_start3A_41 = tpu.memref_slice %arg12[%add3A_21, %dma_start3A_40] : memref<10240x64xf32, #tpu.memory_space<vmem_shared>> -> memref<128x64xf32, #tpu.memory_space<vmem_shared>>
      tpu.enqueue_dma source(%arg11 : memref<128x64xf32, #tpu.memory_space<vmem>>) target(%dma_start3A_41 : memref<128x64xf32, #tpu.memory_space<vmem_shared>>) target_semaphore(%run_scoped3A : memref<!tpu.dma_semaphore, #tpu.memory_space<semaphore_mem>>)
      %dma_wait3A = arith.constant 0 : i32
      %dma_wait3A_42 = tpu.memref_slice %arg12[%add3A_21, %dma_wait3A] : memref<10240x64xf32, #tpu.memory_space<vmem_shared>> -> memref<128x64xf32, #tpu.memory_space<vmem_shared>>
      %dma_wait3A_43 = arith.constant 0 : i32
      %dma_wait3A_44 = tpu.memref_slice %arg12[%add3A_21, %dma_wait3A_43] : memref<10240x64xf32, #tpu.memory_space<vmem_shared>> -> memref<128x64xf32, #tpu.memory_space<vmem_shared>>
      tpu.wait_dma2 semaphore(%run_scoped3A : memref<!tpu.dma_semaphore, #tpu.memory_space<semaphore_mem>>) src(%arg11 : memref<128x64xf32, #tpu.memory_space<vmem>>) dst(%dma_wait3A_44 : memref<128x64xf32, #tpu.memory_space<vmem_shared>>)
      tpu.yield
    }) : () -> ()
    %mul3A_22 = arith.constant 640 : i32
    %mul3A_23 = arith.muli %arg1, %mul3A_22 : i32
    %add3A_24 = arith.constant 512 : i32
    %add3A_25 = arith.addi %mul3A_23, %add3A_24 : i32
    "tpu.region"() ({
      %run_scoped3A = tpu.sem_alloc : memref<!tpu.dma_semaphore, #tpu.memory_space<semaphore_mem>>
      %dma_start3A = arith.constant 0 : i32
      %dma_start3A_39 = tpu.memref_slice %arg12[%add3A_25, %dma_start3A] : memref<10240x64xf32, #tpu.memory_space<vmem_shared>> -> memref<128x64xf32, #tpu.memory_space<vmem_shared>>
      %dma_start3A_40 = arith.constant 0 : i32
      %dma_start3A_41 = tpu.memref_slice %arg12[%add3A_25, %dma_start3A_40] : memref<10240x64xf32, #tpu.memory_space<vmem_shared>> -> memref<128x64xf32, #tpu.memory_space<vmem_shared>>
      tpu.enqueue_dma source(%arg11 : memref<128x64xf32, #tpu.memory_space<vmem>>) target(%dma_start3A_41 : memref<128x64xf32, #tpu.memory_space<vmem_shared>>) target_semaphore(%run_scoped3A : memref<!tpu.dma_semaphore, #tpu.memory_space<semaphore_mem>>)
      %dma_wait3A = arith.constant 0 : i32
      %dma_wait3A_42 = tpu.memref_slice %arg12[%add3A_25, %dma_wait3A] : memref<10240x64xf32, #tpu.memory_space<vmem_shared>> -> memref<128x64xf32, #tpu.memory_space<vmem_shared>>
      %dma_wait3A_43 = arith.constant 0 : i32
      %dma_wait3A_44 = tpu.memref_slice %arg12[%add3A_25, %dma_wait3A_43] : memref<10240x64xf32, #tpu.memory_space<vmem_shared>> -> memref<128x64xf32, #tpu.memory_space<vmem_shared>>
      tpu.wait_dma2 semaphore(%run_scoped3A : memref<!tpu.dma_semaphore, #tpu.memory_space<semaphore_mem>>) src(%arg11 : memref<128x64xf32, #tpu.memory_space<vmem>>) dst(%dma_wait3A_44 : memref<128x64xf32, #tpu.memory_space<vmem_shared>>)
      tpu.yield
    }) : () -> ()
    %barrier3A = arith.constant 0 : index
    tpu.barrier barrier_id(%barrier3A)
    %mul3A_26 = arith.constant 80 : i32
    %mul3A_27 = arith.muli %add3A, %mul3A_26 : i32
    "tpu.region"() ({
      %run_scoped3A = tpu.sem_alloc : memref<!tpu.dma_semaphore, #tpu.memory_space<semaphore_mem>>
      %dma_start3A = arith.constant 0 : i32
      %dma_start3A_39 = tpu.memref_slice %arg3[%mul3A_27, %dma_start3A] : memref<2560x128xi32, #tpu.memory_space<hbm>> -> memref<80x128xi32, #tpu.memory_space<hbm>>
      %dma_start3A_40 = arith.constant 0 : i32
      %dma_start3A_41 = tpu.memref_slice %arg3[%mul3A_27, %dma_start3A_40] : memref<2560x128xi32, #tpu.memory_space<hbm>> -> memref<80x128xi32, #tpu.memory_space<hbm>>
      tpu.enqueue_dma source(%dma_start3A_41 : memref<80x128xi32, #tpu.memory_space<hbm>>) target(%arg7 : memref<80x128xi32, #tpu.memory_space<vmem>>) target_semaphore(%run_scoped3A : memref<!tpu.dma_semaphore, #tpu.memory_space<semaphore_mem>>)
      %dma_wait3A = arith.constant 0 : i32
      %dma_wait3A_42 = tpu.memref_slice %arg3[%mul3A_27, %dma_wait3A] : memref<2560x128xi32, #tpu.memory_space<hbm>> -> memref<80x128xi32, #tpu.memory_space<hbm>>
      %dma_wait3A_43 = arith.constant 0 : i32
      %dma_wait3A_44 = tpu.memref_slice %arg3[%mul3A_27, %dma_wait3A_43] : memref<2560x128xi32, #tpu.memory_space<hbm>> -> memref<80x128xi32, #tpu.memory_space<hbm>>
      tpu.wait_dma2 semaphore(%run_scoped3A : memref<!tpu.dma_semaphore, #tpu.memory_space<semaphore_mem>>) src(%dma_wait3A_44 : memref<80x128xi32, #tpu.memory_space<hbm>>) dst(%arg7 : memref<80x128xi32, #tpu.memory_space<vmem>>)
      tpu.yield
    }) : () -> ()
    "tpu.region"() ({
      %run_scoped3A = tpu.sem_alloc : memref<!tpu.dma_semaphore, #tpu.memory_space<semaphore_mem>>
      %dma_start3A = arith.constant 0 : i32
      %dma_start3A_39 = tpu.memref_slice %arg4[%mul3A_27, %dma_start3A] : memref<2560x128xi32, #tpu.memory_space<hbm>> -> memref<80x128xi32, #tpu.memory_space<hbm>>
      %dma_start3A_40 = arith.constant 0 : i32
      %dma_start3A_41 = tpu.memref_slice %arg4[%mul3A_27, %dma_start3A_40] : memref<2560x128xi32, #tpu.memory_space<hbm>> -> memref<80x128xi32, #tpu.memory_space<hbm>>
      tpu.enqueue_dma source(%dma_start3A_41 : memref<80x128xi32, #tpu.memory_space<hbm>>) target(%arg8 : memref<80x128xi32, #tpu.memory_space<vmem>>) target_semaphore(%run_scoped3A : memref<!tpu.dma_semaphore, #tpu.memory_space<semaphore_mem>>)
      %dma_wait3A = arith.constant 0 : i32
      %dma_wait3A_42 = tpu.memref_slice %arg4[%mul3A_27, %dma_wait3A] : memref<2560x128xi32, #tpu.memory_space<hbm>> -> memref<80x128xi32, #tpu.memory_space<hbm>>
      %dma_wait3A_43 = arith.constant 0 : i32
      %dma_wait3A_44 = tpu.memref_slice %arg4[%mul3A_27, %dma_wait3A_43] : memref<2560x128xi32, #tpu.memory_space<hbm>> -> memref<80x128xi32, #tpu.memory_space<hbm>>
      tpu.wait_dma2 semaphore(%run_scoped3A : memref<!tpu.dma_semaphore, #tpu.memory_space<semaphore_mem>>) src(%dma_wait3A_44 : memref<80x128xi32, #tpu.memory_space<hbm>>) dst(%arg8 : memref<80x128xi32, #tpu.memory_space<vmem>>)
      tpu.yield
    }) : () -> ()
    "tpu.region"() ({
      %run_scoped3A = tpu.sem_alloc : memref<!tpu.dma_semaphore, #tpu.memory_space<semaphore_mem>>
      %dma_start3A = arith.constant 0 : i32
      %dma_start3A_39 = tpu.memref_slice %arg5[%mul3A_27, %dma_start3A] : memref<2560x128xf32, #tpu.memory_space<hbm>> -> memref<80x128xf32, #tpu.memory_space<hbm>>
      %dma_start3A_40 = arith.constant 0 : i32
      %dma_start3A_41 = tpu.memref_slice %arg5[%mul3A_27, %dma_start3A_40] : memref<2560x128xf32, #tpu.memory_space<hbm>> -> memref<80x128xf32, #tpu.memory_space<hbm>>
      tpu.enqueue_dma source(%dma_start3A_41 : memref<80x128xf32, #tpu.memory_space<hbm>>) target(%arg9 : memref<80x128xf32, #tpu.memory_space<vmem>>) target_semaphore(%run_scoped3A : memref<!tpu.dma_semaphore, #tpu.memory_space<semaphore_mem>>)
      %dma_wait3A = arith.constant 0 : i32
      %dma_wait3A_42 = tpu.memref_slice %arg5[%mul3A_27, %dma_wait3A] : memref<2560x128xf32, #tpu.memory_space<hbm>> -> memref<80x128xf32, #tpu.memory_space<hbm>>
      %dma_wait3A_43 = arith.constant 0 : i32
      %dma_wait3A_44 = tpu.memref_slice %arg5[%mul3A_27, %dma_wait3A_43] : memref<2560x128xf32, #tpu.memory_space<hbm>> -> memref<80x128xf32, #tpu.memory_space<hbm>>
      tpu.wait_dma2 semaphore(%run_scoped3A : memref<!tpu.dma_semaphore, #tpu.memory_space<semaphore_mem>>) src(%dma_wait3A_44 : memref<80x128xf32, #tpu.memory_space<hbm>>) dst(%arg9 : memref<80x128xf32, #tpu.memory_space<vmem>>)
      tpu.yield
    }) : () -> ()
    %scan3A_28 = arith.constant 0 : i32
    %scan3A_29 = arith.constant 0 : i32
    %scan3A_30 = arith.constant 80 : i32
    %scan3A_31 = arith.addi %scan3A_29, %scan3A_30 : i32
    %scan3A_32 = arith.constant 1 : i32
    scf.for %scan3A_39 = %scan3A_29 to %scan3A_31 step %scan3A_32  : i32 {
      %dma_start3A = arith.constant 0 : i32
      %dma_start3A_40 = tpu.memref_slice %arg7[%scan3A_39, %dma_start3A] : memref<80x128xi32, #tpu.memory_space<vmem>> -> memref<1x128xi32, #tpu.memory_space<vmem>>
      %dma_start3A_41 = tpu.memref_squeeze %dma_start3A_40 : memref<1x128xi32, #tpu.memory_space<vmem>> -> memref<128xi32, #tpu.memory_space<vmem>>
      %dma_start3A_42 = arith.constant 0 : i32
      %dma_start3A_43 = arith.constant 0 : i32
      %dma_start3A_44 = tpu.memref_slice %arg2[%dma_start3A_42, %dma_start3A_43] : memref<10000x64xf32, #tpu.memory_space<hbm>> -> memref<10000x64xf32, #tpu.memory_space<hbm>>
      tpu.enqueue_indirect_dma source(%dma_start3A_44 : memref<10000x64xf32, #tpu.memory_space<hbm>>) target(%arg10 : memref<128x64xf32, #tpu.memory_space<vmem>>) offsets(%dma_start3A_41 : memref<128xi32, #tpu.memory_space<vmem>>) semaphore(%arg13 : memref<!tpu.dma_semaphore, #tpu.memory_space<semaphore_mem>>)
      %dma_wait3A = arith.constant 0 : i32
      %dma_wait3A_45 = tpu.memref_slice %arg7[%scan3A_39, %dma_wait3A] : memref<80x128xi32, #tpu.memory_space<vmem>> -> memref<1x128xi32, #tpu.memory_space<vmem>>
      %dma_wait3A_46 = tpu.memref_squeeze %dma_wait3A_45 : memref<1x128xi32, #tpu.memory_space<vmem>> -> memref<128xi32, #tpu.memory_space<vmem>>
      %dma_wait3A_47 = arith.constant 0 : i32
      %dma_wait3A_48 = arith.constant 0 : i32
      %dma_wait3A_49 = tpu.memref_slice %arg2[%dma_wait3A_47, %dma_wait3A_48] : memref<10000x64xf32, #tpu.memory_space<hbm>> -> memref<10000x64xf32, #tpu.memory_space<hbm>>
      tpu.wait_indirect_dma semaphore(%arg13 : memref<!tpu.dma_semaphore, #tpu.memory_space<semaphore_mem>>) src(%dma_wait3A_49 : memref<10000x64xf32, #tpu.memory_space<hbm>>) dst(%arg10 : memref<128x64xf32, #tpu.memory_space<vmem>>)
      %scan3A_50 = arith.constant 0 : i32
      %scan3A_51 = arith.constant 0 : i32
      %scan3A_52 = arith.constant 128 : i32
      %scan3A_53 = arith.addi %scan3A_51, %scan3A_52 : i32
      %scan3A_54 = arith.constant 1 : i32
      scf.for %scan3A_56 = %scan3A_51 to %scan3A_53 step %scan3A_54  : i32 {
        %broadcast_in_dim3A = vector.broadcast %scan3A_39 : i32 to vector<16xi32>
        %broadcast_in_dim3A_57 = vector.broadcast %scan3A_56 : i32 to vector<16xi32>
        %gather3A = tpu.vector_load_idx %arg9[%broadcast_in_dim3A, %broadcast_in_dim3A_57] : memref<80x128xf32, #tpu.memory_space<vmem>>[vector<16xi32>, vector<16xi32>], vector<16xf32>,
        %get3A = arith.index_cast %scan3A_56 : i32 to index
        %get3A_58 = arith.constant 0 : index
        %get3A_59 = tpu.vector_load %arg10[%get3A, %get3A_58] {strides = array<i32>} : memref<128x64xf32, #tpu.memory_space<vmem>>, vector<16xf32>,
        %mul3A_60 = arith.mulf %get3A_59, %gather3A : vector<16xf32>
        %swap3A = arith.index_cast %scan3A_56 : i32 to index
        %swap3A_61 = arith.constant 0 : index
        %swap3A_62 = tpu.vector_load %arg10[%swap3A, %swap3A_61] {strides = array<i32>} : memref<128x64xf32, #tpu.memory_space<vmem>>, vector<16xf32>,
        tpu.vector_store %arg10[%swap3A, %swap3A_61], %mul3A_60 {strides = array<i32>} : memref<128x64xf32, #tpu.memory_space<vmem>>, vector<16xf32>,
        %get3A_63 = arith.index_cast %scan3A_56 : i32 to index
        %get3A_64 = arith.constant 16 : index
        %get3A_65 = tpu.vector_load %arg10[%get3A_63, %get3A_64] {strides = array<i32>} : memref<128x64xf32, #tpu.memory_space<vmem>>, vector<16xf32>,
        %mul3A_66 = arith.mulf %get3A_65, %gather3A : vector<16xf32>
        %swap3A_67 = arith.index_cast %scan3A_56 : i32 to index
        %swap3A_68 = arith.constant 16 : index
        %swap3A_69 = tpu.vector_load %arg10[%swap3A_67, %swap3A_68] {strides = array<i32>} : memref<128x64xf32, #tpu.memory_space<vmem>>, vector<16xf32>,
        tpu.vector_store %arg10[%swap3A_67, %swap3A_68], %mul3A_66 {strides = array<i32>} : memref<128x64xf32, #tpu.memory_space<vmem>>, vector<16xf32>,
        %get3A_70 = arith.index_cast %scan3A_56 : i32 to index
        %get3A_71 = arith.constant 32 : index
        %get3A_72 = tpu.vector_load %arg10[%get3A_70, %get3A_71] {strides = array<i32>} : memref<128x64xf32, #tpu.memory_space<vmem>>, vector<16xf32>,
        %mul3A_73 = arith.mulf %get3A_72, %gather3A : vector<16xf32>
        %swap3A_74 = arith.index_cast %scan3A_56 : i32 to index
        %swap3A_75 = arith.constant 32 : index
        %swap3A_76 = tpu.vector_load %arg10[%swap3A_74, %swap3A_75] {strides = array<i32>} : memref<128x64xf32, #tpu.memory_space<vmem>>, vector<16xf32>,
        tpu.vector_store %arg10[%swap3A_74, %swap3A_75], %mul3A_73 {strides = array<i32>} : memref<128x64xf32, #tpu.memory_space<vmem>>, vector<16xf32>,
        %get3A_77 = arith.index_cast %scan3A_56 : i32 to index
        %get3A_78 = arith.constant 48 : index
        %get3A_79 = tpu.vector_load %arg10[%get3A_77, %get3A_78] {strides = array<i32>} : memref<128x64xf32, #tpu.memory_space<vmem>>, vector<16xf32>,
        %mul3A_80 = arith.mulf %get3A_79, %gather3A : vector<16xf32>
        %swap3A_81 = arith.index_cast %scan3A_56 : i32 to index
        %swap3A_82 = arith.constant 48 : index
        %swap3A_83 = tpu.vector_load %arg10[%swap3A_81, %swap3A_82] {strides = array<i32>} : memref<128x64xf32, #tpu.memory_space<vmem>>, vector<16xf32>,
        tpu.vector_store %arg10[%swap3A_81, %swap3A_82], %mul3A_80 {strides = array<i32>} : memref<128x64xf32, #tpu.memory_space<vmem>>, vector<16xf32>,
      }
      %scan3A_55 = arith.constant 128 : i32
      "tpu.region"() ({
        %run_scoped3A = tpu.sem_alloc : memref<!tpu.dma_semaphore, #tpu.memory_space<semaphore_mem>>
        %dma_start3A_56 = arith.constant 0 : i32
        %dma_start3A_57 = tpu.memref_slice %arg8[%scan3A_39, %dma_start3A_56] : memref<80x128xi32, #tpu.memory_space<vmem>> -> memref<1x128xi32, #tpu.memory_space<vmem>>
        %dma_start3A_58 = tpu.memref_squeeze %dma_start3A_57 : memref<1x128xi32, #tpu.memory_space<vmem>> -> memref<128xi32, #tpu.memory_space<vmem>>
        %dma_start3A_59 = arith.constant 0 : i32
        %dma_start3A_60 = arith.constant 0 : i32
        %dma_start3A_61 = tpu.memref_slice %arg12[%dma_start3A_59, %dma_start3A_60] : memref<10240x64xf32, #tpu.memory_space<vmem_shared>> -> memref<10240x64xf32, #tpu.memory_space<vmem_shared>>
        tpu.enqueue_indirect_dma source(%arg10 : memref<128x64xf32, #tpu.memory_space<vmem>>) target(%dma_start3A_61 : memref<10240x64xf32, #tpu.memory_space<vmem_shared>>) offsets(%dma_start3A_58 : memref<128xi32, #tpu.memory_space<vmem>>) semaphore(%run_scoped3A : memref<!tpu.dma_semaphore, #tpu.memory_space<semaphore_mem>>) {add = true}
        %dma_wait3A_62 = arith.constant 0 : i32
        %dma_wait3A_63 = tpu.memref_slice %arg8[%scan3A_39, %dma_wait3A_62] : memref<80x128xi32, #tpu.memory_space<vmem>> -> memref<1x128xi32, #tpu.memory_space<vmem>>
        %dma_wait3A_64 = tpu.memref_squeeze %dma_wait3A_63 : memref<1x128xi32, #tpu.memory_space<vmem>> -> memref<128xi32, #tpu.memory_space<vmem>>
        %dma_wait3A_65 = arith.constant 0 : i32
        %dma_wait3A_66 = arith.constant 0 : i32
        %dma_wait3A_67 = tpu.memref_slice %arg12[%dma_wait3A_65, %dma_wait3A_66] : memref<10240x64xf32, #tpu.memory_space<vmem_shared>> -> memref<10240x64xf32, #tpu.memory_space<vmem_shared>>
        tpu.wait_indirect_dma semaphore(%run_scoped3A : memref<!tpu.dma_semaphore, #tpu.memory_space<semaphore_mem>>) src(%arg10 : memref<128x64xf32, #tpu.memory_space<vmem>>) dst(%dma_wait3A_67 : memref<10240x64xf32, #tpu.memory_space<vmem_shared>>)
        tpu.yield
      }) : () -> ()
    }
    %scan3A_33 = arith.constant 80 : i32
    %barrier3A_34 = arith.constant 0 : index
    tpu.barrier barrier_id(%barrier3A_34)
    %mul3A_35 = arith.constant 640 : i32
    %mul3A_36 = arith.muli %arg1, %mul3A_35 : i32
    %mul3A_37 = arith.constant 640 : i32
    %mul3A_38 = arith.muli %arg1, %mul3A_37 : i32
    "tpu.region"() ({
      %run_scoped3A = tpu.sem_alloc : memref<!tpu.dma_semaphore, #tpu.memory_space<semaphore_mem>>
      %dma_start3A = arith.constant 0 : i32
      %dma_start3A_39 = tpu.memref_slice %arg6[%arg0, %mul3A_38, %dma_start3A] : memref<2x10240x64xf32, #tpu.memory_space<hbm>> -> memref<1x640x64xf32, #tpu.memory_space<hbm>>
      %dma_start3A_40 = tpu.memref_squeeze %dma_start3A_39 : memref<1x640x64xf32, #tpu.memory_space<hbm>> -> memref<640x64xf32, #tpu.memory_space<hbm>>
      %dma_start3A_41 = arith.constant 0 : i32
      %dma_start3A_42 = tpu.memref_slice %arg12[%mul3A_36, %dma_start3A_41] : memref<10240x64xf32, #tpu.memory_space<vmem_shared>> -> memref<640x64xf32, #tpu.memory_space<vmem_shared>>
      tpu.enqueue_dma source(%dma_start3A_42 : memref<640x64xf32, #tpu.memory_space<vmem_shared>>) target(%dma_start3A_40 : memref<640x64xf32, #tpu.memory_space<hbm>>) target_semaphore(%run_scoped3A : memref<!tpu.dma_semaphore, #tpu.memory_space<semaphore_mem>>)
      %dma_wait3A = arith.constant 0 : i32
      %dma_wait3A_43 = tpu.memref_slice %arg6[%arg0, %mul3A_38, %dma_wait3A] : memref<2x10240x64xf32, #tpu.memory_space<hbm>> -> memref<1x640x64xf32, #tpu.memory_space<hbm>>
      %dma_wait3A_44 = tpu.memref_squeeze %dma_wait3A_43 : memref<1x640x64xf32, #tpu.memory_space<hbm>> -> memref<640x64xf32, #tpu.memory_space<hbm>>
      %dma_wait3A_45 = arith.constant 0 : i32
      %dma_wait3A_46 = tpu.memref_slice %arg12[%mul3A_36, %dma_wait3A_45] : memref<10240x64xf32, #tpu.memory_space<vmem_shared>> -> memref<640x64xf32, #tpu.memory_space<vmem_shared>>
      tpu.wait_dma2 semaphore(%run_scoped3A : memref<!tpu.dma_semaphore, #tpu.memory_space<semaphore_mem>>) src(%dma_wait3A_46 : memref<640x64xf32, #tpu.memory_space<vmem_shared>>) dst(%dma_wait3A_44 : memref<640x64xf32, #tpu.memory_space<hbm>>)
      tpu.yield
    }) : () -> ()
    return
  }
}

#map = affine_map<(d0, d1) -> (0, 0)>
#map1 = affine_map<(d0, d1) -> (0, 0, 0)>
module attributes {stable_mosaic.version = 14 : i64} {
  func.func @_pass(%arg0: i32, %arg1: i32, %arg2: memref<10000x64xf32, #tpu.memory_space<hbm>>, %arg3: memref<2560x128xi32, #tpu.memory_space<hbm>>, %arg4: memref<2560x128xi32, #tpu.memory_space<hbm>>, %arg5: memref<2560x128xf32, #tpu.memory_space<hbm>>, %arg6: memref<2x10240x64xf32, #tpu.memory_space<hbm>>, %arg7: memref<80x128xi32, #tpu.memory_space<vmem>>, %arg8: memref<80x128xi32, #tpu.memory_space<vmem>>, %arg9: memref<80x128xf32, #tpu.memory_space<vmem>>, %arg10: memref<128x64xf32, #tpu.memory_space<vmem>>, %arg11: memref<128x64xf32, #tpu.memory_space<vmem>>, %arg12: memref<10240x64xf32, #tpu.memory_space<vmem_shared>>, %arg13: memref<!tpu.dma_semaphore, #tpu.memory_space<semaphore_mem>>) attributes {dimension_semantics = [#tpu.dimension_semantics<core_parallel>, #tpu.dimension_semantics<subcore_parallel>], iteration_bounds = array<i64: 2, 16>, scalar_prefetch = 0 : i64, scratch_operands = 7 : i64, tpu.core_type = #tpu.core_type<sc_vector_subcore>, window_params = [{transform_indices = #map}, {transform_indices = #map}, {transform_indices = #map}, {transform_indices = #map}, {transform_indices = #map1}]} {
    %mul3A = arith.constant 16 : i32
    %mul3A_0 = arith.muli %arg0, %mul3A : i32
    %add3A = arith.addi %mul3A_0, %arg1 : i32
    %scan3A = arith.constant 0 : i32
    %scan3A_1 = arith.constant 0 : i32
    %scan3A_2 = arith.constant 128 : i32
    %scan3A_3 = arith.addi %scan3A_1, %scan3A_2 : i32
    %scan3A_4 = arith.constant 1 : i32
    scf.for %scan3A_39 = %scan3A_1 to %scan3A_3 step %scan3A_4  : i32 {
      %broadcast_in_dim3A = arith.constant 0.000000e+00 : f32
      %broadcast_in_dim3A_40 = vector.broadcast %broadcast_in_dim3A : f32 to vector<16xf32>
      %swap3A = arith.index_cast %scan3A_39 : i32 to index
      %swap3A_41 = arith.constant 0 : index
      %swap3A_42 = tpu.vector_load %arg11[%swap3A, %swap3A_41] {strides = array<i32>} : memref<128x64xf32, #tpu.memory_space<vmem>>, vector<16xf32>,
      tpu.vector_store %arg11[%swap3A, %swap3A_41], %broadcast_in_dim3A_40 {strides = array<i32>} : memref<128x64xf32, #tpu.memory_space<vmem>>, vector<16xf32>,
      %broadcast_in_dim3A_43 = arith.constant 0.000000e+00 : f32
      %broadcast_in_dim3A_44 = vector.broadcast %broadcast_in_dim3A_43 : f32 to vector<16xf32>
      %swap3A_45 = arith.index_cast %scan3A_39 : i32 to index
      %swap3A_46 = arith.constant 16 : index
      %swap3A_47 = tpu.vector_load %arg11[%swap3A_45, %swap3A_46] {strides = array<i32>} : memref<128x64xf32, #tpu.memory_space<vmem>>, vector<16xf32>,
      tpu.vector_store %arg11[%swap3A_45, %swap3A_46], %broadcast_in_dim3A_44 {strides = array<i32>} : memref<128x64xf32, #tpu.memory_space<vmem>>, vector<16xf32>,
      %broadcast_in_dim3A_48 = arith.constant 0.000000e+00 : f32
      %broadcast_in_dim3A_49 = vector.broadcast %broadcast_in_dim3A_48 : f32 to vector<16xf32>
      %swap3A_50 = arith.index_cast %scan3A_39 : i32 to index
      %swap3A_51 = arith.constant 32 : index
      %swap3A_52 = tpu.vector_load %arg11[%swap3A_50, %swap3A_51] {strides = array<i32>} : memref<128x64xf32, #tpu.memory_space<vmem>>, vector<16xf32>,
      tpu.vector_store %arg11[%swap3A_50, %swap3A_51], %broadcast_in_dim3A_49 {strides = array<i32>} : memref<128x64xf32, #tpu.memory_space<vmem>>, vector<16xf32>,
      %broadcast_in_dim3A_53 = arith.constant 0.000000e+00 : f32
      %broadcast_in_dim3A_54 = vector.broadcast %broadcast_in_dim3A_53 : f32 to vector<16xf32>
      %swap3A_55 = arith.index_cast %scan3A_39 : i32 to index
      %swap3A_56 = arith.constant 48 : index
      %swap3A_57 = tpu.vector_load %arg11[%swap3A_55, %swap3A_56] {strides = array<i32>} : memref<128x64xf32, #tpu.memory_space<vmem>>, vector<16xf32>,
      tpu.vector_store %arg11[%swap3A_55, %swap3A_56], %broadcast_in_dim3A_54 {strides = array<i32>} : memref<128x64xf32, #tpu.memory_space<vmem>>, vector<16xf32>,
    }
    %scan3A_5 = arith.constant 128 : i32
    %mul3A_6 = arith.constant 640 : i32
    %mul3A_7 = arith.muli %arg1, %mul3A_6 : i32
    %add3A_8 = arith.constant 0 : i32
    %add3A_9 = arith.addi %mul3A_7, %add3A_8 : i32
    "tpu.region"() ({
      %run_scoped3A = tpu.sem_alloc : memref<!tpu.dma_semaphore, #tpu.memory_space<semaphore_mem>>
      %dma_start3A = arith.constant 0 : i32
      %dma_start3A_39 = tpu.memref_slice %arg12[%add3A_9, %dma_start3A] : memref<10240x64xf32, #tpu.memory_space<vmem_shared>> -> memref<128x64xf32, #tpu.memory_space<vmem_shared>>
      %dma_start3A_40 = arith.constant 0 : i32
      %dma_start3A_41 = tpu.memref_slice %arg12[%add3A_9, %dma_start3A_40] : memref<10240x64xf32, #tpu.memory_space<vmem_shared>> -> memref<128x64xf32, #tpu.memory_space<vmem_shared>>
      tpu.enqueue_dma source(%arg11 : memref<128x64xf32, #tpu.memory_space<vmem>>) target(%dma_start3A_41 : memref<128x64xf32, #tpu.memory_space<vmem_shared>>) target_semaphore(%run_scoped3A : memref<!tpu.dma_semaphore, #tpu.memory_space<semaphore_mem>>)
      %dma_wait3A = arith.constant 0 : i32
      %dma_wait3A_42 = tpu.memref_slice %arg12[%add3A_9, %dma_wait3A] : memref<10240x64xf32, #tpu.memory_space<vmem_shared>> -> memref<128x64xf32, #tpu.memory_space<vmem_shared>>
      %dma_wait3A_43 = arith.constant 0 : i32
      %dma_wait3A_44 = tpu.memref_slice %arg12[%add3A_9, %dma_wait3A_43] : memref<10240x64xf32, #tpu.memory_space<vmem_shared>> -> memref<128x64xf32, #tpu.memory_space<vmem_shared>>
      tpu.wait_dma2 semaphore(%run_scoped3A : memref<!tpu.dma_semaphore, #tpu.memory_space<semaphore_mem>>) src(%arg11 : memref<128x64xf32, #tpu.memory_space<vmem>>) dst(%dma_wait3A_44 : memref<128x64xf32, #tpu.memory_space<vmem_shared>>)
      tpu.yield
    }) : () -> ()
    %mul3A_10 = arith.constant 640 : i32
    %mul3A_11 = arith.muli %arg1, %mul3A_10 : i32
    %add3A_12 = arith.constant 128 : i32
    %add3A_13 = arith.addi %mul3A_11, %add3A_12 : i32
    "tpu.region"() ({
      %run_scoped3A = tpu.sem_alloc : memref<!tpu.dma_semaphore, #tpu.memory_space<semaphore_mem>>
      %dma_start3A = arith.constant 0 : i32
      %dma_start3A_39 = tpu.memref_slice %arg12[%add3A_13, %dma_start3A] : memref<10240x64xf32, #tpu.memory_space<vmem_shared>> -> memref<128x64xf32, #tpu.memory_space<vmem_shared>>
      %dma_start3A_40 = arith.constant 0 : i32
      %dma_start3A_41 = tpu.memref_slice %arg12[%add3A_13, %dma_start3A_40] : memref<10240x64xf32, #tpu.memory_space<vmem_shared>> -> memref<128x64xf32, #tpu.memory_space<vmem_shared>>
      tpu.enqueue_dma source(%arg11 : memref<128x64xf32, #tpu.memory_space<vmem>>) target(%dma_start3A_41 : memref<128x64xf32, #tpu.memory_space<vmem_shared>>) target_semaphore(%run_scoped3A : memref<!tpu.dma_semaphore, #tpu.memory_space<semaphore_mem>>)
      %dma_wait3A = arith.constant 0 : i32
      %dma_wait3A_42 = tpu.memref_slice %arg12[%add3A_13, %dma_wait3A] : memref<10240x64xf32, #tpu.memory_space<vmem_shared>> -> memref<128x64xf32, #tpu.memory_space<vmem_shared>>
      %dma_wait3A_43 = arith.constant 0 : i32
      %dma_wait3A_44 = tpu.memref_slice %arg12[%add3A_13, %dma_wait3A_43] : memref<10240x64xf32, #tpu.memory_space<vmem_shared>> -> memref<128x64xf32, #tpu.memory_space<vmem_shared>>
      tpu.wait_dma2 semaphore(%run_scoped3A : memref<!tpu.dma_semaphore, #tpu.memory_space<semaphore_mem>>) src(%arg11 : memref<128x64xf32, #tpu.memory_space<vmem>>) dst(%dma_wait3A_44 : memref<128x64xf32, #tpu.memory_space<vmem_shared>>)
      tpu.yield
    }) : () -> ()
    %mul3A_14 = arith.constant 640 : i32
    %mul3A_15 = arith.muli %arg1, %mul3A_14 : i32
    %add3A_16 = arith.constant 256 : i32
    %add3A_17 = arith.addi %mul3A_15, %add3A_16 : i32
    "tpu.region"() ({
      %run_scoped3A = tpu.sem_alloc : memref<!tpu.dma_semaphore, #tpu.memory_space<semaphore_mem>>
      %dma_start3A = arith.constant 0 : i32
      %dma_start3A_39 = tpu.memref_slice %arg12[%add3A_17, %dma_start3A] : memref<10240x64xf32, #tpu.memory_space<vmem_shared>> -> memref<128x64xf32, #tpu.memory_space<vmem_shared>>
      %dma_start3A_40 = arith.constant 0 : i32
      %dma_start3A_41 = tpu.memref_slice %arg12[%add3A_17, %dma_start3A_40] : memref<10240x64xf32, #tpu.memory_space<vmem_shared>> -> memref<128x64xf32, #tpu.memory_space<vmem_shared>>
      tpu.enqueue_dma source(%arg11 : memref<128x64xf32, #tpu.memory_space<vmem>>) target(%dma_start3A_41 : memref<128x64xf32, #tpu.memory_space<vmem_shared>>) target_semaphore(%run_scoped3A : memref<!tpu.dma_semaphore, #tpu.memory_space<semaphore_mem>>)
      %dma_wait3A = arith.constant 0 : i32
      %dma_wait3A_42 = tpu.memref_slice %arg12[%add3A_17, %dma_wait3A] : memref<10240x64xf32, #tpu.memory_space<vmem_shared>> -> memref<128x64xf32, #tpu.memory_space<vmem_shared>>
      %dma_wait3A_43 = arith.constant 0 : i32
      %dma_wait3A_44 = tpu.memref_slice %arg12[%add3A_17, %dma_wait3A_43] : memref<10240x64xf32, #tpu.memory_space<vmem_shared>> -> memref<128x64xf32, #tpu.memory_space<vmem_shared>>
      tpu.wait_dma2 semaphore(%run_scoped3A : memref<!tpu.dma_semaphore, #tpu.memory_space<semaphore_mem>>) src(%arg11 : memref<128x64xf32, #tpu.memory_space<vmem>>) dst(%dma_wait3A_44 : memref<128x64xf32, #tpu.memory_space<vmem_shared>>)
      tpu.yield
    }) : () -> ()
    %mul3A_18 = arith.constant 640 : i32
    %mul3A_19 = arith.muli %arg1, %mul3A_18 : i32
    %add3A_20 = arith.constant 384 : i32
    %add3A_21 = arith.addi %mul3A_19, %add3A_20 : i32
    "tpu.region"() ({
      %run_scoped3A = tpu.sem_alloc : memref<!tpu.dma_semaphore, #tpu.memory_space<semaphore_mem>>
      %dma_start3A = arith.constant 0 : i32
      %dma_start3A_39 = tpu.memref_slice %arg12[%add3A_21, %dma_start3A] : memref<10240x64xf32, #tpu.memory_space<vmem_shared>> -> memref<128x64xf32, #tpu.memory_space<vmem_shared>>
      %dma_start3A_40 = arith.constant 0 : i32
      %dma_start3A_41 = tpu.memref_slice %arg12[%add3A_21, %dma_start3A_40] : memref<10240x64xf32, #tpu.memory_space<vmem_shared>> -> memref<128x64xf32, #tpu.memory_space<vmem_shared>>
      tpu.enqueue_dma source(%arg11 : memref<128x64xf32, #tpu.memory_space<vmem>>) target(%dma_start3A_41 : memref<128x64xf32, #tpu.memory_space<vmem_shared>>) target_semaphore(%run_scoped3A : memref<!tpu.dma_semaphore, #tpu.memory_space<semaphore_mem>>)
      %dma_wait3A = arith.constant 0 : i32
      %dma_wait3A_42 = tpu.memref_slice %arg12[%add3A_21, %dma_wait3A] : memref<10240x64xf32, #tpu.memory_space<vmem_shared>> -> memref<128x64xf32, #tpu.memory_space<vmem_shared>>
      %dma_wait3A_43 = arith.constant 0 : i32
      %dma_wait3A_44 = tpu.memref_slice %arg12[%add3A_21, %dma_wait3A_43] : memref<10240x64xf32, #tpu.memory_space<vmem_shared>> -> memref<128x64xf32, #tpu.memory_space<vmem_shared>>
      tpu.wait_dma2 semaphore(%run_scoped3A : memref<!tpu.dma_semaphore, #tpu.memory_space<semaphore_mem>>) src(%arg11 : memref<128x64xf32, #tpu.memory_space<vmem>>) dst(%dma_wait3A_44 : memref<128x64xf32, #tpu.memory_space<vmem_shared>>)
      tpu.yield
    }) : () -> ()
    %mul3A_22 = arith.constant 640 : i32
    %mul3A_23 = arith.muli %arg1, %mul3A_22 : i32
    %add3A_24 = arith.constant 512 : i32
    %add3A_25 = arith.addi %mul3A_23, %add3A_24 : i32
    "tpu.region"() ({
      %run_scoped3A = tpu.sem_alloc : memref<!tpu.dma_semaphore, #tpu.memory_space<semaphore_mem>>
      %dma_start3A = arith.constant 0 : i32
      %dma_start3A_39 = tpu.memref_slice %arg12[%add3A_25, %dma_start3A] : memref<10240x64xf32, #tpu.memory_space<vmem_shared>> -> memref<128x64xf32, #tpu.memory_space<vmem_shared>>
      %dma_start3A_40 = arith.constant 0 : i32
      %dma_start3A_41 = tpu.memref_slice %arg12[%add3A_25, %dma_start3A_40] : memref<10240x64xf32, #tpu.memory_space<vmem_shared>> -> memref<128x64xf32, #tpu.memory_space<vmem_shared>>
      tpu.enqueue_dma source(%arg11 : memref<128x64xf32, #tpu.memory_space<vmem>>) target(%dma_start3A_41 : memref<128x64xf32, #tpu.memory_space<vmem_shared>>) target_semaphore(%run_scoped3A : memref<!tpu.dma_semaphore, #tpu.memory_space<semaphore_mem>>)
      %dma_wait3A = arith.constant 0 : i32
      %dma_wait3A_42 = tpu.memref_slice %arg12[%add3A_25, %dma_wait3A] : memref<10240x64xf32, #tpu.memory_space<vmem_shared>> -> memref<128x64xf32, #tpu.memory_space<vmem_shared>>
      %dma_wait3A_43 = arith.constant 0 : i32
      %dma_wait3A_44 = tpu.memref_slice %arg12[%add3A_25, %dma_wait3A_43] : memref<10240x64xf32, #tpu.memory_space<vmem_shared>> -> memref<128x64xf32, #tpu.memory_space<vmem_shared>>
      tpu.wait_dma2 semaphore(%run_scoped3A : memref<!tpu.dma_semaphore, #tpu.memory_space<semaphore_mem>>) src(%arg11 : memref<128x64xf32, #tpu.memory_space<vmem>>) dst(%dma_wait3A_44 : memref<128x64xf32, #tpu.memory_space<vmem_shared>>)
      tpu.yield
    }) : () -> ()
    %barrier3A = arith.constant 0 : index
    tpu.barrier barrier_id(%barrier3A)
    %mul3A_26 = arith.constant 80 : i32
    %mul3A_27 = arith.muli %add3A, %mul3A_26 : i32
    "tpu.region"() ({
      %run_scoped3A = tpu.sem_alloc : memref<!tpu.dma_semaphore, #tpu.memory_space<semaphore_mem>>
      %dma_start3A = arith.constant 0 : i32
      %dma_start3A_39 = tpu.memref_slice %arg3[%mul3A_27, %dma_start3A] : memref<2560x128xi32, #tpu.memory_space<hbm>> -> memref<80x128xi32, #tpu.memory_space<hbm>>
      %dma_start3A_40 = arith.constant 0 : i32
      %dma_start3A_41 = tpu.memref_slice %arg3[%mul3A_27, %dma_start3A_40] : memref<2560x128xi32, #tpu.memory_space<hbm>> -> memref<80x128xi32, #tpu.memory_space<hbm>>
      tpu.enqueue_dma source(%dma_start3A_41 : memref<80x128xi32, #tpu.memory_space<hbm>>) target(%arg7 : memref<80x128xi32, #tpu.memory_space<vmem>>) target_semaphore(%run_scoped3A : memref<!tpu.dma_semaphore, #tpu.memory_space<semaphore_mem>>)
      %dma_wait3A = arith.constant 0 : i32
      %dma_wait3A_42 = tpu.memref_slice %arg3[%mul3A_27, %dma_wait3A] : memref<2560x128xi32, #tpu.memory_space<hbm>> -> memref<80x128xi32, #tpu.memory_space<hbm>>
      %dma_wait3A_43 = arith.constant 0 : i32
      %dma_wait3A_44 = tpu.memref_slice %arg3[%mul3A_27, %dma_wait3A_43] : memref<2560x128xi32, #tpu.memory_space<hbm>> -> memref<80x128xi32, #tpu.memory_space<hbm>>
      tpu.wait_dma2 semaphore(%run_scoped3A : memref<!tpu.dma_semaphore, #tpu.memory_space<semaphore_mem>>) src(%dma_wait3A_44 : memref<80x128xi32, #tpu.memory_space<hbm>>) dst(%arg7 : memref<80x128xi32, #tpu.memory_space<vmem>>)
      tpu.yield
    }) : () -> ()
    "tpu.region"() ({
      %run_scoped3A = tpu.sem_alloc : memref<!tpu.dma_semaphore, #tpu.memory_space<semaphore_mem>>
      %dma_start3A = arith.constant 0 : i32
      %dma_start3A_39 = tpu.memref_slice %arg4[%mul3A_27, %dma_start3A] : memref<2560x128xi32, #tpu.memory_space<hbm>> -> memref<80x128xi32, #tpu.memory_space<hbm>>
      %dma_start3A_40 = arith.constant 0 : i32
      %dma_start3A_41 = tpu.memref_slice %arg4[%mul3A_27, %dma_start3A_40] : memref<2560x128xi32, #tpu.memory_space<hbm>> -> memref<80x128xi32, #tpu.memory_space<hbm>>
      tpu.enqueue_dma source(%dma_start3A_41 : memref<80x128xi32, #tpu.memory_space<hbm>>) target(%arg8 : memref<80x128xi32, #tpu.memory_space<vmem>>) target_semaphore(%run_scoped3A : memref<!tpu.dma_semaphore, #tpu.memory_space<semaphore_mem>>)
      %dma_wait3A = arith.constant 0 : i32
      %dma_wait3A_42 = tpu.memref_slice %arg4[%mul3A_27, %dma_wait3A] : memref<2560x128xi32, #tpu.memory_space<hbm>> -> memref<80x128xi32, #tpu.memory_space<hbm>>
      %dma_wait3A_43 = arith.constant 0 : i32
      %dma_wait3A_44 = tpu.memref_slice %arg4[%mul3A_27, %dma_wait3A_43] : memref<2560x128xi32, #tpu.memory_space<hbm>> -> memref<80x128xi32, #tpu.memory_space<hbm>>
      tpu.wait_dma2 semaphore(%run_scoped3A : memref<!tpu.dma_semaphore, #tpu.memory_space<semaphore_mem>>) src(%dma_wait3A_44 : memref<80x128xi32, #tpu.memory_space<hbm>>) dst(%arg8 : memref<80x128xi32, #tpu.memory_space<vmem>>)
      tpu.yield
    }) : () -> ()
    "tpu.region"() ({
      %run_scoped3A = tpu.sem_alloc : memref<!tpu.dma_semaphore, #tpu.memory_space<semaphore_mem>>
      %dma_start3A = arith.constant 0 : i32
      %dma_start3A_39 = tpu.memref_slice %arg5[%mul3A_27, %dma_start3A] : memref<2560x128xf32, #tpu.memory_space<hbm>> -> memref<80x128xf32, #tpu.memory_space<hbm>>
      %dma_start3A_40 = arith.constant 0 : i32
      %dma_start3A_41 = tpu.memref_slice %arg5[%mul3A_27, %dma_start3A_40] : memref<2560x128xf32, #tpu.memory_space<hbm>> -> memref<80x128xf32, #tpu.memory_space<hbm>>
      tpu.enqueue_dma source(%dma_start3A_41 : memref<80x128xf32, #tpu.memory_space<hbm>>) target(%arg9 : memref<80x128xf32, #tpu.memory_space<vmem>>) target_semaphore(%run_scoped3A : memref<!tpu.dma_semaphore, #tpu.memory_space<semaphore_mem>>)
      %dma_wait3A = arith.constant 0 : i32
      %dma_wait3A_42 = tpu.memref_slice %arg5[%mul3A_27, %dma_wait3A] : memref<2560x128xf32, #tpu.memory_space<hbm>> -> memref<80x128xf32, #tpu.memory_space<hbm>>
      %dma_wait3A_43 = arith.constant 0 : i32
      %dma_wait3A_44 = tpu.memref_slice %arg5[%mul3A_27, %dma_wait3A_43] : memref<2560x128xf32, #tpu.memory_space<hbm>> -> memref<80x128xf32, #tpu.memory_space<hbm>>
      tpu.wait_dma2 semaphore(%run_scoped3A : memref<!tpu.dma_semaphore, #tpu.memory_space<semaphore_mem>>) src(%dma_wait3A_44 : memref<80x128xf32, #tpu.memory_space<hbm>>) dst(%arg9 : memref<80x128xf32, #tpu.memory_space<vmem>>)
      tpu.yield
    }) : () -> ()
    %scan3A_28 = arith.constant 0 : i32
    %scan3A_29 = arith.constant 0 : i32
    %scan3A_30 = arith.constant 80 : i32
    %scan3A_31 = arith.addi %scan3A_29, %scan3A_30 : i32
    %scan3A_32 = arith.constant 1 : i32
    scf.for %scan3A_39 = %scan3A_29 to %scan3A_31 step %scan3A_32  : i32 {
      %dma_start3A = arith.constant 0 : i32
      %dma_start3A_40 = tpu.memref_slice %arg7[%scan3A_39, %dma_start3A] : memref<80x128xi32, #tpu.memory_space<vmem>> -> memref<1x128xi32, #tpu.memory_space<vmem>>
      %dma_start3A_41 = tpu.memref_squeeze %dma_start3A_40 : memref<1x128xi32, #tpu.memory_space<vmem>> -> memref<128xi32, #tpu.memory_space<vmem>>
      %dma_start3A_42 = arith.constant 0 : i32
      %dma_start3A_43 = arith.constant 0 : i32
      %dma_start3A_44 = tpu.memref_slice %arg2[%dma_start3A_42, %dma_start3A_43] : memref<10000x64xf32, #tpu.memory_space<hbm>> -> memref<10000x64xf32, #tpu.memory_space<hbm>>
      tpu.enqueue_indirect_dma source(%dma_start3A_44 : memref<10000x64xf32, #tpu.memory_space<hbm>>) target(%arg10 : memref<128x64xf32, #tpu.memory_space<vmem>>) offsets(%dma_start3A_41 : memref<128xi32, #tpu.memory_space<vmem>>) semaphore(%arg13 : memref<!tpu.dma_semaphore, #tpu.memory_space<semaphore_mem>>)
      %dma_wait3A = arith.constant 0 : i32
      %dma_wait3A_45 = tpu.memref_slice %arg7[%scan3A_39, %dma_wait3A] : memref<80x128xi32, #tpu.memory_space<vmem>> -> memref<1x128xi32, #tpu.memory_space<vmem>>
      %dma_wait3A_46 = tpu.memref_squeeze %dma_wait3A_45 : memref<1x128xi32, #tpu.memory_space<vmem>> -> memref<128xi32, #tpu.memory_space<vmem>>
      %dma_wait3A_47 = arith.constant 0 : i32
      %dma_wait3A_48 = arith.constant 0 : i32
      %dma_wait3A_49 = tpu.memref_slice %arg2[%dma_wait3A_47, %dma_wait3A_48] : memref<10000x64xf32, #tpu.memory_space<hbm>> -> memref<10000x64xf32, #tpu.memory_space<hbm>>
      tpu.wait_indirect_dma semaphore(%arg13 : memref<!tpu.dma_semaphore, #tpu.memory_space<semaphore_mem>>) src(%dma_wait3A_49 : memref<10000x64xf32, #tpu.memory_space<hbm>>) dst(%arg10 : memref<128x64xf32, #tpu.memory_space<vmem>>)
      %scan3A_50 = arith.constant 0 : i32
      %scan3A_51 = arith.constant 0 : i32
      %scan3A_52 = arith.constant 128 : i32
      %scan3A_53 = arith.addi %scan3A_51, %scan3A_52 : i32
      %scan3A_54 = arith.constant 1 : i32
      scf.for %scan3A_56 = %scan3A_51 to %scan3A_53 step %scan3A_54  : i32 {
        %broadcast_in_dim3A = vector.broadcast %scan3A_39 : i32 to vector<16xi32>
        %broadcast_in_dim3A_57 = vector.broadcast %scan3A_56 : i32 to vector<16xi32>
        %gather3A = tpu.vector_load_idx %arg9[%broadcast_in_dim3A, %broadcast_in_dim3A_57] : memref<80x128xf32, #tpu.memory_space<vmem>>[vector<16xi32>, vector<16xi32>], vector<16xf32>,
        %get3A = arith.index_cast %scan3A_56 : i32 to index
        %get3A_58 = arith.constant 0 : index
        %get3A_59 = tpu.vector_load %arg10[%get3A, %get3A_58] {strides = array<i32>} : memref<128x64xf32, #tpu.memory_space<vmem>>, vector<16xf32>,
        %mul3A_60 = arith.mulf %get3A_59, %gather3A : vector<16xf32>
        %swap3A = arith.index_cast %scan3A_56 : i32 to index
        %swap3A_61 = arith.constant 0 : index
        %swap3A_62 = tpu.vector_load %arg10[%swap3A, %swap3A_61] {strides = array<i32>} : memref<128x64xf32, #tpu.memory_space<vmem>>, vector<16xf32>,
        tpu.vector_store %arg10[%swap3A, %swap3A_61], %mul3A_60 {strides = array<i32>} : memref<128x64xf32, #tpu.memory_space<vmem>>, vector<16xf32>,
        %get3A_63 = arith.index_cast %scan3A_56 : i32 to index
        %get3A_64 = arith.constant 16 : index
        %get3A_65 = tpu.vector_load %arg10[%get3A_63, %get3A_64] {strides = array<i32>} : memref<128x64xf32, #tpu.memory_space<vmem>>, vector<16xf32>,
        %mul3A_66 = arith.mulf %get3A_65, %gather3A : vector<16xf32>
        %swap3A_67 = arith.index_cast %scan3A_56 : i32 to index
        %swap3A_68 = arith.constant 16 : index
        %swap3A_69 = tpu.vector_load %arg10[%swap3A_67, %swap3A_68] {strides = array<i32>} : memref<128x64xf32, #tpu.memory_space<vmem>>, vector<16xf32>,
        tpu.vector_store %arg10[%swap3A_67, %swap3A_68], %mul3A_66 {strides = array<i32>} : memref<128x64xf32, #tpu.memory_space<vmem>>, vector<16xf32>,
        %get3A_70 = arith.index_cast %scan3A_56 : i32 to index
        %get3A_71 = arith.constant 32 : index
        %get3A_72 = tpu.vector_load %arg10[%get3A_70, %get3A_71] {strides = array<i32>} : memref<128x64xf32, #tpu.memory_space<vmem>>, vector<16xf32>,
        %mul3A_73 = arith.mulf %get3A_72, %gather3A : vector<16xf32>
        %swap3A_74 = arith.index_cast %scan3A_56 : i32 to index
        %swap3A_75 = arith.constant 32 : index
        %swap3A_76 = tpu.vector_load %arg10[%swap3A_74, %swap3A_75] {strides = array<i32>} : memref<128x64xf32, #tpu.memory_space<vmem>>, vector<16xf32>,
        tpu.vector_store %arg10[%swap3A_74, %swap3A_75], %mul3A_73 {strides = array<i32>} : memref<128x64xf32, #tpu.memory_space<vmem>>, vector<16xf32>,
        %get3A_77 = arith.index_cast %scan3A_56 : i32 to index
        %get3A_78 = arith.constant 48 : index
        %get3A_79 = tpu.vector_load %arg10[%get3A_77, %get3A_78] {strides = array<i32>} : memref<128x64xf32, #tpu.memory_space<vmem>>, vector<16xf32>,
        %mul3A_80 = arith.mulf %get3A_79, %gather3A : vector<16xf32>
        %swap3A_81 = arith.index_cast %scan3A_56 : i32 to index
        %swap3A_82 = arith.constant 48 : index
        %swap3A_83 = tpu.vector_load %arg10[%swap3A_81, %swap3A_82] {strides = array<i32>} : memref<128x64xf32, #tpu.memory_space<vmem>>, vector<16xf32>,
        tpu.vector_store %arg10[%swap3A_81, %swap3A_82], %mul3A_80 {strides = array<i32>} : memref<128x64xf32, #tpu.memory_space<vmem>>, vector<16xf32>,
      }
      %scan3A_55 = arith.constant 128 : i32
      "tpu.region"() ({
        %run_scoped3A = tpu.sem_alloc : memref<!tpu.dma_semaphore, #tpu.memory_space<semaphore_mem>>
        %dma_start3A_56 = arith.constant 0 : i32
        %dma_start3A_57 = tpu.memref_slice %arg8[%scan3A_39, %dma_start3A_56] : memref<80x128xi32, #tpu.memory_space<vmem>> -> memref<1x128xi32, #tpu.memory_space<vmem>>
        %dma_start3A_58 = tpu.memref_squeeze %dma_start3A_57 : memref<1x128xi32, #tpu.memory_space<vmem>> -> memref<128xi32, #tpu.memory_space<vmem>>
        %dma_start3A_59 = arith.constant 0 : i32
        %dma_start3A_60 = arith.constant 0 : i32
        %dma_start3A_61 = tpu.memref_slice %arg12[%dma_start3A_59, %dma_start3A_60] : memref<10240x64xf32, #tpu.memory_space<vmem_shared>> -> memref<10240x64xf32, #tpu.memory_space<vmem_shared>>
        tpu.enqueue_indirect_dma source(%arg10 : memref<128x64xf32, #tpu.memory_space<vmem>>) target(%dma_start3A_61 : memref<10240x64xf32, #tpu.memory_space<vmem_shared>>) offsets(%dma_start3A_58 : memref<128xi32, #tpu.memory_space<vmem>>) semaphore(%run_scoped3A : memref<!tpu.dma_semaphore, #tpu.memory_space<semaphore_mem>>) {add = true}
        %dma_wait3A_62 = arith.constant 0 : i32
        %dma_wait3A_63 = tpu.memref_slice %arg8[%scan3A_39, %dma_wait3A_62] : memref<80x128xi32, #tpu.memory_space<vmem>> -> memref<1x128xi32, #tpu.memory_space<vmem>>
        %dma_wait3A_64 = tpu.memref_squeeze %dma_wait3A_63 : memref<1x128xi32, #tpu.memory_space<vmem>> -> memref<128xi32, #tpu.memory_space<vmem>>
        %dma_wait3A_65 = arith.constant 0 : i32
        %dma_wait3A_66 = arith.constant 0 : i32
        %dma_wait3A_67 = tpu.memref_slice %arg12[%dma_wait3A_65, %dma_wait3A_66] : memref<10240x64xf32, #tpu.memory_space<vmem_shared>> -> memref<10240x64xf32, #tpu.memory_space<vmem_shared>>
        tpu.wait_indirect_dma semaphore(%run_scoped3A : memref<!tpu.dma_semaphore, #tpu.memory_space<semaphore_mem>>) src(%arg10 : memref<128x64xf32, #tpu.memory_space<vmem>>) dst(%dma_wait3A_67 : memref<10240x64xf32, #tpu.memory_space<vmem_shared>>)
        tpu.yield
      }) : () -> ()
    }
    %scan3A_33 = arith.constant 80 : i32
    %barrier3A_34 = arith.constant 0 : index
    tpu.barrier barrier_id(%barrier3A_34)
    %mul3A_35 = arith.constant 640 : i32
    %mul3A_36 = arith.muli %arg1, %mul3A_35 : i32
    %mul3A_37 = arith.constant 640 : i32
    %mul3A_38 = arith.muli %arg1, %mul3A_37 : i32
    "tpu.region"() ({
      %run_scoped3A = tpu.sem_alloc : memref<!tpu.dma_semaphore, #tpu.memory_space<semaphore_mem>>
      %dma_start3A = arith.constant 0 : i32
      %dma_start3A_39 = tpu.memref_slice %arg6[%arg0, %mul3A_38, %dma_start3A] : memref<2x10240x64xf32, #tpu.memory_space<hbm>> -> memref<1x640x64xf32, #tpu.memory_space<hbm>>
      %dma_start3A_40 = tpu.memref_squeeze %dma_start3A_39 : memref<1x640x64xf32, #tpu.memory_space<hbm>> -> memref<640x64xf32, #tpu.memory_space<hbm>>
      %dma_start3A_41 = arith.constant 0 : i32
      %dma_start3A_42 = tpu.memref_slice %arg12[%mul3A_36, %dma_start3A_41] : memref<10240x64xf32, #tpu.memory_space<vmem_shared>> -> memref<640x64xf32, #tpu.memory_space<vmem_shared>>
      tpu.enqueue_dma source(%dma_start3A_42 : memref<640x64xf32, #tpu.memory_space<vmem_shared>>) target(%dma_start3A_40 : memref<640x64xf32, #tpu.memory_space<hbm>>) target_semaphore(%run_scoped3A : memref<!tpu.dma_semaphore, #tpu.memory_space<semaphore_mem>>)
      %dma_wait3A = arith.constant 0 : i32
      %dma_wait3A_43 = tpu.memref_slice %arg6[%arg0, %mul3A_38, %dma_wait3A] : memref<2x10240x64xf32, #tpu.memory_space<hbm>> -> memref<1x640x64xf32, #tpu.memory_space<hbm>>
      %dma_wait3A_44 = tpu.memref_squeeze %dma_wait3A_43 : memref<1x640x64xf32, #tpu.memory_space<hbm>> -> memref<640x64xf32, #tpu.memory_space<hbm>>
      %dma_wait3A_45 = arith.constant 0 : i32
      %dma_wait3A_46 = tpu.memref_slice %arg12[%mul3A_36, %dma_wait3A_45] : memref<10240x64xf32, #tpu.memory_space<vmem_shared>> -> memref<640x64xf32, #tpu.memory_space<vmem_shared>>
      tpu.wait_dma2 semaphore(%run_scoped3A : memref<!tpu.dma_semaphore, #tpu.memory_space<semaphore_mem>>) src(%dma_wait3A_46 : memref<640x64xf32, #tpu.memory_space<vmem_shared>>) dst(%dma_wait3A_44 : memref<640x64xf32, #tpu.memory_space<hbm>>)
      tpu.yield
    }) : () -> ()
    return
  }
}

#map = affine_map<(d0, d1) -> (0, 0)>
#map1 = affine_map<(d0, d1) -> (0, 0, 0)>
module attributes {stable_mosaic.version = 14 : i64} {
  func.func @_pass(%arg0: i32, %arg1: i32, %arg2: memref<10000x64xf32, #tpu.memory_space<hbm>>, %arg3: memref<2560x128xi32, #tpu.memory_space<hbm>>, %arg4: memref<2560x128xi32, #tpu.memory_space<hbm>>, %arg5: memref<2560x128xf32, #tpu.memory_space<hbm>>, %arg6: memref<2x10240x64xf32, #tpu.memory_space<hbm>>, %arg7: memref<80x128xi32, #tpu.memory_space<vmem>>, %arg8: memref<80x128xi32, #tpu.memory_space<vmem>>, %arg9: memref<80x128xf32, #tpu.memory_space<vmem>>, %arg10: memref<128x64xf32, #tpu.memory_space<vmem>>, %arg11: memref<128x64xf32, #tpu.memory_space<vmem>>, %arg12: memref<10240x64xf32, #tpu.memory_space<vmem_shared>>, %arg13: memref<!tpu.dma_semaphore, #tpu.memory_space<semaphore_mem>>) attributes {dimension_semantics = [#tpu.dimension_semantics<core_parallel>, #tpu.dimension_semantics<subcore_parallel>], iteration_bounds = array<i64: 2, 16>, scalar_prefetch = 0 : i64, scratch_operands = 7 : i64, tpu.core_type = #tpu.core_type<sc_vector_subcore>, window_params = [{transform_indices = #map}, {transform_indices = #map}, {transform_indices = #map}, {transform_indices = #map}, {transform_indices = #map1}]} {
    %mul3A = arith.constant 16 : i32
    %mul3A_0 = arith.muli %arg0, %mul3A : i32
    %add3A = arith.addi %mul3A_0, %arg1 : i32
    %scan3A = arith.constant 0 : i32
    %scan3A_1 = arith.constant 0 : i32
    %scan3A_2 = arith.constant 128 : i32
    %scan3A_3 = arith.addi %scan3A_1, %scan3A_2 : i32
    %scan3A_4 = arith.constant 1 : i32
    scf.for %scan3A_39 = %scan3A_1 to %scan3A_3 step %scan3A_4  : i32 {
      %broadcast_in_dim3A = arith.constant 0.000000e+00 : f32
      %broadcast_in_dim3A_40 = vector.broadcast %broadcast_in_dim3A : f32 to vector<16xf32>
      %swap3A = arith.index_cast %scan3A_39 : i32 to index
      %swap3A_41 = arith.constant 0 : index
      %swap3A_42 = tpu.vector_load %arg11[%swap3A, %swap3A_41] {strides = array<i32>} : memref<128x64xf32, #tpu.memory_space<vmem>>, vector<16xf32>,
      tpu.vector_store %arg11[%swap3A, %swap3A_41], %broadcast_in_dim3A_40 {strides = array<i32>} : memref<128x64xf32, #tpu.memory_space<vmem>>, vector<16xf32>,
      %broadcast_in_dim3A_43 = arith.constant 0.000000e+00 : f32
      %broadcast_in_dim3A_44 = vector.broadcast %broadcast_in_dim3A_43 : f32 to vector<16xf32>
      %swap3A_45 = arith.index_cast %scan3A_39 : i32 to index
      %swap3A_46 = arith.constant 16 : index
      %swap3A_47 = tpu.vector_load %arg11[%swap3A_45, %swap3A_46] {strides = array<i32>} : memref<128x64xf32, #tpu.memory_space<vmem>>, vector<16xf32>,
      tpu.vector_store %arg11[%swap3A_45, %swap3A_46], %broadcast_in_dim3A_44 {strides = array<i32>} : memref<128x64xf32, #tpu.memory_space<vmem>>, vector<16xf32>,
      %broadcast_in_dim3A_48 = arith.constant 0.000000e+00 : f32
      %broadcast_in_dim3A_49 = vector.broadcast %broadcast_in_dim3A_48 : f32 to vector<16xf32>
      %swap3A_50 = arith.index_cast %scan3A_39 : i32 to index
      %swap3A_51 = arith.constant 32 : index
      %swap3A_52 = tpu.vector_load %arg11[%swap3A_50, %swap3A_51] {strides = array<i32>} : memref<128x64xf32, #tpu.memory_space<vmem>>, vector<16xf32>,
      tpu.vector_store %arg11[%swap3A_50, %swap3A_51], %broadcast_in_dim3A_49 {strides = array<i32>} : memref<128x64xf32, #tpu.memory_space<vmem>>, vector<16xf32>,
      %broadcast_in_dim3A_53 = arith.constant 0.000000e+00 : f32
      %broadcast_in_dim3A_54 = vector.broadcast %broadcast_in_dim3A_53 : f32 to vector<16xf32>
      %swap3A_55 = arith.index_cast %scan3A_39 : i32 to index
      %swap3A_56 = arith.constant 48 : index
      %swap3A_57 = tpu.vector_load %arg11[%swap3A_55, %swap3A_56] {strides = array<i32>} : memref<128x64xf32, #tpu.memory_space<vmem>>, vector<16xf32>,
      tpu.vector_store %arg11[%swap3A_55, %swap3A_56], %broadcast_in_dim3A_54 {strides = array<i32>} : memref<128x64xf32, #tpu.memory_space<vmem>>, vector<16xf32>,
    }
    %scan3A_5 = arith.constant 128 : i32
    %mul3A_6 = arith.constant 640 : i32
    %mul3A_7 = arith.muli %arg1, %mul3A_6 : i32
    %add3A_8 = arith.constant 0 : i32
    %add3A_9 = arith.addi %mul3A_7, %add3A_8 : i32
    "tpu.region"() ({
      %run_scoped3A = tpu.sem_alloc : memref<!tpu.dma_semaphore, #tpu.memory_space<semaphore_mem>>
      %dma_start3A = arith.constant 0 : i32
      %dma_start3A_39 = tpu.memref_slice %arg12[%add3A_9, %dma_start3A] : memref<10240x64xf32, #tpu.memory_space<vmem_shared>> -> memref<128x64xf32, #tpu.memory_space<vmem_shared>>
      %dma_start3A_40 = arith.constant 0 : i32
      %dma_start3A_41 = tpu.memref_slice %arg12[%add3A_9, %dma_start3A_40] : memref<10240x64xf32, #tpu.memory_space<vmem_shared>> -> memref<128x64xf32, #tpu.memory_space<vmem_shared>>
      tpu.enqueue_dma source(%arg11 : memref<128x64xf32, #tpu.memory_space<vmem>>) target(%dma_start3A_41 : memref<128x64xf32, #tpu.memory_space<vmem_shared>>) target_semaphore(%run_scoped3A : memref<!tpu.dma_semaphore, #tpu.memory_space<semaphore_mem>>)
      %dma_wait3A = arith.constant 0 : i32
      %dma_wait3A_42 = tpu.memref_slice %arg12[%add3A_9, %dma_wait3A] : memref<10240x64xf32, #tpu.memory_space<vmem_shared>> -> memref<128x64xf32, #tpu.memory_space<vmem_shared>>
      %dma_wait3A_43 = arith.constant 0 : i32
      %dma_wait3A_44 = tpu.memref_slice %arg12[%add3A_9, %dma_wait3A_43] : memref<10240x64xf32, #tpu.memory_space<vmem_shared>> -> memref<128x64xf32, #tpu.memory_space<vmem_shared>>
      tpu.wait_dma2 semaphore(%run_scoped3A : memref<!tpu.dma_semaphore, #tpu.memory_space<semaphore_mem>>) src(%arg11 : memref<128x64xf32, #tpu.memory_space<vmem>>) dst(%dma_wait3A_44 : memref<128x64xf32, #tpu.memory_space<vmem_shared>>)
      tpu.yield
    }) : () -> ()
    %mul3A_10 = arith.constant 640 : i32
    %mul3A_11 = arith.muli %arg1, %mul3A_10 : i32
    %add3A_12 = arith.constant 128 : i32
    %add3A_13 = arith.addi %mul3A_11, %add3A_12 : i32
    "tpu.region"() ({
      %run_scoped3A = tpu.sem_alloc : memref<!tpu.dma_semaphore, #tpu.memory_space<semaphore_mem>>
      %dma_start3A = arith.constant 0 : i32
      %dma_start3A_39 = tpu.memref_slice %arg12[%add3A_13, %dma_start3A] : memref<10240x64xf32, #tpu.memory_space<vmem_shared>> -> memref<128x64xf32, #tpu.memory_space<vmem_shared>>
      %dma_start3A_40 = arith.constant 0 : i32
      %dma_start3A_41 = tpu.memref_slice %arg12[%add3A_13, %dma_start3A_40] : memref<10240x64xf32, #tpu.memory_space<vmem_shared>> -> memref<128x64xf32, #tpu.memory_space<vmem_shared>>
      tpu.enqueue_dma source(%arg11 : memref<128x64xf32, #tpu.memory_space<vmem>>) target(%dma_start3A_41 : memref<128x64xf32, #tpu.memory_space<vmem_shared>>) target_semaphore(%run_scoped3A : memref<!tpu.dma_semaphore, #tpu.memory_space<semaphore_mem>>)
      %dma_wait3A = arith.constant 0 : i32
      %dma_wait3A_42 = tpu.memref_slice %arg12[%add3A_13, %dma_wait3A] : memref<10240x64xf32, #tpu.memory_space<vmem_shared>> -> memref<128x64xf32, #tpu.memory_space<vmem_shared>>
      %dma_wait3A_43 = arith.constant 0 : i32
      %dma_wait3A_44 = tpu.memref_slice %arg12[%add3A_13, %dma_wait3A_43] : memref<10240x64xf32, #tpu.memory_space<vmem_shared>> -> memref<128x64xf32, #tpu.memory_space<vmem_shared>>
      tpu.wait_dma2 semaphore(%run_scoped3A : memref<!tpu.dma_semaphore, #tpu.memory_space<semaphore_mem>>) src(%arg11 : memref<128x64xf32, #tpu.memory_space<vmem>>) dst(%dma_wait3A_44 : memref<128x64xf32, #tpu.memory_space<vmem_shared>>)
      tpu.yield
    }) : () -> ()
    %mul3A_14 = arith.constant 640 : i32
    %mul3A_15 = arith.muli %arg1, %mul3A_14 : i32
    %add3A_16 = arith.constant 256 : i32
    %add3A_17 = arith.addi %mul3A_15, %add3A_16 : i32
    "tpu.region"() ({
      %run_scoped3A = tpu.sem_alloc : memref<!tpu.dma_semaphore, #tpu.memory_space<semaphore_mem>>
      %dma_start3A = arith.constant 0 : i32
      %dma_start3A_39 = tpu.memref_slice %arg12[%add3A_17, %dma_start3A] : memref<10240x64xf32, #tpu.memory_space<vmem_shared>> -> memref<128x64xf32, #tpu.memory_space<vmem_shared>>
      %dma_start3A_40 = arith.constant 0 : i32
      %dma_start3A_41 = tpu.memref_slice %arg12[%add3A_17, %dma_start3A_40] : memref<10240x64xf32, #tpu.memory_space<vmem_shared>> -> memref<128x64xf32, #tpu.memory_space<vmem_shared>>
      tpu.enqueue_dma source(%arg11 : memref<128x64xf32, #tpu.memory_space<vmem>>) target(%dma_start3A_41 : memref<128x64xf32, #tpu.memory_space<vmem_shared>>) target_semaphore(%run_scoped3A : memref<!tpu.dma_semaphore, #tpu.memory_space<semaphore_mem>>)
      %dma_wait3A = arith.constant 0 : i32
      %dma_wait3A_42 = tpu.memref_slice %arg12[%add3A_17, %dma_wait3A] : memref<10240x64xf32, #tpu.memory_space<vmem_shared>> -> memref<128x64xf32, #tpu.memory_space<vmem_shared>>
      %dma_wait3A_43 = arith.constant 0 : i32
      %dma_wait3A_44 = tpu.memref_slice %arg12[%add3A_17, %dma_wait3A_43] : memref<10240x64xf32, #tpu.memory_space<vmem_shared>> -> memref<128x64xf32, #tpu.memory_space<vmem_shared>>
      tpu.wait_dma2 semaphore(%run_scoped3A : memref<!tpu.dma_semaphore, #tpu.memory_space<semaphore_mem>>) src(%arg11 : memref<128x64xf32, #tpu.memory_space<vmem>>) dst(%dma_wait3A_44 : memref<128x64xf32, #tpu.memory_space<vmem_shared>>)
      tpu.yield
    }) : () -> ()
    %mul3A_18 = arith.constant 640 : i32
    %mul3A_19 = arith.muli %arg1, %mul3A_18 : i32
    %add3A_20 = arith.constant 384 : i32
    %add3A_21 = arith.addi %mul3A_19, %add3A_20 : i32
    "tpu.region"() ({
      %run_scoped3A = tpu.sem_alloc : memref<!tpu.dma_semaphore, #tpu.memory_space<semaphore_mem>>
      %dma_start3A = arith.constant 0 : i32
      %dma_start3A_39 = tpu.memref_slice %arg12[%add3A_21, %dma_start3A] : memref<10240x64xf32, #tpu.memory_space<vmem_shared>> -> memref<128x64xf32, #tpu.memory_space<vmem_shared>>
      %dma_start3A_40 = arith.constant 0 : i32
      %dma_start3A_41 = tpu.memref_slice %arg12[%add3A_21, %dma_start3A_40] : memref<10240x64xf32, #tpu.memory_space<vmem_shared>> -> memref<128x64xf32, #tpu.memory_space<vmem_shared>>
      tpu.enqueue_dma source(%arg11 : memref<128x64xf32, #tpu.memory_space<vmem>>) target(%dma_start3A_41 : memref<128x64xf32, #tpu.memory_space<vmem_shared>>) target_semaphore(%run_scoped3A : memref<!tpu.dma_semaphore, #tpu.memory_space<semaphore_mem>>)
      %dma_wait3A = arith.constant 0 : i32
      %dma_wait3A_42 = tpu.memref_slice %arg12[%add3A_21, %dma_wait3A] : memref<10240x64xf32, #tpu.memory_space<vmem_shared>> -> memref<128x64xf32, #tpu.memory_space<vmem_shared>>
      %dma_wait3A_43 = arith.constant 0 : i32
      %dma_wait3A_44 = tpu.memref_slice %arg12[%add3A_21, %dma_wait3A_43] : memref<10240x64xf32, #tpu.memory_space<vmem_shared>> -> memref<128x64xf32, #tpu.memory_space<vmem_shared>>
      tpu.wait_dma2 semaphore(%run_scoped3A : memref<!tpu.dma_semaphore, #tpu.memory_space<semaphore_mem>>) src(%arg11 : memref<128x64xf32, #tpu.memory_space<vmem>>) dst(%dma_wait3A_44 : memref<128x64xf32, #tpu.memory_space<vmem_shared>>)
      tpu.yield
    }) : () -> ()
    %mul3A_22 = arith.constant 640 : i32
    %mul3A_23 = arith.muli %arg1, %mul3A_22 : i32
    %add3A_24 = arith.constant 512 : i32
    %add3A_25 = arith.addi %mul3A_23, %add3A_24 : i32
    "tpu.region"() ({
      %run_scoped3A = tpu.sem_alloc : memref<!tpu.dma_semaphore, #tpu.memory_space<semaphore_mem>>
      %dma_start3A = arith.constant 0 : i32
      %dma_start3A_39 = tpu.memref_slice %arg12[%add3A_25, %dma_start3A] : memref<10240x64xf32, #tpu.memory_space<vmem_shared>> -> memref<128x64xf32, #tpu.memory_space<vmem_shared>>
      %dma_start3A_40 = arith.constant 0 : i32
      %dma_start3A_41 = tpu.memref_slice %arg12[%add3A_25, %dma_start3A_40] : memref<10240x64xf32, #tpu.memory_space<vmem_shared>> -> memref<128x64xf32, #tpu.memory_space<vmem_shared>>
      tpu.enqueue_dma source(%arg11 : memref<128x64xf32, #tpu.memory_space<vmem>>) target(%dma_start3A_41 : memref<128x64xf32, #tpu.memory_space<vmem_shared>>) target_semaphore(%run_scoped3A : memref<!tpu.dma_semaphore, #tpu.memory_space<semaphore_mem>>)
      %dma_wait3A = arith.constant 0 : i32
      %dma_wait3A_42 = tpu.memref_slice %arg12[%add3A_25, %dma_wait3A] : memref<10240x64xf32, #tpu.memory_space<vmem_shared>> -> memref<128x64xf32, #tpu.memory_space<vmem_shared>>
      %dma_wait3A_43 = arith.constant 0 : i32
      %dma_wait3A_44 = tpu.memref_slice %arg12[%add3A_25, %dma_wait3A_43] : memref<10240x64xf32, #tpu.memory_space<vmem_shared>> -> memref<128x64xf32, #tpu.memory_space<vmem_shared>>
      tpu.wait_dma2 semaphore(%run_scoped3A : memref<!tpu.dma_semaphore, #tpu.memory_space<semaphore_mem>>) src(%arg11 : memref<128x64xf32, #tpu.memory_space<vmem>>) dst(%dma_wait3A_44 : memref<128x64xf32, #tpu.memory_space<vmem_shared>>)
      tpu.yield
    }) : () -> ()
    %barrier3A = arith.constant 0 : index
    tpu.barrier barrier_id(%barrier3A)
    %mul3A_26 = arith.constant 80 : i32
    %mul3A_27 = arith.muli %add3A, %mul3A_26 : i32
    "tpu.region"() ({
      %run_scoped3A = tpu.sem_alloc : memref<!tpu.dma_semaphore, #tpu.memory_space<semaphore_mem>>
      %dma_start3A = arith.constant 0 : i32
      %dma_start3A_39 = tpu.memref_slice %arg3[%mul3A_27, %dma_start3A] : memref<2560x128xi32, #tpu.memory_space<hbm>> -> memref<80x128xi32, #tpu.memory_space<hbm>>
      %dma_start3A_40 = arith.constant 0 : i32
      %dma_start3A_41 = tpu.memref_slice %arg3[%mul3A_27, %dma_start3A_40] : memref<2560x128xi32, #tpu.memory_space<hbm>> -> memref<80x128xi32, #tpu.memory_space<hbm>>
      tpu.enqueue_dma source(%dma_start3A_41 : memref<80x128xi32, #tpu.memory_space<hbm>>) target(%arg7 : memref<80x128xi32, #tpu.memory_space<vmem>>) target_semaphore(%run_scoped3A : memref<!tpu.dma_semaphore, #tpu.memory_space<semaphore_mem>>)
      %dma_wait3A = arith.constant 0 : i32
      %dma_wait3A_42 = tpu.memref_slice %arg3[%mul3A_27, %dma_wait3A] : memref<2560x128xi32, #tpu.memory_space<hbm>> -> memref<80x128xi32, #tpu.memory_space<hbm>>
      %dma_wait3A_43 = arith.constant 0 : i32
      %dma_wait3A_44 = tpu.memref_slice %arg3[%mul3A_27, %dma_wait3A_43] : memref<2560x128xi32, #tpu.memory_space<hbm>> -> memref<80x128xi32, #tpu.memory_space<hbm>>
      tpu.wait_dma2 semaphore(%run_scoped3A : memref<!tpu.dma_semaphore, #tpu.memory_space<semaphore_mem>>) src(%dma_wait3A_44 : memref<80x128xi32, #tpu.memory_space<hbm>>) dst(%arg7 : memref<80x128xi32, #tpu.memory_space<vmem>>)
      tpu.yield
    }) : () -> ()
    "tpu.region"() ({
      %run_scoped3A = tpu.sem_alloc : memref<!tpu.dma_semaphore, #tpu.memory_space<semaphore_mem>>
      %dma_start3A = arith.constant 0 : i32
      %dma_start3A_39 = tpu.memref_slice %arg4[%mul3A_27, %dma_start3A] : memref<2560x128xi32, #tpu.memory_space<hbm>> -> memref<80x128xi32, #tpu.memory_space<hbm>>
      %dma_start3A_40 = arith.constant 0 : i32
      %dma_start3A_41 = tpu.memref_slice %arg4[%mul3A_27, %dma_start3A_40] : memref<2560x128xi32, #tpu.memory_space<hbm>> -> memref<80x128xi32, #tpu.memory_space<hbm>>
      tpu.enqueue_dma source(%dma_start3A_41 : memref<80x128xi32, #tpu.memory_space<hbm>>) target(%arg8 : memref<80x128xi32, #tpu.memory_space<vmem>>) target_semaphore(%run_scoped3A : memref<!tpu.dma_semaphore, #tpu.memory_space<semaphore_mem>>)
      %dma_wait3A = arith.constant 0 : i32
      %dma_wait3A_42 = tpu.memref_slice %arg4[%mul3A_27, %dma_wait3A] : memref<2560x128xi32, #tpu.memory_space<hbm>> -> memref<80x128xi32, #tpu.memory_space<hbm>>
      %dma_wait3A_43 = arith.constant 0 : i32
      %dma_wait3A_44 = tpu.memref_slice %arg4[%mul3A_27, %dma_wait3A_43] : memref<2560x128xi32, #tpu.memory_space<hbm>> -> memref<80x128xi32, #tpu.memory_space<hbm>>
      tpu.wait_dma2 semaphore(%run_scoped3A : memref<!tpu.dma_semaphore, #tpu.memory_space<semaphore_mem>>) src(%dma_wait3A_44 : memref<80x128xi32, #tpu.memory_space<hbm>>) dst(%arg8 : memref<80x128xi32, #tpu.memory_space<vmem>>)
      tpu.yield
    }) : () -> ()
    "tpu.region"() ({
      %run_scoped3A = tpu.sem_alloc : memref<!tpu.dma_semaphore, #tpu.memory_space<semaphore_mem>>
      %dma_start3A = arith.constant 0 : i32
      %dma_start3A_39 = tpu.memref_slice %arg5[%mul3A_27, %dma_start3A] : memref<2560x128xf32, #tpu.memory_space<hbm>> -> memref<80x128xf32, #tpu.memory_space<hbm>>
      %dma_start3A_40 = arith.constant 0 : i32
      %dma_start3A_41 = tpu.memref_slice %arg5[%mul3A_27, %dma_start3A_40] : memref<2560x128xf32, #tpu.memory_space<hbm>> -> memref<80x128xf32, #tpu.memory_space<hbm>>
      tpu.enqueue_dma source(%dma_start3A_41 : memref<80x128xf32, #tpu.memory_space<hbm>>) target(%arg9 : memref<80x128xf32, #tpu.memory_space<vmem>>) target_semaphore(%run_scoped3A : memref<!tpu.dma_semaphore, #tpu.memory_space<semaphore_mem>>)
      %dma_wait3A = arith.constant 0 : i32
      %dma_wait3A_42 = tpu.memref_slice %arg5[%mul3A_27, %dma_wait3A] : memref<2560x128xf32, #tpu.memory_space<hbm>> -> memref<80x128xf32, #tpu.memory_space<hbm>>
      %dma_wait3A_43 = arith.constant 0 : i32
      %dma_wait3A_44 = tpu.memref_slice %arg5[%mul3A_27, %dma_wait3A_43] : memref<2560x128xf32, #tpu.memory_space<hbm>> -> memref<80x128xf32, #tpu.memory_space<hbm>>
      tpu.wait_dma2 semaphore(%run_scoped3A : memref<!tpu.dma_semaphore, #tpu.memory_space<semaphore_mem>>) src(%dma_wait3A_44 : memref<80x128xf32, #tpu.memory_space<hbm>>) dst(%arg9 : memref<80x128xf32, #tpu.memory_space<vmem>>)
      tpu.yield
    }) : () -> ()
    %scan3A_28 = arith.constant 0 : i32
    %scan3A_29 = arith.constant 0 : i32
    %scan3A_30 = arith.constant 80 : i32
    %scan3A_31 = arith.addi %scan3A_29, %scan3A_30 : i32
    %scan3A_32 = arith.constant 1 : i32
    scf.for %scan3A_39 = %scan3A_29 to %scan3A_31 step %scan3A_32  : i32 {
      %dma_start3A = arith.constant 0 : i32
      %dma_start3A_40 = tpu.memref_slice %arg7[%scan3A_39, %dma_start3A] : memref<80x128xi32, #tpu.memory_space<vmem>> -> memref<1x128xi32, #tpu.memory_space<vmem>>
      %dma_start3A_41 = tpu.memref_squeeze %dma_start3A_40 : memref<1x128xi32, #tpu.memory_space<vmem>> -> memref<128xi32, #tpu.memory_space<vmem>>
      %dma_start3A_42 = arith.constant 0 : i32
      %dma_start3A_43 = arith.constant 0 : i32
      %dma_start3A_44 = tpu.memref_slice %arg2[%dma_start3A_42, %dma_start3A_43] : memref<10000x64xf32, #tpu.memory_space<hbm>> -> memref<10000x64xf32, #tpu.memory_space<hbm>>
      tpu.enqueue_indirect_dma source(%dma_start3A_44 : memref<10000x64xf32, #tpu.memory_space<hbm>>) target(%arg10 : memref<128x64xf32, #tpu.memory_space<vmem>>) offsets(%dma_start3A_41 : memref<128xi32, #tpu.memory_space<vmem>>) semaphore(%arg13 : memref<!tpu.dma_semaphore, #tpu.memory_space<semaphore_mem>>)
      %dma_wait3A = arith.constant 0 : i32
      %dma_wait3A_45 = tpu.memref_slice %arg7[%scan3A_39, %dma_wait3A] : memref<80x128xi32, #tpu.memory_space<vmem>> -> memref<1x128xi32, #tpu.memory_space<vmem>>
      %dma_wait3A_46 = tpu.memref_squeeze %dma_wait3A_45 : memref<1x128xi32, #tpu.memory_space<vmem>> -> memref<128xi32, #tpu.memory_space<vmem>>
      %dma_wait3A_47 = arith.constant 0 : i32
      %dma_wait3A_48 = arith.constant 0 : i32
      %dma_wait3A_49 = tpu.memref_slice %arg2[%dma_wait3A_47, %dma_wait3A_48] : memref<10000x64xf32, #tpu.memory_space<hbm>> -> memref<10000x64xf32, #tpu.memory_space<hbm>>
      tpu.wait_indirect_dma semaphore(%arg13 : memref<!tpu.dma_semaphore, #tpu.memory_space<semaphore_mem>>) src(%dma_wait3A_49 : memref<10000x64xf32, #tpu.memory_space<hbm>>) dst(%arg10 : memref<128x64xf32, #tpu.memory_space<vmem>>)
      %scan3A_50 = arith.constant 0 : i32
      %scan3A_51 = arith.constant 0 : i32
      %scan3A_52 = arith.constant 128 : i32
      %scan3A_53 = arith.addi %scan3A_51, %scan3A_52 : i32
      %scan3A_54 = arith.constant 1 : i32
      scf.for %scan3A_56 = %scan3A_51 to %scan3A_53 step %scan3A_54  : i32 {
        %broadcast_in_dim3A = vector.broadcast %scan3A_39 : i32 to vector<16xi32>
        %broadcast_in_dim3A_57 = vector.broadcast %scan3A_56 : i32 to vector<16xi32>
        %gather3A = tpu.vector_load_idx %arg9[%broadcast_in_dim3A, %broadcast_in_dim3A_57] : memref<80x128xf32, #tpu.memory_space<vmem>>[vector<16xi32>, vector<16xi32>], vector<16xf32>,
        %get3A = arith.index_cast %scan3A_56 : i32 to index
        %get3A_58 = arith.constant 0 : index
        %get3A_59 = tpu.vector_load %arg10[%get3A, %get3A_58] {strides = array<i32>} : memref<128x64xf32, #tpu.memory_space<vmem>>, vector<16xf32>,
        %mul3A_60 = arith.mulf %get3A_59, %gather3A : vector<16xf32>
        %swap3A = arith.index_cast %scan3A_56 : i32 to index
        %swap3A_61 = arith.constant 0 : index
        %swap3A_62 = tpu.vector_load %arg10[%swap3A, %swap3A_61] {strides = array<i32>} : memref<128x64xf32, #tpu.memory_space<vmem>>, vector<16xf32>,
        tpu.vector_store %arg10[%swap3A, %swap3A_61], %mul3A_60 {strides = array<i32>} : memref<128x64xf32, #tpu.memory_space<vmem>>, vector<16xf32>,
        %get3A_63 = arith.index_cast %scan3A_56 : i32 to index
        %get3A_64 = arith.constant 16 : index
        %get3A_65 = tpu.vector_load %arg10[%get3A_63, %get3A_64] {strides = array<i32>} : memref<128x64xf32, #tpu.memory_space<vmem>>, vector<16xf32>,
        %mul3A_66 = arith.mulf %get3A_65, %gather3A : vector<16xf32>
        %swap3A_67 = arith.index_cast %scan3A_56 : i32 to index
        %swap3A_68 = arith.constant 16 : index
        %swap3A_69 = tpu.vector_load %arg10[%swap3A_67, %swap3A_68] {strides = array<i32>} : memref<128x64xf32, #tpu.memory_space<vmem>>, vector<16xf32>,
        tpu.vector_store %arg10[%swap3A_67, %swap3A_68], %mul3A_66 {strides = array<i32>} : memref<128x64xf32, #tpu.memory_space<vmem>>, vector<16xf32>,
        %get3A_70 = arith.index_cast %scan3A_56 : i32 to index
        %get3A_71 = arith.constant 32 : index
        %get3A_72 = tpu.vector_load %arg10[%get3A_70, %get3A_71] {strides = array<i32>} : memref<128x64xf32, #tpu.memory_space<vmem>>, vector<16xf32>,
        %mul3A_73 = arith.mulf %get3A_72, %gather3A : vector<16xf32>
        %swap3A_74 = arith.index_cast %scan3A_56 : i32 to index
        %swap3A_75 = arith.constant 32 : index
        %swap3A_76 = tpu.vector_load %arg10[%swap3A_74, %swap3A_75] {strides = array<i32>} : memref<128x64xf32, #tpu.memory_space<vmem>>, vector<16xf32>,
        tpu.vector_store %arg10[%swap3A_74, %swap3A_75], %mul3A_73 {strides = array<i32>} : memref<128x64xf32, #tpu.memory_space<vmem>>, vector<16xf32>,
        %get3A_77 = arith.index_cast %scan3A_56 : i32 to index
        %get3A_78 = arith.constant 48 : index
        %get3A_79 = tpu.vector_load %arg10[%get3A_77, %get3A_78] {strides = array<i32>} : memref<128x64xf32, #tpu.memory_space<vmem>>, vector<16xf32>,
        %mul3A_80 = arith.mulf %get3A_79, %gather3A : vector<16xf32>
        %swap3A_81 = arith.index_cast %scan3A_56 : i32 to index
        %swap3A_82 = arith.constant 48 : index
        %swap3A_83 = tpu.vector_load %arg10[%swap3A_81, %swap3A_82] {strides = array<i32>} : memref<128x64xf32, #tpu.memory_space<vmem>>, vector<16xf32>,
        tpu.vector_store %arg10[%swap3A_81, %swap3A_82], %mul3A_80 {strides = array<i32>} : memref<128x64xf32, #tpu.memory_space<vmem>>, vector<16xf32>,
      }
      %scan3A_55 = arith.constant 128 : i32
      "tpu.region"() ({
        %run_scoped3A = tpu.sem_alloc : memref<!tpu.dma_semaphore, #tpu.memory_space<semaphore_mem>>
        %dma_start3A_56 = arith.constant 0 : i32
        %dma_start3A_57 = tpu.memref_slice %arg8[%scan3A_39, %dma_start3A_56] : memref<80x128xi32, #tpu.memory_space<vmem>> -> memref<1x128xi32, #tpu.memory_space<vmem>>
        %dma_start3A_58 = tpu.memref_squeeze %dma_start3A_57 : memref<1x128xi32, #tpu.memory_space<vmem>> -> memref<128xi32, #tpu.memory_space<vmem>>
        %dma_start3A_59 = arith.constant 0 : i32
        %dma_start3A_60 = arith.constant 0 : i32
        %dma_start3A_61 = tpu.memref_slice %arg12[%dma_start3A_59, %dma_start3A_60] : memref<10240x64xf32, #tpu.memory_space<vmem_shared>> -> memref<10240x64xf32, #tpu.memory_space<vmem_shared>>
        tpu.enqueue_indirect_dma source(%arg10 : memref<128x64xf32, #tpu.memory_space<vmem>>) target(%dma_start3A_61 : memref<10240x64xf32, #tpu.memory_space<vmem_shared>>) offsets(%dma_start3A_58 : memref<128xi32, #tpu.memory_space<vmem>>) semaphore(%run_scoped3A : memref<!tpu.dma_semaphore, #tpu.memory_space<semaphore_mem>>) {add = true}
        %dma_wait3A_62 = arith.constant 0 : i32
        %dma_wait3A_63 = tpu.memref_slice %arg8[%scan3A_39, %dma_wait3A_62] : memref<80x128xi32, #tpu.memory_space<vmem>> -> memref<1x128xi32, #tpu.memory_space<vmem>>
        %dma_wait3A_64 = tpu.memref_squeeze %dma_wait3A_63 : memref<1x128xi32, #tpu.memory_space<vmem>> -> memref<128xi32, #tpu.memory_space<vmem>>
        %dma_wait3A_65 = arith.constant 0 : i32
        %dma_wait3A_66 = arith.constant 0 : i32
        %dma_wait3A_67 = tpu.memref_slice %arg12[%dma_wait3A_65, %dma_wait3A_66] : memref<10240x64xf32, #tpu.memory_space<vmem_shared>> -> memref<10240x64xf32, #tpu.memory_space<vmem_shared>>
        tpu.wait_indirect_dma semaphore(%run_scoped3A : memref<!tpu.dma_semaphore, #tpu.memory_space<semaphore_mem>>) src(%arg10 : memref<128x64xf32, #tpu.memory_space<vmem>>) dst(%dma_wait3A_67 : memref<10240x64xf32, #tpu.memory_space<vmem_shared>>)
        tpu.yield
      }) : () -> ()
    }
    %scan3A_33 = arith.constant 80 : i32
    %barrier3A_34 = arith.constant 0 : index
    tpu.barrier barrier_id(%barrier3A_34)
    %mul3A_35 = arith.constant 640 : i32
    %mul3A_36 = arith.muli %arg1, %mul3A_35 : i32
    %mul3A_37 = arith.constant 640 : i32
    %mul3A_38 = arith.muli %arg1, %mul3A_37 : i32
    "tpu.region"() ({
      %run_scoped3A = tpu.sem_alloc : memref<!tpu.dma_semaphore, #tpu.memory_space<semaphore_mem>>
      %dma_start3A = arith.constant 0 : i32
      %dma_start3A_39 = tpu.memref_slice %arg6[%arg0, %mul3A_38, %dma_start3A] : memref<2x10240x64xf32, #tpu.memory_space<hbm>> -> memref<1x640x64xf32, #tpu.memory_space<hbm>>
      %dma_start3A_40 = tpu.memref_squeeze %dma_start3A_39 : memref<1x640x64xf32, #tpu.memory_space<hbm>> -> memref<640x64xf32, #tpu.memory_space<hbm>>
      %dma_start3A_41 = arith.constant 0 : i32
      %dma_start3A_42 = tpu.memref_slice %arg12[%mul3A_36, %dma_start3A_41] : memref<10240x64xf32, #tpu.memory_space<vmem_shared>> -> memref<640x64xf32, #tpu.memory_space<vmem_shared>>
      tpu.enqueue_dma source(%dma_start3A_42 : memref<640x64xf32, #tpu.memory_space<vmem_shared>>) target(%dma_start3A_40 : memref<640x64xf32, #tpu.memory_space<hbm>>) target_semaphore(%run_scoped3A : memref<!tpu.dma_semaphore, #tpu.memory_space<semaphore_mem>>)
      %dma_wait3A = arith.constant 0 : i32
      %dma_wait3A_43 = tpu.memref_slice %arg6[%arg0, %mul3A_38, %dma_wait3A] : memref<2x10240x64xf32, #tpu.memory_space<hbm>> -> memref<1x640x64xf32, #tpu.memory_space<hbm>>
      %dma_wait3A_44 = tpu.memref_squeeze %dma_wait3A_43 : memref<1x640x64xf32, #tpu.memory_space<hbm>> -> memref<640x64xf32, #tpu.memory_space<hbm>>
      %dma_wait3A_45 = arith.constant 0 : i32
      %dma_wait3A_46 = tpu.memref_slice %arg12[%mul3A_36, %dma_wait3A_45] : memref<10240x64xf32, #tpu.memory_space<vmem_shared>> -> memref<640x64xf32, #tpu.memory_space<vmem_shared>>
      tpu.wait_dma2 semaphore(%run_scoped3A : memref<!tpu.dma_semaphore, #tpu.memory_space<semaphore_mem>>) src(%dma_wait3A_46 : memref<640x64xf32, #tpu.memory_space<vmem_shared>>) dst(%dma_wait3A_44 : memref<640x64xf32, #tpu.memory_space<hbm>>)
      tpu.yield
    }) : () -> ()
    return
  }
}

#map = affine_map<(d0, d1) -> (0, 0)>
#map1 = affine_map<(d0, d1) -> (0, 0, 0)>
module attributes {stable_mosaic.version = 14 : i64} {
  func.func @_pass(%arg0: i32, %arg1: i32, %arg2: memref<10000x16xf32, #tpu.memory_space<hbm>>, %arg3: memref<2560x128xi32, #tpu.memory_space<hbm>>, %arg4: memref<2560x128xi32, #tpu.memory_space<hbm>>, %arg5: memref<2560x128xf32, #tpu.memory_space<hbm>>, %arg6: memref<2x10240x16xf32, #tpu.memory_space<hbm>>, %arg7: memref<80x128xi32, #tpu.memory_space<vmem>>, %arg8: memref<80x128xi32, #tpu.memory_space<vmem>>, %arg9: memref<80x128xf32, #tpu.memory_space<vmem>>, %arg10: memref<128x16xf32, #tpu.memory_space<vmem>>, %arg11: memref<128x16xf32, #tpu.memory_space<vmem>>, %arg12: memref<10240x16xf32, #tpu.memory_space<vmem_shared>>, %arg13: memref<!tpu.dma_semaphore, #tpu.memory_space<semaphore_mem>>) attributes {dimension_semantics = [#tpu.dimension_semantics<core_parallel>, #tpu.dimension_semantics<subcore_parallel>], iteration_bounds = array<i64: 2, 16>, scalar_prefetch = 0 : i64, scratch_operands = 7 : i64, tpu.core_type = #tpu.core_type<sc_vector_subcore>, window_params = [{transform_indices = #map}, {transform_indices = #map}, {transform_indices = #map}, {transform_indices = #map}, {transform_indices = #map1}]} {
    %mul3A = arith.constant 16 : i32
    %mul3A_0 = arith.muli %arg0, %mul3A : i32
    %add3A = arith.addi %mul3A_0, %arg1 : i32
    %scan3A = arith.constant 0 : i32
    %scan3A_1 = arith.constant 0 : i32
    %scan3A_2 = arith.constant 128 : i32
    %scan3A_3 = arith.addi %scan3A_1, %scan3A_2 : i32
    %scan3A_4 = arith.constant 1 : i32
    scf.for %scan3A_39 = %scan3A_1 to %scan3A_3 step %scan3A_4  : i32 {
      %broadcast_in_dim3A = arith.constant 0.000000e+00 : f32
      %broadcast_in_dim3A_40 = vector.broadcast %broadcast_in_dim3A : f32 to vector<16xf32>
      %swap3A = arith.index_cast %scan3A_39 : i32 to index
      %swap3A_41 = arith.constant 0 : index
      %swap3A_42 = tpu.vector_load %arg11[%swap3A, %swap3A_41] {strides = array<i32>} : memref<128x16xf32, #tpu.memory_space<vmem>>, vector<16xf32>,
      tpu.vector_store %arg11[%swap3A, %swap3A_41], %broadcast_in_dim3A_40 {strides = array<i32>} : memref<128x16xf32, #tpu.memory_space<vmem>>, vector<16xf32>,
    }
    %scan3A_5 = arith.constant 128 : i32
    %mul3A_6 = arith.constant 640 : i32
    %mul3A_7 = arith.muli %arg1, %mul3A_6 : i32
    %add3A_8 = arith.constant 0 : i32
    %add3A_9 = arith.addi %mul3A_7, %add3A_8 : i32
    "tpu.region"() ({
      %run_scoped3A = tpu.sem_alloc : memref<!tpu.dma_semaphore, #tpu.memory_space<semaphore_mem>>
      %dma_start3A = arith.constant 0 : i32
      %dma_start3A_39 = tpu.memref_slice %arg12[%add3A_9, %dma_start3A] : memref<10240x16xf32, #tpu.memory_space<vmem_shared>> -> memref<128x16xf32, #tpu.memory_space<vmem_shared>>
      %dma_start3A_40 = arith.constant 0 : i32
      %dma_start3A_41 = tpu.memref_slice %arg12[%add3A_9, %dma_start3A_40] : memref<10240x16xf32, #tpu.memory_space<vmem_shared>> -> memref<128x16xf32, #tpu.memory_space<vmem_shared>>
      tpu.enqueue_dma source(%arg11 : memref<128x16xf32, #tpu.memory_space<vmem>>) target(%dma_start3A_41 : memref<128x16xf32, #tpu.memory_space<vmem_shared>>) target_semaphore(%run_scoped3A : memref<!tpu.dma_semaphore, #tpu.memory_space<semaphore_mem>>)
      %dma_wait3A = arith.constant 0 : i32
      %dma_wait3A_42 = tpu.memref_slice %arg12[%add3A_9, %dma_wait3A] : memref<10240x16xf32, #tpu.memory_space<vmem_shared>> -> memref<128x16xf32, #tpu.memory_space<vmem_shared>>
      %dma_wait3A_43 = arith.constant 0 : i32
      %dma_wait3A_44 = tpu.memref_slice %arg12[%add3A_9, %dma_wait3A_43] : memref<10240x16xf32, #tpu.memory_space<vmem_shared>> -> memref<128x16xf32, #tpu.memory_space<vmem_shared>>
      tpu.wait_dma2 semaphore(%run_scoped3A : memref<!tpu.dma_semaphore, #tpu.memory_space<semaphore_mem>>) src(%arg11 : memref<128x16xf32, #tpu.memory_space<vmem>>) dst(%dma_wait3A_44 : memref<128x16xf32, #tpu.memory_space<vmem_shared>>)
      tpu.yield
    }) : () -> ()
    %mul3A_10 = arith.constant 640 : i32
    %mul3A_11 = arith.muli %arg1, %mul3A_10 : i32
    %add3A_12 = arith.constant 128 : i32
    %add3A_13 = arith.addi %mul3A_11, %add3A_12 : i32
    "tpu.region"() ({
      %run_scoped3A = tpu.sem_alloc : memref<!tpu.dma_semaphore, #tpu.memory_space<semaphore_mem>>
      %dma_start3A = arith.constant 0 : i32
      %dma_start3A_39 = tpu.memref_slice %arg12[%add3A_13, %dma_start3A] : memref<10240x16xf32, #tpu.memory_space<vmem_shared>> -> memref<128x16xf32, #tpu.memory_space<vmem_shared>>
      %dma_start3A_40 = arith.constant 0 : i32
      %dma_start3A_41 = tpu.memref_slice %arg12[%add3A_13, %dma_start3A_40] : memref<10240x16xf32, #tpu.memory_space<vmem_shared>> -> memref<128x16xf32, #tpu.memory_space<vmem_shared>>
      tpu.enqueue_dma source(%arg11 : memref<128x16xf32, #tpu.memory_space<vmem>>) target(%dma_start3A_41 : memref<128x16xf32, #tpu.memory_space<vmem_shared>>) target_semaphore(%run_scoped3A : memref<!tpu.dma_semaphore, #tpu.memory_space<semaphore_mem>>)
      %dma_wait3A = arith.constant 0 : i32
      %dma_wait3A_42 = tpu.memref_slice %arg12[%add3A_13, %dma_wait3A] : memref<10240x16xf32, #tpu.memory_space<vmem_shared>> -> memref<128x16xf32, #tpu.memory_space<vmem_shared>>
      %dma_wait3A_43 = arith.constant 0 : i32
      %dma_wait3A_44 = tpu.memref_slice %arg12[%add3A_13, %dma_wait3A_43] : memref<10240x16xf32, #tpu.memory_space<vmem_shared>> -> memref<128x16xf32, #tpu.memory_space<vmem_shared>>
      tpu.wait_dma2 semaphore(%run_scoped3A : memref<!tpu.dma_semaphore, #tpu.memory_space<semaphore_mem>>) src(%arg11 : memref<128x16xf32, #tpu.memory_space<vmem>>) dst(%dma_wait3A_44 : memref<128x16xf32, #tpu.memory_space<vmem_shared>>)
      tpu.yield
    }) : () -> ()
    %mul3A_14 = arith.constant 640 : i32
    %mul3A_15 = arith.muli %arg1, %mul3A_14 : i32
    %add3A_16 = arith.constant 256 : i32
    %add3A_17 = arith.addi %mul3A_15, %add3A_16 : i32
    "tpu.region"() ({
      %run_scoped3A = tpu.sem_alloc : memref<!tpu.dma_semaphore, #tpu.memory_space<semaphore_mem>>
      %dma_start3A = arith.constant 0 : i32
      %dma_start3A_39 = tpu.memref_slice %arg12[%add3A_17, %dma_start3A] : memref<10240x16xf32, #tpu.memory_space<vmem_shared>> -> memref<128x16xf32, #tpu.memory_space<vmem_shared>>
      %dma_start3A_40 = arith.constant 0 : i32
      %dma_start3A_41 = tpu.memref_slice %arg12[%add3A_17, %dma_start3A_40] : memref<10240x16xf32, #tpu.memory_space<vmem_shared>> -> memref<128x16xf32, #tpu.memory_space<vmem_shared>>
      tpu.enqueue_dma source(%arg11 : memref<128x16xf32, #tpu.memory_space<vmem>>) target(%dma_start3A_41 : memref<128x16xf32, #tpu.memory_space<vmem_shared>>) target_semaphore(%run_scoped3A : memref<!tpu.dma_semaphore, #tpu.memory_space<semaphore_mem>>)
      %dma_wait3A = arith.constant 0 : i32
      %dma_wait3A_42 = tpu.memref_slice %arg12[%add3A_17, %dma_wait3A] : memref<10240x16xf32, #tpu.memory_space<vmem_shared>> -> memref<128x16xf32, #tpu.memory_space<vmem_shared>>
      %dma_wait3A_43 = arith.constant 0 : i32
      %dma_wait3A_44 = tpu.memref_slice %arg12[%add3A_17, %dma_wait3A_43] : memref<10240x16xf32, #tpu.memory_space<vmem_shared>> -> memref<128x16xf32, #tpu.memory_space<vmem_shared>>
      tpu.wait_dma2 semaphore(%run_scoped3A : memref<!tpu.dma_semaphore, #tpu.memory_space<semaphore_mem>>) src(%arg11 : memref<128x16xf32, #tpu.memory_space<vmem>>) dst(%dma_wait3A_44 : memref<128x16xf32, #tpu.memory_space<vmem_shared>>)
      tpu.yield
    }) : () -> ()
    %mul3A_18 = arith.constant 640 : i32
    %mul3A_19 = arith.muli %arg1, %mul3A_18 : i32
    %add3A_20 = arith.constant 384 : i32
    %add3A_21 = arith.addi %mul3A_19, %add3A_20 : i32
    "tpu.region"() ({
      %run_scoped3A = tpu.sem_alloc : memref<!tpu.dma_semaphore, #tpu.memory_space<semaphore_mem>>
      %dma_start3A = arith.constant 0 : i32
      %dma_start3A_39 = tpu.memref_slice %arg12[%add3A_21, %dma_start3A] : memref<10240x16xf32, #tpu.memory_space<vmem_shared>> -> memref<128x16xf32, #tpu.memory_space<vmem_shared>>
      %dma_start3A_40 = arith.constant 0 : i32
      %dma_start3A_41 = tpu.memref_slice %arg12[%add3A_21, %dma_start3A_40] : memref<10240x16xf32, #tpu.memory_space<vmem_shared>> -> memref<128x16xf32, #tpu.memory_space<vmem_shared>>
      tpu.enqueue_dma source(%arg11 : memref<128x16xf32, #tpu.memory_space<vmem>>) target(%dma_start3A_41 : memref<128x16xf32, #tpu.memory_space<vmem_shared>>) target_semaphore(%run_scoped3A : memref<!tpu.dma_semaphore, #tpu.memory_space<semaphore_mem>>)
      %dma_wait3A = arith.constant 0 : i32
      %dma_wait3A_42 = tpu.memref_slice %arg12[%add3A_21, %dma_wait3A] : memref<10240x16xf32, #tpu.memory_space<vmem_shared>> -> memref<128x16xf32, #tpu.memory_space<vmem_shared>>
      %dma_wait3A_43 = arith.constant 0 : i32
      %dma_wait3A_44 = tpu.memref_slice %arg12[%add3A_21, %dma_wait3A_43] : memref<10240x16xf32, #tpu.memory_space<vmem_shared>> -> memref<128x16xf32, #tpu.memory_space<vmem_shared>>
      tpu.wait_dma2 semaphore(%run_scoped3A : memref<!tpu.dma_semaphore, #tpu.memory_space<semaphore_mem>>) src(%arg11 : memref<128x16xf32, #tpu.memory_space<vmem>>) dst(%dma_wait3A_44 : memref<128x16xf32, #tpu.memory_space<vmem_shared>>)
      tpu.yield
    }) : () -> ()
    %mul3A_22 = arith.constant 640 : i32
    %mul3A_23 = arith.muli %arg1, %mul3A_22 : i32
    %add3A_24 = arith.constant 512 : i32
    %add3A_25 = arith.addi %mul3A_23, %add3A_24 : i32
    "tpu.region"() ({
      %run_scoped3A = tpu.sem_alloc : memref<!tpu.dma_semaphore, #tpu.memory_space<semaphore_mem>>
      %dma_start3A = arith.constant 0 : i32
      %dma_start3A_39 = tpu.memref_slice %arg12[%add3A_25, %dma_start3A] : memref<10240x16xf32, #tpu.memory_space<vmem_shared>> -> memref<128x16xf32, #tpu.memory_space<vmem_shared>>
      %dma_start3A_40 = arith.constant 0 : i32
      %dma_start3A_41 = tpu.memref_slice %arg12[%add3A_25, %dma_start3A_40] : memref<10240x16xf32, #tpu.memory_space<vmem_shared>> -> memref<128x16xf32, #tpu.memory_space<vmem_shared>>
      tpu.enqueue_dma source(%arg11 : memref<128x16xf32, #tpu.memory_space<vmem>>) target(%dma_start3A_41 : memref<128x16xf32, #tpu.memory_space<vmem_shared>>) target_semaphore(%run_scoped3A : memref<!tpu.dma_semaphore, #tpu.memory_space<semaphore_mem>>)
      %dma_wait3A = arith.constant 0 : i32
      %dma_wait3A_42 = tpu.memref_slice %arg12[%add3A_25, %dma_wait3A] : memref<10240x16xf32, #tpu.memory_space<vmem_shared>> -> memref<128x16xf32, #tpu.memory_space<vmem_shared>>
      %dma_wait3A_43 = arith.constant 0 : i32
      %dma_wait3A_44 = tpu.memref_slice %arg12[%add3A_25, %dma_wait3A_43] : memref<10240x16xf32, #tpu.memory_space<vmem_shared>> -> memref<128x16xf32, #tpu.memory_space<vmem_shared>>
      tpu.wait_dma2 semaphore(%run_scoped3A : memref<!tpu.dma_semaphore, #tpu.memory_space<semaphore_mem>>) src(%arg11 : memref<128x16xf32, #tpu.memory_space<vmem>>) dst(%dma_wait3A_44 : memref<128x16xf32, #tpu.memory_space<vmem_shared>>)
      tpu.yield
    }) : () -> ()
    %barrier3A = arith.constant 0 : index
    tpu.barrier barrier_id(%barrier3A)
    %mul3A_26 = arith.constant 80 : i32
    %mul3A_27 = arith.muli %add3A, %mul3A_26 : i32
    "tpu.region"() ({
      %run_scoped3A = tpu.sem_alloc : memref<!tpu.dma_semaphore, #tpu.memory_space<semaphore_mem>>
      %dma_start3A = arith.constant 0 : i32
      %dma_start3A_39 = tpu.memref_slice %arg3[%mul3A_27, %dma_start3A] : memref<2560x128xi32, #tpu.memory_space<hbm>> -> memref<80x128xi32, #tpu.memory_space<hbm>>
      %dma_start3A_40 = arith.constant 0 : i32
      %dma_start3A_41 = tpu.memref_slice %arg3[%mul3A_27, %dma_start3A_40] : memref<2560x128xi32, #tpu.memory_space<hbm>> -> memref<80x128xi32, #tpu.memory_space<hbm>>
      tpu.enqueue_dma source(%dma_start3A_41 : memref<80x128xi32, #tpu.memory_space<hbm>>) target(%arg7 : memref<80x128xi32, #tpu.memory_space<vmem>>) target_semaphore(%run_scoped3A : memref<!tpu.dma_semaphore, #tpu.memory_space<semaphore_mem>>)
      %dma_wait3A = arith.constant 0 : i32
      %dma_wait3A_42 = tpu.memref_slice %arg3[%mul3A_27, %dma_wait3A] : memref<2560x128xi32, #tpu.memory_space<hbm>> -> memref<80x128xi32, #tpu.memory_space<hbm>>
      %dma_wait3A_43 = arith.constant 0 : i32
      %dma_wait3A_44 = tpu.memref_slice %arg3[%mul3A_27, %dma_wait3A_43] : memref<2560x128xi32, #tpu.memory_space<hbm>> -> memref<80x128xi32, #tpu.memory_space<hbm>>
      tpu.wait_dma2 semaphore(%run_scoped3A : memref<!tpu.dma_semaphore, #tpu.memory_space<semaphore_mem>>) src(%dma_wait3A_44 : memref<80x128xi32, #tpu.memory_space<hbm>>) dst(%arg7 : memref<80x128xi32, #tpu.memory_space<vmem>>)
      tpu.yield
    }) : () -> ()
    "tpu.region"() ({
      %run_scoped3A = tpu.sem_alloc : memref<!tpu.dma_semaphore, #tpu.memory_space<semaphore_mem>>
      %dma_start3A = arith.constant 0 : i32
      %dma_start3A_39 = tpu.memref_slice %arg4[%mul3A_27, %dma_start3A] : memref<2560x128xi32, #tpu.memory_space<hbm>> -> memref<80x128xi32, #tpu.memory_space<hbm>>
      %dma_start3A_40 = arith.constant 0 : i32
      %dma_start3A_41 = tpu.memref_slice %arg4[%mul3A_27, %dma_start3A_40] : memref<2560x128xi32, #tpu.memory_space<hbm>> -> memref<80x128xi32, #tpu.memory_space<hbm>>
      tpu.enqueue_dma source(%dma_start3A_41 : memref<80x128xi32, #tpu.memory_space<hbm>>) target(%arg8 : memref<80x128xi32, #tpu.memory_space<vmem>>) target_semaphore(%run_scoped3A : memref<!tpu.dma_semaphore, #tpu.memory_space<semaphore_mem>>)
      %dma_wait3A = arith.constant 0 : i32
      %dma_wait3A_42 = tpu.memref_slice %arg4[%mul3A_27, %dma_wait3A] : memref<2560x128xi32, #tpu.memory_space<hbm>> -> memref<80x128xi32, #tpu.memory_space<hbm>>
      %dma_wait3A_43 = arith.constant 0 : i32
      %dma_wait3A_44 = tpu.memref_slice %arg4[%mul3A_27, %dma_wait3A_43] : memref<2560x128xi32, #tpu.memory_space<hbm>> -> memref<80x128xi32, #tpu.memory_space<hbm>>
      tpu.wait_dma2 semaphore(%run_scoped3A : memref<!tpu.dma_semaphore, #tpu.memory_space<semaphore_mem>>) src(%dma_wait3A_44 : memref<80x128xi32, #tpu.memory_space<hbm>>) dst(%arg8 : memref<80x128xi32, #tpu.memory_space<vmem>>)
      tpu.yield
    }) : () -> ()
    "tpu.region"() ({
      %run_scoped3A = tpu.sem_alloc : memref<!tpu.dma_semaphore, #tpu.memory_space<semaphore_mem>>
      %dma_start3A = arith.constant 0 : i32
      %dma_start3A_39 = tpu.memref_slice %arg5[%mul3A_27, %dma_start3A] : memref<2560x128xf32, #tpu.memory_space<hbm>> -> memref<80x128xf32, #tpu.memory_space<hbm>>
      %dma_start3A_40 = arith.constant 0 : i32
      %dma_start3A_41 = tpu.memref_slice %arg5[%mul3A_27, %dma_start3A_40] : memref<2560x128xf32, #tpu.memory_space<hbm>> -> memref<80x128xf32, #tpu.memory_space<hbm>>
      tpu.enqueue_dma source(%dma_start3A_41 : memref<80x128xf32, #tpu.memory_space<hbm>>) target(%arg9 : memref<80x128xf32, #tpu.memory_space<vmem>>) target_semaphore(%run_scoped3A : memref<!tpu.dma_semaphore, #tpu.memory_space<semaphore_mem>>)
      %dma_wait3A = arith.constant 0 : i32
      %dma_wait3A_42 = tpu.memref_slice %arg5[%mul3A_27, %dma_wait3A] : memref<2560x128xf32, #tpu.memory_space<hbm>> -> memref<80x128xf32, #tpu.memory_space<hbm>>
      %dma_wait3A_43 = arith.constant 0 : i32
      %dma_wait3A_44 = tpu.memref_slice %arg5[%mul3A_27, %dma_wait3A_43] : memref<2560x128xf32, #tpu.memory_space<hbm>> -> memref<80x128xf32, #tpu.memory_space<hbm>>
      tpu.wait_dma2 semaphore(%run_scoped3A : memref<!tpu.dma_semaphore, #tpu.memory_space<semaphore_mem>>) src(%dma_wait3A_44 : memref<80x128xf32, #tpu.memory_space<hbm>>) dst(%arg9 : memref<80x128xf32, #tpu.memory_space<vmem>>)
      tpu.yield
    }) : () -> ()
    %scan3A_28 = arith.constant 0 : i32
    %scan3A_29 = arith.constant 0 : i32
    %scan3A_30 = arith.constant 80 : i32
    %scan3A_31 = arith.addi %scan3A_29, %scan3A_30 : i32
    %scan3A_32 = arith.constant 1 : i32
    scf.for %scan3A_39 = %scan3A_29 to %scan3A_31 step %scan3A_32  : i32 {
      %dma_start3A = arith.constant 0 : i32
      %dma_start3A_40 = tpu.memref_slice %arg7[%scan3A_39, %dma_start3A] : memref<80x128xi32, #tpu.memory_space<vmem>> -> memref<1x128xi32, #tpu.memory_space<vmem>>
      %dma_start3A_41 = tpu.memref_squeeze %dma_start3A_40 : memref<1x128xi32, #tpu.memory_space<vmem>> -> memref<128xi32, #tpu.memory_space<vmem>>
      %dma_start3A_42 = arith.constant 0 : i32
      %dma_start3A_43 = arith.constant 0 : i32
      %dma_start3A_44 = tpu.memref_slice %arg2[%dma_start3A_42, %dma_start3A_43] : memref<10000x16xf32, #tpu.memory_space<hbm>> -> memref<10000x16xf32, #tpu.memory_space<hbm>>
      tpu.enqueue_indirect_dma source(%dma_start3A_44 : memref<10000x16xf32, #tpu.memory_space<hbm>>) target(%arg10 : memref<128x16xf32, #tpu.memory_space<vmem>>) offsets(%dma_start3A_41 : memref<128xi32, #tpu.memory_space<vmem>>) semaphore(%arg13 : memref<!tpu.dma_semaphore, #tpu.memory_space<semaphore_mem>>)
      %dma_wait3A = arith.constant 0 : i32
      %dma_wait3A_45 = tpu.memref_slice %arg7[%scan3A_39, %dma_wait3A] : memref<80x128xi32, #tpu.memory_space<vmem>> -> memref<1x128xi32, #tpu.memory_space<vmem>>
      %dma_wait3A_46 = tpu.memref_squeeze %dma_wait3A_45 : memref<1x128xi32, #tpu.memory_space<vmem>> -> memref<128xi32, #tpu.memory_space<vmem>>
      %dma_wait3A_47 = arith.constant 0 : i32
      %dma_wait3A_48 = arith.constant 0 : i32
      %dma_wait3A_49 = tpu.memref_slice %arg2[%dma_wait3A_47, %dma_wait3A_48] : memref<10000x16xf32, #tpu.memory_space<hbm>> -> memref<10000x16xf32, #tpu.memory_space<hbm>>
      tpu.wait_indirect_dma semaphore(%arg13 : memref<!tpu.dma_semaphore, #tpu.memory_space<semaphore_mem>>) src(%dma_wait3A_49 : memref<10000x16xf32, #tpu.memory_space<hbm>>) dst(%arg10 : memref<128x16xf32, #tpu.memory_space<vmem>>)
      %scan3A_50 = arith.constant 0 : i32
      %scan3A_51 = arith.constant 0 : i32
      %scan3A_52 = arith.constant 128 : i32
      %scan3A_53 = arith.addi %scan3A_51, %scan3A_52 : i32
      %scan3A_54 = arith.constant 1 : i32
      scf.for %scan3A_56 = %scan3A_51 to %scan3A_53 step %scan3A_54  : i32 {
        %broadcast_in_dim3A = vector.broadcast %scan3A_39 : i32 to vector<16xi32>
        %broadcast_in_dim3A_57 = vector.broadcast %scan3A_56 : i32 to vector<16xi32>
        %gather3A = tpu.vector_load_idx %arg9[%broadcast_in_dim3A, %broadcast_in_dim3A_57] : memref<80x128xf32, #tpu.memory_space<vmem>>[vector<16xi32>, vector<16xi32>], vector<16xf32>,
        %get3A = arith.index_cast %scan3A_56 : i32 to index
        %get3A_58 = arith.constant 0 : index
        %get3A_59 = tpu.vector_load %arg10[%get3A, %get3A_58] {strides = array<i32>} : memref<128x16xf32, #tpu.memory_space<vmem>>, vector<16xf32>,
        %mul3A_60 = arith.mulf %get3A_59, %gather3A : vector<16xf32>
        %swap3A = arith.index_cast %scan3A_56 : i32 to index
        %swap3A_61 = arith.constant 0 : index
        %swap3A_62 = tpu.vector_load %arg10[%swap3A, %swap3A_61] {strides = array<i32>} : memref<128x16xf32, #tpu.memory_space<vmem>>, vector<16xf32>,
        tpu.vector_store %arg10[%swap3A, %swap3A_61], %mul3A_60 {strides = array<i32>} : memref<128x16xf32, #tpu.memory_space<vmem>>, vector<16xf32>,
      }
      %scan3A_55 = arith.constant 128 : i32
      "tpu.region"() ({
        %run_scoped3A = tpu.sem_alloc : memref<!tpu.dma_semaphore, #tpu.memory_space<semaphore_mem>>
        %dma_start3A_56 = arith.constant 0 : i32
        %dma_start3A_57 = tpu.memref_slice %arg8[%scan3A_39, %dma_start3A_56] : memref<80x128xi32, #tpu.memory_space<vmem>> -> memref<1x128xi32, #tpu.memory_space<vmem>>
        %dma_start3A_58 = tpu.memref_squeeze %dma_start3A_57 : memref<1x128xi32, #tpu.memory_space<vmem>> -> memref<128xi32, #tpu.memory_space<vmem>>
        %dma_start3A_59 = arith.constant 0 : i32
        %dma_start3A_60 = arith.constant 0 : i32
        %dma_start3A_61 = tpu.memref_slice %arg12[%dma_start3A_59, %dma_start3A_60] : memref<10240x16xf32, #tpu.memory_space<vmem_shared>> -> memref<10240x16xf32, #tpu.memory_space<vmem_shared>>
        tpu.enqueue_indirect_dma source(%arg10 : memref<128x16xf32, #tpu.memory_space<vmem>>) target(%dma_start3A_61 : memref<10240x16xf32, #tpu.memory_space<vmem_shared>>) offsets(%dma_start3A_58 : memref<128xi32, #tpu.memory_space<vmem>>) semaphore(%run_scoped3A : memref<!tpu.dma_semaphore, #tpu.memory_space<semaphore_mem>>) {add = true}
        %dma_wait3A_62 = arith.constant 0 : i32
        %dma_wait3A_63 = tpu.memref_slice %arg8[%scan3A_39, %dma_wait3A_62] : memref<80x128xi32, #tpu.memory_space<vmem>> -> memref<1x128xi32, #tpu.memory_space<vmem>>
        %dma_wait3A_64 = tpu.memref_squeeze %dma_wait3A_63 : memref<1x128xi32, #tpu.memory_space<vmem>> -> memref<128xi32, #tpu.memory_space<vmem>>
        %dma_wait3A_65 = arith.constant 0 : i32
        %dma_wait3A_66 = arith.constant 0 : i32
        %dma_wait3A_67 = tpu.memref_slice %arg12[%dma_wait3A_65, %dma_wait3A_66] : memref<10240x16xf32, #tpu.memory_space<vmem_shared>> -> memref<10240x16xf32, #tpu.memory_space<vmem_shared>>
        tpu.wait_indirect_dma semaphore(%run_scoped3A : memref<!tpu.dma_semaphore, #tpu.memory_space<semaphore_mem>>) src(%arg10 : memref<128x16xf32, #tpu.memory_space<vmem>>) dst(%dma_wait3A_67 : memref<10240x16xf32, #tpu.memory_space<vmem_shared>>)
        tpu.yield
      }) : () -> ()
    }
    %scan3A_33 = arith.constant 80 : i32
    %barrier3A_34 = arith.constant 0 : index
    tpu.barrier barrier_id(%barrier3A_34)
    %mul3A_35 = arith.constant 640 : i32
    %mul3A_36 = arith.muli %arg1, %mul3A_35 : i32
    %mul3A_37 = arith.constant 640 : i32
    %mul3A_38 = arith.muli %arg1, %mul3A_37 : i32
    "tpu.region"() ({
      %run_scoped3A = tpu.sem_alloc : memref<!tpu.dma_semaphore, #tpu.memory_space<semaphore_mem>>
      %dma_start3A = arith.constant 0 : i32
      %dma_start3A_39 = tpu.memref_slice %arg6[%arg0, %mul3A_38, %dma_start3A] : memref<2x10240x16xf32, #tpu.memory_space<hbm>> -> memref<1x640x16xf32, #tpu.memory_space<hbm>>
      %dma_start3A_40 = tpu.memref_squeeze %dma_start3A_39 : memref<1x640x16xf32, #tpu.memory_space<hbm>> -> memref<640x16xf32, #tpu.memory_space<hbm>>
      %dma_start3A_41 = arith.constant 0 : i32
      %dma_start3A_42 = tpu.memref_slice %arg12[%mul3A_36, %dma_start3A_41] : memref<10240x16xf32, #tpu.memory_space<vmem_shared>> -> memref<640x16xf32, #tpu.memory_space<vmem_shared>>
      tpu.enqueue_dma source(%dma_start3A_42 : memref<640x16xf32, #tpu.memory_space<vmem_shared>>) target(%dma_start3A_40 : memref<640x16xf32, #tpu.memory_space<hbm>>) target_semaphore(%run_scoped3A : memref<!tpu.dma_semaphore, #tpu.memory_space<semaphore_mem>>)
      %dma_wait3A = arith.constant 0 : i32
      %dma_wait3A_43 = tpu.memref_slice %arg6[%arg0, %mul3A_38, %dma_wait3A] : memref<2x10240x16xf32, #tpu.memory_space<hbm>> -> memref<1x640x16xf32, #tpu.memory_space<hbm>>
      %dma_wait3A_44 = tpu.memref_squeeze %dma_wait3A_43 : memref<1x640x16xf32, #tpu.memory_space<hbm>> -> memref<640x16xf32, #tpu.memory_space<hbm>>
      %dma_wait3A_45 = arith.constant 0 : i32
      %dma_wait3A_46 = tpu.memref_slice %arg12[%mul3A_36, %dma_wait3A_45] : memref<10240x16xf32, #tpu.memory_space<vmem_shared>> -> memref<640x16xf32, #tpu.memory_space<vmem_shared>>
      tpu.wait_dma2 semaphore(%run_scoped3A : memref<!tpu.dma_semaphore, #tpu.memory_space<semaphore_mem>>) src(%dma_wait3A_46 : memref<640x16xf32, #tpu.memory_space<vmem_shared>>) dst(%dma_wait3A_44 : memref<640x16xf32, #tpu.memory_space<hbm>>)
      tpu.yield
    }) : () -> ()
    return
  }
}

module attributes {stable_mosaic.version = 14 : i64} {
  func.func @_tc_xw_body(%arg0: i32, %arg1: memref<1000x128xf32, #tpu.memory_space<vmem>>, %arg2: memref<128x64xf32, #tpu.memory_space<vmem>>, %arg3: memref<1000x64xf32, #tpu.memory_space<vmem>>) attributes {dimension_semantics = [#tpu.dimension_semantics<arbitrary>], iteration_bounds = array<i64: 10>, scalar_prefetch = 0 : i64, scratch_operands = 0 : i64, tpu.core_type = #tpu.core_type<tc>, window_params = [{transform_indices = @transform_0, window_bounds = array<i64: 1000, 128>}, {pipeline_mode = #tpu.pipeline_mode<synchronous>, transform_indices = @transform_1, window_bounds = array<i64: 128, 64>}, {transform_indices = @transform_2, window_bounds = array<i64: 1000, 64>}]} {
    %get3A = arith.constant 0 : index
    %get3A_0 = arith.constant 0 : index
    %get3A_1 = vector.load %arg1[%get3A, %get3A_0] : memref<1000x128xf32, #tpu.memory_space<vmem>>, vector<1000x128xf32>
    %get3A_2 = arith.constant 0 : index
    %get3A_3 = arith.constant 0 : index
    %get3A_4 = vector.load %arg2[%get3A_2, %get3A_3] : memref<128x64xf32, #tpu.memory_space<vmem>>, vector<128x64xf32>
    %dot_general3A = arith.constant dense<0.000000e+00> : vector<1000x64xf32>
    %dot_general3A_5 = tpu.matmul %get3A_1, %get3A_4, %dot_general3A {dimension_numbers = #tpu.dot_dimension_numbers<[1], [0], [0], [1], [0, 0, 1, 1], [], []>, precision = #tpu.contract_precision<fp32>, transpose_lhs_hint = false} : vector<1000x128xf32>, vector<128x64xf32>, vector<1000x64xf32> -> vector<1000x64xf32>
    %swap3A = arith.constant 0 : index
    %swap3A_6 = arith.constant 0 : index
    %swap3A_7 = vector.load %arg3[%swap3A, %swap3A_6] : memref<1000x64xf32, #tpu.memory_space<vmem>>, vector<1000x64xf32>
    tpu.vector_store %arg3[%swap3A, %swap3A_6], %dot_general3A_5 {strides = array<i32>} : memref<1000x64xf32, #tpu.memory_space<vmem>>, vector<1000x64xf32>,
    return
  }
  func.func @transform_0(%arg0: i32) -> (i32, i32) {
    %c0_i32 = arith.constant 0 : i32
    %c0_i32_0 = arith.constant 0 : i32
    return %arg0, %c0_i32 : i32, i32
  }
  func.func @transform_1(%arg0: i32) -> (i32, i32) {
    %c0_i32 = arith.constant 0 : i32
    %c0_i32_0 = arith.constant 0 : i32
    %c0_i32_1 = arith.constant 0 : i32
    return %c0_i32, %c0_i32_0 : i32, i32
  }
  func.func @transform_2(%arg0: i32) -> (i32, i32) {
    %c0_i32 = arith.constant 0 : i32
    %c0_i32_0 = arith.constant 0 : i32
    return %arg0, %c0_i32 : i32, i32
  }
}

module attributes {stable_mosaic.version = 14 : i64} {
  func.func @_tc_gcn1_body(%arg0: i32, %arg1: memref<1000x64xf32, #tpu.memory_space<vmem>>, %arg2: memref<1000x64xf32, #tpu.memory_space<vmem>>, %arg3: memref<1000x64xf32, #tpu.memory_space<vmem>>, %arg4: memref<1000x1xf32, #tpu.memory_space<vmem>>, %arg5: memref<1x64xf32, #tpu.memory_space<vmem>>, %arg6: memref<64x64xf32, #tpu.memory_space<vmem>>, %arg7: memref<1000x64xf32, #tpu.memory_space<vmem>>, %arg8: memref<1000x64xf32, #tpu.memory_space<vmem>>) attributes {dimension_semantics = [#tpu.dimension_semantics<arbitrary>], iteration_bounds = array<i64: 10>, scalar_prefetch = 0 : i64, scratch_operands = 0 : i64, tpu.core_type = #tpu.core_type<tc>, window_params = [{transform_indices = @transform_0, window_bounds = array<i64: 1000, 64>}, {transform_indices = @transform_1, window_bounds = array<i64: 1000, 64>}, {transform_indices = @transform_2, window_bounds = array<i64: 1000, 64>}, {transform_indices = @transform_3, window_bounds = array<i64: 1000, 1>}, {pipeline_mode = #tpu.pipeline_mode<synchronous>, transform_indices = @transform_4, window_bounds = array<i64: 1, 64>}, {pipeline_mode = #tpu.pipeline_mode<synchronous>, transform_indices = @transform_5, window_bounds = array<i64: 64, 64>}, {transform_indices = @transform_6, window_bounds = array<i64: 1000, 64>}, {transform_indices = @transform_7, window_bounds = array<i64: 1000, 64>}]} {
    %get3A = arith.constant 0 : index
    %get3A_0 = arith.constant 0 : index
    %get3A_1 = vector.load %arg4[%get3A, %get3A_0] : memref<1000x1xf32, #tpu.memory_space<vmem>>, vector<1000x1xf32>
    %get3A_2 = arith.constant 0 : index
    %get3A_3 = arith.constant 0 : index
    %get3A_4 = vector.load %arg4[%get3A_2, %get3A_3] : memref<1000x1xf32, #tpu.memory_space<vmem>>, vector<1000x1xf32>
    %mul3A = arith.mulf %get3A_1, %get3A_4 : vector<1000x1xf32>
    %get3A_5 = arith.constant 0 : index
    %get3A_6 = arith.constant 0 : index
    %get3A_7 = vector.load %arg1[%get3A_5, %get3A_6] : memref<1000x64xf32, #tpu.memory_space<vmem>>, vector<1000x64xf32>
    %get3A_8 = arith.constant 0 : index
    %get3A_9 = arith.constant 0 : index
    %get3A_10 = vector.load %arg2[%get3A_8, %get3A_9] : memref<1000x64xf32, #tpu.memory_space<vmem>>, vector<1000x64xf32>
    %add3A = arith.addf %get3A_7, %get3A_10 : vector<1000x64xf32>
    %get3A_11 = arith.constant 0 : index
    %get3A_12 = arith.constant 0 : index
    %get3A_13 = vector.load %arg3[%get3A_11, %get3A_12] : memref<1000x64xf32, #tpu.memory_space<vmem>>, vector<1000x64xf32>
    %mul3A_14 = vector.broadcast %mul3A : vector<1000x1xf32> to vector<1000x64xf32>
    %mul3A_15 = arith.mulf %mul3A_14, %get3A_13 : vector<1000x64xf32>
    %add3A_16 = arith.addf %add3A, %mul3A_15 : vector<1000x64xf32>
    %get3A_17 = arith.constant 0 : index
    %get3A_18 = arith.constant 0 : index
    %get3A_19 = vector.load %arg5[%get3A_17, %get3A_18] : memref<1x64xf32, #tpu.memory_space<vmem>>, vector<1x64xf32>
    %add3A_20 = vector.broadcast %get3A_19 : vector<1x64xf32> to vector<1000x64xf32>
    %add3A_21 = arith.addf %add3A_16, %add3A_20 : vector<1000x64xf32>
    %max3A = arith.constant 0.000000e+00 : f32
    %max3A_22 = vector.broadcast %max3A : f32 to vector<1000x64xf32>
    %max3A_23 = arith.maximumf %add3A_21, %max3A_22 : vector<1000x64xf32>
    %swap3A = arith.constant 0 : index
    %swap3A_24 = arith.constant 0 : index
    %swap3A_25 = vector.load %arg7[%swap3A, %swap3A_24] : memref<1000x64xf32, #tpu.memory_space<vmem>>, vector<1000x64xf32>
    tpu.vector_store %arg7[%swap3A, %swap3A_24], %max3A_23 {strides = array<i32>} : memref<1000x64xf32, #tpu.memory_space<vmem>>, vector<1000x64xf32>,
    %get3A_26 = arith.constant 0 : index
    %get3A_27 = arith.constant 0 : index
    %get3A_28 = vector.load %arg6[%get3A_26, %get3A_27] : memref<64x64xf32, #tpu.memory_space<vmem>>, vector<64x64xf32>
    %dot_general3A = arith.constant dense<0.000000e+00> : vector<1000x64xf32>
    %dot_general3A_29 = tpu.matmul %max3A_23, %get3A_28, %dot_general3A {dimension_numbers = #tpu.dot_dimension_numbers<[1], [0], [0], [1], [0, 0, 1, 1], [], []>, precision = #tpu.contract_precision<fp32>, transpose_lhs_hint = false} : vector<1000x64xf32>, vector<64x64xf32>, vector<1000x64xf32> -> vector<1000x64xf32>
    %swap3A_30 = arith.constant 0 : index
    %swap3A_31 = arith.constant 0 : index
    %swap3A_32 = vector.load %arg8[%swap3A_30, %swap3A_31] : memref<1000x64xf32, #tpu.memory_space<vmem>>, vector<1000x64xf32>
    tpu.vector_store %arg8[%swap3A_30, %swap3A_31], %dot_general3A_29 {strides = array<i32>} : memref<1000x64xf32, #tpu.memory_space<vmem>>, vector<1000x64xf32>,
    return
  }
  func.func @transform_0(%arg0: i32) -> (i32, i32) {
    %c0_i32 = arith.constant 0 : i32
    %c0_i32_0 = arith.constant 0 : i32
    return %arg0, %c0_i32 : i32, i32
  }
  func.func @transform_1(%arg0: i32) -> (i32, i32) {
    %c0_i32 = arith.constant 0 : i32
    %c0_i32_0 = arith.constant 0 : i32
    return %arg0, %c0_i32 : i32, i32
  }
  func.func @transform_2(%arg0: i32) -> (i32, i32) {
    %c0_i32 = arith.constant 0 : i32
    %c0_i32_0 = arith.constant 0 : i32
    return %arg0, %c0_i32 : i32, i32
  }
  func.func @transform_3(%arg0: i32) -> (i32, i32) {
    %c0_i32 = arith.constant 0 : i32
    %c0_i32_0 = arith.constant 0 : i32
    return %arg0, %c0_i32 : i32, i32
  }
  func.func @transform_4(%arg0: i32) -> (i32, i32) {
    %c0_i32 = arith.constant 0 : i32
    %c0_i32_0 = arith.constant 0 : i32
    %c0_i32_1 = arith.constant 0 : i32
    return %c0_i32, %c0_i32_0 : i32, i32
  }
  func.func @transform_5(%arg0: i32) -> (i32, i32) {
    %c0_i32 = arith.constant 0 : i32
    %c0_i32_0 = arith.constant 0 : i32
    %c0_i32_1 = arith.constant 0 : i32
    return %c0_i32, %c0_i32_0 : i32, i32
  }
  func.func @transform_6(%arg0: i32) -> (i32, i32) {
    %c0_i32 = arith.constant 0 : i32
    %c0_i32_0 = arith.constant 0 : i32
    return %arg0, %c0_i32 : i32, i32
  }
  func.func @transform_7(%arg0: i32) -> (i32, i32) {
    %c0_i32 = arith.constant 0 : i32
    %c0_i32_0 = arith.constant 0 : i32
    return %arg0, %c0_i32 : i32, i32
  }
}

module attributes {stable_mosaic.version = 14 : i64} {
  func.func @_tc_gru_body(%arg0: i32, %arg1: memref<1000x64xf32, #tpu.memory_space<vmem>>, %arg2: memref<1000x64xf32, #tpu.memory_space<vmem>>, %arg3: memref<1000x64xf32, #tpu.memory_space<vmem>>, %arg4: memref<64x192xf32, #tpu.memory_space<vmem>>, %arg5: memref<64x192xf32, #tpu.memory_space<vmem>>, %arg6: memref<1x192xf32, #tpu.memory_space<vmem>>, %arg7: memref<1x192xf32, #tpu.memory_space<vmem>>, %arg8: memref<64x64xf32, #tpu.memory_space<vmem>>, %arg9: memref<1000x64xf32, #tpu.memory_space<vmem>>, %arg10: memref<1000x64xf32, #tpu.memory_space<vmem>>) attributes {dimension_semantics = [#tpu.dimension_semantics<arbitrary>], iteration_bounds = array<i64: 10>, scalar_prefetch = 0 : i64, scratch_operands = 0 : i64, tpu.core_type = #tpu.core_type<tc>, window_params = [{transform_indices = @transform_0, window_bounds = array<i64: 1000, 64>}, {transform_indices = @transform_1, window_bounds = array<i64: 1000, 64>}, {transform_indices = @transform_2, window_bounds = array<i64: 1000, 64>}, {pipeline_mode = #tpu.pipeline_mode<synchronous>, transform_indices = @transform_3, window_bounds = array<i64: 64, 192>}, {pipeline_mode = #tpu.pipeline_mode<synchronous>, transform_indices = @transform_4, window_bounds = array<i64: 64, 192>}, {pipeline_mode = #tpu.pipeline_mode<synchronous>, transform_indices = @transform_5, window_bounds = array<i64: 1, 192>}, {pipeline_mode = #tpu.pipeline_mode<synchronous>, transform_indices = @transform_6, window_bounds = array<i64: 1, 192>}, {pipeline_mode = #tpu.pipeline_mode<synchronous>, transform_indices = @transform_7, window_bounds = array<i64: 64, 64>}, {transform_indices = @transform_8, window_bounds = array<i64: 1000, 64>}, {transform_indices = @transform_9, window_bounds = array<i64: 1000, 64>}]} {
    %get3A = arith.constant 0 : index
    %get3A_0 = arith.constant 0 : index
    %get3A_1 = vector.load %arg1[%get3A, %get3A_0] : memref<1000x64xf32, #tpu.memory_space<vmem>>, vector<1000x64xf32>
    %get3A_2 = arith.constant 0 : index
    %get3A_3 = arith.constant 0 : index
    %get3A_4 = vector.load %arg2[%get3A_2, %get3A_3] : memref<1000x64xf32, #tpu.memory_space<vmem>>, vector<1000x64xf32>
    %add3A = arith.addf %get3A_1, %get3A_4 : vector<1000x64xf32>
    %get3A_5 = arith.constant 0 : index
    %get3A_6 = arith.constant 0 : index
    %get3A_7 = vector.load %arg3[%get3A_5, %get3A_6] : memref<1000x64xf32, #tpu.memory_space<vmem>>, vector<1000x64xf32>
    %get3A_8 = arith.constant 0 : index
    %get3A_9 = arith.constant 0 : index
    %get3A_10 = vector.load %arg4[%get3A_8, %get3A_9] : memref<64x192xf32, #tpu.memory_space<vmem>>, vector<64x192xf32>
    %dot_general3A = arith.constant dense<0.000000e+00> : vector<1000x192xf32>
    %dot_general3A_11 = tpu.matmul %add3A, %get3A_10, %dot_general3A {dimension_numbers = #tpu.dot_dimension_numbers<[1], [0], [0], [1], [0, 0, 1, 1], [], []>, precision = #tpu.contract_precision<fp32>, transpose_lhs_hint = false} : vector<1000x64xf32>, vector<64x192xf32>, vector<1000x192xf32> -> vector<1000x192xf32>
    %get3A_12 = arith.constant 0 : index
    %get3A_13 = arith.constant 0 : index
    %get3A_14 = vector.load %arg6[%get3A_12, %get3A_13] : memref<1x192xf32, #tpu.memory_space<vmem>>, vector<1x192xf32>
    %add3A_15 = vector.broadcast %get3A_14 : vector<1x192xf32> to vector<1000x192xf32>
    %add3A_16 = arith.addf %dot_general3A_11, %add3A_15 : vector<1000x192xf32>
    %get3A_17 = arith.constant 0 : index
    %get3A_18 = arith.constant 0 : index
    %get3A_19 = vector.load %arg5[%get3A_17, %get3A_18] : memref<64x192xf32, #tpu.memory_space<vmem>>, vector<64x192xf32>
    %dot_general3A_20 = arith.constant dense<0.000000e+00> : vector<1000x192xf32>
    %dot_general3A_21 = tpu.matmul %get3A_7, %get3A_19, %dot_general3A_20 {dimension_numbers = #tpu.dot_dimension_numbers<[1], [0], [0], [1], [0, 0, 1, 1], [], []>, precision = #tpu.contract_precision<fp32>, transpose_lhs_hint = false} : vector<1000x64xf32>, vector<64x192xf32>, vector<1000x192xf32> -> vector<1000x192xf32>
    %get3A_22 = arith.constant 0 : index
    %get3A_23 = arith.constant 0 : index
    %get3A_24 = vector.load %arg7[%get3A_22, %get3A_23] : memref<1x192xf32, #tpu.memory_space<vmem>>, vector<1x192xf32>
    %add3A_25 = vector.broadcast %get3A_24 : vector<1x192xf32> to vector<1000x192xf32>
    %add3A_26 = arith.addf %dot_general3A_21, %add3A_25 : vector<1000x192xf32>
    %slice3A = vector.extract_strided_slice %add3A_16 {offsets = [0, 0], sizes = [1000, 64], strides = [1, 1]} : vector<1000x192xf32> to vector<1000x64xf32>
    %slice3A_27 = vector.extract_strided_slice %add3A_16 {offsets = [0, 64], sizes = [1000, 64], strides = [1, 1]} : vector<1000x192xf32> to vector<1000x64xf32>
    %slice3A_28 = vector.extract_strided_slice %add3A_16 {offsets = [0, 128], sizes = [1000, 64], strides = [1, 1]} : vector<1000x192xf32> to vector<1000x64xf32>
    %slice3A_29 = vector.extract_strided_slice %add3A_26 {offsets = [0, 0], sizes = [1000, 64], strides = [1, 1]} : vector<1000x192xf32> to vector<1000x64xf32>
    %slice3A_30 = vector.extract_strided_slice %add3A_26 {offsets = [0, 64], sizes = [1000, 64], strides = [1, 1]} : vector<1000x192xf32> to vector<1000x64xf32>
    %slice3A_31 = vector.extract_strided_slice %add3A_26 {offsets = [0, 128], sizes = [1000, 64], strides = [1, 1]} : vector<1000x192xf32> to vector<1000x64xf32>
    %add3A_32 = arith.addf %slice3A, %slice3A_29 : vector<1000x64xf32>
    %logistic3A = arith.negf %add3A_32 : vector<1000x64xf32>
    %logistic3A_33 = math.exp %logistic3A : vector<1000x64xf32>
    %logistic3A_34 = arith.constant 1.000000e+00 : f32
    %logistic3A_35 = vector.broadcast %logistic3A_34 : f32 to vector<1000x64xf32>
    %logistic3A_36 = arith.addf %logistic3A_35, %logistic3A_33 : vector<1000x64xf32>
    %logistic3A_37 = arith.divf %logistic3A_35, %logistic3A_36 : vector<1000x64xf32>
    %add3A_38 = arith.addf %slice3A_27, %slice3A_30 : vector<1000x64xf32>
    %logistic3A_39 = arith.negf %add3A_38 : vector<1000x64xf32>
    %logistic3A_40 = math.exp %logistic3A_39 : vector<1000x64xf32>
    %logistic3A_41 = arith.constant 1.000000e+00 : f32
    %logistic3A_42 = vector.broadcast %logistic3A_41 : f32 to vector<1000x64xf32>
    %logistic3A_43 = arith.addf %logistic3A_42, %logistic3A_40 : vector<1000x64xf32>
    %logistic3A_44 = arith.divf %logistic3A_42, %logistic3A_43 : vector<1000x64xf32>
    %mul3A = arith.mulf %logistic3A_37, %slice3A_31 : vector<1000x64xf32>
    %add3A_45 = arith.addf %slice3A_28, %mul3A : vector<1000x64xf32>
    %tanh3A = math.tanh %add3A_45 : vector<1000x64xf32>
    %sub3A = arith.constant 1.000000e+00 : f32
    %sub3A_46 = vector.broadcast %sub3A : f32 to vector<1000x64xf32>
    %sub3A_47 = arith.subf %sub3A_46, %logistic3A_44 : vector<1000x64xf32>
    %mul3A_48 = arith.mulf %sub3A_47, %tanh3A : vector<1000x64xf32>
    %mul3A_49 = arith.mulf %logistic3A_44, %get3A_7 : vector<1000x64xf32>
    %add3A_50 = arith.addf %mul3A_48, %mul3A_49 : vector<1000x64xf32>
    %swap3A = arith.constant 0 : index
    %swap3A_51 = arith.constant 0 : index
    %swap3A_52 = vector.load %arg9[%swap3A, %swap3A_51] : memref<1000x64xf32, #tpu.memory_space<vmem>>, vector<1000x64xf32>
    tpu.vector_store %arg9[%swap3A, %swap3A_51], %add3A_50 {strides = array<i32>} : memref<1000x64xf32, #tpu.memory_space<vmem>>, vector<1000x64xf32>,
    %get3A_53 = arith.constant 0 : index
    %get3A_54 = arith.constant 0 : index
    %get3A_55 = vector.load %arg8[%get3A_53, %get3A_54] : memref<64x64xf32, #tpu.memory_space<vmem>>, vector<64x64xf32>
    %dot_general3A_56 = arith.constant dense<0.000000e+00> : vector<1000x64xf32>
    %dot_general3A_57 = tpu.matmul %add3A_50, %get3A_55, %dot_general3A_56 {dimension_numbers = #tpu.dot_dimension_numbers<[1], [0], [0], [1], [0, 0, 1, 1], [], []>, precision = #tpu.contract_precision<fp32>, transpose_lhs_hint = false} : vector<1000x64xf32>, vector<64x64xf32>, vector<1000x64xf32> -> vector<1000x64xf32>
    %swap3A_58 = arith.constant 0 : index
    %swap3A_59 = arith.constant 0 : index
    %swap3A_60 = vector.load %arg10[%swap3A_58, %swap3A_59] : memref<1000x64xf32, #tpu.memory_space<vmem>>, vector<1000x64xf32>
    tpu.vector_store %arg10[%swap3A_58, %swap3A_59], %dot_general3A_57 {strides = array<i32>} : memref<1000x64xf32, #tpu.memory_space<vmem>>, vector<1000x64xf32>,
    return
  }
  func.func @transform_0(%arg0: i32) -> (i32, i32) {
    %c0_i32 = arith.constant 0 : i32
    %c0_i32_0 = arith.constant 0 : i32
    return %arg0, %c0_i32 : i32, i32
  }
  func.func @transform_1(%arg0: i32) -> (i32, i32) {
    %c0_i32 = arith.constant 0 : i32
    %c0_i32_0 = arith.constant 0 : i32
    return %arg0, %c0_i32 : i32, i32
  }
  func.func @transform_2(%arg0: i32) -> (i32, i32) {
    %c0_i32 = arith.constant 0 : i32
    %c0_i32_0 = arith.constant 0 : i32
    return %arg0, %c0_i32 : i32, i32
  }
  func.func @transform_3(%arg0: i32) -> (i32, i32) {
    %c0_i32 = arith.constant 0 : i32
    %c0_i32_0 = arith.constant 0 : i32
    %c0_i32_1 = arith.constant 0 : i32
    return %c0_i32, %c0_i32_0 : i32, i32
  }
  func.func @transform_4(%arg0: i32) -> (i32, i32) {
    %c0_i32 = arith.constant 0 : i32
    %c0_i32_0 = arith.constant 0 : i32
    %c0_i32_1 = arith.constant 0 : i32
    return %c0_i32, %c0_i32_0 : i32, i32
  }
  func.func @transform_5(%arg0: i32) -> (i32, i32) {
    %c0_i32 = arith.constant 0 : i32
    %c0_i32_0 = arith.constant 0 : i32
    %c0_i32_1 = arith.constant 0 : i32
    return %c0_i32, %c0_i32_0 : i32, i32
  }
  func.func @transform_6(%arg0: i32) -> (i32, i32) {
    %c0_i32 = arith.constant 0 : i32
    %c0_i32_0 = arith.constant 0 : i32
    %c0_i32_1 = arith.constant 0 : i32
    return %c0_i32, %c0_i32_0 : i32, i32
  }
  func.func @transform_7(%arg0: i32) -> (i32, i32) {
    %c0_i32 = arith.constant 0 : i32
    %c0_i32_0 = arith.constant 0 : i32
    %c0_i32_1 = arith.constant 0 : i32
    return %c0_i32, %c0_i32_0 : i32, i32
  }
  func.func @transform_8(%arg0: i32) -> (i32, i32) {
    %c0_i32 = arith.constant 0 : i32
    %c0_i32_0 = arith.constant 0 : i32
    return %arg0, %c0_i32 : i32, i32
  }
  func.func @transform_9(%arg0: i32) -> (i32, i32) {
    %c0_i32 = arith.constant 0 : i32
    %c0_i32_0 = arith.constant 0 : i32
    return %arg0, %c0_i32 : i32, i32
  }
}

module attributes {stable_mosaic.version = 14 : i64} {
  func.func @_tc_gru_body(%arg0: i32, %arg1: memref<1000x64xf32, #tpu.memory_space<vmem>>, %arg2: memref<1000x64xf32, #tpu.memory_space<vmem>>, %arg3: memref<1000x64xf32, #tpu.memory_space<vmem>>, %arg4: memref<64x192xf32, #tpu.memory_space<vmem>>, %arg5: memref<64x192xf32, #tpu.memory_space<vmem>>, %arg6: memref<1x192xf32, #tpu.memory_space<vmem>>, %arg7: memref<1x192xf32, #tpu.memory_space<vmem>>, %arg8: memref<64x16xf32, #tpu.memory_space<vmem>>, %arg9: memref<1000x64xf32, #tpu.memory_space<vmem>>, %arg10: memref<1000x16xf32, #tpu.memory_space<vmem>>) attributes {dimension_semantics = [#tpu.dimension_semantics<arbitrary>], iteration_bounds = array<i64: 10>, scalar_prefetch = 0 : i64, scratch_operands = 0 : i64, tpu.core_type = #tpu.core_type<tc>, window_params = [{transform_indices = @transform_0, window_bounds = array<i64: 1000, 64>}, {transform_indices = @transform_1, window_bounds = array<i64: 1000, 64>}, {transform_indices = @transform_2, window_bounds = array<i64: 1000, 64>}, {pipeline_mode = #tpu.pipeline_mode<synchronous>, transform_indices = @transform_3, window_bounds = array<i64: 64, 192>}, {pipeline_mode = #tpu.pipeline_mode<synchronous>, transform_indices = @transform_4, window_bounds = array<i64: 64, 192>}, {pipeline_mode = #tpu.pipeline_mode<synchronous>, transform_indices = @transform_5, window_bounds = array<i64: 1, 192>}, {pipeline_mode = #tpu.pipeline_mode<synchronous>, transform_indices = @transform_6, window_bounds = array<i64: 1, 192>}, {pipeline_mode = #tpu.pipeline_mode<synchronous>, transform_indices = @transform_7, window_bounds = array<i64: 64, 16>}, {transform_indices = @transform_8, window_bounds = array<i64: 1000, 64>}, {transform_indices = @transform_9, window_bounds = array<i64: 1000, 16>}]} {
    %get3A = arith.constant 0 : index
    %get3A_0 = arith.constant 0 : index
    %get3A_1 = vector.load %arg1[%get3A, %get3A_0] : memref<1000x64xf32, #tpu.memory_space<vmem>>, vector<1000x64xf32>
    %get3A_2 = arith.constant 0 : index
    %get3A_3 = arith.constant 0 : index
    %get3A_4 = vector.load %arg2[%get3A_2, %get3A_3] : memref<1000x64xf32, #tpu.memory_space<vmem>>, vector<1000x64xf32>
    %add3A = arith.addf %get3A_1, %get3A_4 : vector<1000x64xf32>
    %get3A_5 = arith.constant 0 : index
    %get3A_6 = arith.constant 0 : index
    %get3A_7 = vector.load %arg3[%get3A_5, %get3A_6] : memref<1000x64xf32, #tpu.memory_space<vmem>>, vector<1000x64xf32>
    %get3A_8 = arith.constant 0 : index
    %get3A_9 = arith.constant 0 : index
    %get3A_10 = vector.load %arg4[%get3A_8, %get3A_9] : memref<64x192xf32, #tpu.memory_space<vmem>>, vector<64x192xf32>
    %dot_general3A = arith.constant dense<0.000000e+00> : vector<1000x192xf32>
    %dot_general3A_11 = tpu.matmul %add3A, %get3A_10, %dot_general3A {dimension_numbers = #tpu.dot_dimension_numbers<[1], [0], [0], [1], [0, 0, 1, 1], [], []>, precision = #tpu.contract_precision<fp32>, transpose_lhs_hint = false} : vector<1000x64xf32>, vector<64x192xf32>, vector<1000x192xf32> -> vector<1000x192xf32>
    %get3A_12 = arith.constant 0 : index
    %get3A_13 = arith.constant 0 : index
    %get3A_14 = vector.load %arg6[%get3A_12, %get3A_13] : memref<1x192xf32, #tpu.memory_space<vmem>>, vector<1x192xf32>
    %add3A_15 = vector.broadcast %get3A_14 : vector<1x192xf32> to vector<1000x192xf32>
    %add3A_16 = arith.addf %dot_general3A_11, %add3A_15 : vector<1000x192xf32>
    %get3A_17 = arith.constant 0 : index
    %get3A_18 = arith.constant 0 : index
    %get3A_19 = vector.load %arg5[%get3A_17, %get3A_18] : memref<64x192xf32, #tpu.memory_space<vmem>>, vector<64x192xf32>
    %dot_general3A_20 = arith.constant dense<0.000000e+00> : vector<1000x192xf32>
    %dot_general3A_21 = tpu.matmul %get3A_7, %get3A_19, %dot_general3A_20 {dimension_numbers = #tpu.dot_dimension_numbers<[1], [0], [0], [1], [0, 0, 1, 1], [], []>, precision = #tpu.contract_precision<fp32>, transpose_lhs_hint = false} : vector<1000x64xf32>, vector<64x192xf32>, vector<1000x192xf32> -> vector<1000x192xf32>
    %get3A_22 = arith.constant 0 : index
    %get3A_23 = arith.constant 0 : index
    %get3A_24 = vector.load %arg7[%get3A_22, %get3A_23] : memref<1x192xf32, #tpu.memory_space<vmem>>, vector<1x192xf32>
    %add3A_25 = vector.broadcast %get3A_24 : vector<1x192xf32> to vector<1000x192xf32>
    %add3A_26 = arith.addf %dot_general3A_21, %add3A_25 : vector<1000x192xf32>
    %slice3A = vector.extract_strided_slice %add3A_16 {offsets = [0, 0], sizes = [1000, 64], strides = [1, 1]} : vector<1000x192xf32> to vector<1000x64xf32>
    %slice3A_27 = vector.extract_strided_slice %add3A_16 {offsets = [0, 64], sizes = [1000, 64], strides = [1, 1]} : vector<1000x192xf32> to vector<1000x64xf32>
    %slice3A_28 = vector.extract_strided_slice %add3A_16 {offsets = [0, 128], sizes = [1000, 64], strides = [1, 1]} : vector<1000x192xf32> to vector<1000x64xf32>
    %slice3A_29 = vector.extract_strided_slice %add3A_26 {offsets = [0, 0], sizes = [1000, 64], strides = [1, 1]} : vector<1000x192xf32> to vector<1000x64xf32>
    %slice3A_30 = vector.extract_strided_slice %add3A_26 {offsets = [0, 64], sizes = [1000, 64], strides = [1, 1]} : vector<1000x192xf32> to vector<1000x64xf32>
    %slice3A_31 = vector.extract_strided_slice %add3A_26 {offsets = [0, 128], sizes = [1000, 64], strides = [1, 1]} : vector<1000x192xf32> to vector<1000x64xf32>
    %add3A_32 = arith.addf %slice3A, %slice3A_29 : vector<1000x64xf32>
    %logistic3A = arith.negf %add3A_32 : vector<1000x64xf32>
    %logistic3A_33 = math.exp %logistic3A : vector<1000x64xf32>
    %logistic3A_34 = arith.constant 1.000000e+00 : f32
    %logistic3A_35 = vector.broadcast %logistic3A_34 : f32 to vector<1000x64xf32>
    %logistic3A_36 = arith.addf %logistic3A_35, %logistic3A_33 : vector<1000x64xf32>
    %logistic3A_37 = arith.divf %logistic3A_35, %logistic3A_36 : vector<1000x64xf32>
    %add3A_38 = arith.addf %slice3A_27, %slice3A_30 : vector<1000x64xf32>
    %logistic3A_39 = arith.negf %add3A_38 : vector<1000x64xf32>
    %logistic3A_40 = math.exp %logistic3A_39 : vector<1000x64xf32>
    %logistic3A_41 = arith.constant 1.000000e+00 : f32
    %logistic3A_42 = vector.broadcast %logistic3A_41 : f32 to vector<1000x64xf32>
    %logistic3A_43 = arith.addf %logistic3A_42, %logistic3A_40 : vector<1000x64xf32>
    %logistic3A_44 = arith.divf %logistic3A_42, %logistic3A_43 : vector<1000x64xf32>
    %mul3A = arith.mulf %logistic3A_37, %slice3A_31 : vector<1000x64xf32>
    %add3A_45 = arith.addf %slice3A_28, %mul3A : vector<1000x64xf32>
    %tanh3A = math.tanh %add3A_45 : vector<1000x64xf32>
    %sub3A = arith.constant 1.000000e+00 : f32
    %sub3A_46 = vector.broadcast %sub3A : f32 to vector<1000x64xf32>
    %sub3A_47 = arith.subf %sub3A_46, %logistic3A_44 : vector<1000x64xf32>
    %mul3A_48 = arith.mulf %sub3A_47, %tanh3A : vector<1000x64xf32>
    %mul3A_49 = arith.mulf %logistic3A_44, %get3A_7 : vector<1000x64xf32>
    %add3A_50 = arith.addf %mul3A_48, %mul3A_49 : vector<1000x64xf32>
    %swap3A = arith.constant 0 : index
    %swap3A_51 = arith.constant 0 : index
    %swap3A_52 = vector.load %arg9[%swap3A, %swap3A_51] : memref<1000x64xf32, #tpu.memory_space<vmem>>, vector<1000x64xf32>
    tpu.vector_store %arg9[%swap3A, %swap3A_51], %add3A_50 {strides = array<i32>} : memref<1000x64xf32, #tpu.memory_space<vmem>>, vector<1000x64xf32>,
    %get3A_53 = arith.constant 0 : index
    %get3A_54 = arith.constant 0 : index
    %get3A_55 = vector.load %arg8[%get3A_53, %get3A_54] : memref<64x16xf32, #tpu.memory_space<vmem>>, vector<64x16xf32>
    %dot_general3A_56 = arith.constant dense<0.000000e+00> : vector<1000x16xf32>
    %dot_general3A_57 = tpu.matmul %add3A_50, %get3A_55, %dot_general3A_56 {dimension_numbers = #tpu.dot_dimension_numbers<[1], [0], [0], [1], [0, 0, 1, 1], [], []>, precision = #tpu.contract_precision<fp32>, transpose_lhs_hint = false} : vector<1000x64xf32>, vector<64x16xf32>, vector<1000x16xf32> -> vector<1000x16xf32>
    %swap3A_58 = arith.constant 0 : index
    %swap3A_59 = arith.constant 0 : index
    %swap3A_60 = vector.load %arg10[%swap3A_58, %swap3A_59] : memref<1000x16xf32, #tpu.memory_space<vmem>>, vector<1000x16xf32>
    tpu.vector_store %arg10[%swap3A_58, %swap3A_59], %dot_general3A_57 {strides = array<i32>} : memref<1000x16xf32, #tpu.memory_space<vmem>>, vector<1000x16xf32>,
    return
  }
  func.func @transform_0(%arg0: i32) -> (i32, i32) {
    %c0_i32 = arith.constant 0 : i32
    %c0_i32_0 = arith.constant 0 : i32
    return %arg0, %c0_i32 : i32, i32
  }
  func.func @transform_1(%arg0: i32) -> (i32, i32) {
    %c0_i32 = arith.constant 0 : i32
    %c0_i32_0 = arith.constant 0 : i32
    return %arg0, %c0_i32 : i32, i32
  }
  func.func @transform_2(%arg0: i32) -> (i32, i32) {
    %c0_i32 = arith.constant 0 : i32
    %c0_i32_0 = arith.constant 0 : i32
    return %arg0, %c0_i32 : i32, i32
  }
  func.func @transform_3(%arg0: i32) -> (i32, i32) {
    %c0_i32 = arith.constant 0 : i32
    %c0_i32_0 = arith.constant 0 : i32
    %c0_i32_1 = arith.constant 0 : i32
    return %c0_i32, %c0_i32_0 : i32, i32
  }
  func.func @transform_4(%arg0: i32) -> (i32, i32) {
    %c0_i32 = arith.constant 0 : i32
    %c0_i32_0 = arith.constant 0 : i32
    %c0_i32_1 = arith.constant 0 : i32
    return %c0_i32, %c0_i32_0 : i32, i32
  }
  func.func @transform_5(%arg0: i32) -> (i32, i32) {
    %c0_i32 = arith.constant 0 : i32
    %c0_i32_0 = arith.constant 0 : i32
    %c0_i32_1 = arith.constant 0 : i32
    return %c0_i32, %c0_i32_0 : i32, i32
  }
  func.func @transform_6(%arg0: i32) -> (i32, i32) {
    %c0_i32 = arith.constant 0 : i32
    %c0_i32_0 = arith.constant 0 : i32
    %c0_i32_1 = arith.constant 0 : i32
    return %c0_i32, %c0_i32_0 : i32, i32
  }
  func.func @transform_7(%arg0: i32) -> (i32, i32) {
    %c0_i32 = arith.constant 0 : i32
    %c0_i32_0 = arith.constant 0 : i32
    %c0_i32_1 = arith.constant 0 : i32
    return %c0_i32, %c0_i32_0 : i32, i32
  }
  func.func @transform_8(%arg0: i32) -> (i32, i32) {
    %c0_i32 = arith.constant 0 : i32
    %c0_i32_0 = arith.constant 0 : i32
    return %arg0, %c0_i32 : i32, i32
  }
  func.func @transform_9(%arg0: i32) -> (i32, i32) {
    %c0_i32 = arith.constant 0 : i32
    %c0_i32_0 = arith.constant 0 : i32
    return %arg0, %c0_i32 : i32, i32
  }
}

module attributes {stable_mosaic.version = 14 : i64} {
  func.func @_tc_final_body(%arg0: i32, %arg1: memref<1000x16xf32, #tpu.memory_space<vmem>>, %arg2: memref<1000x16xf32, #tpu.memory_space<vmem>>, %arg3: memref<1000x16xf32, #tpu.memory_space<vmem>>, %arg4: memref<1000x1xf32, #tpu.memory_space<vmem>>, %arg5: memref<1x16xf32, #tpu.memory_space<vmem>>, %arg6: memref<1000x16xf32, #tpu.memory_space<vmem>>) attributes {dimension_semantics = [#tpu.dimension_semantics<arbitrary>], iteration_bounds = array<i64: 10>, scalar_prefetch = 0 : i64, scratch_operands = 0 : i64, tpu.core_type = #tpu.core_type<tc>, window_params = [{transform_indices = @transform_0, window_bounds = array<i64: 1000, 16>}, {transform_indices = @transform_1, window_bounds = array<i64: 1000, 16>}, {transform_indices = @transform_2, window_bounds = array<i64: 1000, 16>}, {transform_indices = @transform_3, window_bounds = array<i64: 1000, 1>}, {pipeline_mode = #tpu.pipeline_mode<synchronous>, transform_indices = @transform_4, window_bounds = array<i64: 1, 16>}, {transform_indices = @transform_5, window_bounds = array<i64: 1000, 16>}]} {
    %get3A = arith.constant 0 : index
    %get3A_0 = arith.constant 0 : index
    %get3A_1 = vector.load %arg4[%get3A, %get3A_0] : memref<1000x1xf32, #tpu.memory_space<vmem>>, vector<1000x1xf32>
    %get3A_2 = arith.constant 0 : index
    %get3A_3 = arith.constant 0 : index
    %get3A_4 = vector.load %arg4[%get3A_2, %get3A_3] : memref<1000x1xf32, #tpu.memory_space<vmem>>, vector<1000x1xf32>
    %mul3A = arith.mulf %get3A_1, %get3A_4 : vector<1000x1xf32>
    %get3A_5 = arith.constant 0 : index
    %get3A_6 = arith.constant 0 : index
    %get3A_7 = vector.load %arg1[%get3A_5, %get3A_6] : memref<1000x16xf32, #tpu.memory_space<vmem>>, vector<1000x16xf32>
    %get3A_8 = arith.constant 0 : index
    %get3A_9 = arith.constant 0 : index
    %get3A_10 = vector.load %arg2[%get3A_8, %get3A_9] : memref<1000x16xf32, #tpu.memory_space<vmem>>, vector<1000x16xf32>
    %add3A = arith.addf %get3A_7, %get3A_10 : vector<1000x16xf32>
    %get3A_11 = arith.constant 0 : index
    %get3A_12 = arith.constant 0 : index
    %get3A_13 = vector.load %arg3[%get3A_11, %get3A_12] : memref<1000x16xf32, #tpu.memory_space<vmem>>, vector<1000x16xf32>
    %mul3A_14 = vector.broadcast %mul3A : vector<1000x1xf32> to vector<1000x16xf32>
    %mul3A_15 = arith.mulf %mul3A_14, %get3A_13 : vector<1000x16xf32>
    %add3A_16 = arith.addf %add3A, %mul3A_15 : vector<1000x16xf32>
    %get3A_17 = arith.constant 0 : index
    %get3A_18 = arith.constant 0 : index
    %get3A_19 = vector.load %arg5[%get3A_17, %get3A_18] : memref<1x16xf32, #tpu.memory_space<vmem>>, vector<1x16xf32>
    %add3A_20 = vector.broadcast %get3A_19 : vector<1x16xf32> to vector<1000x16xf32>
    %add3A_21 = arith.addf %add3A_16, %add3A_20 : vector<1000x16xf32>
    %iota3A = tpu.iota {dimensions = array<i32: 1>} : vector<1000x16xi32>
    %lt3A = arith.constant 7 : i32
    %lt3A_22 = vector.broadcast %lt3A : i32 to vector<1000x16xi32>
    %lt3A_23 = arith.cmpi slt, %iota3A, %lt3A_22 : vector<1000x16xi32>
    %jit3A = arith.constant -1.000000e+30 : f32
    %broadcast_in_dim3A = vector.broadcast %jit3A : f32 to vector<1000x16xf32>
    %select_n3A = arith.select %lt3A_23, %add3A_21, %broadcast_in_dim3A : vector<1000x16xi1>, vector<1000x16xf32>
    %reduce_max3A = arith.constant dense<0xFF800000> : vector<1000xf32>
    %reduce_max3A_24 = vector.multi_reduction <maximumf>, %select_n3A, %reduce_max3A [1] : vector<1000x16xf32> to vector<1000xf32>
    %broadcast_in_dim3A_25 = vector.shape_cast %reduce_max3A_24 : vector<1000xf32> to vector<1000x1xf32>
    %sub3A = vector.broadcast %broadcast_in_dim3A_25 : vector<1000x1xf32> to vector<1000x16xf32>
    %sub3A_26 = arith.subf %select_n3A, %sub3A : vector<1000x16xf32>
    %exp3A = math.exp %sub3A_26 : vector<1000x16xf32>
    %reduce_sum3A = arith.constant dense<0.000000e+00> : vector<1000xf32>
    %reduce_sum3A_27 = vector.multi_reduction <add>, %exp3A, %reduce_sum3A [1] : vector<1000x16xf32> to vector<1000xf32>
    %broadcast_in_dim3A_28 = vector.shape_cast %reduce_sum3A_27 : vector<1000xf32> to vector<1000x1xf32>
    %log3A = math.log %broadcast_in_dim3A_28 : vector<1000x1xf32>
    %add3A_29 = arith.addf %broadcast_in_dim3A_25, %log3A : vector<1000x1xf32>
    %sub3A_30 = vector.broadcast %add3A_29 : vector<1000x1xf32> to vector<1000x16xf32>
    %sub3A_31 = arith.subf %add3A_21, %sub3A_30 : vector<1000x16xf32>
    %swap3A = arith.constant 0 : index
    %swap3A_32 = arith.constant 0 : index
    %swap3A_33 = vector.load %arg6[%swap3A, %swap3A_32] : memref<1000x16xf32, #tpu.memory_space<vmem>>, vector<1000x16xf32>
    tpu.vector_store %arg6[%swap3A, %swap3A_32], %sub3A_31 {strides = array<i32>} : memref<1000x16xf32, #tpu.memory_space<vmem>>, vector<1000x16xf32>,
    return
  }
  func.func @transform_0(%arg0: i32) -> (i32, i32) {
    %c0_i32 = arith.constant 0 : i32
    %c0_i32_0 = arith.constant 0 : i32
    return %arg0, %c0_i32 : i32, i32
  }
  func.func @transform_1(%arg0: i32) -> (i32, i32) {
    %c0_i32 = arith.constant 0 : i32
    %c0_i32_0 = arith.constant 0 : i32
    return %arg0, %c0_i32 : i32, i32
  }
  func.func @transform_2(%arg0: i32) -> (i32, i32) {
    %c0_i32 = arith.constant 0 : i32
    %c0_i32_0 = arith.constant 0 : i32
    return %arg0, %c0_i32 : i32, i32
  }
  func.func @transform_3(%arg0: i32) -> (i32, i32) {
    %c0_i32 = arith.constant 0 : i32
    %c0_i32_0 = arith.constant 0 : i32
    return %arg0, %c0_i32 : i32, i32
  }
  func.func @transform_4(%arg0: i32) -> (i32, i32) {
    %c0_i32 = arith.constant 0 : i32
    %c0_i32_0 = arith.constant 0 : i32
    %c0_i32_1 = arith.constant 0 : i32
    return %c0_i32, %c0_i32_0 : i32, i32
  }
  func.func @transform_5(%arg0: i32) -> (i32, i32) {
    %c0_i32 = arith.constant 0 : i32
    %c0_i32_0 = arith.constant 0 : i32
    return %arg0, %c0_i32 : i32, i32
  }
}

</mosaic_0001>

<sc_bundles>
// kernel: kernel.12.cloned.1.call-start
scs
__scs_entry_jumppad:
0x0: {  	(pc) =	sbr.rel $0x88, $3  }
0x1: {  	(tag) =	ssettag $0x0;
	lr =	simm.s32 $0x1  }
0x2: {  	[smem:$0x3F95] =	sst lr;
	_ =	strace $0xD0000000  }
0x3: {  	_ = 	snop  }
0x4: {  	_ = 	snop  }
0x5: {  	_ = 	snop  }
0x6: {  	_ = 	snop  }
0x7: {  	_ = 	snop  }
__scs_overlays_trampoline_lowered:
0x8: {  	[smem:$0x3FA4] =	sst s0  }
0x9: {  	[smem:$0x3FA5] =	sst s1  }
0xa: {  	[smem:$0x3FA6] =	sst s2  }
0xb: {  	[smem:$0x3FA7] =	sst s3  }
0xc: {  	[smem:$0x3FA8] =	sst s4  }
0xd: {  	[smem:$0x3FA9] =	sst s5  }
0xe: {  	[smem:$0x3FAA] =	sst s6  }
0xf: {  	[smem:$0x3FAB] =	sst s7  }
0x10: {  	[smem:$0x3FAC] =	sst s8  }
0x11: {  	[smem:$0x3FAD] =	sst s9;
	s0 =	simm.s32 @!p0 $0x0  }
0x12: {  	s1 =	sld [smem:$0x3F93];
	s0 =	simm.s32 @p0 $0x1  }
0x13: {  	[smem:$0x3FAE] =	sst s0;
	s0 =	simm.s32 @!p1 $0x0  }
0x14: {  	s2 =	sld [smem:$0x3F92];
	s0 =	simm.s32 @p1 $0x1  }
0x15: {  	[smem:$0x3FAF] =	sst s0;
	s0 =	simm.s32 @!p2 $0x0  }
0x16: {  	s3 =	sld [smem:$0x3FDB];
	s0 =	simm.s32 @p2 $0x1  }
0x17: {  	s4 =	simm.s32 $0x1BF5;
	[smem:$0x3FB1] =	sst s0  }
0x18: {  	s0 =	sld [smem:$0x3F94];
	_ =	swait.ge [sflag:s4], $0x0  }
0x19: {  	s7 =	sld [smem:$0x3F95]  }
0x1a: {  	s8 =	sadd.s32 $0xFFFFE003, lr  }
0x1b: {  	s9 =	sadd.s32 $0xFFFFFEF7, lr;
	s5 =	simm.s32 $0xFFFFFFFF;
	p2 =	slt.u32 s8, $0xFFFFF086  }
0x1c: {  	p1 =	slt.u32 s9, $0xF7A;
	s5 =	simm.s32 @!p2 $0x0  }
0x1d: {  	s5 =	simm.s32 @p1 $0x1;
	p0 =	seq.s32 s7, s2  }
0x1e: {  	s7 =	smul.u32 @!p0 $0xF7A, s2;
	p2 =	seq.s32 @!p0 s5, $0x0  }
0x1f: {  	s9 =	smul.u32 $0xF7A, s1;
	s8 =	simm.s32 @!p0 $0x1BF5;
	p2 =	por !p2, p0  }
0x20: {  	[sflag:s8] =	ssyncset.s32 @!p0 $0xFFFFF086;
	s6 =	sadd.s32 @!p0 s3, s7;
	s7 =	simm.s32 @!p0 $0x108  }
0x21: {  	s3 =	sadd.s32 s3, s9;
	s6 =	sadd.s32 @!p0 $0x88, s6;
	s7 =	simm.s32 @p2 $0x1082  }
0x22: {  	[simem:s7], [sflag:s8] =	dma.local @!p0 [hbm:s6], $0xF7A  }
0x23: {  	s9 =	sor.u32 $0xD0000000, s2;
	s6 =	simm.s32 $0x108;
	_ =	swait.ge @!p0 [sflag:s8], $0x0  }
0x24: {  	s3 =	sadd.s32 $0x88, s3;
	s6 =	simm.s32 @!p1 $0x1082;
	[sflag:s4] =	ssyncset.s32 $0xFFFFF086  }
0x25: {  	[simem:s6], [sflag:s4] =	dma.local [hbm:s3], $0xF7A  }
0x26: {  	[smem:$0x3F95] =	sst s1;
	(tag) =	ssettag s2;
	_ =	strace s9  }
0x27: {  	s1 =	sld [smem:$0x3FA5]  }
0x28: {  	s2 =	sld [smem:$0x3FA6]  }
0x29: {  	s4 =	sld [smem:$0x3FA8]  }
0x2a: {  	p0 =	seq.s32 s5, $0x0;
	s5 =	sld [smem:$0x3FA9]  }
0x2b: {  	s6 =	sld [smem:$0x3FAA]  }
0x2c: {  	s7 =	sld [smem:$0x3FAB]  }
0x2d: {  	s3 =	simm.s32 $0x108;
	s8 =	sld [smem:$0x3FAC]  }
0x2e: {  	s3 =	simm.s32 @!p0 $0x1082;
	s9 =	sld [smem:$0x3FAD]  }
0x2f: {  	lr =	sadd.s32 s0, s3;
	s0 =	sld [smem:$0x3FA4]  }
0x30: {  	s3 =	sld [smem:$0x3FA7]  }
0x31: {  	[smem:$0x3FB0] =	sst s10  }
0x32: {  	s10 =	sld [smem:$0x3FAE];
	_ =	sdelay $0x3  }
0x33: {  	p0 =	seq.s32 s10, $0x1;
	s10 =	sld [smem:$0x3FB0];
	_ =	sdelay $0x3  }
0x34: {  	[smem:$0x3FB0] =	sst s10  }
0x35: {  	s10 =	sld [smem:$0x3FAF];
	_ =	sdelay $0x3  }
0x36: {  	p1 =	seq.s32 s10, $0x1;
	s10 =	sld [smem:$0x3FB0];
	_ =	sdelay $0x3  }
0x37: {  	[smem:$0x3FB0] =	sst s10  }
0x38: {  	s10 =	sld [smem:$0x3FB1]  }
0x39: {  	_ = 	snop;
	(pc) =	sbr.ind lr, $3  }
0x3a: {  	_ = 	snop  }
0x3b: {  	_ = 	snop  }
0x3c: {  	p2 =	seq.s32 s10, $0x1;
	s10 =	sld [smem:$0x3FB0]  }
0x3d: {  	_ =	shalt  }
0x3e: {  	_ =	shalt  }
0x3f: {  	_ =	shalt  }
0x40: {  	_ =	shalt  }
0x41: {  	_ =	shalt  }
0x42: {  	_ =	shalt  }
0x43: {  	_ =	shalt  }
0x44: {  	_ =	shalt  }
0x45: {  	_ =	shalt  }
0x46: {  	_ =	shalt  }
0x47: {  	_ =	shalt  }
0x48: {  	_ =	shalt  }
0x49: {  	_ =	shalt  }
0x4a: {  	_ =	shalt  }
0x4b: {  	_ =	shalt  }
0x4c: {  	_ =	shalt  }
0x4d: {  	_ =	shalt  }
0x4e: {  	_ =	shalt  }
0x4f: {  	_ =	shalt  }
0x50: {  	_ =	shalt  }
0x51: {  	_ =	shalt  }
0x52: {  	_ =	shalt  }
0x53: {  	_ =	shalt  }
0x54: {  	_ =	shalt  }
0x55: {  	_ =	shalt  }
0x56: {  	_ =	shalt  }
0x57: {  	_ =	shalt  }
0x58: {  	_ =	shalt  }
0x59: {  	_ =	shalt  }
0x5a: {  	_ =	shalt  }
0x5b: {  	_ =	shalt  }
0x5c: {  	_ =	shalt  }
0x5d: {  	_ =	shalt  }
0x5e: {  	_ =	shalt  }
0x5f: {  	_ =	shalt  }
0x60: {  	_ =	shalt  }
0x61: {  	_ =	shalt  }
0x62: {  	_ =	shalt  }
0x63: {  	_ =	shalt  }
0x64: {  	_ =	shalt  }
0x65: {  	_ =	shalt  }
0x66: {  	_ =	shalt  }
0x67: {  	_ =	shalt  }
0x68: {  	_ =	shalt  }
0x69: {  	_ =	shalt  }
0x6a: {  	_ =	shalt  }
0x6b: {  	_ =	shalt  }
0x6c: {  	_ =	shalt  }
0x6d: {  	_ =	shalt  }
0x6e: {  	_ =	shalt  }
0x6f: {  	_ =	shalt  }
0x70: {  	_ =	shalt  }
0x71: {  	_ =	shalt  }
0x72: {  	_ =	shalt  }
0x73: {  	_ =	shalt  }
0x74: {  	_ =	shalt  }
0x75: {  	_ =	shalt  }
0x76: {  	_ =	shalt  }
0x77: {  	_ =	shalt  }
0x78: {  	_ =	shalt  }
0x79: {  	_ =	shalt  }
0x7a: {  	_ =	shalt  }
0x7b: {  	_ =	shalt  }
0x7c: {  	_ =	shalt  }
0x7d: {  	_ =	shalt  }
0x7e: {  	_ =	shalt  }
0x7f: {  	_ =	shalt  }
0x80: {  	_ =	shalt  }
0x81: {  	_ =	shalt  }
0x82: {  	_ =	shalt  }
0x83: {  	_ =	shalt  }
0x84: {  	_ =	shalt  }
0x85: {  	_ =	shalt  }
0x86: {  	_ =	shalt  }
0x87: {  	_ =	shalt  }
.Lfunc_end0:
.L_simem_size_0:
called_computation_lowered:
.L_overlay_start_0:
0x88: {  	s2 =	sld [smem:$0x3FD9]  }
0x89: {  	s3 =	sld [smem:$0x3FFE];
	_ =	sdelay $0x1  }
0x8a: {  	s1 =	srdreg.scid  }
0x8b: {  	s0 =	sand.u32 $0x1, s1  }
0x8c: {  	s17 =	sshll.u32 s0, $0xA;
	s2 =	sadd.s32 s3, s2  }
0x8d: {  	s2 =	sadd.s32 s2, s17  }
0x8e: {  	[smem:$0x3FBC] =	sst s2  }
0x8f: {  	_ = 	snop  }
0x90: {  	s2 =	sld [smem:$0x3FD0];
	(tm) =	ssettm $0x1  }
0x91: {  	s18 =	sld [smem:$0x3FFB];
	_ =	sdelay $0x3  }
0x92: {  	_ =	strace s18  }
0x93: {  	s3 =	sld [smem:$0x3FFC];
	_ =	sdelay $0x3  }
0x94: {  	_ =	strace s3  }
0x95: {  	s3 =	sld [smem:$0x3FFD];
	_ =	sdelay $0x3  }
0x96: {  	_ =	strace s3  }
0x97: {  	_ =	strace $0x8FFFFFFF  }
0x98: {  	s19 =	sld [smem:$0x3FDB];
	_ =	sdelay $0x1  }
0x99: {  	s4 =	simm.s32 $_scs_section_size  }
0x9a: {  	s5 =	simm.s32 $_size__tile_overlayer_lowered;
	s6 =	simm.s32 $_tile_overlayer_lowered  }
0x9b: {  	s22 =	simm.s32 $0x1BFF;
	s21 =	sshll.u32 s6, $0x1;
	s3 =	sadd.s32 s4, s19  }
0x9c: {  	s7 =	simm.s32 $0x0;
	s20 =	sshll.u32 s5, $0x1;
	s5 =	sadd.s32 s21, s3  }
0x9d: {  	[timem:s7], [sflag:s22] =	dma.local [hbm:s5], s20  }
0x9e: {  	_ =	swait.ge [sflag:s22], s20  }
0x9f: {  	s4 =	ssub.s32 $0x0, s20;
	[sflag:s22] =	ssyncset.done $0x0  }
0xa0: {  	[sflag:s22] =	ssyncadd.s32 s4;
	_ =	sdelay $0x1  }
0xa1: {  	s23 =	simm.s32 $0x1B8B  }
0xa2: {  	_ =	swait.ge [sflag:s23], $0x1  }
0xa3: {  	[sflag:s23] =	ssyncset.done $0x0  }
0xa4: {  	s25 =	simm.s32 $0x1B8E;
	s24 =	sld [smem:$0x3FFE];
	[sflag:s23] =	ssyncadd.s32 $0xFFFFFFFF  }
0xa5: {  	s26 =	simm.s32 $execute0_lowered;
	[smem:$0x3FD2] =	sst s25  }
0xa6: {  	s5 =	sshll.u32 s26, $0x1;
	_ =	strace $0x80000046;
	[dreg:$0x1] =	wrdreg $0xFFFFFFFF  }
0xa7: {  	s28 =	simm.s32 $_size_execute0_lowered;
	s3 =	sadd.s32 s3, s5;
	[dreg:$0x0] =	wrdreg $0x0  }
0xa8: {  	s5 =	sshll.u32 s28, $0x1;
	[dreg:$0x2] =	wrdreg s3  }
0xa9: {  	[dreg:$0x3] =	wrdreg s5  }
0xaa: {  	[dreg:$0x4] =	wrdreg $0xC0  }
0xab: {  	_ =	task [dreg:s7], $0x5FFFF  }
0xac: {  	[dreg:$0x1] =	wrdreg $0xFFFFFFFF  }
0xad: {  	[dreg:$0x0] =	wrdreg $0x60  }
0xae: {  	[dreg:$0x2] =	wrdreg s24  }
0xaf: {  	[dreg:$0x3] =	wrdreg s2  }
0xb0: {  	[dreg:$0x4] =	wrdreg $0x195000  }
0xb1: {  	[dreg:$0x5] =	wrdreg $0x1BD000  }
0xb2: {  	[dreg:$0x6] =	wrdreg $0x9  }
0xb3: {  	_ =	task.clear_ibuf [dreg:s7], $0x7FFFF;
	_ =	strace $0x90000046  }
0xb4: {  	s29 =	simm.s32 $0x9;
	_ =	strace $0x80000048  }
0xb5: {  	_ =	swait.ge [sflag:s29], $0x1  }
0xb6: {  	[sflag:s29] =	ssyncadd.s32 $0xFFFFFFFF  }
0xb7: {  	_ =	strace $0x90000048  }
0xb8: {  	_ =	sfence  }
0xb9: {  	s30 =	sld [smem:$0x0];
	_ =	sdelay $0x2  }
0xba: {  	s31 =	sshll.u32 s1, $0xD;
	s1 =	sshrl.u32 s1, $0x2  }
0xbb: {  	s3 =	sand.u32 $0x4000, s31;
	s1 =	sadd.s32 s1, s30  }
0xbc: {  	s0 =	sor.u32 s3, s0;
	s1 =	sshll.u32 s1, $0x11  }
0xbd: {  	s0 =	sor.u32 s1, s0  }
0xbe: {  	s0 =	sadd.s32 $0x8F2B, s0  }
0xbf: {  	[sflag:s0] =	ssyncadd.remote.s32 $0x1  }
0xc0: {  	_ =	sfence.sel $0xFFFF  }
0xc1: {  	[dreg:$0x0] =	wrdreg $0xFFFFFFFF;
	(pc) =	sbr.abs _section_cstart, $3  }
0xc2: {  	[dreg:$0x1] =	wrdreg $0xFFFFFFFF  }
0xc3: {  	_ =	task.clear_ibuf [dreg:s7], $0x2FFFF;
	_ =	strace $0x9FFFFFFF  }
0xc4: {  	(tm) =	ssettm $0x7FFFFFFF  }
0xc5: {  	_ =	shalt  }
tec
execute0_lowered:
.L_overlay_start_1:
0x0: {  	(tag) =	ssettag $0x1  }
0x1: {  	s0 =	rddreg [dreg:$0x0]  }
0x2: {  	s1 =	rddreg [dreg:$0x1]  }
0x3: {  	s2 =	srdreg.scid;
	s4 =	rddreg [dreg:$0x2]  }
0x4: {  	s21 =	rddreg [dreg:$0x3];
	s12 =	stileid.u32;
	s3 =	simm.s32 $0x0  }
0x5: {  	s31 =	simm.s32 $0x1;
	s2 =	sand.u32 $0x1, s2;
	s7 =	smul.u32 $0xA00, s12  }
0x6: {  	[smem:$0x7FF] =	sst s3;
	s6 =	sadd.s32 $0x4400, s0;
	s10 =	smul.u32 $0xA000, s12  }
0x7: {  	s8 =	sadd.s32 $0x18400, s0;
	s20 =	smul.u32 $0x280, s12;
	s5 =	sshll.u32 s2, $0x4  }
0x8: {  	_ =	strace $0x80000047;
	s9 =	ssub.s32 $0x2, s2;
	s2 =	smul.u32 $0x2800, s2  }
0x9: {  	s5 =	sor.u32 s12, s5;
	s11 =	sshrl.u32 s9, $0x1;
	s23 =	sadd.s32 s6, s7  }
0xa: {  	s10 =	sshrl.u32 s10, $0x2;
	s7 =	sadd.s32 s8, s7;
	[dreg:$0x5] =	wrdreg s23  }
0xb: {  	s5 =	smul.u32 $0x500, s5;
	s9 =	ssub.s32 s9, s11;
	[dreg:$0x6] =	wrdreg s7  }
0xc: {  	s24 =	sadd.s32 s10, s4;
	s7 =	sadd.s32 s20, s4;
	s2 =	sadd.s32 s20, s2  }
0xd: {  	s20 =	sadd.s32 s20, s21;
	[dreg:$0x7] =	wrdreg s24;
	s4 =	sadd.s32 $0x2800, s7  }
0xe: {  	s25 =	sadd.s32 $0x5000, s7;
	s26 =	sadd.s32 $0x7800, s7;
	s11 =	sadd.s32 $0xA000, s7  }
0xf: {  	s12 =	sadd.s32 $0xC800, s7;
	s13 =	sadd.s32 $0xF000, s7;
	s14 =	sadd.s32 $0x11800, s7  }
0x10: {  	s15 =	sadd.s32 $0x14000, s7;
	s16 =	sadd.s32 $0x16800, s7;
	s2 =	sshrl.u32 s2, $0x3  }
0x11: {  	s17 =	sadd.s32 $0x19000, s7;
	s19 =	sadd.s32 $0x1B800, s7;
	[dreg:$0x8] =	wrdreg s4  }
0x12: {  	s28 =	sadd.s32 $0x20800, s7;
	s29 =	sadd.s32 $0x23000, s7;
	[dreg:$0x9] =	wrdreg s25  }
0x13: {  	s30 =	sadd.s32 $0x25800, s7;
	s0 =	sadd.s32 s5, s0;
	[dreg:$0xa] =	wrdreg s26  }
0x14: {  	s18 =	sadd.s32 s1, s2;
	s21 =	sadd.s32 s6, s5;
	s22 =	sadd.s32 s8, s5  }
0x15: {  	s25 =	smax.u32 s9, $0x1;
	s26 =	sadd.s32 $0x1E000, s7;
	s1 =	simm.s32 $0xA000  }
0x16: {  	s2 =	simm.s32 $0xC800;
	s4 =	simm.s32 $0xCD00;
	s5 =	simm.s32 $0x0  }
0x17: {  	v0 =	vimm.f32 $0.0e+00;
	s23 =	sadd.s32 $0xE400, s0;
	s24 =	sadd.s32 $0x22400, s0;
	s0 =	simm.s32 $0xCA80  }
.LBB2_1:
0x18: {  	s6 =	rddreg [dreg:$0x5]  }
0x19: {  	[tilespmem:s3], [sflag:$0x1] =	stream.linear.gather [hbm4b:s6+s3], $0x5000, $0x38;
	[tilespmem:$0x1BF80] =	vst v63  }
0x1a: {  	_ =	swait.ge [sflag:s31], $0x5000  }
0x1b: {  	[sflag:s31] =	ssyncset.done $0x0  }
0x1c: {  	s8 =	simm.s32 $0x5000;
	s10 =	rddreg [dreg:$0x6];
	[sflag:s31] =	ssyncadd.s32 $0xFFFFB000  }
0x1d: {  	[tilespmem:s8], [sflag:$0x1] =	stream.linear.gather [hbm4b:s10+s3], $0x5000, $0x38;
	[tilespmem:$0x1BF80] =	vst v63  }
0x1e: {  	_ =	swait.ge [sflag:s31], $0x5000  }
0x1f: {  	[sflag:s31] =	ssyncset.done $0x0  }
0x20: {  	s6 =	simm.s32 $0x0;
	[sflag:s31] =	ssyncadd.s32 $0xFFFFB000  }
.LBB2_2:
0x21: {  	p0 =	sne.s32 s6, $0x9FC0  }
.Ltmp0:
0x22: {  	_ = 	snop;
	(pc) =	sbr.rel @p0 .LBB2_2-.Ltmp0, $3  }
0x23: {  	_ =	sdelay $0x1  }
0x24: {  	s8 =	sshra.s32 s6, $0x2  }
0x25: {  	s6 =	sadd.s32 $0x40, s6;
	[tilespmem:s8+$0xA000] =	vst v0  }
0x26: {  	s6 =	simm.s32 $0x0  }
.LBB2_4:
0x27: {  	s8 =	sshra.s32 s6, $0x2  }
0x28: {  	v1 =	vld [tilespmem:s8+$0x0];
	_ =	sdelay $0x2  }
0x29: {  	v2 =	vld [tilespmem:s8+$0x5000];
	_ =	sdelay $0x4  }
0x2a: {  	[tilespmem:v1+s1+$0x0] =	vst.idx.add.f32.msk $0xffff, v2  }
0x2b: {  	v1 =	vld [tilespmem:s8+$0x10];
	_ =	sdelay $0x2  }
0x2c: {  	v2 =	vld [tilespmem:s8+$0x5010];
	_ =	sdelay $0x4  }
0x2d: {  	[tilespmem:v1+s1+$0x0] =	vst.idx.add.f32.msk $0xffff, v2  }
0x2e: {  	v1 =	vld [tilespmem:s8+$0x20];
	_ =	sdelay $0x2  }
0x2f: {  	v2 =	vld [tilespmem:s8+$0x5020];
	_ =	sdelay $0x4  }
0x30: {  	[tilespmem:v1+s1+$0x0] =	vst.idx.add.f32.msk $0xffff, v2  }
0x31: {  	v1 =	vld [tilespmem:s8+$0x30];
	_ =	sdelay $0x2  }
0x32: {  	v2 =	vld [tilespmem:s8+$0x5030];
	_ =	sdelay $0x4  }
0x33: {  	[tilespmem:v1+s1+$0x0] =	vst.idx.add.f32.msk $0xffff, v2  }
0x34: {  	v1 =	vld [tilespmem:s8+$0x40];
	_ =	sdelay $0x2  }
0x35: {  	v2 =	vld [tilespmem:s8+$0x5040];
	_ =	sdelay $0x4  }
0x36: {  	[tilespmem:v1+s1+$0x0] =	vst.idx.add.f32.msk $0xffff, v2  }
0x37: {  	v1 =	vld [tilespmem:s8+$0x50];
	_ =	sdelay $0x2  }
0x38: {  	v2 =	vld [tilespmem:s8+$0x5050];
	_ =	sdelay $0x4  }
0x39: {  	[tilespmem:v1+s1+$0x0] =	vst.idx.add.f32.msk $0xffff, v2  }
0x3a: {  	v1 =	vld [tilespmem:s8+$0x60];
	_ =	sdelay $0x2  }
0x3b: {  	v2 =	vld [tilespmem:s8+$0x5060];
	_ =	sdelay $0x4  }
0x3c: {  	[tilespmem:v1+s1+$0x0] =	vst.idx.add.f32.msk $0xffff, v2  }
0x3d: {  	v1 =	vld [tilespmem:s8+$0x70];
	_ =	sdelay $0x2  }
0x3e: {  	p0 =	sne.s32 s6, $0x13E00;
	v2 =	vld [tilespmem:s8+$0x5070]  }
.Ltmp1:
0x3f: {  	_ = 	snop;
	(pc) =	sbr.rel @p0 .LBB2_4-.Ltmp1, $2  }
0x40: {  	_ =	sdelay $0x2  }
0x41: {  	s6 =	sadd.s32 $0x200, s6;
	[tilespmem:v1+s1+$0x0] =	vst.idx.add.f32.msk $0xffff, v2  }
0x42: {  	s6 =	rddreg [dreg:$0x7]  }
0x43: {  	[spmem:s6] =	stream.linear.scatter [tilespmem:s1], [sflag:$0x1], $0x2800, $0x38;
	[tilespmem:$0x1BF80] =	vst v63  }
0x44: {  	_ =	swait.ge [sflag:s31], $0x2800  }
0x45: {  	[sflag:s31] =	ssyncset.done $0x0  }
0x46: {  	[sflag:s31] =	ssyncadd.s32 $0xFFFFD800  }
0x47: {  	[bflag:$0x0] =	sbarrier.arrive $0xFFFF  }
0x48: {  	[tilespmem:s2], [sflag:$0x1] =	stream.linear.gather [spmem:s7], $0x280, $0x38;
	[tilespmem:$0x1BF80] =	vst v63  }
0x49: {  	_ =	swait.ge [sflag:s31], $0x280  }
0x4a: {  	[sflag:s31] =	ssyncset.done $0x0  }
0x4b: {  	s10 =	rddreg [dreg:$0x8];
	[sflag:s31] =	ssyncadd.s32 $0xFFFFFD80  }
0x4c: {  	[tilespmem:s0], [sflag:$0x1] =	stream.linear.gather [spmem:s10], $0x280, $0x38;
	[tilespmem:$0x1BF80] =	vst v63  }
0x4d: {  	_ =	swait.ge [sflag:s31], $0x280  }
0x4e: {  	[sflag:s31] =	ssyncset.done $0x0  }
0x4f: {  	s6 =	simm.s32 $0x0;
	[sflag:s31] =	ssyncadd.s32 $0xFFFFFD80  }
0x50: {  	s8 =	simm.s32 $0x40;
	v1 =	vld [tilespmem:s6+$0xCA80]  }
.LBB2_6:
0x51: {  	p0 =	sne.s32 s8, $0x9C0;
	v2 =	vld [tilespmem:s6+$0xC800];
	_ =	sdelay $0x2  }
.Ltmp2:
0x52: {  	(pc) =	sbr.rel @p0 .LBB2_6-.Ltmp2, $4  }
0x53: {  	_ = 	snop  }
0x54: {  	v2 =	vadd.f32 v1, v2  }
0x55: {  	s9 =	sshra.s32 s8, $0x2  }
0x56: {  	s8 =	sadd.s32 $0x40, s8;
	v1 =	vld [tilespmem:s9+$0xCA80];
	[tilespmem:s6+$0xC800] =	vst v2;
	s6 =	smov.u32 s9  }
0x57: {  	v2 =	vld [tilespmem:s6+$0xC800];
	_ =	sdelay $0x4  }
0x58: {  	v1 =	vadd.f32 v1, v2;
	_ =	sdelay $0x1  }
0x59: {  	s10 =	rddreg [dreg:$0x9];
	[tilespmem:s6+$0xC800] =	vst v1  }
0x5a: {  	[tilespmem:s0], [sflag:$0x1] =	stream.linear.gather [spmem:s10], $0x280, $0x38;
	[tilespmem:$0x1BF80] =	vst v63  }
0x5b: {  	_ =	swait.ge [sflag:s31], $0x280  }
0x5c: {  	[sflag:s31] =	ssyncset.done $0x0  }
0x5d: {  	s6 =	simm.s32 $0x0;
	[sflag:s31] =	ssyncadd.s32 $0xFFFFFD80  }
0x5e: {  	s8 =	simm.s32 $0x40;
	v1 =	vld [tilespmem:s6+$0xCA80]  }
.LBB2_8:
0x5f: {  	p0 =	sne.s32 s8, $0x9C0;
	v2 =	vld [tilespmem:s6+$0xC800];
	_ =	sdelay $0x2  }
.Ltmp3:
0x60: {  	(pc) =	sbr.rel @p0 .LBB2_8-.Ltmp3, $4  }
0x61: {  	_ = 	snop  }
0x62: {  	v2 =	vadd.f32 v1, v2  }
0x63: {  	s9 =	sshra.s32 s8, $0x2  }
0x64: {  	s8 =	sadd.s32 $0x40, s8;
	v1 =	vld [tilespmem:s9+$0xCA80];
	[tilespmem:s6+$0xC800] =	vst v2;
	s6 =	smov.u32 s9  }
0x65: {  	v2 =	vld [tilespmem:s6+$0xC800];
	_ =	sdelay $0x4  }
0x66: {  	v1 =	vadd.f32 v1, v2;
	_ =	sdelay $0x1  }
0x67: {  	s10 =	rddreg [dreg:$0xa];
	[tilespmem:s6+$0xC800] =	vst v1  }
0x68: {  	[tilespmem:s0], [sflag:$0x1] =	stream.linear.gather [spmem:s10], $0x280, $0x38;
	[tilespmem:$0x1BF80] =	vst v63  }
0x69: {  	_ =	swait.ge [sflag:s31], $0x280  }
0x6a: {  	[sflag:s31] =	ssyncset.done $0x0  }
0x6b: {  	s6 =	simm.s32 $0x0;
	[sflag:s31] =	ssyncadd.s32 $0xFFFFFD80  }
0x6c: {  	s8 =	simm.s32 $0x40;
	v1 =	vld [tilespmem:s6+$0xCA80]  }
.LBB2_10:
0x6d: {  	p0 =	sne.s32 s8, $0x9C0;
	v2 =	vld [tilespmem:s6+$0xC800];
	_ =	sdelay $0x2  }
.Ltmp4:
0x6e: {  	(pc) =	sbr.rel @p0 .LBB2_10-.Ltmp4, $4  }
0x6f: {  	_ = 	snop  }
0x70: {  	v2 =	vadd.f32 v1, v2  }
0x71: {  	s9 =	sshra.s32 s8, $0x2  }
0x72: {  	s8 =	sadd.s32 $0x40, s8;
	v1 =	vld [tilespmem:s9+$0xCA80];
	[tilespmem:s6+$0xC800] =	vst v2;
	s6 =	smov.u32 s9  }
0x73: {  	v2 =	vld [tilespmem:s6+$0xC800];
	_ =	sdelay $0x4  }
0x74: {  	v1 =	vadd.f32 v1, v2;
	_ =	sdelay $0x1  }
0x75: {  	[tilespmem:s6+$0xC800] =	vst v1  }
0x76: {  	[tilespmem:s0], [sflag:$0x1] =	stream.linear.gather [spmem:s11], $0x280, $0x38;
	[tilespmem:$0x1BF80] =	vst v63  }
0x77: {  	_ =	swait.ge [sflag:s31], $0x280  }
0x78: {  	[sflag:s31] =	ssyncset.done $0x0  }
0x79: {  	s6 =	simm.s32 $0x0;
	[sflag:s31] =	ssyncadd.s32 $0xFFFFFD80  }
0x7a: {  	s8 =	simm.s32 $0x40;
	v1 =	vld [tilespmem:s6+$0xCA80]  }
.LBB2_12:
0x7b: {  	p0 =	sne.s32 s8, $0x9C0;
	v2 =	vld [tilespmem:s6+$0xC800];
	_ =	sdelay $0x2  }
.Ltmp5:
0x7c: {  	(pc) =	sbr.rel @p0 .LBB2_12-.Ltmp5, $4  }
0x7d: {  	_ = 	snop  }
0x7e: {  	v2 =	vadd.f32 v1, v2  }
0x7f: {  	s9 =	sshra.s32 s8, $0x2  }
0x80: {  	s8 =	sadd.s32 $0x40, s8;
	v1 =	vld [tilespmem:s9+$0xCA80];
	[tilespmem:s6+$0xC800] =	vst v2;
	s6 =	smov.u32 s9  }
0x81: {  	v2 =	vld [tilespmem:s6+$0xC800];
	_ =	sdelay $0x4  }
0x82: {  	v1 =	vadd.f32 v1, v2;
	_ =	sdelay $0x1  }
0x83: {  	[tilespmem:s6+$0xC800] =	vst v1  }
0x84: {  	[tilespmem:s0], [sflag:$0x1] =	stream.linear.gather [spmem:s12], $0x280, $0x38;
	[tilespmem:$0x1BF80] =	vst v63  }
0x85: {  	_ =	swait.ge [sflag:s31], $0x280  }
0x86: {  	[sflag:s31] =	ssyncset.done $0x0  }
0x87: {  	s6 =	simm.s32 $0x0;
	[sflag:s31] =	ssyncadd.s32 $0xFFFFFD80  }
0x88: {  	s8 =	simm.s32 $0x40;
	v1 =	vld [tilespmem:s6+$0xCA80]  }
.LBB2_14:
0x89: {  	p0 =	sne.s32 s8, $0x9C0;
	v2 =	vld [tilespmem:s6+$0xC800];
	_ =	sdelay $0x2  }
.Ltmp6:
0x8a: {  	(pc) =	sbr.rel @p0 .LBB2_14-.Ltmp6, $4  }
0x8b: {  	_ = 	snop  }
0x8c: {  	v2 =	vadd.f32 v1, v2  }
0x8d: {  	s9 =	sshra.s32 s8, $0x2  }
0x8e: {  	s8 =	sadd.s32 $0x40, s8;
	v1 =	vld [tilespmem:s9+$0xCA80];
	[tilespmem:s6+$0xC800] =	vst v2;
	s6 =	smov.u32 s9  }
0x8f: {  	v2 =	vld [tilespmem:s6+$0xC800];
	_ =	sdelay $0x4  }
0x90: {  	v1 =	vadd.f32 v1, v2;
	_ =	sdelay $0x1  }
0x91: {  	[tilespmem:s6+$0xC800] =	vst v1  }
0x92: {  	[tilespmem:s0], [sflag:$0x1] =	stream.linear.gather [spmem:s13], $0x280, $0x38;
	[tilespmem:$0x1BF80] =	vst v63  }
0x93: {  	_ =	swait.ge [sflag:s31], $0x280  }
0x94: {  	[sflag:s31] =	ssyncset.done $0x0  }
0x95: {  	s6 =	simm.s32 $0x0;
	[sflag:s31] =	ssyncadd.s32 $0xFFFFFD80  }
0x96: {  	s8 =	simm.s32 $0x40;
	v1 =	vld [tilespmem:s6+$0xCA80]  }
.LBB2_16:
0x97: {  	p0 =	sne.s32 s8, $0x9C0;
	v2 =	vld [tilespmem:s6+$0xC800];
	_ =	sdelay $0x2  }
.Ltmp7:
0x98: {  	(pc) =	sbr.rel @p0 .LBB2_16-.Ltmp7, $4  }
0x99: {  	_ = 	snop  }
0x9a: {  	v2 =	vadd.f32 v1, v2  }
0x9b: {  	s9 =	sshra.s32 s8, $0x2  }
0x9c: {  	s8 =	sadd.s32 $0x40, s8;
	v1 =	vld [tilespmem:s9+$0xCA80];
	[tilespmem:s6+$0xC800] =	vst v2;
	s6 =	smov.u32 s9  }
0x9d: {  	v2 =	vld [tilespmem:s6+$0xC800];
	_ =	sdelay $0x4  }
0x9e: {  	v1 =	vadd.f32 v1, v2;
	_ =	sdelay $0x1  }
0x9f: {  	[tilespmem:s6+$0xC800] =	vst v1  }
0xa0: {  	[tilespmem:s0], [sflag:$0x1] =	stream.linear.gather [spmem:s14], $0x280, $0x38;
	[tilespmem:$0x1BF80] =	vst v63  }
0xa1: {  	_ =	swait.ge [sflag:s31], $0x280  }
0xa2: {  	[sflag:s31] =	ssyncset.done $0x0  }
0xa3: {  	s6 =	simm.s32 $0x0;
	[sflag:s31] =	ssyncadd.s32 $0xFFFFFD80  }
0xa4: {  	s8 =	simm.s32 $0x40;
	v1 =	vld [tilespmem:s6+$0xCA80]  }
.LBB2_18:
0xa5: {  	p0 =	sne.s32 s8, $0x9C0;
	v2 =	vld [tilespmem:s6+$0xC800];
	_ =	sdelay $0x2  }
.Ltmp8:
0xa6: {  	(pc) =	sbr.rel @p0 .LBB2_18-.Ltmp8, $4  }
0xa7: {  	_ = 	snop  }
0xa8: {  	v2 =	vadd.f32 v1, v2  }
0xa9: {  	s9 =	sshra.s32 s8, $0x2  }
0xaa: {  	s8 =	sadd.s32 $0x40, s8;
	v1 =	vld [tilespmem:s9+$0xCA80];
	[tilespmem:s6+$0xC800] =	vst v2;
	s6 =	smov.u32 s9  }
0xab: {  	v2 =	vld [tilespmem:s6+$0xC800];
	_ =	sdelay $0x4  }
0xac: {  	v1 =	vadd.f32 v1, v2;
	_ =	sdelay $0x1  }
0xad: {  	[tilespmem:s6+$0xC800] =	vst v1  }
0xae: {  	[tilespmem:s0], [sflag:$0x1] =	stream.linear.gather [spmem:s15], $0x280, $0x38;
	[tilespmem:$0x1BF80] =	vst v63  }
0xaf: {  	_ =	swait.ge [sflag:s31], $0x280  }
0xb0: {  	[sflag:s31] =	ssyncset.done $0x0  }
0xb1: {  	s6 =	simm.s32 $0x0;
	[sflag:s31] =	ssyncadd.s32 $0xFFFFFD80  }
0xb2: {  	s8 =	simm.s32 $0x40;
	v1 =	vld [tilespmem:s6+$0xCA80]  }
.LBB2_20:
0xb3: {  	p0 =	sne.s32 s8, $0x9C0;
	v2 =	vld [tilespmem:s6+$0xC800];
	_ =	sdelay $0x2  }
.Ltmp9:
0xb4: {  	(pc) =	sbr.rel @p0 .LBB2_20-.Ltmp9, $4  }
0xb5: {  	_ = 	snop  }
0xb6: {  	v2 =	vadd.f32 v1, v2  }
0xb7: {  	s9 =	sshra.s32 s8, $0x2  }
0xb8: {  	s8 =	sadd.s32 $0x40, s8;
	v1 =	vld [tilespmem:s9+$0xCA80];
	[tilespmem:s6+$0xC800] =	vst v2;
	s6 =	smov.u32 s9  }
0xb9: {  	v2 =	vld [tilespmem:s6+$0xC800];
	_ =	sdelay $0x4  }
0xba: {  	v1 =	vadd.f32 v1, v2;
	_ =	sdelay $0x1  }
0xbb: {  	[tilespmem:s6+$0xC800] =	vst v1  }
0xbc: {  	[tilespmem:s0], [sflag:$0x1] =	stream.linear.gather [spmem:s16], $0x280, $0x38;
	[tilespmem:$0x1BF80] =	vst v63  }
0xbd: {  	_ =	swait.ge [sflag:s31], $0x280  }
0xbe: {  	[sflag:s31] =	ssyncset.done $0x0  }
0xbf: {  	s6 =	simm.s32 $0x0;
	[sflag:s31] =	ssyncadd.s32 $0xFFFFFD80  }
0xc0: {  	s8 =	simm.s32 $0x40;
	v1 =	vld [tilespmem:s6+$0xCA80]  }
.LBB2_22:
0xc1: {  	p0 =	sne.s32 s8, $0x9C0;
	v2 =	vld [tilespmem:s6+$0xC800];
	_ =	sdelay $0x2  }
.Ltmp10:
0xc2: {  	(pc) =	sbr.rel @p0 .LBB2_22-.Ltmp10, $4  }
0xc3: {  	_ = 	snop  }
0xc4: {  	v2 =	vadd.f32 v1, v2  }
0xc5: {  	s9 =	sshra.s32 s8, $0x2  }
0xc6: {  	s8 =	sadd.s32 $0x40, s8;
	v1 =	vld [tilespmem:s9+$0xCA80];
	[tilespmem:s6+$0xC800] =	vst v2;
	s6 =	smov.u32 s9  }
0xc7: {  	v2 =	vld [tilespmem:s6+$0xC800];
	_ =	sdelay $0x4  }
0xc8: {  	v1 =	vadd.f32 v1, v2;
	_ =	sdelay $0x1  }
0xc9: {  	[tilespmem:s6+$0xC800] =	vst v1  }
0xca: {  	[tilespmem:s0], [sflag:$0x1] =	stream.linear.gather [spmem:s17], $0x280, $0x38;
	[tilespmem:$0x1BF80] =	vst v63  }
0xcb: {  	_ =	swait.ge [sflag:s31], $0x280  }
0xcc: {  	[sflag:s31] =	ssyncset.done $0x0  }
0xcd: {  	s6 =	simm.s32 $0x0;
	[sflag:s31] =	ssyncadd.s32 $0xFFFFFD80  }
0xce: {  	s8 =	simm.s32 $0x40;
	v1 =	vld [tilespmem:s6+$0xCA80]  }
.LBB2_24:
0xcf: {  	p0 =	sne.s32 s8, $0x9C0;
	v2 =	vld [tilespmem:s6+$0xC800];
	_ =	sdelay $0x2  }
.Ltmp11:
0xd0: {  	(pc) =	sbr.rel @p0 .LBB2_24-.Ltmp11, $4  }
0xd1: {  	_ = 	snop  }
0xd2: {  	v2 =	vadd.f32 v1, v2  }
0xd3: {  	s9 =	sshra.s32 s8, $0x2  }
0xd4: {  	s8 =	sadd.s32 $0x40, s8;
	v1 =	vld [tilespmem:s9+$0xCA80];
	[tilespmem:s6+$0xC800] =	vst v2;
	s6 =	smov.u32 s9  }
0xd5: {  	v2 =	vld [tilespmem:s6+$0xC800];
	_ =	sdelay $0x4  }
0xd6: {  	v1 =	vadd.f32 v1, v2;
	_ =	sdelay $0x1  }
0xd7: {  	[tilespmem:s6+$0xC800] =	vst v1  }
0xd8: {  	[tilespmem:s0], [sflag:$0x1] =	stream.linear.gather [spmem:s19], $0x280, $0x38;
	[tilespmem:$0x1BF80] =	vst v63  }
0xd9: {  	_ =	swait.ge [sflag:s31], $0x280  }
0xda: {  	[sflag:s31] =	ssyncset.done $0x0  }
0xdb: {  	s6 =	simm.s32 $0x0;
	[sflag:s31] =	ssyncadd.s32 $0xFFFFFD80  }
0xdc: {  	s8 =	simm.s32 $0x40;
	v1 =	vld [tilespmem:s6+$0xCA80]  }
.LBB2_26:
0xdd: {  	p0 =	sne.s32 s8, $0x9C0;
	v2 =	vld [tilespmem:s6+$0xC800];
	_ =	sdelay $0x2  }
.Ltmp12:
0xde: {  	(pc) =	sbr.rel @p0 .LBB2_26-.Ltmp12, $4  }
0xdf: {  	_ = 	snop  }
0xe0: {  	v2 =	vadd.f32 v1, v2  }
0xe1: {  	s9 =	sshra.s32 s8, $0x2  }
0xe2: {  	s8 =	sadd.s32 $0x40, s8;
	v1 =	vld [tilespmem:s9+$0xCA80];
	[tilespmem:s6+$0xC800] =	vst v2;
	s6 =	smov.u32 s9  }
0xe3: {  	v2 =	vld [tilespmem:s6+$0xC800];
	_ =	sdelay $0x4  }
0xe4: {  	v1 =	vadd.f32 v1, v2;
	_ =	sdelay $0x1  }
0xe5: {  	[tilespmem:s6+$0xC800] =	vst v1  }
0xe6: {  	[tilespmem:s0], [sflag:$0x1] =	stream.linear.gather [spmem:s26], $0x280, $0x38;
	[tilespmem:$0x1BF80] =	vst v63  }
0xe7: {  	_ =	swait.ge [sflag:s31], $0x280  }
0xe8: {  	[sflag:s31] =	ssyncset.done $0x0  }
0xe9: {  	s6 =	simm.s32 $0x0;
	[sflag:s31] =	ssyncadd.s32 $0xFFFFFD80  }
0xea: {  	s8 =	simm.s32 $0x40;
	v1 =	vld [tilespmem:s6+$0xCA80]  }
.LBB2_28:
0xeb: {  	p0 =	sne.s32 s8, $0x9C0;
	v2 =	vld [tilespmem:s6+$0xC800];
	_ =	sdelay $0x2  }
.Ltmp13:
0xec: {  	(pc) =	sbr.rel @p0 .LBB2_28-.Ltmp13, $4  }
0xed: {  	_ = 	snop  }
0xee: {  	v2 =	vadd.f32 v1, v2  }
0xef: {  	s9 =	sshra.s32 s8, $0x2  }
0xf0: {  	s8 =	sadd.s32 $0x40, s8;
	v1 =	vld [tilespmem:s9+$0xCA80];
	[tilespmem:s6+$0xC800] =	vst v2;
	s6 =	smov.u32 s9  }
0xf1: {  	v2 =	vld [tilespmem:s6+$0xC800];
	_ =	sdelay $0x4  }
0xf2: {  	v1 =	vadd.f32 v1, v2;
	_ =	sdelay $0x1  }
0xf3: {  	[tilespmem:s6+$0xC800] =	vst v1  }
0xf4: {  	[tilespmem:s0], [sflag:$0x1] =	stream.linear.gather [spmem:s28], $0x280, $0x38;
	[tilespmem:$0x1BF80] =	vst v63  }
0xf5: {  	_ =	swait.ge [sflag:s31], $0x280  }
0xf6: {  	[sflag:s31] =	ssyncset.done $0x0  }
0xf7: {  	s6 =	simm.s32 $0x0;
	[sflag:s31] =	ssyncadd.s32 $0xFFFFFD80  }
0xf8: {  	s8 =	simm.s32 $0x40;
	v1 =	vld [tilespmem:s6+$0xCA80]  }
.LBB2_30:
0xf9: {  	p0 =	sne.s32 s8, $0x9C0;
	v2 =	vld [tilespmem:s6+$0xC800];
	_ =	sdelay $0x2  }
.Ltmp14:
0xfa: {  	(pc) =	sbr.rel @p0 .LBB2_30-.Ltmp14, $4  }
0xfb: {  	_ = 	snop  }
0xfc: {  	v2 =	vadd.f32 v1, v2  }
0xfd: {  	s9 =	sshra.s32 s8, $0x2  }
0xfe: {  	s8 =	sadd.s32 $0x40, s8;
	v1 =	vld [tilespmem:s9+$0xCA80];
	[tilespmem:s6+$0xC800] =	vst v2;
	s6 =	smov.u32 s9  }
0xff: {  	v2 =	vld [tilespmem:s6+$0xC800];
	_ =	sdelay $0x4  }
0x100: {  	v1 =	vadd.f32 v1, v2;
	_ =	sdelay $0x1  }
0x101: {  	[tilespmem:s6+$0xC800] =	vst v1  }
0x102: {  	[tilespmem:s0], [sflag:$0x1] =	stream.linear.gather [spmem:s29], $0x280, $0x38;
	[tilespmem:$0x1BF80] =	vst v63  }
0x103: {  	_ =	swait.ge [sflag:s31], $0x280  }
0x104: {  	[sflag:s31] =	ssyncset.done $0x0  }
0x105: {  	s6 =	simm.s32 $0x0;
	[sflag:s31] =	ssyncadd.s32 $0xFFFFFD80  }
0x106: {  	s8 =	simm.s32 $0x40;
	v1 =	vld [tilespmem:s6+$0xCA80]  }
.LBB2_32:
0x107: {  	p0 =	sne.s32 s8, $0x9C0;
	v2 =	vld [tilespmem:s6+$0xC800];
	_ =	sdelay $0x2  }
.Ltmp15:
0x108: {  	(pc) =	sbr.rel @p0 .LBB2_32-.Ltmp15, $4  }
0x109: {  	_ = 	snop  }
0x10a: {  	v2 =	vadd.f32 v1, v2  }
0x10b: {  	s9 =	sshra.s32 s8, $0x2  }
0x10c: {  	s8 =	sadd.s32 $0x40, s8;
	v1 =	vld [tilespmem:s9+$0xCA80];
	[tilespmem:s6+$0xC800] =	vst v2;
	s6 =	smov.u32 s9  }
0x10d: {  	v2 =	vld [tilespmem:s6+$0xC800];
	_ =	sdelay $0x4  }
0x10e: {  	v1 =	vadd.f32 v1, v2;
	_ =	sdelay $0x1  }
0x10f: {  	[tilespmem:s6+$0xC800] =	vst v1  }
0x110: {  	[tilespmem:s0], [sflag:$0x1] =	stream.linear.gather [spmem:s30], $0x280, $0x38;
	[tilespmem:$0x1BF80] =	vst v63  }
0x111: {  	_ =	swait.ge [sflag:s31], $0x280  }
0x112: {  	[sflag:s31] =	ssyncset.done $0x0  }
0x113: {  	s6 =	simm.s32 $0x0;
	[sflag:s31] =	ssyncadd.s32 $0xFFFFFD80  }
0x114: {  	s9 =	simm.s32 $0x40;
	s8 =	simm.s32 $0x0;
	v1 =	vld [tilespmem:s6+$0xCA80]  }
.LBB2_34:
0x115: {  	p0 =	sne.s32 s9, $0x9C0;
	v2 =	vld [tilespmem:s8+$0xC800];
	_ =	sdelay $0x2  }
.Ltmp16:
0x116: {  	(pc) =	sbr.rel @p0 .LBB2_34-.Ltmp16, $4  }
0x117: {  	_ = 	snop  }
0x118: {  	v2 =	vadd.f32 v1, v2  }
0x119: {  	s10 =	sshra.s32 s9, $0x2  }
0x11a: {  	s9 =	sadd.s32 $0x40, s9;
	v1 =	vld [tilespmem:s10+$0xCA80];
	[tilespmem:s8+$0xC800] =	vst v2;
	s8 =	smov.u32 s10  }
0x11b: {  	v2 =	vld [tilespmem:s8+$0xC800];
	_ =	sdelay $0x4  }
0x11c: {  	v1 =	vadd.f32 v1, v2;
	_ =	sdelay $0x1  }
0x11d: {  	[tilespmem:s8+$0xC800] =	vst v1;
	s8 =	simm.s32 $0x40  }
.LBB2_36:
0x11e: {  	p0 =	sne.s32 s8, $0x9C0;
	v1 =	vld [tilespmem:s6+$0xC800];
	_ =	sdelay $0x4  }
0x11f: {  	v1 =	vadd.f32 $1.000000000e+00, v1;
	_ =	sdelay $0x1  }
0x120: {  	v2 =	vshra.s32 v1, $0x1;
	v1 =	vmul.f32 $5.000000000e-01, v1  }
0x121: {  	v2 =	vsub.s32 $0x5F3759DF, v2  }
0x122: {  	v3 =	vmul.f32 v2, v1;
	_ =	sdelay $0x1  }
0x123: {  	v3 =	vmul.f32 v2, v3;
	_ =	sdelay $0x1  }
0x124: {  	v3 =	vsub.f32 $1.500000000e+00, v3;
	_ =	sdelay $0x1  }
0x125: {  	v2 =	vmul.f32 v2, v3;
	_ =	sdelay $0x1  }
0x126: {  	v3 =	vmul.f32 v2, v1;
	_ =	sdelay $0x1  }
0x127: {  	v3 =	vmul.f32 v3, v2;
	_ =	sdelay $0x1  }
0x128: {  	v3 =	vsub.f32 $1.500000000e+00, v3;
	_ =	sdelay $0x1  }
0x129: {  	v2 =	vmul.f32 v3, v2;
	_ =	sdelay $0x1  }
0x12a: {  	v3 =	vmul.f32 v2, v1;
	_ =	sdelay $0x1  }
0x12b: {  	v3 =	vmul.f32 v3, v2;
	_ =	sdelay $0x1  }
0x12c: {  	v3 =	vsub.f32 $1.500000000e+00, v3;
	_ =	sdelay $0x1  }
0x12d: {  	v2 =	vmul.f32 v3, v2;
	_ =	sdelay $0x1  }
0x12e: {  	v1 =	vmul.f32 v2, v1;
	_ =	sdelay $0x1  }
0x12f: {  	v1 =	vmul.f32 v1, v2;
	_ =	sdelay $0x1  }
.Ltmp17:
0x130: {  	v1 =	vsub.f32 $1.500000000e+00, v1;
	(pc) =	sbr.rel @p0 .LBB2_36-.Ltmp17, $3  }
0x131: {  	_ = 	snop  }
0x132: {  	v1 =	vmul.f32 v1, v2;
	_ =	sdelay $0x1  }
0x133: {  	[tilespmem:s6+$0xC800] =	vst v1;
	s6 =	sshra.s32 s8, $0x2;
	s8 =	sadd.s32 $0x40, s8  }
0x134: {  	v1 =	vld [tilespmem:s6+$0xC800];
	_ =	sdelay $0x4  }
0x135: {  	v1 =	vadd.f32 $1.000000000e+00, v1;
	_ =	sdelay $0x1  }
0x136: {  	v2 =	vshra.s32 v1, $0x1;
	v1 =	vmul.f32 $5.000000000e-01, v1  }
0x137: {  	v2 =	vsub.s32 $0x5F3759DF, v2  }
0x138: {  	v3 =	vmul.f32 v2, v1;
	_ =	sdelay $0x1  }
0x139: {  	v3 =	vmul.f32 v2, v3;
	_ =	sdelay $0x1  }
0x13a: {  	v3 =	vsub.f32 $1.500000000e+00, v3;
	_ =	sdelay $0x1  }
0x13b: {  	v2 =	vmul.f32 v2, v3;
	_ =	sdelay $0x1  }
0x13c: {  	v3 =	vmul.f32 v2, v1;
	_ =	sdelay $0x1  }
0x13d: {  	v3 =	vmul.f32 v3, v2;
	_ =	sdelay $0x1  }
0x13e: {  	v3 =	vsub.f32 $1.500000000e+00, v3;
	_ =	sdelay $0x1  }
0x13f: {  	v2 =	vmul.f32 v3, v2;
	_ =	sdelay $0x1  }
0x140: {  	v3 =	vmul.f32 v2, v1;
	_ =	sdelay $0x1  }
0x141: {  	v3 =	vmul.f32 v3, v2;
	_ =	sdelay $0x1  }
0x142: {  	v3 =	vsub.f32 $1.500000000e+00, v3;
	_ =	sdelay $0x1  }
0x143: {  	v2 =	vmul.f32 v3, v2;
	_ =	sdelay $0x1  }
0x144: {  	v1 =	vmul.f32 v2, v1;
	_ =	sdelay $0x1  }
0x145: {  	v1 =	vmul.f32 v1, v2;
	_ =	sdelay $0x1  }
0x146: {  	v1 =	vsub.f32 $1.500000000e+00, v1;
	_ =	sdelay $0x1  }
0x147: {  	v1 =	vmul.f32 v1, v2;
	_ =	sdelay $0x1  }
0x148: {  	[tilespmem:s6+$0xC800] =	vst v1  }
0x149: {  	[spmem:s20] =	stream.linear.scatter [tilespmem:s2], [sflag:$0x1], $0x280, $0x38;
	[tilespmem:$0x1BF80] =	vst v63  }
0x14a: {  	_ =	swait.ge [sflag:s31], $0x280  }
0x14b: {  	[sflag:s31] =	ssyncset.done $0x0  }
0x14c: {  	s6 =	simm.s32 $0x0;
	[sflag:s31] =	ssyncadd.s32 $0xFFFFFD80  }
0x14d: {  	[hbm4b:s18+s6] =	stream.linear.scatter [tilespmem:s2], [sflag:$0x1], $0x280, $0x38;
	[tilespmem:$0x1BF80] =	vst v63  }
0x14e: {  	_ =	swait.ge [sflag:s31], $0x280  }
0x14f: {  	[sflag:s31] =	ssyncset.done $0x0  }
0x150: {  	[sflag:s31] =	ssyncadd.s32 $0xFFFFFD80  }
0x151: {  	[bflag:$0x0] =	sbarrier.arrive $0xFFFF  }
0x152: {  	s8 =	rddreg [dreg:$0x3]  }
0x153: {  	[tilespmem:s4], [sflag:$0x1] =	stream.linear.gather [spmem:s8], $0x2800, $0x38;
	[tilespmem:$0x1BF80] =	vst v63  }
0x154: {  	_ =	swait.ge [sflag:s31], $0x2800  }
0x155: {  	[sflag:s31] =	ssyncset.done $0x0  }
0x156: {  	s10 =	simm.s32 $0xF500;
	[sflag:s31] =	ssyncadd.s32 $0xFFFFD800  }
0x157: {  	[tilespmem:s10], [sflag:$0x1] =	stream.linear.gather [hbm4b:s23+s6], $0x2800, $0x38;
	[tilespmem:$0x1BF80] =	vst v63  }
0x158: {  	_ =	swait.ge [sflag:s31], $0x2800  }
0x159: {  	[sflag:s31] =	ssyncset.done $0x0  }
0x15a: {  	s9 =	simm.s32 $0x11D00;
	[sflag:s31] =	ssyncadd.s32 $0xFFFFD800  }
0x15b: {  	[tilespmem:s9], [sflag:$0x1] =	stream.linear.gather [hbm4b:s21+s6], $0x2800, $0x38;
	[tilespmem:$0x1BF80] =	vst v63  }
0x15c: {  	_ =	swait.ge [sflag:s31], $0x2800  }
0x15d: {  	[sflag:s31] =	ssyncset.done $0x0  }
0x15e: {  	s10 =	simm.s32 $0x14500;
	[sflag:s31] =	ssyncadd.s32 $0xFFFFD800  }
0x15f: {  	[tilespmem:s10], [sflag:$0x1] =	stream.linear.gather [hbm4b:s22+s6], $0x2800, $0x38;
	[tilespmem:$0x1BF80] =	vst v63  }
0x160: {  	_ =	swait.ge [sflag:s31], $0x2800  }
0x161: {  	[sflag:s31] =	ssyncset.done $0x0  }
0x162: {  	s6 =	simm.s32 $0x0;
	[sflag:s31] =	ssyncadd.s32 $0xFFFFD800  }
0x163: {  	v1 =	vld [tilespmem:s6+$0xF500];
	_ =	sdelay $0x1  }
0x164: {  	v2 =	vld [tilespmem:s6+$0x11D00];
	_ =	sdelay $0x4  }
0x165: {  	v3 =	vld [tilespmem:s6+$0x14500]  }
0x166: {  	v1 =	vld.idx.msk [tilespmem:v1+s4+$0x0], $0xffff  }
0x167: {  	v4 =	vld [tilespmem:s6+$0xF510]  }
0x168: {  	v2 =	vld.idx.msk [tilespmem:v2+s4+$0x0], $0xffff  }
0x169: {  	v5 =	vld [tilespmem:s6+$0x11D10];
	_ =	sdelay $0x1  }
0x16a: {  	v1 =	vmul.f32 v1, v3;
	_ =	sdelay $0x1  }
0x16b: {  	v1 =	vmul.f32 v2, v1;
	_ =	sdelay $0x1  }
0x16c: {  	v2 =	vld [tilespmem:s6+$0x14510];
	[tilespmem:s6+$0x16D00] =	vst v1  }
0x16d: {  	v1 =	vld.idx.msk [tilespmem:v4+s4+$0x0], $0xffff  }
0x16e: {  	v3 =	vld.idx.msk [tilespmem:v5+s4+$0x0], $0xffff  }
0x16f: {  	v4 =	vld [tilespmem:s6+$0xF520]  }
0x170: {  	v5 =	vld [tilespmem:s6+$0x11D20];
	_ =	sdelay $0x1  }
0x171: {  	v1 =	vmul.f32 v1, v2;
	_ =	sdelay $0x1  }
0x172: {  	v1 =	vmul.f32 v3, v1;
	_ =	sdelay $0x1  }
0x173: {  	v2 =	vld [tilespmem:s6+$0x14520];
	[tilespmem:s6+$0x16D10] =	vst v1  }
0x174: {  	v1 =	vld.idx.msk [tilespmem:v4+s4+$0x0], $0xffff  }
0x175: {  	v3 =	vld.idx.msk [tilespmem:v5+s4+$0x0], $0xffff  }
0x176: {  	v4 =	vld [tilespmem:s6+$0xF530]  }
0x177: {  	v5 =	vld [tilespmem:s6+$0x11D30];
	_ =	sdelay $0x1  }
0x178: {  	v1 =	vmul.f32 v1, v2;
	_ =	sdelay $0x1  }
0x179: {  	v1 =	vmul.f32 v3, v1;
	_ =	sdelay $0x1  }
0x17a: {  	v2 =	vld [tilespmem:s6+$0x14530];
	[tilespmem:s6+$0x16D20] =	vst v1  }
0x17b: {  	v1 =	vld.idx.msk [tilespmem:v4+s4+$0x0], $0xffff  }
0x17c: {  	v3 =	vld.idx.msk [tilespmem:v5+s4+$0x0], $0xffff  }
0x17d: {  	v4 =	vld [tilespmem:s6+$0xF540]  }
0x17e: {  	v5 =	vld [tilespmem:s6+$0x11D40];
	_ =	sdelay $0x1  }
0x17f: {  	v1 =	vmul.f32 v1, v2;
	_ =	sdelay $0x1  }
0x180: {  	v1 =	vmul.f32 v3, v1;
	_ =	sdelay $0x1  }
0x181: {  	v2 =	vld [tilespmem:s6+$0x14540];
	[tilespmem:s6+$0x16D30] =	vst v1  }
0x182: {  	v1 =	vld.idx.msk [tilespmem:v4+s4+$0x0], $0xffff  }
0x183: {  	v3 =	vld.idx.msk [tilespmem:v5+s4+$0x0], $0xffff  }
0x184: {  	v4 =	vld [tilespmem:s6+$0xF550]  }
0x185: {  	v5 =	vld [tilespmem:s6+$0x11D50];
	_ =	sdelay $0x1  }
0x186: {  	v1 =	vmul.f32 v1, v2;
	_ =	sdelay $0x1  }
0x187: {  	v1 =	vmul.f32 v3, v1;
	_ =	sdelay $0x1  }
0x188: {  	v2 =	vld [tilespmem:s6+$0x14550];
	[tilespmem:s6+$0x16D40] =	vst v1  }
0x189: {  	v1 =	vld.idx.msk [tilespmem:v4+s4+$0x0], $0xffff  }
0x18a: {  	v3 =	vld.idx.msk [tilespmem:v5+s4+$0x0], $0xffff  }
0x18b: {  	v4 =	vld [tilespmem:s6+$0xF560]  }
0x18c: {  	v5 =	vld [tilespmem:s6+$0x11D60];
	_ =	sdelay $0x1  }
0x18d: {  	v1 =	vmul.f32 v1, v2;
	_ =	sdelay $0x1  }
0x18e: {  	v1 =	vmul.f32 v3, v1;
	_ =	sdelay $0x1  }
0x18f: {  	[tilespmem:s6+$0x16D50] =	vst v1;
	v1 =	vld [tilespmem:s6+$0x14560]  }
0x190: {  	v2 =	vld.idx.msk [tilespmem:v4+s4+$0x0], $0xffff  }
0x191: {  	v3 =	vld.idx.msk [tilespmem:v5+s4+$0x0], $0xffff  }
0x192: {  	v4 =	vld [tilespmem:s6+$0xF570]  }
0x193: {  	v5 =	vld [tilespmem:s6+$0x11D70];
	_ =	sdelay $0x1  }
0x194: {  	v1 =	vmul.f32 v2, v1;
	_ =	sdelay $0x1  }
0x195: {  	v1 =	vmul.f32 v3, v1;
	_ =	sdelay $0x1  }
0x196: {  	[tilespmem:s6+$0x16D60] =	vst v1;
	v1 =	vld [tilespmem:s6+$0x14570]  }
0x197: {  	v3 =	vld.idx.msk [tilespmem:v4+s4+$0x0], $0xffff  }
0x198: {  	s8 =	simm.s32 $0x400;
	s9 =	simm.s32 $0x80;
	v2 =	vld.idx.msk [tilespmem:v5+s4+$0x0], $0xffff  }
.LBB2_38:
0x199: {  	p0 =	sne.s32 s8, $0x9E00;
	v4 =	vld [tilespmem:s9+$0xF500]  }
0x19a: {  	v5 =	vld [tilespmem:s9+$0x11D00];
	_ =	sdelay $0x1  }
0x19b: {  	v1 =	vmul.f32 v3, v1;
	_ =	sdelay $0x1  }
0x19c: {  	v1 =	vmul.f32 v2, v1;
	_ =	sdelay $0x1  }
0x19d: {  	v2 =	vld [tilespmem:s9+$0x14500];
	[tilespmem:s6+$0x16D70] =	vst v1;
	s6 =	smov.u32 s9  }
0x19e: {  	v1 =	vld.idx.msk [tilespmem:v4+s4+$0x0], $0xffff  }
0x19f: {  	v3 =	vld.idx.msk [tilespmem:v5+s4+$0x0], $0xffff;
	_ =	sdelay $0x1  }
0x1a0: {  	v4 =	vld [tilespmem:s6+$0xF510];
	_ =	sdelay $0x1  }
0x1a1: {  	v5 =	vld [tilespmem:s6+$0x11D10]  }
0x1a2: {  	v1 =	vmul.f32 v1, v2;
	_ =	sdelay $0x1  }
0x1a3: {  	v1 =	vmul.f32 v3, v1;
	_ =	sdelay $0x1  }
0x1a4: {  	[tilespmem:s6+$0x16D00] =	vst v1  }
0x1a5: {  	v1 =	vld.idx.msk [tilespmem:v4+s4+$0x0], $0xffff  }
0x1a6: {  	v2 =	vld [tilespmem:s6+$0x14510]  }
0x1a7: {  	v3 =	vld.idx.msk [tilespmem:v5+s4+$0x0], $0xffff  }
0x1a8: {  	v4 =	vld [tilespmem:s6+$0xF520];
	_ =	sdelay $0x1  }
0x1a9: {  	v5 =	vld [tilespmem:s6+$0x11D20]  }
0x1aa: {  	v1 =	vmul.f32 v1, v2;
	_ =	sdelay $0x1  }
0x1ab: {  	v1 =	vmul.f32 v3, v1;
	_ =	sdelay $0x1  }
0x1ac: {  	[tilespmem:s6+$0x16D10] =	vst v1  }
0x1ad: {  	v1 =	vld.idx.msk [tilespmem:v4+s4+$0x0], $0xffff  }
0x1ae: {  	v2 =	vld [tilespmem:s6+$0x14520]  }
0x1af: {  	v3 =	vld.idx.msk [tilespmem:v5+s4+$0x0], $0xffff  }
0x1b0: {  	v4 =	vld [tilespmem:s6+$0xF530];
	_ =	sdelay $0x1  }
0x1b1: {  	v5 =	vld [tilespmem:s6+$0x11D30]  }
0x1b2: {  	v1 =	vmul.f32 v1, v2;
	_ =	sdelay $0x1  }
0x1b3: {  	v1 =	vmul.f32 v3, v1;
	_ =	sdelay $0x1  }
0x1b4: {  	[tilespmem:s6+$0x16D20] =	vst v1  }
0x1b5: {  	v1 =	vld.idx.msk [tilespmem:v4+s4+$0x0], $0xffff  }
0x1b6: {  	v2 =	vld [tilespmem:s6+$0x14530]  }
0x1b7: {  	v3 =	vld.idx.msk [tilespmem:v5+s4+$0x0], $0xffff  }
0x1b8: {  	v4 =	vld [tilespmem:s6+$0xF540];
	_ =	sdelay $0x1  }
0x1b9: {  	v5 =	vld [tilespmem:s6+$0x11D40]  }
0x1ba: {  	v1 =	vmul.f32 v1, v2;
	_ =	sdelay $0x1  }
0x1bb: {  	v1 =	vmul.f32 v3, v1;
	_ =	sdelay $0x1  }
0x1bc: {  	[tilespmem:s6+$0x16D30] =	vst v1  }
0x1bd: {  	v1 =	vld.idx.msk [tilespmem:v4+s4+$0x0], $0xffff  }
0x1be: {  	v2 =	vld [tilespmem:s6+$0x14540]  }
0x1bf: {  	v3 =	vld.idx.msk [tilespmem:v5+s4+$0x0], $0xffff  }
0x1c0: {  	v4 =	vld [tilespmem:s6+$0xF550];
	_ =	sdelay $0x1  }
0x1c1: {  	v5 =	vld [tilespmem:s6+$0x11D50]  }
0x1c2: {  	v1 =	vmul.f32 v1, v2;
	_ =	sdelay $0x1  }
0x1c3: {  	v1 =	vmul.f32 v3, v1;
	_ =	sdelay $0x1  }
0x1c4: {  	[tilespmem:s6+$0x16D40] =	vst v1  }
0x1c5: {  	v1 =	vld.idx.msk [tilespmem:v4+s4+$0x0], $0xffff  }
0x1c6: {  	v2 =	vld [tilespmem:s6+$0x14550]  }
0x1c7: {  	v3 =	vld.idx.msk [tilespmem:v5+s4+$0x0], $0xffff  }
0x1c8: {  	v4 =	vld [tilespmem:s6+$0xF560]  }
0x1c9: {  	v5 =	vld [tilespmem:s6+$0x11D60];
	_ =	sdelay $0x1  }
0x1ca: {  	v1 =	vmul.f32 v1, v2;
	_ =	sdelay $0x1  }
0x1cb: {  	v1 =	vmul.f32 v3, v1;
	_ =	sdelay $0x1  }
0x1cc: {  	[tilespmem:s6+$0x16D50] =	vst v1;
	v1 =	vld [tilespmem:s6+$0x14560]  }
0x1cd: {  	v2 =	vld.idx.msk [tilespmem:v4+s4+$0x0], $0xffff  }
0x1ce: {  	v3 =	vld.idx.msk [tilespmem:v5+s4+$0x0], $0xffff;
	_ =	sdelay $0x1  }
0x1cf: {  	v4 =	vld [tilespmem:s6+$0xF570]  }
0x1d0: {  	v5 =	vld [tilespmem:s6+$0x11D70];
	_ =	sdelay $0x1  }
0x1d1: {  	v1 =	vmul.f32 v2, v1;
	_ =	sdelay $0x1  }
0x1d2: {  	v1 =	vmul.f32 v3, v1  }
.Ltmp18:
0x1d3: {  	(pc) =	sbr.rel @p0 .LBB2_38-.Ltmp18, $4  }
0x1d4: {  	[tilespmem:s6+$0x16D60] =	vst v1;
	v1 =	vld [tilespmem:s6+$0x14570]  }
0x1d5: {  	v3 =	vld.idx.msk [tilespmem:v4+s4+$0x0], $0xffff  }
0x1d6: {  	v2 =	vld.idx.msk [tilespmem:v5+s4+$0x0], $0xffff  }
0x1d7: {  	s9 =	sshra.s32 s8, $0x2;
	s8 =	sadd.s32 $0x200, s8  }
0x1d8: {  	v4 =	vld [tilespmem:s9+$0xF500];
	_ =	sdelay $0x1  }
0x1d9: {  	v5 =	vld [tilespmem:s9+$0x11D00]  }
0x1da: {  	v1 =	vmul.f32 v3, v1;
	_ =	sdelay $0x1  }
0x1db: {  	v1 =	vmul.f32 v2, v1;
	_ =	sdelay $0x1  }
0x1dc: {  	v2 =	vld [tilespmem:s9+$0x14500];
	[tilespmem:s6+$0x16D70] =	vst v1  }
0x1dd: {  	v1 =	vld.idx.msk [tilespmem:v4+s4+$0x0], $0xffff  }
0x1de: {  	v50 =	vld [tilespmem:s9+$0xF510]  }
0x1df: {  	v3 =	vld.idx.msk [tilespmem:v5+s4+$0x0], $0xffff;
	_ =	sdelay $0x1  }
0x1e0: {  	v51 =	vld [tilespmem:s9+$0x11D10]  }
0x1e1: {  	v1 =	vmul.f32 v1, v2;
	_ =	sdelay $0x1  }
0x1e2: {  	v1 =	vmul.f32 v3, v1;
	_ =	sdelay $0x1  }
0x1e3: {  	v2 =	vld [tilespmem:s9+$0x14510];
	[tilespmem:s9+$0x16D00] =	vst v1  }
0x1e4: {  	v1 =	vld.idx.msk [tilespmem:v50+s4+$0x0], $0xffff  }
0x1e5: {  	v52 =	vld [tilespmem:s9+$0xF520]  }
0x1e6: {  	v3 =	vld.idx.msk [tilespmem:v51+s4+$0x0], $0xffff;
	_ =	sdelay $0x1  }
0x1e7: {  	v53 =	vld [tilespmem:s9+$0x11D20]  }
0x1e8: {  	v1 =	vmul.f32 v1, v2;
	_ =	sdelay $0x1  }
0x1e9: {  	v1 =	vmul.f32 v3, v1;
	_ =	sdelay $0x1  }
0x1ea: {  	v2 =	vld [tilespmem:s9+$0x14520];
	[tilespmem:s9+$0x16D10] =	vst v1  }
0x1eb: {  	v1 =	vld.idx.msk [tilespmem:v52+s4+$0x0], $0xffff  }
0x1ec: {  	v54 =	vld [tilespmem:s9+$0xF530]  }
0x1ed: {  	v3 =	vld.idx.msk [tilespmem:v53+s4+$0x0], $0xffff;
	_ =	sdelay $0x1  }
0x1ee: {  	v55 =	vld [tilespmem:s9+$0x11D30]  }
0x1ef: {  	v1 =	vmul.f32 v1, v2;
	_ =	sdelay $0x1  }
0x1f0: {  	v1 =	vmul.f32 v3, v1;
	_ =	sdelay $0x1  }
0x1f1: {  	v2 =	vld [tilespmem:s9+$0x14530];
	[tilespmem:s9+$0x16D20] =	vst v1  }
0x1f2: {  	v1 =	vld.idx.msk [tilespmem:v54+s4+$0x0], $0xffff  }
0x1f3: {  	v56 =	vld [tilespmem:s9+$0xF540]  }
0x1f4: {  	v3 =	vld.idx.msk [tilespmem:v55+s4+$0x0], $0xffff;
	_ =	sdelay $0x1  }
0x1f5: {  	v57 =	vld [tilespmem:s9+$0x11D40]  }
0x1f6: {  	v1 =	vmul.f32 v1, v2;
	_ =	sdelay $0x1  }
0x1f7: {  	v1 =	vmul.f32 v3, v1;
	_ =	sdelay $0x1  }
0x1f8: {  	v2 =	vld [tilespmem:s9+$0x14540];
	[tilespmem:s9+$0x16D30] =	vst v1  }
0x1f9: {  	v1 =	vld.idx.msk [tilespmem:v56+s4+$0x0], $0xffff  }
0x1fa: {  	v58 =	vld [tilespmem:s9+$0xF550]  }
0x1fb: {  	v3 =	vld.idx.msk [tilespmem:v57+s4+$0x0], $0xffff;
	_ =	sdelay $0x1  }
0x1fc: {  	v59 =	vld [tilespmem:s9+$0x11D50]  }
0x1fd: {  	v1 =	vmul.f32 v1, v2;
	_ =	sdelay $0x1  }
0x1fe: {  	v1 =	vmul.f32 v3, v1;
	_ =	sdelay $0x1  }
0x1ff: {  	v2 =	vld [tilespmem:s9+$0x14550];
	[tilespmem:s9+$0x16D40] =	vst v1  }
0x200: {  	v1 =	vld.idx.msk [tilespmem:v58+s4+$0x0], $0xffff  }
0x201: {  	v60 =	vld [tilespmem:s9+$0xF560]  }
0x202: {  	v3 =	vld.idx.msk [tilespmem:v59+s4+$0x0], $0xffff;
	_ =	sdelay $0x1  }
0x203: {  	v61 =	vld [tilespmem:s9+$0x11D60]  }
0x204: {  	v1 =	vmul.f32 v1, v2;
	_ =	sdelay $0x1  }
0x205: {  	v1 =	vmul.f32 v3, v1;
	_ =	sdelay $0x1  }
0x206: {  	[tilespmem:s9+$0x16D50] =	vst v1;
	v1 =	vld [tilespmem:s9+$0x14560]  }
0x207: {  	v2 =	vld.idx.msk [tilespmem:v60+s4+$0x0], $0xffff  }
0x208: {  	v62 =	vld [tilespmem:s9+$0xF570]  }
0x209: {  	v3 =	vld.idx.msk [tilespmem:v61+s4+$0x0], $0xffff;
	_ =	sdelay $0x1  }
0x20a: {  	v63 =	vld [tilespmem:s9+$0x11D70]  }
0x20b: {  	v1 =	vmul.f32 v2, v1;
	_ =	sdelay $0x1  }
0x20c: {  	v1 =	vmul.f32 v3, v1;
	_ =	sdelay $0x1  }
0x20d: {  	[tilespmem:s9+$0x16D60] =	vst v1;
	v1 =	vld [tilespmem:s9+$0x14570]  }
0x20e: {  	v2 =	vld.idx.msk [tilespmem:v62+s4+$0x0], $0xffff;
	_ =	sdelay $0x1  }
0x20f: {  	v3 =	vld.idx.msk [tilespmem:v63+s4+$0x0], $0xffff;
	_ =	sdelay $0x2  }
0x210: {  	v1 =	vmul.f32 v2, v1;
	_ =	sdelay $0x1  }
0x211: {  	s5 =	sadd.s32 $0x1, s5;
	v1 =	vmul.f32 v3, v1  }
0x212: {  	p0 =	sne.s32 s5, s25  }
.Ltmp19:
0x213: {  	s10 =	simm.s32 $0x16D00;
	[tilespmem:s9+$0x16D70] =	vst v1;
	(pc) =	sbr.rel @p0 .LBB2_1-.Ltmp19, $4  }
0x214: {  	[hbm4b:s24+s3] =	stream.linear.scatter [tilespmem:s10], [sflag:$0x1], $0x2800, $0x38;
	[tilespmem:$0x1BF80] =	vst v63  }
0x215: {  	_ =	swait.ge [sflag:s31], $0x2800  }
0x216: {  	[sflag:s31] =	ssyncset.done $0x0  }
0x217: {  	[sflag:s31] =	ssyncadd.s32 $0xFFFFD800  }
0x218: {  	_ =	sfence.sel $0x180000  }
0x219: {  	[bflag:$0x0] =	sbarrier.arrive $0xFFFF  }
0x21a: {  	_ =	strace $0x90000047  }
0x21b: {  	s0 =	stileid.u32;
	[bflag:$0x2] =	sbarrier.arrive $0xFFFF  }
0x21c: {  	p0 =	sne.s32 s0, $0x0;
	s0 =	rddreg [dreg:$0x4]  }
0x21d: {  	s0 =	sadd.s32 @!p0 $0x100000, s0  }
0x21e: {  	[sflag:s0] =	ssyncadd.tile.s32 @!p0 $0x1;
	_ =	shalt  }
.Lfunc_end2:
_tile_overlayer_lowered:
.L_overlay_start_2:
0x21f: {  	(tag) =	ssettag $0x2  }
0x220: {  	s0 =	rddreg [dreg:$0x0];
	s2 =	stileid.u32  }
0x221: {  	s1 =	rddreg [dreg:$0x1];
	p0 =	sne.s32 s2, $0x0  }
0x222: {  	s3 =	rddreg [dreg:$0x2];
	[bflag:$0x3] =	sbarrier.arrive $0xFFFF;
	s2 =	simm.s32 @!p0 $0x1C01  }
0x223: {  	[timem:s3], [sflag:s2] =	dma.local @!p0 [hbm:s0], s1  }
0x224: {  	s0 =	simm.s32 @!p0 $0x1  }
0x225: {  	_ =	swait.ge @!p0 [sflag:s0], s1  }
0x226: {  	s1 =	ssub.s32 @!p0 $0x0, s1;
	[sflag:s0] =	ssyncset.done @!p0 $0x0  }
0x227: {  	[sflag:s0] =	ssyncadd.s32 @!p0 s1  }
0x228: {  	[bflag:$0x3] =	sbarrier.arrive $0xFFFF  }
0x229: {  	_ =	shalt  }

// kernel: kernel.15.cloned.1.call-start
scs
__scs_entry_jumppad:
0x0: {  	(pc) =	sbr.rel $0x88, $3  }
0x1: {  	(tag) =	ssettag $0x0;
	lr =	simm.s32 $0x1  }
0x2: {  	[smem:$0x3F95] =	sst lr;
	_ =	strace $0xD0000000  }
0x3: {  	_ = 	snop  }
0x4: {  	_ = 	snop  }
0x5: {  	_ = 	snop  }
0x6: {  	_ = 	snop  }
0x7: {  	_ = 	snop  }
__scs_overlays_trampoline_lowered:
0x8: {  	[smem:$0x3FA4] =	sst s0  }
0x9: {  	[smem:$0x3FA5] =	sst s1  }
0xa: {  	[smem:$0x3FA6] =	sst s2  }
0xb: {  	[smem:$0x3FA7] =	sst s3  }
0xc: {  	[smem:$0x3FA8] =	sst s4  }
0xd: {  	[smem:$0x3FA9] =	sst s5  }
0xe: {  	[smem:$0x3FAA] =	sst s6  }
0xf: {  	[smem:$0x3FAB] =	sst s7  }
0x10: {  	[smem:$0x3FAC] =	sst s8  }
0x11: {  	[smem:$0x3FAD] =	sst s9;
	s0 =	simm.s32 @!p0 $0x0  }
0x12: {  	s1 =	sld [smem:$0x3F93];
	s0 =	simm.s32 @p0 $0x1  }
0x13: {  	[smem:$0x3FAE] =	sst s0;
	s0 =	simm.s32 @!p1 $0x0  }
0x14: {  	s2 =	sld [smem:$0x3F92];
	s0 =	simm.s32 @p1 $0x1  }
0x15: {  	[smem:$0x3FAF] =	sst s0;
	s0 =	simm.s32 @!p2 $0x0  }
0x16: {  	s3 =	sld [smem:$0x3FDB];
	s0 =	simm.s32 @p2 $0x1  }
0x17: {  	s4 =	simm.s32 $0x1BF5;
	[smem:$0x3FB1] =	sst s0  }
0x18: {  	s0 =	sld [smem:$0x3F94];
	_ =	swait.ge [sflag:s4], $0x0  }
0x19: {  	s7 =	sld [smem:$0x3F95]  }
0x1a: {  	s8 =	sadd.s32 $0xFFFFE003, lr  }
0x1b: {  	s9 =	sadd.s32 $0xFFFFFEF7, lr;
	s5 =	simm.s32 $0xFFFFFFFF;
	p2 =	slt.u32 s8, $0xFFFFF086  }
0x1c: {  	p1 =	slt.u32 s9, $0xF7A;
	s5 =	simm.s32 @!p2 $0x0  }
0x1d: {  	s5 =	simm.s32 @p1 $0x1;
	p0 =	seq.s32 s7, s2  }
0x1e: {  	s7 =	smul.u32 @!p0 $0xF7A, s2;
	p2 =	seq.s32 @!p0 s5, $0x0  }
0x1f: {  	s9 =	smul.u32 $0xF7A, s1;
	s8 =	simm.s32 @!p0 $0x1BF5;
	p2 =	por !p2, p0  }
0x20: {  	[sflag:s8] =	ssyncset.s32 @!p0 $0xFFFFF086;
	s6 =	sadd.s32 @!p0 s3, s7;
	s7 =	simm.s32 @!p0 $0x108  }
0x21: {  	s3 =	sadd.s32 s3, s9;
	s6 =	sadd.s32 @!p0 $0x88, s6;
	s7 =	simm.s32 @p2 $0x1082  }
0x22: {  	[simem:s7], [sflag:s8] =	dma.local @!p0 [hbm:s6], $0xF7A  }
0x23: {  	s9 =	sor.u32 $0xD0000000, s2;
	s6 =	simm.s32 $0x108;
	_ =	swait.ge @!p0 [sflag:s8], $0x0  }
0x24: {  	s3 =	sadd.s32 $0x88, s3;
	s6 =	simm.s32 @!p1 $0x1082;
	[sflag:s4] =	ssyncset.s32 $0xFFFFF086  }
0x25: {  	[simem:s6], [sflag:s4] =	dma.local [hbm:s3], $0xF7A  }
0x26: {  	[smem:$0x3F95] =	sst s1;
	(tag) =	ssettag s2;
	_ =	strace s9  }
0x27: {  	s1 =	sld [smem:$0x3FA5]  }
0x28: {  	s2 =	sld [smem:$0x3FA6]  }
0x29: {  	s4 =	sld [smem:$0x3FA8]  }
0x2a: {  	p0 =	seq.s32 s5, $0x0;
	s5 =	sld [smem:$0x3FA9]  }
0x2b: {  	s6 =	sld [smem:$0x3FAA]  }
0x2c: {  	s7 =	sld [smem:$0x3FAB]  }
0x2d: {  	s3 =	simm.s32 $0x108;
	s8 =	sld [smem:$0x3FAC]  }
0x2e: {  	s3 =	simm.s32 @!p0 $0x1082;
	s9 =	sld [smem:$0x3FAD]  }
0x2f: {  	lr =	sadd.s32 s0, s3;
	s0 =	sld [smem:$0x3FA4]  }
0x30: {  	s3 =	sld [smem:$0x3FA7]  }
0x31: {  	[smem:$0x3FB0] =	sst s10  }
0x32: {  	s10 =	sld [smem:$0x3FAE];
	_ =	sdelay $0x3  }
0x33: {  	p0 =	seq.s32 s10, $0x1;
	s10 =	sld [smem:$0x3FB0];
	_ =	sdelay $0x3  }
0x34: {  	[smem:$0x3FB0] =	sst s10  }
0x35: {  	s10 =	sld [smem:$0x3FAF];
	_ =	sdelay $0x3  }
0x36: {  	p1 =	seq.s32 s10, $0x1;
	s10 =	sld [smem:$0x3FB0];
	_ =	sdelay $0x3  }
0x37: {  	[smem:$0x3FB0] =	sst s10  }
0x38: {  	s10 =	sld [smem:$0x3FB1]  }
0x39: {  	_ = 	snop;
	(pc) =	sbr.ind lr, $3  }
0x3a: {  	_ = 	snop  }
0x3b: {  	_ = 	snop  }
0x3c: {  	p2 =	seq.s32 s10, $0x1;
	s10 =	sld [smem:$0x3FB0]  }
0x3d: {  	_ =	shalt  }
0x3e: {  	_ =	shalt  }
0x3f: {  	_ =	shalt  }
0x40: {  	_ =	shalt  }
0x41: {  	_ =	shalt  }
0x42: {  	_ =	shalt  }
0x43: {  	_ =	shalt  }
0x44: {  	_ =	shalt  }
0x45: {  	_ =	shalt  }
0x46: {  	_ =	shalt  }
0x47: {  	_ =	shalt  }
0x48: {  	_ =	shalt  }
0x49: {  	_ =	shalt  }
0x4a: {  	_ =	shalt  }
0x4b: {  	_ =	shalt  }
0x4c: {  	_ =	shalt  }
0x4d: {  	_ =	shalt  }
0x4e: {  	_ =	shalt  }
0x4f: {  	_ =	shalt  }
0x50: {  	_ =	shalt  }
0x51: {  	_ =	shalt  }
0x52: {  	_ =	shalt  }
0x53: {  	_ =	shalt  }
0x54: {  	_ =	shalt  }
0x55: {  	_ =	shalt  }
0x56: {  	_ =	shalt  }
0x57: {  	_ =	shalt  }
0x58: {  	_ =	shalt  }
0x59: {  	_ =	shalt  }
0x5a: {  	_ =	shalt  }
0x5b: {  	_ =	shalt  }
0x5c: {  	_ =	shalt  }
0x5d: {  	_ =	shalt  }
0x5e: {  	_ =	shalt  }
0x5f: {  	_ =	shalt  }
0x60: {  	_ =	shalt  }
0x61: {  	_ =	shalt  }
0x62: {  	_ =	shalt  }
0x63: {  	_ =	shalt  }
0x64: {  	_ =	shalt  }
0x65: {  	_ =	shalt  }
0x66: {  	_ =	shalt  }
0x67: {  	_ =	shalt  }
0x68: {  	_ =	shalt  }
0x69: {  	_ =	shalt  }
0x6a: {  	_ =	shalt  }
0x6b: {  	_ =	shalt  }
0x6c: {  	_ =	shalt  }
0x6d: {  	_ =	shalt  }
0x6e: {  	_ =	shalt  }
0x6f: {  	_ =	shalt  }
0x70: {  	_ =	shalt  }
0x71: {  	_ =	shalt  }
0x72: {  	_ =	shalt  }
0x73: {  	_ =	shalt  }
0x74: {  	_ =	shalt  }
0x75: {  	_ =	shalt  }
0x76: {  	_ =	shalt  }
0x77: {  	_ =	shalt  }
0x78: {  	_ =	shalt  }
0x79: {  	_ =	shalt  }
0x7a: {  	_ =	shalt  }
0x7b: {  	_ =	shalt  }
0x7c: {  	_ =	shalt  }
0x7d: {  	_ =	shalt  }
0x7e: {  	_ =	shalt  }
0x7f: {  	_ =	shalt  }
0x80: {  	_ =	shalt  }
0x81: {  	_ =	shalt  }
0x82: {  	_ =	shalt  }
0x83: {  	_ =	shalt  }
0x84: {  	_ =	shalt  }
0x85: {  	_ =	shalt  }
0x86: {  	_ =	shalt  }
0x87: {  	_ =	shalt  }
.Lfunc_end0:
.L_simem_size_0:
called_computation.1_lowered:
.L_overlay_start_0:
0x88: {  	s2 =	sld [smem:$0x3FD9]  }
0x89: {  	s3 =	sld [smem:$0x3FFE];
	_ =	sdelay $0x1  }
0x8a: {  	s1 =	srdreg.scid  }
0x8b: {  	s0 =	sand.u32 $0x1, s1  }
0x8c: {  	s16 =	sshll.u32 s0, $0xA;
	s2 =	sadd.s32 s3, s2  }
0x8d: {  	s2 =	sadd.s32 s2, s16  }
0x8e: {  	[smem:$0x3FBC] =	sst s2  }
0x8f: {  	_ = 	snop  }
0x90: {  	(tm) =	ssettm $0x1  }
0x91: {  	s17 =	sld [smem:$0x3FFB];
	_ =	sdelay $0x3  }
0x92: {  	_ =	strace s17  }
0x93: {  	s2 =	sld [smem:$0x3FFC];
	_ =	sdelay $0x3  }
0x94: {  	_ =	strace s2  }
0x95: {  	s2 =	sld [smem:$0x3FFD];
	_ =	sdelay $0x3  }
0x96: {  	_ =	strace s2  }
0x97: {  	_ =	strace $0x8FFFFFFF  }
0x98: {  	s18 =	sld [smem:$0x3FDB];
	_ =	sdelay $0x1  }
0x99: {  	s19 =	simm.s32 $_scs_section_size  }
0x9a: {  	s4 =	simm.s32 $_size__tile_overlayer_lowered;
	s5 =	simm.s32 $_tile_overlayer_lowered  }
0x9b: {  	s22 =	simm.s32 $0x1BFF;
	s21 =	sshll.u32 s5, $0x1;
	s2 =	sadd.s32 s19, s18  }
0x9c: {  	s6 =	simm.s32 $0x0;
	s20 =	sshll.u32 s4, $0x1;
	s4 =	sadd.s32 s21, s2  }
0x9d: {  	[timem:s6], [sflag:s22] =	dma.local [hbm:s4], s20  }
0x9e: {  	_ =	swait.ge [sflag:s22], s20  }
0x9f: {  	s3 =	ssub.s32 $0x0, s20;
	[sflag:s22] =	ssyncset.done $0x0  }
0xa0: {  	[sflag:s22] =	ssyncadd.s32 s3;
	_ =	sdelay $0x1  }
0xa1: {  	s23 =	simm.s32 $0x1B8B  }
0xa2: {  	_ =	swait.ge [sflag:s23], $0x1  }
0xa3: {  	[sflag:s23] =	ssyncset.done $0x0  }
0xa4: {  	s25 =	simm.s32 $0x1B8E;
	s24 =	sld [smem:$0x3FFE];
	[sflag:s23] =	ssyncadd.s32 $0xFFFFFFFF  }
0xa5: {  	s26 =	simm.s32 $execute0_lowered;
	[smem:$0x3FD2] =	sst s25  }
0xa6: {  	s4 =	sshll.u32 s26, $0x1;
	_ =	strace $0x80000049;
	[dreg:$0x1] =	wrdreg $0xFFFFFFFF  }
0xa7: {  	s28 =	simm.s32 $_size_execute0_lowered;
	s2 =	sadd.s32 s2, s4;
	[dreg:$0x0] =	wrdreg $0x0  }
0xa8: {  	s4 =	sshll.u32 s28, $0x1;
	[dreg:$0x2] =	wrdreg s2  }
0xa9: {  	[dreg:$0x3] =	wrdreg s4  }
0xaa: {  	[dreg:$0x4] =	wrdreg $0xC0  }
0xab: {  	_ =	task [dreg:s6], $0x5FFFF  }
0xac: {  	[dreg:$0x1] =	wrdreg $0xFFFFFFFF  }
0xad: {  	[dreg:$0x0] =	wrdreg $0x60  }
0xae: {  	[dreg:$0x2] =	wrdreg s24  }
0xaf: {  	[dreg:$0x3] =	wrdreg $0xB8000  }
0xb0: {  	[dreg:$0x4] =	wrdreg $0x9  }
0xb1: {  	_ =	task.clear_ibuf [dreg:s6], $0x5FFFF;
	_ =	strace $0x90000049  }
0xb2: {  	s29 =	simm.s32 $0x9;
	_ =	strace $0x8000004B  }
0xb3: {  	_ =	swait.ge [sflag:s29], $0x1  }
0xb4: {  	[sflag:s29] =	ssyncadd.s32 $0xFFFFFFFF  }
0xb5: {  	_ =	strace $0x9000004B  }
0xb6: {  	_ =	sfence  }
0xb7: {  	s30 =	sld [smem:$0x0];
	_ =	sdelay $0x2  }
0xb8: {  	s31 =	sshll.u32 s1, $0xD;
	s1 =	sshrl.u32 s1, $0x2  }
0xb9: {  	s3 =	sand.u32 $0x4000, s31;
	s1 =	sadd.s32 s1, s30  }
0xba: {  	s0 =	sor.u32 s3, s0;
	s1 =	sshll.u32 s1, $0x11  }
0xbb: {  	s0 =	sor.u32 s1, s0  }
0xbc: {  	s0 =	sadd.s32 $0x8F2B, s0  }
0xbd: {  	[sflag:s0] =	ssyncadd.remote.s32 $0x1  }
0xbe: {  	_ =	sfence.sel $0xFFFF  }
0xbf: {  	[dreg:$0x0] =	wrdreg $0xFFFFFFFF;
	(pc) =	sbr.abs _section_cstart, $3  }
0xc0: {  	[dreg:$0x1] =	wrdreg $0xFFFFFFFF  }
0xc1: {  	_ =	task.clear_ibuf [dreg:s6], $0x2FFFF;
	_ =	strace $0x9FFFFFFF  }
0xc2: {  	(tm) =	ssettm $0x7FFFFFFF  }
0xc3: {  	_ =	shalt  }
tec
execute0_lowered:
.L_overlay_start_1:
0x0: {  	(tag) =	ssettag $0x1  }
0x1: {  	s6 =	rddreg [dreg:$0x0]  }
0x2: {  	s0 =	srdreg.scid;
	s2 =	rddreg [dreg:$0x1]  }
0x3: {  	s3 =	simm.s32 $0x0;
	s15 =	simm.s32 $0x9800;
	s16 =	simm.s32 $0x2  }
0x4: {  	s17 =	simm.s32 $0x2800;
	s18 =	simm.s32 $0x5000;
	s19 =	simm.s32 $0x80  }
0x5: {  	s20 =	simm.s32 $0x7800;
	s5 =	sand.u32 $0x1, s0;
	s0 =	stileid.u32  }
0x6: {  	s21 =	simm.s32 $0x1;
	[smem:$0x7FF] =	sst s3;
	s8 =	smul.u32 $0xA000, s0  }
0x7: {  	s4 =	sadd.s32 $0x53600, s6;
	s1 =	sshll.u32 s5, $0x4;
	s9 =	smul.u32 $0xA0000, s5  }
0x8: {  	s10 =	smul.u32 $0x28000, s0;
	s5 =	ssub.s32 $0x2, s5;
	s1 =	sor.u32 s0, s1  }
0x9: {  	s31 =	sshrl.u32 s5, $0x1;
	s7 =	smul.u32 $0x500, s1;
	s1 =	rddreg [dreg:$0x2]  }
0xa: {  	_ =	strace $0x8000004A;
	s29 =	sadd.s32 s8, s9;
	s30 =	sshrl.u32 s10, $0x2  }
0xb: {  	s14 =	ssub.s32 s5, s31;
	s5 =	sadd.s32 s8, s2;
	s9 =	sadd.s32 s30, s2  }
0xc: {  	s14 =	smax.u32 s14, $0x1;
	s12 =	sadd.s32 s7, s6;
	s7 =	sshrl.u32 s29, $0x3  }
0xd: {  	s8 =	sadd.s32 $0x6000, s9;
	s13 =	sadd.s32 s7, s6;
	s6 =	sadd.s32 $0x2000, s9  }
0xe: {  	s7 =	sadd.s32 $0x4000, s9;
	s9 =	sadd.s32 $0x8000, s9;
	s10 =	sadd.s32 $0xE400, s12  }
0xf: {  	v0 =	vimm.f32 $0.0e+00;
	s11 =	sadd.s32 $0x4400, s12;
	s12 =	sadd.s32 $0x22400, s12;
	s13 =	sadd.s32 $0x67000, s13  }
.LBB2_1:
0x10: {  	s23 =	simm.s32 $0x100;
	s22 =	simm.s32 $0x0  }
.LBB2_2:
0x11: {  	p0 =	sne.s32 s23, $0x7F00;
	[tilespmem:s22+$0x9830] =	vst v0;
	s24 =	smov.u32 s23;
	s23 =	sadd.s32 $0x100, s23  }
.Ltmp0:
0x12: {  	[tilespmem:s22+$0x9820] =	vst v0;
	(pc) =	sbr.rel @p0 .LBB2_2-.Ltmp0, $3  }
0x13: {  	[tilespmem:s22+$0x9800] =	vst v0  }
0x14: {  	[tilespmem:s22+$0x9810] =	vst v0;
	_ =	sdelay $0x1  }
0x15: {  	s22 =	sshra.s32 s24, $0x2  }
0x16: {  	[tilespmem:s22+$0x9830] =	vst v0  }
0x17: {  	[tilespmem:s22+$0x9820] =	vst v0  }
0x18: {  	[tilespmem:s22+$0x9800] =	vst v0  }
0x19: {  	[tilespmem:s22+$0x9810] =	vst v0  }
0x1a: {  	[spmem:s5] =	stream.linear.scatter [tilespmem:s15], [sflag:$0x2], $0x2000, $0x38;
	[tilespmem:$0x15800] =	vst v63  }
0x1b: {  	_ =	swait.ge [sflag:s16], $0x2000  }
0x1c: {  	[sflag:s16] =	ssyncset.done $0x0  }
0x1d: {  	[sflag:s16] =	ssyncadd.s32 $0xFFFFE000  }
0x1e: {  	[spmem:s6] =	stream.linear.scatter [tilespmem:s15], [sflag:$0x2], $0x2000, $0x38;
	[tilespmem:$0x15800] =	vst v63  }
0x1f: {  	_ =	swait.ge [sflag:s16], $0x2000  }
0x20: {  	[sflag:s16] =	ssyncset.done $0x0  }
0x21: {  	[sflag:s16] =	ssyncadd.s32 $0xFFFFE000  }
0x22: {  	[spmem:s7] =	stream.linear.scatter [tilespmem:s15], [sflag:$0x2], $0x2000, $0x38;
	[tilespmem:$0x15800] =	vst v63  }
0x23: {  	_ =	swait.ge [sflag:s16], $0x2000  }
0x24: {  	[sflag:s16] =	ssyncset.done $0x0  }
0x25: {  	[sflag:s16] =	ssyncadd.s32 $0xFFFFE000  }
0x26: {  	[spmem:s8] =	stream.linear.scatter [tilespmem:s15], [sflag:$0x2], $0x2000, $0x38;
	[tilespmem:$0x15800] =	vst v63  }
0x27: {  	_ =	swait.ge [sflag:s16], $0x2000  }
0x28: {  	[sflag:s16] =	ssyncset.done $0x0  }
0x29: {  	[sflag:s16] =	ssyncadd.s32 $0xFFFFE000  }
0x2a: {  	[spmem:s9] =	stream.linear.scatter [tilespmem:s15], [sflag:$0x2], $0x2000, $0x38;
	[tilespmem:$0x15800] =	vst v63  }
0x2b: {  	_ =	swait.ge [sflag:s16], $0x2000  }
0x2c: {  	[sflag:s16] =	ssyncset.done $0x0  }
0x2d: {  	[sflag:s16] =	ssyncadd.s32 $0xFFFFE000  }
0x2e: {  	s22 =	simm.s32 $0x0;
	[bflag:$0x0] =	sbarrier.arrive $0xFFFF  }
0x2f: {  	[tilespmem:s22], [sflag:$0x2] =	stream.linear.gather [hbm4b:s10+s22], $0x2800, $0x38;
	[tilespmem:$0x15800] =	vst v63  }
0x30: {  	_ =	swait.ge [sflag:s16], $0x2800  }
0x31: {  	[sflag:s16] =	ssyncset.done $0x0  }
0x32: {  	[sflag:s16] =	ssyncadd.s32 $0xFFFFD800  }
0x33: {  	[tilespmem:s17], [sflag:$0x2] =	stream.linear.gather [hbm4b:s11+s22], $0x2800, $0x38;
	[tilespmem:$0x15800] =	vst v63  }
0x34: {  	_ =	swait.ge [sflag:s16], $0x2800  }
0x35: {  	[sflag:s16] =	ssyncset.done $0x0  }
0x36: {  	[sflag:s16] =	ssyncadd.s32 $0xFFFFD800  }
0x37: {  	[tilespmem:s18], [sflag:$0x2] =	stream.linear.gather [hbm4b:s12+s22], $0x2800, $0x38;
	[tilespmem:$0x15800] =	vst v63  }
0x38: {  	_ =	swait.ge [sflag:s16], $0x2800  }
0x39: {  	[sflag:s16] =	ssyncset.done $0x0  }
0x3a: {  	s23 =	simm.s32 $0x0;
	[sflag:s16] =	ssyncadd.s32 $0xFFFFD800  }
.LBB2_4:
0x3b: {  	s24 =	sshll.u32 s23, $0x7;
	v2 =	vmov s22  }
0x3c: {  	v1 =	vmov s24;
	v2 =	vand.u32 $0x7F, v2  }
0x3d: {  	v2 =	vor.u32 v1, v2  }
0x3e: {  	v2 =	vbroadcast v2, $0x0  }
0x3f: {  	[tilespmem:s20], [sflag:$0x1] =	stream.indirect.gather [hbm4b:s4+s19], $0x40, s24, s19, $0xb8;
	[tilespmem:$0x15800] =	vst v63  }
0x40: {  	_ =	swait.ge [sflag:s21], $0x2000  }
0x41: {  	[sflag:s21] =	ssyncset.done $0x0  }
0x42: {  	s25 =	simm.s32 $0x7820;
	[sflag:s21] =	ssyncadd.s32 $0xFFFFE000  }
0x43: {  	v5 =	vld [tilespmem:s25+$0x10]  }
0x44: {  	v3 =	vld.idx.msk [tilespmem:v2+s18+$0x0], $0xffff;
	_ =	sdelay $0x1  }
0x45: {  	v4 =	vld [tilespmem:s25+$0xFFFFFFF0]  }
0x46: {  	s26 =	simm.s32 $0x1;
	v7 =	vld [tilespmem:s25+$0x0]  }
0x47: {  	v2 =	vmov s26  }
0x48: {  	v2 =	vand.u32 $0x7F, v2;
	v6 =	vmul.f32 v5, v3;
	v5 =	vld [tilespmem:s25+$0xFFFFFFE0]  }
0x49: {  	v2 =	vor.u32 v1, v2  }
0x4a: {  	v2 =	vbroadcast v2, $0x0  }
0x4b: {  	s28 =	simm.s32 $0x2;
	s26 =	simm.s32 $0x7820;
	v4 =	vmul.f32 v4, v3;
	v7 =	vmul.f32 v7, v3  }
.LBB2_5:
0x4c: {  	p0 =	sne.s32 s28, $0x7F  }
0x4d: {  	v3 =	vmul.f32 v5, v3;
	[tilespmem:s25+$0x10] =	vst v6;
	s26 =	sadd.s32 $0x40, s26;
	s29 =	smov.u32 s28;
	s28 =	sadd.s32 $0x1, s28  }
0x4e: {  	[tilespmem:s25+$0x0] =	vst v7  }
0x4f: {  	[tilespmem:s25+$0xFFFFFFE0] =	vst v3  }
0x50: {  	v7 =	vld [tilespmem:s26+$0xFFFFFFF0];
	[tilespmem:s25+$0xFFFFFFF0] =	vst v4;
	s25 =	smov.u32 s26  }
0x51: {  	v3 =	vld.idx.msk [tilespmem:v2+s18+$0x0], $0xffff  }
0x52: {  	v4 =	vld [tilespmem:s26+$0x10]  }
0x53: {  	v8 =	vld [tilespmem:s26+$0x0]  }
.Ltmp1:
0x54: {  	v2 =	vmov s29;
	v5 =	vld [tilespmem:s26+$0xFFFFFFE0];
	(pc) =	sbr.rel @p0 .LBB2_5-.Ltmp1, $4  }
0x55: {  	v2 =	vand.u32 $0x7F, v2  }
0x56: {  	v2 =	vor.u32 v1, v2  }
0x57: {  	v2 =	vbroadcast v2, $0x0;
	v6 =	vmul.f32 v4, v3  }
0x58: {  	v4 =	vmul.f32 v7, v3;
	v7 =	vmul.f32 v8, v3  }
0x59: {  	v1 =	vmul.f32 v5, v3;
	[tilespmem:s25+$0x10] =	vst v6  }
0x5a: {  	[tilespmem:s25+$0x0] =	vst v7  }
0x5b: {  	s26 =	sadd.s32 $0x40, s26;
	[tilespmem:s25+$0xFFFFFFE0] =	vst v1  }
0x5c: {  	v1 =	vld [tilespmem:s26+$0xFFFFFFF0];
	[tilespmem:s25+$0xFFFFFFF0] =	vst v4  }
0x5d: {  	v2 =	vld.idx.msk [tilespmem:v2+s18+$0x0], $0xffff  }
0x5e: {  	v3 =	vld [tilespmem:s26+$0x10]  }
0x5f: {  	v4 =	vld [tilespmem:s26+$0x0]  }
0x60: {  	v63 =	vld [tilespmem:s26+$0xFFFFFFE0];
	_ =	sdelay $0x2  }
0x61: {  	v3 =	vmul.f32 v3, v2  }
0x62: {  	v4 =	vmul.f32 v4, v2  }
0x63: {  	v5 =	vmul.f32 v63, v2;
	[tilespmem:s26+$0x10] =	vst v3  }
0x64: {  	s23 =	sadd.s32 $0x1, s23;
	v1 =	vmul.f32 v1, v2;
	[tilespmem:s26+$0x0] =	vst v4  }
0x65: {  	p0 =	sne.s32 s23, $0x50;
	[tilespmem:s26+$0xFFFFFFE0] =	vst v5  }
.Ltmp2:
0x66: {  	s24 =	sadd.s32 $0x2800, s24;
	[tilespmem:s26+$0xFFFFFFF0] =	vst v1;
	(pc) =	sbr.rel @p0 .LBB2_4-.Ltmp2, $4  }
0x67: {  	[spmem:s2] =	stream.indirect.scatter.add.f32 [tilespmem:s20], [sflag:$0x2], $0x40, s24, s19, $0xb8;
	[tilespmem:$0x15800] =	vst v63  }
0x68: {  	_ =	swait.ge [sflag:s16], $0x2000  }
0x69: {  	[sflag:s16] =	ssyncset.done $0x0  }
0x6a: {  	[sflag:s16] =	ssyncadd.s32 $0xFFFFE000  }
0x6b: {  	s3 =	sadd.s32 $0x1, s3  }
0x6c: {  	s22 =	sshll.u32 s0, $0x6;
	[bflag:$0x0] =	sbarrier.arrive $0xFFFF;
	p0 =	sne.s32 s3, s14  }
.Ltmp3:
0x6d: {  	s23 =	sshrl.u32 s5, $0x3;
	s22 =	sor.u32 $0x1C02, s22;
	(pc) =	sbr.rel @p0 .LBB2_1-.Ltmp3, $4  }
0x6e: {  	[hbm:s13], [sflag:s22] =	dma.local [spmem:s23], $0x1400  }
0x6f: {  	_ =	swait.ge [sflag:s16], $0x1400  }
0x70: {  	[sflag:s16] =	ssyncset.done $0x0  }
0x71: {  	[sflag:s16] =	ssyncadd.s32 $0xFFFFEC00  }
0x72: {  	_ =	sfence.sel $0x180000  }
0x73: {  	[bflag:$0x0] =	sbarrier.arrive $0xFFFF  }
0x74: {  	p0 =	sne.s32 s0, $0x0;
	_ =	strace $0x9000004A  }
0x75: {  	s0 =	sadd.s32 @!p0 $0x100000, s1;
	[bflag:$0x2] =	sbarrier.arrive $0xFFFF  }
0x76: {  	[sflag:s0] =	ssyncadd.tile.s32 @!p0 $0x1;
	_ =	shalt  }
.Lfunc_end2:
_tile_overlayer_lowered:
.L_overlay_start_2:
0x77: {  	(tag) =	ssettag $0x2  }
0x78: {  	s0 =	rddreg [dreg:$0x0];
	s2 =	stileid.u32  }
0x79: {  	s1 =	rddreg [dreg:$0x1];
	p0 =	sne.s32 s2, $0x0  }
0x7a: {  	s3 =	rddreg [dreg:$0x2];
	[bflag:$0x3] =	sbarrier.arrive $0xFFFF;
	s2 =	simm.s32 @!p0 $0x1C02  }
0x7b: {  	[timem:s3], [sflag:s2] =	dma.local @!p0 [hbm:s0], s1  }
0x7c: {  	s0 =	simm.s32 @!p0 $0x2  }
0x7d: {  	_ =	swait.ge @!p0 [sflag:s0], s1  }
0x7e: {  	s1 =	ssub.s32 @!p0 $0x0, s1;
	[sflag:s0] =	ssyncset.done @!p0 $0x0  }
0x7f: {  	[sflag:s0] =	ssyncadd.s32 @!p0 s1  }
0x80: {  	[bflag:$0x3] =	sbarrier.arrive $0xFFFF  }
0x81: {  	_ =	shalt  }

// kernel: kernel.18.cloned.1.call-start
scs
__scs_entry_jumppad:
0x0: {  	(pc) =	sbr.rel $0x88, $3  }
0x1: {  	(tag) =	ssettag $0x0;
	lr =	simm.s32 $0x1  }
0x2: {  	[smem:$0x3F95] =	sst lr;
	_ =	strace $0xD0000000  }
0x3: {  	_ = 	snop  }
0x4: {  	_ = 	snop  }
0x5: {  	_ = 	snop  }
0x6: {  	_ = 	snop  }
0x7: {  	_ = 	snop  }
__scs_overlays_trampoline_lowered:
0x8: {  	[smem:$0x3FA4] =	sst s0  }
0x9: {  	[smem:$0x3FA5] =	sst s1  }
0xa: {  	[smem:$0x3FA6] =	sst s2  }
0xb: {  	[smem:$0x3FA7] =	sst s3  }
0xc: {  	[smem:$0x3FA8] =	sst s4  }
0xd: {  	[smem:$0x3FA9] =	sst s5  }
0xe: {  	[smem:$0x3FAA] =	sst s6  }
0xf: {  	[smem:$0x3FAB] =	sst s7  }
0x10: {  	[smem:$0x3FAC] =	sst s8  }
0x11: {  	[smem:$0x3FAD] =	sst s9;
	s0 =	simm.s32 @!p0 $0x0  }
0x12: {  	s1 =	sld [smem:$0x3F93];
	s0 =	simm.s32 @p0 $0x1  }
0x13: {  	[smem:$0x3FAE] =	sst s0;
	s0 =	simm.s32 @!p1 $0x0  }
0x14: {  	s2 =	sld [smem:$0x3F92];
	s0 =	simm.s32 @p1 $0x1  }
0x15: {  	[smem:$0x3FAF] =	sst s0;
	s0 =	simm.s32 @!p2 $0x0  }
0x16: {  	s3 =	sld [smem:$0x3FDB];
	s0 =	simm.s32 @p2 $0x1  }
0x17: {  	s4 =	simm.s32 $0x1BF5;
	[smem:$0x3FB1] =	sst s0  }
0x18: {  	s0 =	sld [smem:$0x3F94];
	_ =	swait.ge [sflag:s4], $0x0  }
0x19: {  	s7 =	sld [smem:$0x3F95]  }
0x1a: {  	s8 =	sadd.s32 $0xFFFFE003, lr  }
0x1b: {  	s9 =	sadd.s32 $0xFFFFFEF7, lr;
	s5 =	simm.s32 $0xFFFFFFFF;
	p2 =	slt.u32 s8, $0xFFFFF086  }
0x1c: {  	p1 =	slt.u32 s9, $0xF7A;
	s5 =	simm.s32 @!p2 $0x0  }
0x1d: {  	s5 =	simm.s32 @p1 $0x1;
	p0 =	seq.s32 s7, s2  }
0x1e: {  	s7 =	smul.u32 @!p0 $0xF7A, s2;
	p2 =	seq.s32 @!p0 s5, $0x0  }
0x1f: {  	s9 =	smul.u32 $0xF7A, s1;
	s8 =	simm.s32 @!p0 $0x1BF5;
	p2 =	por !p2, p0  }
0x20: {  	[sflag:s8] =	ssyncset.s32 @!p0 $0xFFFFF086;
	s6 =	sadd.s32 @!p0 s3, s7;
	s7 =	simm.s32 @!p0 $0x108  }
0x21: {  	s3 =	sadd.s32 s3, s9;
	s6 =	sadd.s32 @!p0 $0x88, s6;
	s7 =	simm.s32 @p2 $0x1082  }
0x22: {  	[simem:s7], [sflag:s8] =	dma.local @!p0 [hbm:s6], $0xF7A  }
0x23: {  	s9 =	sor.u32 $0xD0000000, s2;
	s6 =	simm.s32 $0x108;
	_ =	swait.ge @!p0 [sflag:s8], $0x0  }
0x24: {  	s3 =	sadd.s32 $0x88, s3;
	s6 =	simm.s32 @!p1 $0x1082;
	[sflag:s4] =	ssyncset.s32 $0xFFFFF086  }
0x25: {  	[simem:s6], [sflag:s4] =	dma.local [hbm:s3], $0xF7A  }
0x26: {  	[smem:$0x3F95] =	sst s1;
	(tag) =	ssettag s2;
	_ =	strace s9  }
0x27: {  	s1 =	sld [smem:$0x3FA5]  }
0x28: {  	s2 =	sld [smem:$0x3FA6]  }
0x29: {  	s4 =	sld [smem:$0x3FA8]  }
0x2a: {  	p0 =	seq.s32 s5, $0x0;
	s5 =	sld [smem:$0x3FA9]  }
0x2b: {  	s6 =	sld [smem:$0x3FAA]  }
0x2c: {  	s7 =	sld [smem:$0x3FAB]  }
0x2d: {  	s3 =	simm.s32 $0x108;
	s8 =	sld [smem:$0x3FAC]  }
0x2e: {  	s3 =	simm.s32 @!p0 $0x1082;
	s9 =	sld [smem:$0x3FAD]  }
0x2f: {  	lr =	sadd.s32 s0, s3;
	s0 =	sld [smem:$0x3FA4]  }
0x30: {  	s3 =	sld [smem:$0x3FA7]  }
0x31: {  	[smem:$0x3FB0] =	sst s10  }
0x32: {  	s10 =	sld [smem:$0x3FAE];
	_ =	sdelay $0x3  }
0x33: {  	p0 =	seq.s32 s10, $0x1;
	s10 =	sld [smem:$0x3FB0];
	_ =	sdelay $0x3  }
0x34: {  	[smem:$0x3FB0] =	sst s10  }
0x35: {  	s10 =	sld [smem:$0x3FAF];
	_ =	sdelay $0x3  }
0x36: {  	p1 =	seq.s32 s10, $0x1;
	s10 =	sld [smem:$0x3FB0];
	_ =	sdelay $0x3  }
0x37: {  	[smem:$0x3FB0] =	sst s10  }
0x38: {  	s10 =	sld [smem:$0x3FB1]  }
0x39: {  	_ = 	snop;
	(pc) =	sbr.ind lr, $3  }
0x3a: {  	_ = 	snop  }
0x3b: {  	_ = 	snop  }
0x3c: {  	p2 =	seq.s32 s10, $0x1;
	s10 =	sld [smem:$0x3FB0]  }
0x3d: {  	_ =	shalt  }
0x3e: {  	_ =	shalt  }
0x3f: {  	_ =	shalt  }
0x40: {  	_ =	shalt  }
0x41: {  	_ =	shalt  }
0x42: {  	_ =	shalt  }
0x43: {  	_ =	shalt  }
0x44: {  	_ =	shalt  }
0x45: {  	_ =	shalt  }
0x46: {  	_ =	shalt  }
0x47: {  	_ =	shalt  }
0x48: {  	_ =	shalt  }
0x49: {  	_ =	shalt  }
0x4a: {  	_ =	shalt  }
0x4b: {  	_ =	shalt  }
0x4c: {  	_ =	shalt  }
0x4d: {  	_ =	shalt  }
0x4e: {  	_ =	shalt  }
0x4f: {  	_ =	shalt  }
0x50: {  	_ =	shalt  }
0x51: {  	_ =	shalt  }
0x52: {  	_ =	shalt  }
0x53: {  	_ =	shalt  }
0x54: {  	_ =	shalt  }
0x55: {  	_ =	shalt  }
0x56: {  	_ =	shalt  }
0x57: {  	_ =	shalt  }
0x58: {  	_ =	shalt  }
0x59: {  	_ =	shalt  }
0x5a: {  	_ =	shalt  }
0x5b: {  	_ =	shalt  }
0x5c: {  	_ =	shalt  }
0x5d: {  	_ =	shalt  }
0x5e: {  	_ =	shalt  }
0x5f: {  	_ =	shalt  }
0x60: {  	_ =	shalt  }
0x61: {  	_ =	shalt  }
0x62: {  	_ =	shalt  }
0x63: {  	_ =	shalt  }
0x64: {  	_ =	shalt  }
0x65: {  	_ =	shalt  }
0x66: {  	_ =	shalt  }
0x67: {  	_ =	shalt  }
0x68: {  	_ =	shalt  }
0x69: {  	_ =	shalt  }
0x6a: {  	_ =	shalt  }
0x6b: {  	_ =	shalt  }
0x6c: {  	_ =	shalt  }
0x6d: {  	_ =	shalt  }
0x6e: {  	_ =	shalt  }
0x6f: {  	_ =	shalt  }
0x70: {  	_ =	shalt  }
0x71: {  	_ =	shalt  }
0x72: {  	_ =	shalt  }
0x73: {  	_ =	shalt  }
0x74: {  	_ =	shalt  }
0x75: {  	_ =	shalt  }
0x76: {  	_ =	shalt  }
0x77: {  	_ =	shalt  }
0x78: {  	_ =	shalt  }
0x79: {  	_ =	shalt  }
0x7a: {  	_ =	shalt  }
0x7b: {  	_ =	shalt  }
0x7c: {  	_ =	shalt  }
0x7d: {  	_ =	shalt  }
0x7e: {  	_ =	shalt  }
0x7f: {  	_ =	shalt  }
0x80: {  	_ =	shalt  }
0x81: {  	_ =	shalt  }
0x82: {  	_ =	shalt  }
0x83: {  	_ =	shalt  }
0x84: {  	_ =	shalt  }
0x85: {  	_ =	shalt  }
0x86: {  	_ =	shalt  }
0x87: {  	_ =	shalt  }
.Lfunc_end0:
.L_simem_size_0:
called_computation.2_lowered:
.L_overlay_start_0:
0x88: {  	s2 =	sld [smem:$0x3FD9]  }
0x89: {  	s3 =	sld [smem:$0x3FFE];
	_ =	sdelay $0x1  }
0x8a: {  	s1 =	srdreg.scid  }
0x8b: {  	s0 =	sand.u32 $0x1, s1  }
0x8c: {  	s16 =	sshll.u32 s0, $0xA;
	s2 =	sadd.s32 s3, s2  }
0x8d: {  	s2 =	sadd.s32 s2, s16  }
0x8e: {  	[smem:$0x3FBC] =	sst s2  }
0x8f: {  	_ = 	snop  }
0x90: {  	(tm) =	ssettm $0x1  }
0x91: {  	s17 =	sld [smem:$0x3FFB];
	_ =	sdelay $0x3  }
0x92: {  	_ =	strace s17  }
0x93: {  	s2 =	sld [smem:$0x3FFC];
	_ =	sdelay $0x3  }
0x94: {  	_ =	strace s2  }
0x95: {  	s2 =	sld [smem:$0x3FFD];
	_ =	sdelay $0x3  }
0x96: {  	_ =	strace s2  }
0x97: {  	_ =	strace $0x8FFFFFFF  }
0x98: {  	s18 =	sld [smem:$0x3FDB];
	_ =	sdelay $0x1  }
0x99: {  	s19 =	simm.s32 $_scs_section_size  }
0x9a: {  	s4 =	simm.s32 $_size__tile_overlayer_lowered;
	s5 =	simm.s32 $_tile_overlayer_lowered  }
0x9b: {  	s22 =	simm.s32 $0x1BFF;
	s21 =	sshll.u32 s5, $0x1;
	s2 =	sadd.s32 s19, s18  }
0x9c: {  	s6 =	simm.s32 $0x0;
	s20 =	sshll.u32 s4, $0x1;
	s4 =	sadd.s32 s21, s2  }
0x9d: {  	[timem:s6], [sflag:s22] =	dma.local [hbm:s4], s20  }
0x9e: {  	_ =	swait.ge [sflag:s22], s20  }
0x9f: {  	s3 =	ssub.s32 $0x0, s20;
	[sflag:s22] =	ssyncset.done $0x0  }
0xa0: {  	[sflag:s22] =	ssyncadd.s32 s3;
	_ =	sdelay $0x1  }
0xa1: {  	s23 =	simm.s32 $0x1B8B  }
0xa2: {  	_ =	swait.ge [sflag:s23], $0x1  }
0xa3: {  	[sflag:s23] =	ssyncset.done $0x0  }
0xa4: {  	s25 =	simm.s32 $0x1B8E;
	s24 =	sld [smem:$0x3FFE];
	[sflag:s23] =	ssyncadd.s32 $0xFFFFFFFF  }
0xa5: {  	s26 =	simm.s32 $execute0_lowered;
	[smem:$0x3FD2] =	sst s25  }
0xa6: {  	s4 =	sshll.u32 s26, $0x1;
	_ =	strace $0x8000004C;
	[dreg:$0x1] =	wrdreg $0xFFFFFFFF  }
0xa7: {  	s28 =	simm.s32 $_size_execute0_lowered;
	s2 =	sadd.s32 s2, s4;
	[dreg:$0x0] =	wrdreg $0x0  }
0xa8: {  	s4 =	sshll.u32 s28, $0x1;
	[dreg:$0x2] =	wrdreg s2  }
0xa9: {  	[dreg:$0x3] =	wrdreg s4  }
0xaa: {  	[dreg:$0x4] =	wrdreg $0xC0  }
0xab: {  	_ =	task [dreg:s6], $0x5FFFF  }
0xac: {  	[dreg:$0x1] =	wrdreg $0xFFFFFFFF  }
0xad: {  	[dreg:$0x0] =	wrdreg $0x60  }
0xae: {  	[dreg:$0x2] =	wrdreg s24  }
0xaf: {  	[dreg:$0x3] =	wrdreg $0xB8000  }
0xb0: {  	[dreg:$0x4] =	wrdreg $0x9  }
0xb1: {  	_ =	task.clear_ibuf [dreg:s6], $0x5FFFF;
	_ =	strace $0x9000004C  }
0xb2: {  	s29 =	simm.s32 $0x9;
	_ =	strace $0x8000004E  }
0xb3: {  	_ =	swait.ge [sflag:s29], $0x1  }
0xb4: {  	[sflag:s29] =	ssyncadd.s32 $0xFFFFFFFF  }
0xb5: {  	_ =	strace $0x9000004E  }
0xb6: {  	_ =	sfence  }
0xb7: {  	s30 =	sld [smem:$0x0];
	_ =	sdelay $0x2  }
0xb8: {  	s31 =	sshll.u32 s1, $0xD;
	s1 =	sshrl.u32 s1, $0x2  }
0xb9: {  	s3 =	sand.u32 $0x4000, s31;
	s1 =	sadd.s32 s1, s30  }
0xba: {  	s0 =	sor.u32 s3, s0;
	s1 =	sshll.u32 s1, $0x11  }
0xbb: {  	s0 =	sor.u32 s1, s0  }
0xbc: {  	s0 =	sadd.s32 $0x8F2B, s0  }
0xbd: {  	[sflag:s0] =	ssyncadd.remote.s32 $0x1  }
0xbe: {  	_ =	sfence.sel $0xFFFF  }
0xbf: {  	[dreg:$0x0] =	wrdreg $0xFFFFFFFF;
	(pc) =	sbr.abs _section_cstart, $3  }
0xc0: {  	[dreg:$0x1] =	wrdreg $0xFFFFFFFF  }
0xc1: {  	_ =	task.clear_ibuf [dreg:s6], $0x2FFFF;
	_ =	strace $0x9FFFFFFF  }
0xc2: {  	(tm) =	ssettm $0x7FFFFFFF  }
0xc3: {  	_ =	shalt  }
tec
execute0_lowered:
.L_overlay_start_1:
0x0: {  	(tag) =	ssettag $0x1  }
0x1: {  	s6 =	rddreg [dreg:$0x0]  }
0x2: {  	s0 =	srdreg.scid;
	s2 =	rddreg [dreg:$0x1]  }
0x3: {  	s3 =	simm.s32 $0x0;
	s15 =	simm.s32 $0x9800;
	s16 =	simm.s32 $0x2  }
0x4: {  	s17 =	simm.s32 $0x2800;
	s18 =	simm.s32 $0x5000;
	s19 =	simm.s32 $0x80  }
0x5: {  	s20 =	simm.s32 $0x7800;
	s5 =	sand.u32 $0x1, s0;
	s0 =	stileid.u32  }
0x6: {  	s21 =	simm.s32 $0x1;
	[smem:$0x7FF] =	sst s3;
	s8 =	smul.u32 $0xA000, s0  }
0x7: {  	s4 =	sadd.s32 $0x53600, s6;
	s1 =	sshll.u32 s5, $0x4;
	s9 =	smul.u32 $0xA0000, s5  }
0x8: {  	s10 =	smul.u32 $0x28000, s0;
	s5 =	ssub.s32 $0x2, s5;
	s1 =	sor.u32 s0, s1  }
0x9: {  	s31 =	sshrl.u32 s5, $0x1;
	s7 =	smul.u32 $0x500, s1;
	s1 =	rddreg [dreg:$0x2]  }
0xa: {  	_ =	strace $0x8000004D;
	s29 =	sadd.s32 s8, s9;
	s30 =	sshrl.u32 s10, $0x2  }
0xb: {  	s14 =	ssub.s32 s5, s31;
	s5 =	sadd.s32 s8, s2;
	s9 =	sadd.s32 s30, s2  }
0xc: {  	s14 =	smax.u32 s14, $0x1;
	s12 =	sadd.s32 s7, s6;
	s7 =	sshrl.u32 s29, $0x3  }
0xd: {  	s8 =	sadd.s32 $0x6000, s9;
	s13 =	sadd.s32 s7, s6;
	s6 =	sadd.s32 $0x2000, s9  }
0xe: {  	s7 =	sadd.s32 $0x4000, s9;
	s9 =	sadd.s32 $0x8000, s9;
	s10 =	sadd.s32 $0xE400, s12  }
0xf: {  	v0 =	vimm.f32 $0.0e+00;
	s11 =	sadd.s32 $0x4400, s12;
	s12 =	sadd.s32 $0x18400, s12;
	s13 =	sadd.s32 $0x67000, s13  }
.LBB2_1:
0x10: {  	s23 =	simm.s32 $0x100;
	s22 =	simm.s32 $0x0  }
.LBB2_2:
0x11: {  	p0 =	sne.s32 s23, $0x7F00;
	[tilespmem:s22+$0x9830] =	vst v0;
	s24 =	smov.u32 s23;
	s23 =	sadd.s32 $0x100, s23  }
.Ltmp0:
0x12: {  	[tilespmem:s22+$0x9820] =	vst v0;
	(pc) =	sbr.rel @p0 .LBB2_2-.Ltmp0, $3  }
0x13: {  	[tilespmem:s22+$0x9800] =	vst v0  }
0x14: {  	[tilespmem:s22+$0x9810] =	vst v0;
	_ =	sdelay $0x1  }
0x15: {  	s22 =	sshra.s32 s24, $0x2  }
0x16: {  	[tilespmem:s22+$0x9830] =	vst v0  }
0x17: {  	[tilespmem:s22+$0x9820] =	vst v0  }
0x18: {  	[tilespmem:s22+$0x9800] =	vst v0  }
0x19: {  	[tilespmem:s22+$0x9810] =	vst v0  }
0x1a: {  	[spmem:s5] =	stream.linear.scatter [tilespmem:s15], [sflag:$0x2], $0x2000, $0x38;
	[tilespmem:$0x15800] =	vst v63  }
0x1b: {  	_ =	swait.ge [sflag:s16], $0x2000  }
0x1c: {  	[sflag:s16] =	ssyncset.done $0x0  }
0x1d: {  	[sflag:s16] =	ssyncadd.s32 $0xFFFFE000  }
0x1e: {  	[spmem:s6] =	stream.linear.scatter [tilespmem:s15], [sflag:$0x2], $0x2000, $0x38;
	[tilespmem:$0x15800] =	vst v63  }
0x1f: {  	_ =	swait.ge [sflag:s16], $0x2000  }
0x20: {  	[sflag:s16] =	ssyncset.done $0x0  }
0x21: {  	[sflag:s16] =	ssyncadd.s32 $0xFFFFE000  }
0x22: {  	[spmem:s7] =	stream.linear.scatter [tilespmem:s15], [sflag:$0x2], $0x2000, $0x38;
	[tilespmem:$0x15800] =	vst v63  }
0x23: {  	_ =	swait.ge [sflag:s16], $0x2000  }
0x24: {  	[sflag:s16] =	ssyncset.done $0x0  }
0x25: {  	[sflag:s16] =	ssyncadd.s32 $0xFFFFE000  }
0x26: {  	[spmem:s8] =	stream.linear.scatter [tilespmem:s15], [sflag:$0x2], $0x2000, $0x38;
	[tilespmem:$0x15800] =	vst v63  }
0x27: {  	_ =	swait.ge [sflag:s16], $0x2000  }
0x28: {  	[sflag:s16] =	ssyncset.done $0x0  }
0x29: {  	[sflag:s16] =	ssyncadd.s32 $0xFFFFE000  }
0x2a: {  	[spmem:s9] =	stream.linear.scatter [tilespmem:s15], [sflag:$0x2], $0x2000, $0x38;
	[tilespmem:$0x15800] =	vst v63  }
0x2b: {  	_ =	swait.ge [sflag:s16], $0x2000  }
0x2c: {  	[sflag:s16] =	ssyncset.done $0x0  }
0x2d: {  	[sflag:s16] =	ssyncadd.s32 $0xFFFFE000  }
0x2e: {  	s22 =	simm.s32 $0x0;
	[bflag:$0x0] =	sbarrier.arrive $0xFFFF  }
0x2f: {  	[tilespmem:s22], [sflag:$0x2] =	stream.linear.gather [hbm4b:s10+s22], $0x2800, $0x38;
	[tilespmem:$0x15800] =	vst v63  }
0x30: {  	_ =	swait.ge [sflag:s16], $0x2800  }
0x31: {  	[sflag:s16] =	ssyncset.done $0x0  }
0x32: {  	[sflag:s16] =	ssyncadd.s32 $0xFFFFD800  }
0x33: {  	[tilespmem:s17], [sflag:$0x2] =	stream.linear.gather [hbm4b:s11+s22], $0x2800, $0x38;
	[tilespmem:$0x15800] =	vst v63  }
0x34: {  	_ =	swait.ge [sflag:s16], $0x2800  }
0x35: {  	[sflag:s16] =	ssyncset.done $0x0  }
0x36: {  	[sflag:s16] =	ssyncadd.s32 $0xFFFFD800  }
0x37: {  	[tilespmem:s18], [sflag:$0x2] =	stream.linear.gather [hbm4b:s12+s22], $0x2800, $0x38;
	[tilespmem:$0x15800] =	vst v63  }
0x38: {  	_ =	swait.ge [sflag:s16], $0x2800  }
0x39: {  	[sflag:s16] =	ssyncset.done $0x0  }
0x3a: {  	s23 =	simm.s32 $0x0;
	[sflag:s16] =	ssyncadd.s32 $0xFFFFD800  }
.LBB2_4:
0x3b: {  	s24 =	sshll.u32 s23, $0x7;
	v2 =	vmov s22  }
0x3c: {  	v1 =	vmov s24;
	v2 =	vand.u32 $0x7F, v2  }
0x3d: {  	v2 =	vor.u32 v1, v2  }
0x3e: {  	v2 =	vbroadcast v2, $0x0  }
0x3f: {  	[tilespmem:s20], [sflag:$0x1] =	stream.indirect.gather [hbm4b:s4+s19], $0x40, s24, s19, $0xb8;
	[tilespmem:$0x15800] =	vst v63  }
0x40: {  	_ =	swait.ge [sflag:s21], $0x2000  }
0x41: {  	[sflag:s21] =	ssyncset.done $0x0  }
0x42: {  	s25 =	simm.s32 $0x7820;
	[sflag:s21] =	ssyncadd.s32 $0xFFFFE000  }
0x43: {  	v5 =	vld [tilespmem:s25+$0x10]  }
0x44: {  	v3 =	vld.idx.msk [tilespmem:v2+s18+$0x0], $0xffff;
	_ =	sdelay $0x1  }
0x45: {  	v4 =	vld [tilespmem:s25+$0xFFFFFFF0]  }
0x46: {  	s26 =	simm.s32 $0x1;
	v7 =	vld [tilespmem:s25+$0x0]  }
0x47: {  	v2 =	vmov s26  }
0x48: {  	v2 =	vand.u32 $0x7F, v2;
	v6 =	vmul.f32 v5, v3;
	v5 =	vld [tilespmem:s25+$0xFFFFFFE0]  }
0x49: {  	v2 =	vor.u32 v1, v2  }
0x4a: {  	v2 =	vbroadcast v2, $0x0  }
0x4b: {  	s28 =	simm.s32 $0x2;
	s26 =	simm.s32 $0x7820;
	v4 =	vmul.f32 v4, v3;
	v7 =	vmul.f32 v7, v3  }
.LBB2_5:
0x4c: {  	p0 =	sne.s32 s28, $0x7F  }
0x4d: {  	v3 =	vmul.f32 v5, v3;
	[tilespmem:s25+$0x10] =	vst v6;
	s26 =	sadd.s32 $0x40, s26;
	s29 =	smov.u32 s28;
	s28 =	sadd.s32 $0x1, s28  }
0x4e: {  	[tilespmem:s25+$0x0] =	vst v7  }
0x4f: {  	[tilespmem:s25+$0xFFFFFFE0] =	vst v3  }
0x50: {  	v7 =	vld [tilespmem:s26+$0xFFFFFFF0];
	[tilespmem:s25+$0xFFFFFFF0] =	vst v4;
	s25 =	smov.u32 s26  }
0x51: {  	v3 =	vld.idx.msk [tilespmem:v2+s18+$0x0], $0xffff  }
0x52: {  	v4 =	vld [tilespmem:s26+$0x10]  }
0x53: {  	v8 =	vld [tilespmem:s26+$0x0]  }
.Ltmp1:
0x54: {  	v2 =	vmov s29;
	v5 =	vld [tilespmem:s26+$0xFFFFFFE0];
	(pc) =	sbr.rel @p0 .LBB2_5-.Ltmp1, $4  }
0x55: {  	v2 =	vand.u32 $0x7F, v2  }
0x56: {  	v2 =	vor.u32 v1, v2  }
0x57: {  	v2 =	vbroadcast v2, $0x0;
	v6 =	vmul.f32 v4, v3  }
0x58: {  	v4 =	vmul.f32 v7, v3;
	v7 =	vmul.f32 v8, v3  }
0x59: {  	v1 =	vmul.f32 v5, v3;
	[tilespmem:s25+$0x10] =	vst v6  }
0x5a: {  	[tilespmem:s25+$0x0] =	vst v7  }
0x5b: {  	s26 =	sadd.s32 $0x40, s26;
	[tilespmem:s25+$0xFFFFFFE0] =	vst v1  }
0x5c: {  	v1 =	vld [tilespmem:s26+$0xFFFFFFF0];
	[tilespmem:s25+$0xFFFFFFF0] =	vst v4  }
0x5d: {  	v2 =	vld.idx.msk [tilespmem:v2+s18+$0x0], $0xffff  }
0x5e: {  	v3 =	vld [tilespmem:s26+$0x10]  }
0x5f: {  	v4 =	vld [tilespmem:s26+$0x0]  }
0x60: {  	v63 =	vld [tilespmem:s26+$0xFFFFFFE0];
	_ =	sdelay $0x2  }
0x61: {  	v3 =	vmul.f32 v3, v2  }
0x62: {  	v4 =	vmul.f32 v4, v2  }
0x63: {  	v5 =	vmul.f32 v63, v2;
	[tilespmem:s26+$0x10] =	vst v3  }
0x64: {  	s23 =	sadd.s32 $0x1, s23;
	v1 =	vmul.f32 v1, v2;
	[tilespmem:s26+$0x0] =	vst v4  }
0x65: {  	p0 =	sne.s32 s23, $0x50;
	[tilespmem:s26+$0xFFFFFFE0] =	vst v5  }
.Ltmp2:
0x66: {  	s24 =	sadd.s32 $0x2800, s24;
	[tilespmem:s26+$0xFFFFFFF0] =	vst v1;
	(pc) =	sbr.rel @p0 .LBB2_4-.Ltmp2, $4  }
0x67: {  	[spmem:s2] =	stream.indirect.scatter.add.f32 [tilespmem:s20], [sflag:$0x2], $0x40, s24, s19, $0xb8;
	[tilespmem:$0x15800] =	vst v63  }
0x68: {  	_ =	swait.ge [sflag:s16], $0x2000  }
0x69: {  	[sflag:s16] =	ssyncset.done $0x0  }
0x6a: {  	[sflag:s16] =	ssyncadd.s32 $0xFFFFE000  }
0x6b: {  	s3 =	sadd.s32 $0x1, s3  }
0x6c: {  	s22 =	sshll.u32 s0, $0x6;
	[bflag:$0x0] =	sbarrier.arrive $0xFFFF;
	p0 =	sne.s32 s3, s14  }
.Ltmp3:
0x6d: {  	s23 =	sshrl.u32 s5, $0x3;
	s22 =	sor.u32 $0x1C02, s22;
	(pc) =	sbr.rel @p0 .LBB2_1-.Ltmp3, $4  }
0x6e: {  	[hbm:s13], [sflag:s22] =	dma.local [spmem:s23], $0x1400  }
0x6f: {  	_ =	swait.ge [sflag:s16], $0x1400  }
0x70: {  	[sflag:s16] =	ssyncset.done $0x0  }
0x71: {  	[sflag:s16] =	ssyncadd.s32 $0xFFFFEC00  }
0x72: {  	_ =	sfence.sel $0x180000  }
0x73: {  	[bflag:$0x0] =	sbarrier.arrive $0xFFFF  }
0x74: {  	p0 =	sne.s32 s0, $0x0;
	_ =	strace $0x9000004D  }
0x75: {  	s0 =	sadd.s32 @!p0 $0x100000, s1;
	[bflag:$0x2] =	sbarrier.arrive $0xFFFF  }
0x76: {  	[sflag:s0] =	ssyncadd.tile.s32 @!p0 $0x1;
	_ =	shalt  }
.Lfunc_end2:
_tile_overlayer_lowered:
.L_overlay_start_2:
0x77: {  	(tag) =	ssettag $0x2  }
0x78: {  	s0 =	rddreg [dreg:$0x0];
	s2 =	stileid.u32  }
0x79: {  	s1 =	rddreg [dreg:$0x1];
	p0 =	sne.s32 s2, $0x0  }
0x7a: {  	s3 =	rddreg [dreg:$0x2];
	[bflag:$0x3] =	sbarrier.arrive $0xFFFF;
	s2 =	simm.s32 @!p0 $0x1C02  }
0x7b: {  	[timem:s3], [sflag:s2] =	dma.local @!p0 [hbm:s0], s1  }
0x7c: {  	s0 =	simm.s32 @!p0 $0x2  }
0x7d: {  	_ =	swait.ge @!p0 [sflag:s0], s1  }
0x7e: {  	s1 =	ssub.s32 @!p0 $0x0, s1;
	[sflag:s0] =	ssyncset.done @!p0 $0x0  }
0x7f: {  	[sflag:s0] =	ssyncadd.s32 @!p0 s1  }
0x80: {  	[bflag:$0x3] =	sbarrier.arrive $0xFFFF  }
0x81: {  	_ =	shalt  }

// kernel: kernel.21.cloned.1.call-start
scs
__scs_entry_jumppad:
0x0: {  	(pc) =	sbr.rel $0x88, $3  }
0x1: {  	(tag) =	ssettag $0x0;
	lr =	simm.s32 $0x1  }
0x2: {  	[smem:$0x3F95] =	sst lr;
	_ =	strace $0xD0000000  }
0x3: {  	_ = 	snop  }
0x4: {  	_ = 	snop  }
0x5: {  	_ = 	snop  }
0x6: {  	_ = 	snop  }
0x7: {  	_ = 	snop  }
__scs_overlays_trampoline_lowered:
0x8: {  	[smem:$0x3FA4] =	sst s0  }
0x9: {  	[smem:$0x3FA5] =	sst s1  }
0xa: {  	[smem:$0x3FA6] =	sst s2  }
0xb: {  	[smem:$0x3FA7] =	sst s3  }
0xc: {  	[smem:$0x3FA8] =	sst s4  }
0xd: {  	[smem:$0x3FA9] =	sst s5  }
0xe: {  	[smem:$0x3FAA] =	sst s6  }
0xf: {  	[smem:$0x3FAB] =	sst s7  }
0x10: {  	[smem:$0x3FAC] =	sst s8  }
0x11: {  	[smem:$0x3FAD] =	sst s9;
	s0 =	simm.s32 @!p0 $0x0  }
0x12: {  	s1 =	sld [smem:$0x3F93];
	s0 =	simm.s32 @p0 $0x1  }
0x13: {  	[smem:$0x3FAE] =	sst s0;
	s0 =	simm.s32 @!p1 $0x0  }
0x14: {  	s2 =	sld [smem:$0x3F92];
	s0 =	simm.s32 @p1 $0x1  }
0x15: {  	[smem:$0x3FAF] =	sst s0;
	s0 =	simm.s32 @!p2 $0x0  }
0x16: {  	s3 =	sld [smem:$0x3FDB];
	s0 =	simm.s32 @p2 $0x1  }
0x17: {  	s4 =	simm.s32 $0x1BF5;
	[smem:$0x3FB1] =	sst s0  }
0x18: {  	s0 =	sld [smem:$0x3F94];
	_ =	swait.ge [sflag:s4], $0x0  }
0x19: {  	s7 =	sld [smem:$0x3F95]  }
0x1a: {  	s8 =	sadd.s32 $0xFFFFE003, lr  }
0x1b: {  	s9 =	sadd.s32 $0xFFFFFEF7, lr;
	s5 =	simm.s32 $0xFFFFFFFF;
	p2 =	slt.u32 s8, $0xFFFFF086  }
0x1c: {  	p1 =	slt.u32 s9, $0xF7A;
	s5 =	simm.s32 @!p2 $0x0  }
0x1d: {  	s5 =	simm.s32 @p1 $0x1;
	p0 =	seq.s32 s7, s2  }
0x1e: {  	s7 =	smul.u32 @!p0 $0xF7A, s2;
	p2 =	seq.s32 @!p0 s5, $0x0  }
0x1f: {  	s9 =	smul.u32 $0xF7A, s1;
	s8 =	simm.s32 @!p0 $0x1BF5;
	p2 =	por !p2, p0  }
0x20: {  	[sflag:s8] =	ssyncset.s32 @!p0 $0xFFFFF086;
	s6 =	sadd.s32 @!p0 s3, s7;
	s7 =	simm.s32 @!p0 $0x108  }
0x21: {  	s3 =	sadd.s32 s3, s9;
	s6 =	sadd.s32 @!p0 $0x88, s6;
	s7 =	simm.s32 @p2 $0x1082  }
0x22: {  	[simem:s7], [sflag:s8] =	dma.local @!p0 [hbm:s6], $0xF7A  }
0x23: {  	s9 =	sor.u32 $0xD0000000, s2;
	s6 =	simm.s32 $0x108;
	_ =	swait.ge @!p0 [sflag:s8], $0x0  }
0x24: {  	s3 =	sadd.s32 $0x88, s3;
	s6 =	simm.s32 @!p1 $0x1082;
	[sflag:s4] =	ssyncset.s32 $0xFFFFF086  }
0x25: {  	[simem:s6], [sflag:s4] =	dma.local [hbm:s3], $0xF7A  }
0x26: {  	[smem:$0x3F95] =	sst s1;
	(tag) =	ssettag s2;
	_ =	strace s9  }
0x27: {  	s1 =	sld [smem:$0x3FA5]  }
0x28: {  	s2 =	sld [smem:$0x3FA6]  }
0x29: {  	s4 =	sld [smem:$0x3FA8]  }
0x2a: {  	p0 =	seq.s32 s5, $0x0;
	s5 =	sld [smem:$0x3FA9]  }
0x2b: {  	s6 =	sld [smem:$0x3FAA]  }
0x2c: {  	s7 =	sld [smem:$0x3FAB]  }
0x2d: {  	s3 =	simm.s32 $0x108;
	s8 =	sld [smem:$0x3FAC]  }
0x2e: {  	s3 =	simm.s32 @!p0 $0x1082;
	s9 =	sld [smem:$0x3FAD]  }
0x2f: {  	lr =	sadd.s32 s0, s3;
	s0 =	sld [smem:$0x3FA4]  }
0x30: {  	s3 =	sld [smem:$0x3FA7]  }
0x31: {  	[smem:$0x3FB0] =	sst s10  }
0x32: {  	s10 =	sld [smem:$0x3FAE];
	_ =	sdelay $0x3  }
0x33: {  	p0 =	seq.s32 s10, $0x1;
	s10 =	sld [smem:$0x3FB0];
	_ =	sdelay $0x3  }
0x34: {  	[smem:$0x3FB0] =	sst s10  }
0x35: {  	s10 =	sld [smem:$0x3FAF];
	_ =	sdelay $0x3  }
0x36: {  	p1 =	seq.s32 s10, $0x1;
	s10 =	sld [smem:$0x3FB0];
	_ =	sdelay $0x3  }
0x37: {  	[smem:$0x3FB0] =	sst s10  }
0x38: {  	s10 =	sld [smem:$0x3FB1]  }
0x39: {  	_ = 	snop;
	(pc) =	sbr.ind lr, $3  }
0x3a: {  	_ = 	snop  }
0x3b: {  	_ = 	snop  }
0x3c: {  	p2 =	seq.s32 s10, $0x1;
	s10 =	sld [smem:$0x3FB0]  }
0x3d: {  	_ =	shalt  }
0x3e: {  	_ =	shalt  }
0x3f: {  	_ =	shalt  }
0x40: {  	_ =	shalt  }
0x41: {  	_ =	shalt  }
0x42: {  	_ =	shalt  }
0x43: {  	_ =	shalt  }
0x44: {  	_ =	shalt  }
0x45: {  	_ =	shalt  }
0x46: {  	_ =	shalt  }
0x47: {  	_ =	shalt  }
0x48: {  	_ =	shalt  }
0x49: {  	_ =	shalt  }
0x4a: {  	_ =	shalt  }
0x4b: {  	_ =	shalt  }
0x4c: {  	_ =	shalt  }
0x4d: {  	_ =	shalt  }
0x4e: {  	_ =	shalt  }
0x4f: {  	_ =	shalt  }
0x50: {  	_ =	shalt  }
0x51: {  	_ =	shalt  }
0x52: {  	_ =	shalt  }
0x53: {  	_ =	shalt  }
0x54: {  	_ =	shalt  }
0x55: {  	_ =	shalt  }
0x56: {  	_ =	shalt  }
0x57: {  	_ =	shalt  }
0x58: {  	_ =	shalt  }
0x59: {  	_ =	shalt  }
0x5a: {  	_ =	shalt  }
0x5b: {  	_ =	shalt  }
0x5c: {  	_ =	shalt  }
0x5d: {  	_ =	shalt  }
0x5e: {  	_ =	shalt  }
0x5f: {  	_ =	shalt  }
0x60: {  	_ =	shalt  }
0x61: {  	_ =	shalt  }
0x62: {  	_ =	shalt  }
0x63: {  	_ =	shalt  }
0x64: {  	_ =	shalt  }
0x65: {  	_ =	shalt  }
0x66: {  	_ =	shalt  }
0x67: {  	_ =	shalt  }
0x68: {  	_ =	shalt  }
0x69: {  	_ =	shalt  }
0x6a: {  	_ =	shalt  }
0x6b: {  	_ =	shalt  }
0x6c: {  	_ =	shalt  }
0x6d: {  	_ =	shalt  }
0x6e: {  	_ =	shalt  }
0x6f: {  	_ =	shalt  }
0x70: {  	_ =	shalt  }
0x71: {  	_ =	shalt  }
0x72: {  	_ =	shalt  }
0x73: {  	_ =	shalt  }
0x74: {  	_ =	shalt  }
0x75: {  	_ =	shalt  }
0x76: {  	_ =	shalt  }
0x77: {  	_ =	shalt  }
0x78: {  	_ =	shalt  }
0x79: {  	_ =	shalt  }
0x7a: {  	_ =	shalt  }
0x7b: {  	_ =	shalt  }
0x7c: {  	_ =	shalt  }
0x7d: {  	_ =	shalt  }
0x7e: {  	_ =	shalt  }
0x7f: {  	_ =	shalt  }
0x80: {  	_ =	shalt  }
0x81: {  	_ =	shalt  }
0x82: {  	_ =	shalt  }
0x83: {  	_ =	shalt  }
0x84: {  	_ =	shalt  }
0x85: {  	_ =	shalt  }
0x86: {  	_ =	shalt  }
0x87: {  	_ =	shalt  }
.Lfunc_end0:
.L_simem_size_0:
called_computation.3_lowered:
.L_overlay_start_0:
0x88: {  	s2 =	sld [smem:$0x3FD9]  }
0x89: {  	s3 =	sld [smem:$0x3FFE];
	_ =	sdelay $0x1  }
0x8a: {  	s1 =	srdreg.scid  }
0x8b: {  	s0 =	sand.u32 $0x1, s1  }
0x8c: {  	s16 =	sshll.u32 s0, $0xA;
	s2 =	sadd.s32 s3, s2  }
0x8d: {  	s2 =	sadd.s32 s2, s16  }
0x8e: {  	[smem:$0x3FBC] =	sst s2  }
0x8f: {  	_ = 	snop  }
0x90: {  	(tm) =	ssettm $0x1  }
0x91: {  	s17 =	sld [smem:$0x3FFB];
	_ =	sdelay $0x3  }
0x92: {  	_ =	strace s17  }
0x93: {  	s2 =	sld [smem:$0x3FFC];
	_ =	sdelay $0x3  }
0x94: {  	_ =	strace s2  }
0x95: {  	s2 =	sld [smem:$0x3FFD];
	_ =	sdelay $0x3  }
0x96: {  	_ =	strace s2  }
0x97: {  	_ =	strace $0x8FFFFFFF  }
0x98: {  	s18 =	sld [smem:$0x3FDB];
	_ =	sdelay $0x1  }
0x99: {  	s19 =	simm.s32 $_scs_section_size  }
0x9a: {  	s4 =	simm.s32 $_size__tile_overlayer_lowered;
	s5 =	simm.s32 $_tile_overlayer_lowered  }
0x9b: {  	s22 =	simm.s32 $0x1BFF;
	s21 =	sshll.u32 s5, $0x1;
	s2 =	sadd.s32 s19, s18  }
0x9c: {  	s6 =	simm.s32 $0x0;
	s20 =	sshll.u32 s4, $0x1;
	s4 =	sadd.s32 s21, s2  }
0x9d: {  	[timem:s6], [sflag:s22] =	dma.local [hbm:s4], s20  }
0x9e: {  	_ =	swait.ge [sflag:s22], s20  }
0x9f: {  	s3 =	ssub.s32 $0x0, s20;
	[sflag:s22] =	ssyncset.done $0x0  }
0xa0: {  	[sflag:s22] =	ssyncadd.s32 s3;
	_ =	sdelay $0x1  }
0xa1: {  	s23 =	simm.s32 $0x1B8B  }
0xa2: {  	_ =	swait.ge [sflag:s23], $0x1  }
0xa3: {  	[sflag:s23] =	ssyncset.done $0x0  }
0xa4: {  	s25 =	simm.s32 $0x1B8E;
	s24 =	sld [smem:$0x3FFE];
	[sflag:s23] =	ssyncadd.s32 $0xFFFFFFFF  }
0xa5: {  	s26 =	simm.s32 $execute0_lowered;
	[smem:$0x3FD2] =	sst s25  }
0xa6: {  	s4 =	sshll.u32 s26, $0x1;
	_ =	strace $0x8000004F;
	[dreg:$0x1] =	wrdreg $0xFFFFFFFF  }
0xa7: {  	s28 =	simm.s32 $_size_execute0_lowered;
	s2 =	sadd.s32 s2, s4;
	[dreg:$0x0] =	wrdreg $0x0  }
0xa8: {  	s4 =	sshll.u32 s28, $0x1;
	[dreg:$0x2] =	wrdreg s2  }
0xa9: {  	[dreg:$0x3] =	wrdreg s4  }
0xaa: {  	[dreg:$0x4] =	wrdreg $0xC0  }
0xab: {  	_ =	task [dreg:s6], $0x5FFFF  }
0xac: {  	[dreg:$0x1] =	wrdreg $0xFFFFFFFF  }
0xad: {  	[dreg:$0x0] =	wrdreg $0x60  }
0xae: {  	[dreg:$0x2] =	wrdreg s24  }
0xaf: {  	[dreg:$0x3] =	wrdreg $0xB8000  }
0xb0: {  	[dreg:$0x4] =	wrdreg $0x9  }
0xb1: {  	_ =	task.clear_ibuf [dreg:s6], $0x5FFFF;
	_ =	strace $0x9000004F  }
0xb2: {  	s29 =	simm.s32 $0x9;
	_ =	strace $0x80000051  }
0xb3: {  	_ =	swait.ge [sflag:s29], $0x1  }
0xb4: {  	[sflag:s29] =	ssyncadd.s32 $0xFFFFFFFF  }
0xb5: {  	_ =	strace $0x90000051  }
0xb6: {  	_ =	sfence  }
0xb7: {  	s30 =	sld [smem:$0x0];
	_ =	sdelay $0x2  }
0xb8: {  	s31 =	sshll.u32 s1, $0xD;
	s1 =	sshrl.u32 s1, $0x2  }
0xb9: {  	s3 =	sand.u32 $0x4000, s31;
	s1 =	sadd.s32 s1, s30  }
0xba: {  	s0 =	sor.u32 s3, s0;
	s1 =	sshll.u32 s1, $0x11  }
0xbb: {  	s0 =	sor.u32 s1, s0  }
0xbc: {  	s0 =	sadd.s32 $0x8F2B, s0  }
0xbd: {  	[sflag:s0] =	ssyncadd.remote.s32 $0x1  }
0xbe: {  	_ =	sfence.sel $0xFFFF  }
0xbf: {  	[dreg:$0x0] =	wrdreg $0xFFFFFFFF;
	(pc) =	sbr.abs _section_cstart, $3  }
0xc0: {  	[dreg:$0x1] =	wrdreg $0xFFFFFFFF  }
0xc1: {  	_ =	task.clear_ibuf [dreg:s6], $0x2FFFF;
	_ =	strace $0x9FFFFFFF  }
0xc2: {  	(tm) =	ssettm $0x7FFFFFFF  }
0xc3: {  	_ =	shalt  }
tec
execute0_lowered:
.L_overlay_start_1:
0x0: {  	(tag) =	ssettag $0x1  }
0x1: {  	s6 =	rddreg [dreg:$0x0]  }
0x2: {  	s0 =	srdreg.scid;
	s2 =	rddreg [dreg:$0x1]  }
0x3: {  	s3 =	simm.s32 $0x0;
	s15 =	simm.s32 $0x9800;
	s16 =	simm.s32 $0x2  }
0x4: {  	s17 =	simm.s32 $0x2800;
	s18 =	simm.s32 $0x5000;
	s19 =	simm.s32 $0x80  }
0x5: {  	s20 =	simm.s32 $0x7800;
	s5 =	sand.u32 $0x1, s0;
	s0 =	stileid.u32  }
0x6: {  	s21 =	simm.s32 $0x1;
	[smem:$0x7FF] =	sst s3;
	s8 =	smul.u32 $0xA000, s0  }
0x7: {  	s4 =	sadd.s32 $0x53600, s6;
	s1 =	sshll.u32 s5, $0x4;
	s9 =	smul.u32 $0xA0000, s5  }
0x8: {  	s10 =	smul.u32 $0x28000, s0;
	s5 =	ssub.s32 $0x2, s5;
	s1 =	sor.u32 s0, s1  }
0x9: {  	s31 =	sshrl.u32 s5, $0x1;
	s7 =	smul.u32 $0x500, s1;
	s1 =	rddreg [dreg:$0x2]  }
0xa: {  	_ =	strace $0x80000050;
	s29 =	sadd.s32 s8, s9;
	s30 =	sshrl.u32 s10, $0x2  }
0xb: {  	s14 =	ssub.s32 s5, s31;
	s5 =	sadd.s32 s8, s2;
	s9 =	sadd.s32 s30, s2  }
0xc: {  	s14 =	smax.u32 s14, $0x1;
	s12 =	sadd.s32 s7, s6;
	s7 =	sshrl.u32 s29, $0x3  }
0xd: {  	s8 =	sadd.s32 $0x6000, s9;
	s13 =	sadd.s32 s7, s6;
	s6 =	sadd.s32 $0x2000, s9  }
0xe: {  	s7 =	sadd.s32 $0x4000, s9;
	s9 =	sadd.s32 $0x8000, s9;
	s10 =	sadd.s32 $0xE400, s12  }
0xf: {  	v0 =	vimm.f32 $0.0e+00;
	s11 =	sadd.s32 $0x4400, s12;
	s12 =	sadd.s32 $0x18400, s12;
	s13 =	sadd.s32 $0x67000, s13  }
.LBB2_1:
0x10: {  	s23 =	simm.s32 $0x100;
	s22 =	simm.s32 $0x0  }
.LBB2_2:
0x11: {  	p0 =	sne.s32 s23, $0x7F00;
	[tilespmem:s22+$0x9830] =	vst v0;
	s24 =	smov.u32 s23;
	s23 =	sadd.s32 $0x100, s23  }
.Ltmp0:
0x12: {  	[tilespmem:s22+$0x9820] =	vst v0;
	(pc) =	sbr.rel @p0 .LBB2_2-.Ltmp0, $3  }
0x13: {  	[tilespmem:s22+$0x9800] =	vst v0  }
0x14: {  	[tilespmem:s22+$0x9810] =	vst v0;
	_ =	sdelay $0x1  }
0x15: {  	s22 =	sshra.s32 s24, $0x2  }
0x16: {  	[tilespmem:s22+$0x9830] =	vst v0  }
0x17: {  	[tilespmem:s22+$0x9820] =	vst v0  }
0x18: {  	[tilespmem:s22+$0x9800] =	vst v0  }
0x19: {  	[tilespmem:s22+$0x9810] =	vst v0  }
0x1a: {  	[spmem:s5] =	stream.linear.scatter [tilespmem:s15], [sflag:$0x2], $0x2000, $0x38;
	[tilespmem:$0x15800] =	vst v63  }
0x1b: {  	_ =	swait.ge [sflag:s16], $0x2000  }
0x1c: {  	[sflag:s16] =	ssyncset.done $0x0  }
0x1d: {  	[sflag:s16] =	ssyncadd.s32 $0xFFFFE000  }
0x1e: {  	[spmem:s6] =	stream.linear.scatter [tilespmem:s15], [sflag:$0x2], $0x2000, $0x38;
	[tilespmem:$0x15800] =	vst v63  }
0x1f: {  	_ =	swait.ge [sflag:s16], $0x2000  }
0x20: {  	[sflag:s16] =	ssyncset.done $0x0  }
0x21: {  	[sflag:s16] =	ssyncadd.s32 $0xFFFFE000  }
0x22: {  	[spmem:s7] =	stream.linear.scatter [tilespmem:s15], [sflag:$0x2], $0x2000, $0x38;
	[tilespmem:$0x15800] =	vst v63  }
0x23: {  	_ =	swait.ge [sflag:s16], $0x2000  }
0x24: {  	[sflag:s16] =	ssyncset.done $0x0  }
0x25: {  	[sflag:s16] =	ssyncadd.s32 $0xFFFFE000  }
0x26: {  	[spmem:s8] =	stream.linear.scatter [tilespmem:s15], [sflag:$0x2], $0x2000, $0x38;
	[tilespmem:$0x15800] =	vst v63  }
0x27: {  	_ =	swait.ge [sflag:s16], $0x2000  }
0x28: {  	[sflag:s16] =	ssyncset.done $0x0  }
0x29: {  	[sflag:s16] =	ssyncadd.s32 $0xFFFFE000  }
0x2a: {  	[spmem:s9] =	stream.linear.scatter [tilespmem:s15], [sflag:$0x2], $0x2000, $0x38;
	[tilespmem:$0x15800] =	vst v63  }
0x2b: {  	_ =	swait.ge [sflag:s16], $0x2000  }
0x2c: {  	[sflag:s16] =	ssyncset.done $0x0  }
0x2d: {  	[sflag:s16] =	ssyncadd.s32 $0xFFFFE000  }
0x2e: {  	s22 =	simm.s32 $0x0;
	[bflag:$0x0] =	sbarrier.arrive $0xFFFF  }
0x2f: {  	[tilespmem:s22], [sflag:$0x2] =	stream.linear.gather [hbm4b:s10+s22], $0x2800, $0x38;
	[tilespmem:$0x15800] =	vst v63  }
0x30: {  	_ =	swait.ge [sflag:s16], $0x2800  }
0x31: {  	[sflag:s16] =	ssyncset.done $0x0  }
0x32: {  	[sflag:s16] =	ssyncadd.s32 $0xFFFFD800  }
0x33: {  	[tilespmem:s17], [sflag:$0x2] =	stream.linear.gather [hbm4b:s11+s22], $0x2800, $0x38;
	[tilespmem:$0x15800] =	vst v63  }
0x34: {  	_ =	swait.ge [sflag:s16], $0x2800  }
0x35: {  	[sflag:s16] =	ssyncset.done $0x0  }
0x36: {  	[sflag:s16] =	ssyncadd.s32 $0xFFFFD800  }
0x37: {  	[tilespmem:s18], [sflag:$0x2] =	stream.linear.gather [hbm4b:s12+s22], $0x2800, $0x38;
	[tilespmem:$0x15800] =	vst v63  }
0x38: {  	_ =	swait.ge [sflag:s16], $0x2800  }
0x39: {  	[sflag:s16] =	ssyncset.done $0x0  }
0x3a: {  	s23 =	simm.s32 $0x0;
	[sflag:s16] =	ssyncadd.s32 $0xFFFFD800  }
.LBB2_4:
0x3b: {  	s24 =	sshll.u32 s23, $0x7;
	v2 =	vmov s22  }
0x3c: {  	v1 =	vmov s24;
	v2 =	vand.u32 $0x7F, v2  }
0x3d: {  	v2 =	vor.u32 v1, v2  }
0x3e: {  	v2 =	vbroadcast v2, $0x0  }
0x3f: {  	[tilespmem:s20], [sflag:$0x1] =	stream.indirect.gather [hbm4b:s4+s19], $0x40, s24, s19, $0xb8;
	[tilespmem:$0x15800] =	vst v63  }
0x40: {  	_ =	swait.ge [sflag:s21], $0x2000  }
0x41: {  	[sflag:s21] =	ssyncset.done $0x0  }
0x42: {  	s25 =	simm.s32 $0x7820;
	[sflag:s21] =	ssyncadd.s32 $0xFFFFE000  }
0x43: {  	v5 =	vld [tilespmem:s25+$0x10]  }
0x44: {  	v3 =	vld.idx.msk [tilespmem:v2+s18+$0x0], $0xffff;
	_ =	sdelay $0x1  }
0x45: {  	v4 =	vld [tilespmem:s25+$0xFFFFFFF0]  }
0x46: {  	s26 =	simm.s32 $0x1;
	v7 =	vld [tilespmem:s25+$0x0]  }
0x47: {  	v2 =	vmov s26  }
0x48: {  	v2 =	vand.u32 $0x7F, v2;
	v6 =	vmul.f32 v5, v3;
	v5 =	vld [tilespmem:s25+$0xFFFFFFE0]  }
0x49: {  	v2 =	vor.u32 v1, v2  }
0x4a: {  	v2 =	vbroadcast v2, $0x0  }
0x4b: {  	s28 =	simm.s32 $0x2;
	s26 =	simm.s32 $0x7820;
	v4 =	vmul.f32 v4, v3;
	v7 =	vmul.f32 v7, v3  }
.LBB2_5:
0x4c: {  	p0 =	sne.s32 s28, $0x7F  }
0x4d: {  	v3 =	vmul.f32 v5, v3;
	[tilespmem:s25+$0x10] =	vst v6;
	s26 =	sadd.s32 $0x40, s26;
	s29 =	smov.u32 s28;
	s28 =	sadd.s32 $0x1, s28  }
0x4e: {  	[tilespmem:s25+$0x0] =	vst v7  }
0x4f: {  	[tilespmem:s25+$0xFFFFFFE0] =	vst v3  }
0x50: {  	v7 =	vld [tilespmem:s26+$0xFFFFFFF0];
	[tilespmem:s25+$0xFFFFFFF0] =	vst v4;
	s25 =	smov.u32 s26  }
0x51: {  	v3 =	vld.idx.msk [tilespmem:v2+s18+$0x0], $0xffff  }
0x52: {  	v4 =	vld [tilespmem:s26+$0x10]  }
0x53: {  	v8 =	vld [tilespmem:s26+$0x0]  }
.Ltmp1:
0x54: {  	v2 =	vmov s29;
	v5 =	vld [tilespmem:s26+$0xFFFFFFE0];
	(pc) =	sbr.rel @p0 .LBB2_5-.Ltmp1, $4  }
0x55: {  	v2 =	vand.u32 $0x7F, v2  }
0x56: {  	v2 =	vor.u32 v1, v2  }
0x57: {  	v2 =	vbroadcast v2, $0x0;
	v6 =	vmul.f32 v4, v3  }
0x58: {  	v4 =	vmul.f32 v7, v3;
	v7 =	vmul.f32 v8, v3  }
0x59: {  	v1 =	vmul.f32 v5, v3;
	[tilespmem:s25+$0x10] =	vst v6  }
0x5a: {  	[tilespmem:s25+$0x0] =	vst v7  }
0x5b: {  	s26 =	sadd.s32 $0x40, s26;
	[tilespmem:s25+$0xFFFFFFE0] =	vst v1  }
0x5c: {  	v1 =	vld [tilespmem:s26+$0xFFFFFFF0];
	[tilespmem:s25+$0xFFFFFFF0] =	vst v4  }
0x5d: {  	v2 =	vld.idx.msk [tilespmem:v2+s18+$0x0], $0xffff  }
0x5e: {  	v3 =	vld [tilespmem:s26+$0x10]  }
0x5f: {  	v4 =	vld [tilespmem:s26+$0x0]  }
0x60: {  	v63 =	vld [tilespmem:s26+$0xFFFFFFE0];
	_ =	sdelay $0x2  }
0x61: {  	v3 =	vmul.f32 v3, v2  }
0x62: {  	v4 =	vmul.f32 v4, v2  }
0x63: {  	v5 =	vmul.f32 v63, v2;
	[tilespmem:s26+$0x10] =	vst v3  }
0x64: {  	s23 =	sadd.s32 $0x1, s23;
	v1 =	vmul.f32 v1, v2;
	[tilespmem:s26+$0x0] =	vst v4  }
0x65: {  	p0 =	sne.s32 s23, $0x50;
	[tilespmem:s26+$0xFFFFFFE0] =	vst v5  }
.Ltmp2:
0x66: {  	s24 =	sadd.s32 $0x2800, s24;
	[tilespmem:s26+$0xFFFFFFF0] =	vst v1;
	(pc) =	sbr.rel @p0 .LBB2_4-.Ltmp2, $4  }
0x67: {  	[spmem:s2] =	stream.indirect.scatter.add.f32 [tilespmem:s20], [sflag:$0x2], $0x40, s24, s19, $0xb8;
	[tilespmem:$0x15800] =	vst v63  }
0x68: {  	_ =	swait.ge [sflag:s16], $0x2000  }
0x69: {  	[sflag:s16] =	ssyncset.done $0x0  }
0x6a: {  	[sflag:s16] =	ssyncadd.s32 $0xFFFFE000  }
0x6b: {  	s3 =	sadd.s32 $0x1, s3  }
0x6c: {  	s22 =	sshll.u32 s0, $0x6;
	[bflag:$0x0] =	sbarrier.arrive $0xFFFF;
	p0 =	sne.s32 s3, s14  }
.Ltmp3:
0x6d: {  	s23 =	sshrl.u32 s5, $0x3;
	s22 =	sor.u32 $0x1C02, s22;
	(pc) =	sbr.rel @p0 .LBB2_1-.Ltmp3, $4  }
0x6e: {  	[hbm:s13], [sflag:s22] =	dma.local [spmem:s23], $0x1400  }
0x6f: {  	_ =	swait.ge [sflag:s16], $0x1400  }
0x70: {  	[sflag:s16] =	ssyncset.done $0x0  }
0x71: {  	[sflag:s16] =	ssyncadd.s32 $0xFFFFEC00  }
0x72: {  	_ =	sfence.sel $0x180000  }
0x73: {  	[bflag:$0x0] =	sbarrier.arrive $0xFFFF  }
0x74: {  	p0 =	sne.s32 s0, $0x0;
	_ =	strace $0x90000050  }
0x75: {  	s0 =	sadd.s32 @!p0 $0x100000, s1;
	[bflag:$0x2] =	sbarrier.arrive $0xFFFF  }
0x76: {  	[sflag:s0] =	ssyncadd.tile.s32 @!p0 $0x1;
	_ =	shalt  }
.Lfunc_end2:
_tile_overlayer_lowered:
.L_overlay_start_2:
0x77: {  	(tag) =	ssettag $0x2  }
0x78: {  	s0 =	rddreg [dreg:$0x0];
	s2 =	stileid.u32  }
0x79: {  	s1 =	rddreg [dreg:$0x1];
	p0 =	sne.s32 s2, $0x0  }
0x7a: {  	s3 =	rddreg [dreg:$0x2];
	[bflag:$0x3] =	sbarrier.arrive $0xFFFF;
	s2 =	simm.s32 @!p0 $0x1C02  }
0x7b: {  	[timem:s3], [sflag:s2] =	dma.local @!p0 [hbm:s0], s1  }
0x7c: {  	s0 =	simm.s32 @!p0 $0x2  }
0x7d: {  	_ =	swait.ge @!p0 [sflag:s0], s1  }
0x7e: {  	s1 =	ssub.s32 @!p0 $0x0, s1;
	[sflag:s0] =	ssyncset.done @!p0 $0x0  }
0x7f: {  	[sflag:s0] =	ssyncadd.s32 @!p0 s1  }
0x80: {  	[bflag:$0x3] =	sbarrier.arrive $0xFFFF  }
0x81: {  	_ =	shalt  }

// kernel: kernel.24.cloned.1.call-start
scs
__scs_entry_jumppad:
0x0: {  	(pc) =	sbr.rel $0x88, $3  }
0x1: {  	(tag) =	ssettag $0x0;
	lr =	simm.s32 $0x1  }
0x2: {  	[smem:$0x3F95] =	sst lr;
	_ =	strace $0xD0000000  }
0x3: {  	_ = 	snop  }
0x4: {  	_ = 	snop  }
0x5: {  	_ = 	snop  }
0x6: {  	_ = 	snop  }
0x7: {  	_ = 	snop  }
__scs_overlays_trampoline_lowered:
0x8: {  	[smem:$0x3FA4] =	sst s0  }
0x9: {  	[smem:$0x3FA5] =	sst s1  }
0xa: {  	[smem:$0x3FA6] =	sst s2  }
0xb: {  	[smem:$0x3FA7] =	sst s3  }
0xc: {  	[smem:$0x3FA8] =	sst s4  }
0xd: {  	[smem:$0x3FA9] =	sst s5  }
0xe: {  	[smem:$0x3FAA] =	sst s6  }
0xf: {  	[smem:$0x3FAB] =	sst s7  }
0x10: {  	[smem:$0x3FAC] =	sst s8  }
0x11: {  	[smem:$0x3FAD] =	sst s9;
	s0 =	simm.s32 @!p0 $0x0  }
0x12: {  	s1 =	sld [smem:$0x3F93];
	s0 =	simm.s32 @p0 $0x1  }
0x13: {  	[smem:$0x3FAE] =	sst s0;
	s0 =	simm.s32 @!p1 $0x0  }
0x14: {  	s2 =	sld [smem:$0x3F92];
	s0 =	simm.s32 @p1 $0x1  }
0x15: {  	[smem:$0x3FAF] =	sst s0;
	s0 =	simm.s32 @!p2 $0x0  }
0x16: {  	s3 =	sld [smem:$0x3FDB];
	s0 =	simm.s32 @p2 $0x1  }
0x17: {  	s4 =	simm.s32 $0x1BF5;
	[smem:$0x3FB1] =	sst s0  }
0x18: {  	s0 =	sld [smem:$0x3F94];
	_ =	swait.ge [sflag:s4], $0x0  }
0x19: {  	s7 =	sld [smem:$0x3F95]  }
0x1a: {  	s8 =	sadd.s32 $0xFFFFE003, lr  }
0x1b: {  	s9 =	sadd.s32 $0xFFFFFEF7, lr;
	s5 =	simm.s32 $0xFFFFFFFF;
	p2 =	slt.u32 s8, $0xFFFFF086  }
0x1c: {  	p1 =	slt.u32 s9, $0xF7A;
	s5 =	simm.s32 @!p2 $0x0  }
0x1d: {  	s5 =	simm.s32 @p1 $0x1;
	p0 =	seq.s32 s7, s2  }
0x1e: {  	s7 =	smul.u32 @!p0 $0xF7A, s2;
	p2 =	seq.s32 @!p0 s5, $0x0  }
0x1f: {  	s9 =	smul.u32 $0xF7A, s1;
	s8 =	simm.s32 @!p0 $0x1BF5;
	p2 =	por !p2, p0  }
0x20: {  	[sflag:s8] =	ssyncset.s32 @!p0 $0xFFFFF086;
	s6 =	sadd.s32 @!p0 s3, s7;
	s7 =	simm.s32 @!p0 $0x108  }
0x21: {  	s3 =	sadd.s32 s3, s9;
	s6 =	sadd.s32 @!p0 $0x88, s6;
	s7 =	simm.s32 @p2 $0x1082  }
0x22: {  	[simem:s7], [sflag:s8] =	dma.local @!p0 [hbm:s6], $0xF7A  }
0x23: {  	s9 =	sor.u32 $0xD0000000, s2;
	s6 =	simm.s32 $0x108;
	_ =	swait.ge @!p0 [sflag:s8], $0x0  }
0x24: {  	s3 =	sadd.s32 $0x88, s3;
	s6 =	simm.s32 @!p1 $0x1082;
	[sflag:s4] =	ssyncset.s32 $0xFFFFF086  }
0x25: {  	[simem:s6], [sflag:s4] =	dma.local [hbm:s3], $0xF7A  }
0x26: {  	[smem:$0x3F95] =	sst s1;
	(tag) =	ssettag s2;
	_ =	strace s9  }
0x27: {  	s1 =	sld [smem:$0x3FA5]  }
0x28: {  	s2 =	sld [smem:$0x3FA6]  }
0x29: {  	s4 =	sld [smem:$0x3FA8]  }
0x2a: {  	p0 =	seq.s32 s5, $0x0;
	s5 =	sld [smem:$0x3FA9]  }
0x2b: {  	s6 =	sld [smem:$0x3FAA]  }
0x2c: {  	s7 =	sld [smem:$0x3FAB]  }
0x2d: {  	s3 =	simm.s32 $0x108;
	s8 =	sld [smem:$0x3FAC]  }
0x2e: {  	s3 =	simm.s32 @!p0 $0x1082;
	s9 =	sld [smem:$0x3FAD]  }
0x2f: {  	lr =	sadd.s32 s0, s3;
	s0 =	sld [smem:$0x3FA4]  }
0x30: {  	s3 =	sld [smem:$0x3FA7]  }
0x31: {  	[smem:$0x3FB0] =	sst s10  }
0x32: {  	s10 =	sld [smem:$0x3FAE];
	_ =	sdelay $0x3  }
0x33: {  	p0 =	seq.s32 s10, $0x1;
	s10 =	sld [smem:$0x3FB0];
	_ =	sdelay $0x3  }
0x34: {  	[smem:$0x3FB0] =	sst s10  }
0x35: {  	s10 =	sld [smem:$0x3FAF];
	_ =	sdelay $0x3  }
0x36: {  	p1 =	seq.s32 s10, $0x1;
	s10 =	sld [smem:$0x3FB0];
	_ =	sdelay $0x3  }
0x37: {  	[smem:$0x3FB0] =	sst s10  }
0x38: {  	s10 =	sld [smem:$0x3FB1]  }
0x39: {  	_ = 	snop;
	(pc) =	sbr.ind lr, $3  }
0x3a: {  	_ = 	snop  }
0x3b: {  	_ = 	snop  }
0x3c: {  	p2 =	seq.s32 s10, $0x1;
	s10 =	sld [smem:$0x3FB0]  }
0x3d: {  	_ =	shalt  }
0x3e: {  	_ =	shalt  }
0x3f: {  	_ =	shalt  }
0x40: {  	_ =	shalt  }
0x41: {  	_ =	shalt  }
0x42: {  	_ =	shalt  }
0x43: {  	_ =	shalt  }
0x44: {  	_ =	shalt  }
0x45: {  	_ =	shalt  }
0x46: {  	_ =	shalt  }
0x47: {  	_ =	shalt  }
0x48: {  	_ =	shalt  }
0x49: {  	_ =	shalt  }
0x4a: {  	_ =	shalt  }
0x4b: {  	_ =	shalt  }
0x4c: {  	_ =	shalt  }
0x4d: {  	_ =	shalt  }
0x4e: {  	_ =	shalt  }
0x4f: {  	_ =	shalt  }
0x50: {  	_ =	shalt  }
0x51: {  	_ =	shalt  }
0x52: {  	_ =	shalt  }
0x53: {  	_ =	shalt  }
0x54: {  	_ =	shalt  }
0x55: {  	_ =	shalt  }
0x56: {  	_ =	shalt  }
0x57: {  	_ =	shalt  }
0x58: {  	_ =	shalt  }
0x59: {  	_ =	shalt  }
0x5a: {  	_ =	shalt  }
0x5b: {  	_ =	shalt  }
0x5c: {  	_ =	shalt  }
0x5d: {  	_ =	shalt  }
0x5e: {  	_ =	shalt  }
0x5f: {  	_ =	shalt  }
0x60: {  	_ =	shalt  }
0x61: {  	_ =	shalt  }
0x62: {  	_ =	shalt  }
0x63: {  	_ =	shalt  }
0x64: {  	_ =	shalt  }
0x65: {  	_ =	shalt  }
0x66: {  	_ =	shalt  }
0x67: {  	_ =	shalt  }
0x68: {  	_ =	shalt  }
0x69: {  	_ =	shalt  }
0x6a: {  	_ =	shalt  }
0x6b: {  	_ =	shalt  }
0x6c: {  	_ =	shalt  }
0x6d: {  	_ =	shalt  }
0x6e: {  	_ =	shalt  }
0x6f: {  	_ =	shalt  }
0x70: {  	_ =	shalt  }
0x71: {  	_ =	shalt  }
0x72: {  	_ =	shalt  }
0x73: {  	_ =	shalt  }
0x74: {  	_ =	shalt  }
0x75: {  	_ =	shalt  }
0x76: {  	_ =	shalt  }
0x77: {  	_ =	shalt  }
0x78: {  	_ =	shalt  }
0x79: {  	_ =	shalt  }
0x7a: {  	_ =	shalt  }
0x7b: {  	_ =	shalt  }
0x7c: {  	_ =	shalt  }
0x7d: {  	_ =	shalt  }
0x7e: {  	_ =	shalt  }
0x7f: {  	_ =	shalt  }
0x80: {  	_ =	shalt  }
0x81: {  	_ =	shalt  }
0x82: {  	_ =	shalt  }
0x83: {  	_ =	shalt  }
0x84: {  	_ =	shalt  }
0x85: {  	_ =	shalt  }
0x86: {  	_ =	shalt  }
0x87: {  	_ =	shalt  }
.Lfunc_end0:
.L_simem_size_0:
called_computation.4_lowered:
.L_overlay_start_0:
0x88: {  	s2 =	sld [smem:$0x3FD9]  }
0x89: {  	s3 =	sld [smem:$0x3FFE];
	_ =	sdelay $0x1  }
0x8a: {  	s1 =	srdreg.scid  }
0x8b: {  	s0 =	sand.u32 $0x1, s1  }
0x8c: {  	s16 =	sshll.u32 s0, $0xA;
	s2 =	sadd.s32 s3, s2  }
0x8d: {  	s2 =	sadd.s32 s2, s16  }
0x8e: {  	[smem:$0x3FBC] =	sst s2  }
0x8f: {  	_ = 	snop  }
0x90: {  	(tm) =	ssettm $0x1  }
0x91: {  	s17 =	sld [smem:$0x3FFB];
	_ =	sdelay $0x3  }
0x92: {  	_ =	strace s17  }
0x93: {  	s2 =	sld [smem:$0x3FFC];
	_ =	sdelay $0x3  }
0x94: {  	_ =	strace s2  }
0x95: {  	s2 =	sld [smem:$0x3FFD];
	_ =	sdelay $0x3  }
0x96: {  	_ =	strace s2  }
0x97: {  	_ =	strace $0x8FFFFFFF  }
0x98: {  	s18 =	sld [smem:$0x3FDB];
	_ =	sdelay $0x1  }
0x99: {  	s19 =	simm.s32 $_scs_section_size  }
0x9a: {  	s4 =	simm.s32 $_size__tile_overlayer_lowered;
	s5 =	simm.s32 $_tile_overlayer_lowered  }
0x9b: {  	s22 =	simm.s32 $0x1BFF;
	s21 =	sshll.u32 s5, $0x1;
	s2 =	sadd.s32 s19, s18  }
0x9c: {  	s6 =	simm.s32 $0x0;
	s20 =	sshll.u32 s4, $0x1;
	s4 =	sadd.s32 s21, s2  }
0x9d: {  	[timem:s6], [sflag:s22] =	dma.local [hbm:s4], s20  }
0x9e: {  	_ =	swait.ge [sflag:s22], s20  }
0x9f: {  	s3 =	ssub.s32 $0x0, s20;
	[sflag:s22] =	ssyncset.done $0x0  }
0xa0: {  	[sflag:s22] =	ssyncadd.s32 s3;
	_ =	sdelay $0x1  }
0xa1: {  	s23 =	simm.s32 $0x1B8B  }
0xa2: {  	_ =	swait.ge [sflag:s23], $0x1  }
0xa3: {  	[sflag:s23] =	ssyncset.done $0x0  }
0xa4: {  	s25 =	simm.s32 $0x1B8E;
	s24 =	sld [smem:$0x3FFE];
	[sflag:s23] =	ssyncadd.s32 $0xFFFFFFFF  }
0xa5: {  	s26 =	simm.s32 $execute0_lowered;
	[smem:$0x3FD2] =	sst s25  }
0xa6: {  	s4 =	sshll.u32 s26, $0x1;
	_ =	strace $0x80000052;
	[dreg:$0x1] =	wrdreg $0xFFFFFFFF  }
0xa7: {  	s28 =	simm.s32 $_size_execute0_lowered;
	s2 =	sadd.s32 s2, s4;
	[dreg:$0x0] =	wrdreg $0x0  }
0xa8: {  	s4 =	sshll.u32 s28, $0x1;
	[dreg:$0x2] =	wrdreg s2  }
0xa9: {  	[dreg:$0x3] =	wrdreg s4  }
0xaa: {  	[dreg:$0x4] =	wrdreg $0xC0  }
0xab: {  	_ =	task [dreg:s6], $0x5FFFF  }
0xac: {  	[dreg:$0x1] =	wrdreg $0xFFFFFFFF  }
0xad: {  	[dreg:$0x0] =	wrdreg $0x60  }
0xae: {  	[dreg:$0x2] =	wrdreg s24  }
0xaf: {  	[dreg:$0x3] =	wrdreg $0x88000  }
0xb0: {  	[dreg:$0x4] =	wrdreg $0x9  }
0xb1: {  	_ =	task.clear_ibuf [dreg:s6], $0x5FFFF;
	_ =	strace $0x90000052  }
0xb2: {  	s29 =	simm.s32 $0x9;
	_ =	strace $0x80000054  }
0xb3: {  	_ =	swait.ge [sflag:s29], $0x1  }
0xb4: {  	[sflag:s29] =	ssyncadd.s32 $0xFFFFFFFF  }
0xb5: {  	_ =	strace $0x90000054  }
0xb6: {  	_ =	sfence  }
0xb7: {  	s30 =	sld [smem:$0x0];
	_ =	sdelay $0x2  }
0xb8: {  	s31 =	sshll.u32 s1, $0xD;
	s1 =	sshrl.u32 s1, $0x2  }
0xb9: {  	s3 =	sand.u32 $0x4000, s31;
	s1 =	sadd.s32 s1, s30  }
0xba: {  	s0 =	sor.u32 s3, s0;
	s1 =	sshll.u32 s1, $0x11  }
0xbb: {  	s0 =	sor.u32 s1, s0  }
0xbc: {  	s0 =	sadd.s32 $0x8F2B, s0  }
0xbd: {  	[sflag:s0] =	ssyncadd.remote.s32 $0x1  }
0xbe: {  	_ =	sfence.sel $0xFFFF  }
0xbf: {  	[dreg:$0x0] =	wrdreg $0xFFFFFFFF;
	(pc) =	sbr.abs _section_cstart, $3  }
0xc0: {  	[dreg:$0x1] =	wrdreg $0xFFFFFFFF  }
0xc1: {  	_ =	task.clear_ibuf [dreg:s6], $0x2FFFF;
	_ =	strace $0x9FFFFFFF  }
0xc2: {  	(tm) =	ssettm $0x7FFFFFFF  }
0xc3: {  	_ =	shalt  }
tec
execute0_lowered:
.L_overlay_start_1:
0x0: {  	(tag) =	ssettag $0x1  }
0x1: {  	s6 =	rddreg [dreg:$0x0]  }
0x2: {  	s0 =	srdreg.scid;
	s2 =	rddreg [dreg:$0x1]  }
0x3: {  	s3 =	simm.s32 $0x0;
	s15 =	simm.s32 $0x8000;
	s16 =	simm.s32 $0x2  }
0x4: {  	s17 =	simm.s32 $0x2800;
	s18 =	simm.s32 $0x5000;
	s19 =	simm.s32 $0x80  }
0x5: {  	s20 =	simm.s32 $0x1;
	s5 =	sand.u32 $0x1, s0;
	s0 =	stileid.u32  }
0x6: {  	s21 =	simm.s32 $0x7800;
	[smem:$0x7FF] =	sst s3;
	s8 =	smul.u32 $0x2800, s0  }
0x7: {  	s4 =	sadd.s32 $0x18400, s6;
	s1 =	sshll.u32 s5, $0x4;
	s9 =	smul.u32 $0x28000, s5  }
0x8: {  	s10 =	smul.u32 $0xA000, s0;
	s5 =	ssub.s32 $0x2, s5;
	s1 =	sor.u32 s0, s1  }
0x9: {  	s31 =	sshrl.u32 s5, $0x1;
	s7 =	smul.u32 $0x500, s1;
	s1 =	rddreg [dreg:$0x2]  }
0xa: {  	_ =	strace $0x80000053;
	s29 =	sadd.s32 s8, s9;
	s30 =	sshrl.u32 s10, $0x2  }
0xb: {  	s14 =	ssub.s32 s5, s31;
	s5 =	sadd.s32 s8, s2;
	s9 =	sadd.s32 s30, s2  }
0xc: {  	s14 =	smax.u32 s14, $0x1;
	s12 =	sadd.s32 s7, s6;
	s7 =	sshrl.u32 s29, $0x3  }
0xd: {  	s8 =	sadd.s32 $0x1800, s9;
	s13 =	sadd.s32 s7, s6;
	s6 =	sadd.s32 $0x800, s9  }
0xe: {  	s7 =	sadd.s32 $0x1000, s9;
	s9 =	sadd.s32 $0x2000, s9;
	s10 =	sadd.s32 $0xE400, s12  }
0xf: {  	v0 =	vimm.f32 $0.0e+00;
	s11 =	sadd.s32 $0x4400, s12;
	s12 =	sadd.s32 $0x22400, s12;
	s13 =	sadd.s32 $0x2C400, s13  }
.LBB2_1:
0x10: {  	s22 =	simm.s32 $0x40;
	s23 =	simm.s32 $0x0  }
.LBB2_2:
0x11: {  	p0 =	sne.s32 s22, $0x1FC0;
	[tilespmem:s23+$0x8000] =	vst v0;
	s23 =	smov.u32 s22;
	s22 =	sadd.s32 $0x40, s22  }
.Ltmp0:
0x12: {  	(pc) =	sbr.rel @p0 .LBB2_2-.Ltmp0, $2  }
0x13: {  	_ =	sdelay $0x2  }
0x14: {  	s23 =	sshra.s32 s23, $0x2  }
0x15: {  	[tilespmem:s23+$0x8000] =	vst v0  }
0x16: {  	[spmem:s5] =	stream.linear.scatter [tilespmem:s15], [sflag:$0x2], $0x800, $0x38;
	[tilespmem:$0xB000] =	vst v63  }
0x17: {  	_ =	swait.ge [sflag:s16], $0x800  }
0x18: {  	[sflag:s16] =	ssyncset.done $0x0  }
0x19: {  	[sflag:s16] =	ssyncadd.s32 $0xFFFFF800  }
0x1a: {  	[spmem:s6] =	stream.linear.scatter [tilespmem:s15], [sflag:$0x2], $0x800, $0x38;
	[tilespmem:$0xB000] =	vst v63  }
0x1b: {  	_ =	swait.ge [sflag:s16], $0x800  }
0x1c: {  	[sflag:s16] =	ssyncset.done $0x0  }
0x1d: {  	[sflag:s16] =	ssyncadd.s32 $0xFFFFF800  }
0x1e: {  	[spmem:s7] =	stream.linear.scatter [tilespmem:s15], [sflag:$0x2], $0x800, $0x38;
	[tilespmem:$0xB000] =	vst v63  }
0x1f: {  	_ =	swait.ge [sflag:s16], $0x800  }
0x20: {  	[sflag:s16] =	ssyncset.done $0x0  }
0x21: {  	[sflag:s16] =	ssyncadd.s32 $0xFFFFF800  }
0x22: {  	[spmem:s8] =	stream.linear.scatter [tilespmem:s15], [sflag:$0x2], $0x800, $0x38;
	[tilespmem:$0xB000] =	vst v63  }
0x23: {  	_ =	swait.ge [sflag:s16], $0x800  }
0x24: {  	[sflag:s16] =	ssyncset.done $0x0  }
0x25: {  	[sflag:s16] =	ssyncadd.s32 $0xFFFFF800  }
0x26: {  	[spmem:s9] =	stream.linear.scatter [tilespmem:s15], [sflag:$0x2], $0x800, $0x38;
	[tilespmem:$0xB000] =	vst v63  }
0x27: {  	_ =	swait.ge [sflag:s16], $0x800  }
0x28: {  	[sflag:s16] =	ssyncset.done $0x0  }
0x29: {  	[sflag:s16] =	ssyncadd.s32 $0xFFFFF800  }
0x2a: {  	s22 =	simm.s32 $0x0;
	[bflag:$0x0] =	sbarrier.arrive $0xFFFF  }
0x2b: {  	[tilespmem:s22], [sflag:$0x2] =	stream.linear.gather [hbm4b:s10+s22], $0x2800, $0x38;
	[tilespmem:$0xB000] =	vst v63  }
0x2c: {  	_ =	swait.ge [sflag:s16], $0x2800  }
0x2d: {  	[sflag:s16] =	ssyncset.done $0x0  }
0x2e: {  	[sflag:s16] =	ssyncadd.s32 $0xFFFFD800  }
0x2f: {  	[tilespmem:s17], [sflag:$0x2] =	stream.linear.gather [hbm4b:s11+s22], $0x2800, $0x38;
	[tilespmem:$0xB000] =	vst v63  }
0x30: {  	_ =	swait.ge [sflag:s16], $0x2800  }
0x31: {  	[sflag:s16] =	ssyncset.done $0x0  }
0x32: {  	[sflag:s16] =	ssyncadd.s32 $0xFFFFD800  }
0x33: {  	[tilespmem:s18], [sflag:$0x2] =	stream.linear.gather [hbm4b:s12+s22], $0x2800, $0x38;
	[tilespmem:$0xB000] =	vst v63  }
0x34: {  	_ =	swait.ge [sflag:s16], $0x2800  }
0x35: {  	[sflag:s16] =	ssyncset.done $0x0  }
0x36: {  	s23 =	simm.s32 $0x0;
	[sflag:s16] =	ssyncadd.s32 $0xFFFFD800  }
.LBB2_4:
0x37: {  	s24 =	sshll.u32 s23, $0x7;
	v2 =	vmov s22  }
0x38: {  	v1 =	vmov s24;
	v2 =	vand.u32 $0x7F, v2  }
0x39: {  	v2 =	vor.u32 v1, v2  }
0x3a: {  	v2 =	vbroadcast v2, $0x0  }
0x3b: {  	s25 =	simm.s32 $0x7800  }
0x3c: {  	[tilespmem:s25], [sflag:$0x1] =	stream.indirect.gather [hbm4b:s4+s19], $0x10, s24, s19, $0xb8;
	[tilespmem:$0xB000] =	vst v63  }
0x3d: {  	_ =	swait.ge [sflag:s20], $0x800  }
0x3e: {  	[sflag:s20] =	ssyncset.done $0x0  }
0x3f: {  	s26 =	simm.s32 $0x1;
	[sflag:s20] =	ssyncadd.s32 $0xFFFFF800  }
0x40: {  	v3 =	vmov s26;
	s26 =	simm.s32 $0x2;
	v2 =	vld.idx.msk [tilespmem:v2+s18+$0x0], $0xffff  }
.LBB2_5:
0x41: {  	p0 =	sne.s32 s26, $0x7F;
	v3 =	vand.u32 $0x7F, v3;
	v4 =	vld [tilespmem:s25+$0x0]  }
0x42: {  	v3 =	vor.u32 v1, v3  }
0x43: {  	v5 =	vbroadcast v3, $0x0;
	_ =	sdelay $0x1  }
.Ltmp1:
0x44: {  	(pc) =	sbr.rel @p0 .LBB2_5-.Ltmp1, $3  }
0x45: {  	v2 =	vmul.f32 v4, v2;
	_ =	sdelay $0x1  }
0x46: {  	[tilespmem:s25+$0x0] =	vst v2  }
0x47: {  	v3 =	vmov s26;
	s26 =	sadd.s32 $0x1, s26;
	s25 =	sadd.s32 $0x10, s25;
	v2 =	vld.idx.msk [tilespmem:v5+s18+$0x0], $0xffff  }
0x48: {  	v3 =	vand.u32 $0x7F, v3;
	v4 =	vld [tilespmem:s25+$0x0]  }
0x49: {  	v1 =	vor.u32 v1, v3  }
0x4a: {  	v1 =	vbroadcast v1, $0x0;
	_ =	sdelay $0x2  }
0x4b: {  	v2 =	vmul.f32 v4, v2;
	_ =	sdelay $0x1  }
0x4c: {  	[tilespmem:s25+$0x0] =	vst v2  }
0x4d: {  	s31 =	sadd.s32 $0x10, s25;
	v1 =	vld.idx.msk [tilespmem:v1+s18+$0x0], $0xffff  }
0x4e: {  	v2 =	vld [tilespmem:s31+$0x0];
	_ =	sdelay $0x4  }
0x4f: {  	s23 =	sadd.s32 $0x1, s23;
	v1 =	vmul.f32 v2, v1  }
0x50: {  	p0 =	sne.s32 s23, $0x50  }
.Ltmp2:
0x51: {  	s24 =	sadd.s32 $0x2800, s24;
	[tilespmem:s31+$0x0] =	vst v1;
	(pc) =	sbr.rel @p0 .LBB2_4-.Ltmp2, $4  }
0x52: {  	[spmem:s2] =	stream.indirect.scatter.add.f32 [tilespmem:s21], [sflag:$0x2], $0x10, s24, s19, $0xb8;
	[tilespmem:$0xB000] =	vst v63  }
0x53: {  	_ =	swait.ge [sflag:s16], $0x800  }
0x54: {  	[sflag:s16] =	ssyncset.done $0x0  }
0x55: {  	[sflag:s16] =	ssyncadd.s32 $0xFFFFF800  }
0x56: {  	s3 =	sadd.s32 $0x1, s3  }
0x57: {  	s22 =	sshll.u32 s0, $0x6;
	[bflag:$0x0] =	sbarrier.arrive $0xFFFF;
	p0 =	sne.s32 s3, s14  }
.Ltmp3:
0x58: {  	s23 =	sshrl.u32 s5, $0x3;
	s22 =	sor.u32 $0x1C02, s22;
	(pc) =	sbr.rel @p0 .LBB2_1-.Ltmp3, $4  }
0x59: {  	[hbm:s13], [sflag:s22] =	dma.local [spmem:s23], $0x500  }
0x5a: {  	_ =	swait.ge [sflag:s16], $0x500  }
0x5b: {  	[sflag:s16] =	ssyncset.done $0x0  }
0x5c: {  	[sflag:s16] =	ssyncadd.s32 $0xFFFFFB00  }
0x5d: {  	_ =	sfence.sel $0x180000  }
0x5e: {  	[bflag:$0x0] =	sbarrier.arrive $0xFFFF  }
0x5f: {  	p0 =	sne.s32 s0, $0x0;
	_ =	strace $0x90000053  }
0x60: {  	s0 =	sadd.s32 @!p0 $0x100000, s1;
	[bflag:$0x2] =	sbarrier.arrive $0xFFFF  }
0x61: {  	[sflag:s0] =	ssyncadd.tile.s32 @!p0 $0x1;
	_ =	shalt  }
.Lfunc_end2:
_tile_overlayer_lowered:
.L_overlay_start_2:
0x62: {  	(tag) =	ssettag $0x2  }
0x63: {  	s0 =	rddreg [dreg:$0x0];
	s2 =	stileid.u32  }
0x64: {  	s1 =	rddreg [dreg:$0x1];
	p0 =	sne.s32 s2, $0x0  }
0x65: {  	s3 =	rddreg [dreg:$0x2];
	[bflag:$0x3] =	sbarrier.arrive $0xFFFF;
	s2 =	simm.s32 @!p0 $0x1C02  }
0x66: {  	[timem:s3], [sflag:s2] =	dma.local @!p0 [hbm:s0], s1  }
0x67: {  	s0 =	simm.s32 @!p0 $0x2  }
0x68: {  	_ =	swait.ge @!p0 [sflag:s0], s1  }
0x69: {  	s1 =	ssub.s32 @!p0 $0x0, s1;
	[sflag:s0] =	ssyncset.done @!p0 $0x0  }
0x6a: {  	[sflag:s0] =	ssyncadd.s32 @!p0 s1  }
0x6b: {  	[bflag:$0x3] =	sbarrier.arrive $0xFFFF  }
0x6c: {  	_ =	shalt  }

</sc_bundles>
